<compile_context>
chip_gen: v7x
topology: tpu7x:2x2x1
jax: 0.10.2.dev20260603
libtpu: 0.0.44.dev20260713+nightly
codegen_flags: <defaults>
</compile_context>

<pallas_src>
import functools

import jax
import jax.numpy as jnp
from jax import lax
from jax.experimental import pallas as pl
from jax.experimental.pallas import tpu as pltpu
from jax.experimental.pallas import tpu_sc as plsc

B = 64
N = 16384
L = 16
NV = N // L
NBINS = 2048
RBINS = N + L
NC = 2
NS = 16
ROWS_PER_W = B // (NC * NS)


def _lane():
    return lax.iota(jnp.int32, L)


def _f2s(bits):
    return jnp.where(bits >= 0, bits, bits ^ jnp.int32(0x7FFFFFFF))


def _s2f(s):
    return plsc.bitcast(jnp.where(s >= 0, s, s ^ jnp.int32(0x7FFFFFFF)),
                        jnp.float32)


def _take(x, idx):
    return jnp.take_along_axis(x, idx, axis=0)


def _radix_sort(src_ref, tmp_ref, hist, pack, dest):
    ones = jnp.ones((L,), jnp.int32)
    zeros = jnp.zeros((L,), jnp.int32)

    bufs = [src_ref, tmp_ref]
    passes = [(0, 0x7FF, 0), (11, 0x7FF, 0), (22, 0x3FF, 0x200)]
    for p, (shift, dmask, flip) in enumerate(passes):
        a, b = bufs[p % 2], bufs[(p + 1) % 2]
        sh = jnp.full((L,), shift, jnp.int32)

        def keyfn(keys):
            return _f2s(keys) if p == 0 else keys

        def digit(keys):
            d = lax.shift_right_logical(keys, sh) & jnp.int32(dmask)
            return d ^ jnp.int32(flip) if flip else d

        @plsc.parallel_loop(0, NBINS // L, unroll=4)
        def _zero(i):
            hist[pl.ds(i * L, L)] = zeros

        @plsc.parallel_loop(0, NV, unroll=4)
        def _pre(v):
            sl = pl.ds(v * L, L)
            dig = digit(keyfn(a[sl]))
            cnt, lastm = plsc.scan_count(dig)
            plsc.addupdate_scatter(hist, [dig], cnt, mask=lastm)
            pack[sl] = (dig | ((cnt - 1) << 11)
                        | (jnp.where(lastm, 1, 0) << 15))

        @plsc.parallel_loop(0, NBINS // L, unroll=4,
                            carry=jnp.zeros((L,), jnp.int32))
        def _scan(i, carry):
            sl = pl.ds(i * L, L)
            h = hist[sl]
            c = plsc.cumsum(h)
            hist[sl] = carry + c - h
            return carry + jnp.full((L,), jnp.sum(h), jnp.int32)

        def dloop(i, _):
            for k in range(2):
                sl = pl.ds((2 * i + k) * L, L)
                pk = pack[sl]
                dig = pk & jnp.int32(0x7FF)
                occ = lax.shift_right_logical(
                    pk, jnp.full((L,), 11, jnp.int32)) & jnp.int32(0xF)
                lastm = pk >= jnp.int32(1 << 15)
                base = plsc.load_gather(hist, [dig])
                dest[sl] = base + occ
                plsc.addupdate_scatter(hist, [dig], occ + 1, mask=lastm)
            return 0

        lax.fori_loop(0, NV // 2, dloop, 0)

        @plsc.parallel_loop(0, NV, unroll=4)
        def _scatter(v):
            sl = pl.ds(v * L, L)
            plsc.store_scatter(b, [dest[sl]], keyfn(a[sl]))


def _y_phase(xs_ref, ys_ref, rbins_ref, xends_ref, mg, acc):
    lane = _lane()
    inv_n = jnp.float32(1.0 / N)

    @plsc.parallel_loop(0, NV, unroll=4, carry=acc)
    def _body(v, acc):
        j = v * L + lane
        yv = ys_ref[pl.ds(v * L, L)]
        d = (lax.shift_right_logical(yv, jnp.full((L,), 22, jnp.int32))
             & jnp.int32(0x3FF)) ^ jnp.int32(0x200)
        hi = plsc.load_gather(xends_ref, [d])
        lo = jnp.where(d > 0,
                       plsc.load_gather(xends_ref, [jnp.maximum(d - 1, 0)]),
                       0)
        for _ in range(15):
            mid = (lo + hi) >> 1
            val = plsc.load_gather(xs_ref, [jnp.minimum(mid, N - 1)])
            pred = val <= yv
            lo = jnp.where(pred, mid + 1, lo)
            hi = jnp.where(pred, hi, mid)
        q = lo
        ynext = jnp.where(
            j < N - 1,
            _s2f(plsc.load_gather(ys_ref, [jnp.minimum(j + 1, N - 1)])),
            mg)
        xcand = jnp.where(
            q < N,
            _s2f(plsc.load_gather(xs_ref, [jnp.minimum(q, N - 1)])),
            mg)
        nxt = jnp.minimum(ynext, xcand)
        cy = (q - (j + 1)).astype(jnp.float32) * inv_n
        acc = acc + cy * cy * (nxt - _s2f(yv))
        qprev = _take(q, jnp.maximum(lane - 1, 0))
        start = (lane == 0) | (q != qprev)
        startpos = plsc.cummax(jnp.where(start, lane, 0))
        cnt = lane - startpos + 1
        qnext = _take(q, jnp.minimum(lane + 1, L - 1))
        is_last = (lane == L - 1) | (q != qnext)
        plsc.addupdate_scatter(rbins_ref, [q], cnt, mask=is_last)
        return acc

    return _body


def _x_phase(xs_ref, ys_ref, rbins_ref, mg, acc):
    lane = _lane()
    inv_n = jnp.float32(1.0 / N)

    @plsc.parallel_loop(0, NV, unroll=4,
                        carry=(acc, jnp.zeros((L,), jnp.int32)))
    def _body(v, carry):
        acc, rc = carry
        i = v * L + lane
        cnts = rbins_ref[pl.ds(v * L, L)]
        r = plsc.cumsum(cnts) + rc
        rc = rc + jnp.full((L,), jnp.sum(cnts), jnp.int32)
        xv = xs_ref[pl.ds(v * L, L)]
        xnext = jnp.where(
            i < N - 1,
            _s2f(plsc.load_gather(xs_ref, [jnp.minimum(i + 1, N - 1)])),
            mg)
        ycand = jnp.where(
            r < N,
            _s2f(plsc.load_gather(ys_ref, [jnp.minimum(r, N - 1)])),
            mg)
        nxt = jnp.minimum(xnext, ycand)
        cx = (i + 1 - r).astype(jnp.float32) * inv_n
        acc = acc + cx * cx * (nxt - _s2f(xv))
        return (acc, rc)

    acc, _ = _body
    return acc


def _vsqrt(v):
    g = lax.shift_right_logical(plsc.bitcast(v, jnp.int32),
                                jnp.full((L,), 1, jnp.int32))
    y = plsc.bitcast(g + jnp.int32(0x1FBD1DF5), jnp.float32)
    for _ in range(4):
        y = jnp.float32(0.5) * (y + v / y)
    return jnp.where(v > 0, y, jnp.float32(0.0))


@functools.lru_cache(maxsize=None)
def _build():
    mesh = plsc.VectorSubcoreMesh(core_axis_name="c", subcore_axis_name="s")

    @functools.partial(
        pl.kernel,
        out_type=jax.ShapeDtypeStruct((B, L), jnp.float32),
        mesh=mesh,
        compiler_params=pltpu.CompilerParams(needs_layout_passes=False),
        scratch_types=[
            pltpu.VMEM((N,), jnp.int32),
            pltpu.VMEM((N,), jnp.int32),
            pltpu.VMEM((N,), jnp.int32),
            pltpu.VMEM((N,), jnp.int32),
            pltpu.VMEM((NBINS,), jnp.int32),
            pltpu.VMEM((N,), jnp.int32),
            pltpu.VMEM((N,), jnp.int32),
            pltpu.VMEM((RBINS,), jnp.int32),
            pltpu.VMEM((L,), jnp.float32),
        ],
    )
    def dist_kernel(x_hbm, y_hbm, out_hbm, xa, xb, ya, yb, hist, pack, dest, rbins, res):
        wid = lax.axis_index("s") * NC + lax.axis_index("c")
        zeros = jnp.zeros((L,), jnp.int32)

        def row_body(rr, _):
            row = wid * ROWS_PER_W + rr
            pltpu.sync_copy(x_hbm.at[row], xa)
            pltpu.sync_copy(y_hbm.at[row], ya)
            _radix_sort(ya, yb, hist, pack, dest)
            _radix_sort(xa, xb, hist, pack, dest)
            xs, ys = xb, yb

            @plsc.parallel_loop(0, RBINS // L, unroll=4)
            def _zr(i):
                rbins[pl.ds(i * L, L)] = zeros

            ms = jnp.maximum(jnp.max(xs[pl.ds(N - L, L)]),
                             jnp.max(ys[pl.ds(N - L, L)]))
            mg = _s2f(jnp.full((L,), ms, jnp.int32))
            acc = jnp.zeros((L,), jnp.float32)
            acc = _y_phase(xs, ys, rbins, hist, mg, acc)
            acc = _x_phase(xs, ys, rbins, mg, acc)
            res[...] = _vsqrt(jnp.full((L,), jnp.sum(acc), jnp.float32))
            pltpu.sync_copy(res, out_hbm.at[row])
            return 0

        lax.fori_loop(0, ROWS_PER_W, row_body, 0)

    return dist_kernel


def kernel(x_values, y_values):
    xi = lax.bitcast_convert_type(x_values, jnp.int32)
    yi = lax.bitcast_convert_type(y_values, jnp.int32)
    return _build()(xi, yi)[:, 0]

# --- scband reference (transcript-rebuilt; emitter-appended) ---
"""Pipeline reference for scband-lp-norm-distance-10127532884328 (READ-ONLY COPY).

The authoritative reference and input builder live on the scoring server;
editing this copy changes nothing except your own understanding.
"""

import jax, jax.numpy as jnp
import numpy as np


def setup_inputs(seed: int = 0) -> dict:
    key = jax.random.key(seed)
    k1, k2 = jax.random.split(key)
    x_values = jax.random.normal(k1, (64, 16384), dtype=jnp.float32)
    y_values = jax.random.normal(k2, (64, 16384), dtype=jnp.float32)
    return {"x_values": x_values, "y_values": y_values}


def _compute_cdf(sorted_values, query):
    # sorted_values: [B, N] (sorted per row), query: [B, 2N-1]
    n = sorted_values.shape[1]
    idx = jax.vmap(lambda v, q: jnp.searchsorted(v, q, side='right'))(sorted_values, query)
    return idx.astype(jnp.float32) / n


def reference(x_values, y_values):
    # p = 2 -> Cramer-von Mises distance
    u_sorted = jnp.sort(x_values, axis=1)
    v_sorted = jnp.sort(y_values, axis=1)
    all_values = jnp.sort(jnp.concatenate([u_sorted, v_sorted], axis=1), axis=1)
    x_deltas = jnp.diff(all_values, axis=1)
    query = all_values[:, :-1]
    u_cdf = _compute_cdf(u_sorted, query)
    v_cdf = _compute_cdf(v_sorted, query)
    cdfs_deltas = jnp.abs(u_cdf - v_cdf)
    return jnp.sqrt(jnp.sum(cdfs_deltas ** 2 * x_deltas, axis=1))

if __name__ == "__main__":
    import jax
    _d = setup_inputs()
    print(jax.jit(kernel)(*tuple(_d.values())))

</pallas_src>

<mosaic_0001>
#map = affine_map<(d0, d1) -> (0, 0)>
module attributes {stable_mosaic.version = 14 : i64} {
  func.func @dist_kernel(%arg0: i32, %arg1: i32, %arg2: memref<64x16384xi32, #tpu.memory_space<hbm>>, %arg3: memref<64x16384xi32, #tpu.memory_space<hbm>>, %arg4: memref<64x16xf32, #tpu.memory_space<hbm>>, %arg5: memref<16384xi32, #tpu.memory_space<vmem>>, %arg6: memref<16384xi32, #tpu.memory_space<vmem>>, %arg7: memref<16384xi32, #tpu.memory_space<vmem>>, %arg8: memref<16384xi32, #tpu.memory_space<vmem>>, %arg9: memref<2048xi32, #tpu.memory_space<vmem>>, %arg10: memref<16384xi32, #tpu.memory_space<vmem>>, %arg11: memref<16384xi32, #tpu.memory_space<vmem>>, %arg12: memref<16400xi32, #tpu.memory_space<vmem>>, %arg13: memref<16xf32, #tpu.memory_space<vmem>>) attributes {dimension_semantics = [#tpu.dimension_semantics<core_parallel>, #tpu.dimension_semantics<subcore_parallel>], iteration_bounds = array<i64: 2, 16>, scalar_prefetch = 0 : i64, scratch_operands = 9 : i64, tpu.core_type = #tpu.core_type<sc_vector_subcore>, window_params = [{transform_indices = #map}, {transform_indices = #map}, {transform_indices = #map}]} {
    %mul3A = arith.constant 2 : i32
    %mul3A_0 = arith.muli %arg1, %mul3A : i32
    %add3A = arith.addi %mul3A_0, %arg0 : i32
    %broadcast_in_dim3A = arith.constant 0 : i32
    %broadcast_in_dim3A_1 = vector.broadcast %broadcast_in_dim3A : i32 to vector<16xi32>
    %scan3A = arith.constant 0 : i32
    %scan3A_2 = arith.constant 0 : i32
    %scan3A_3 = arith.constant 2 : i32
    %scan3A_4 = arith.addi %scan3A_2, %scan3A_3 : i32
    %scan3A_5 = arith.constant 1 : i32
    %scan3A_6 = scf.for %scan3A_8 = %scan3A_2 to %scan3A_4 step %scan3A_5 iter_args(%scan3A_9 = %scan3A) -> (i32)  : i32 {
      %mul3A_10 = arith.constant 2 : i32
      %mul3A_11 = arith.muli %add3A, %mul3A_10 : i32
      %add3A_12 = arith.addi %mul3A_11, %scan3A_8 : i32
      "tpu.region"() ({
        %run_scoped3A = tpu.sem_alloc : memref<!tpu.dma_semaphore, #tpu.memory_space<semaphore_mem>>
        %dma_start3A = arith.constant 0 : i32
        %dma_start3A_241 = tpu.memref_slice %arg2[%add3A_12, %dma_start3A] : memref<64x16384xi32, #tpu.memory_space<hbm>> -> memref<1x16384xi32, #tpu.memory_space<hbm>>
        %dma_start3A_242 = tpu.memref_squeeze %dma_start3A_241 : memref<1x16384xi32, #tpu.memory_space<hbm>> -> memref<16384xi32, #tpu.memory_space<hbm>>
        %dma_start3A_243 = arith.constant 0 : i32
        %dma_start3A_244 = tpu.memref_slice %arg2[%add3A_12, %dma_start3A_243] : memref<64x16384xi32, #tpu.memory_space<hbm>> -> memref<1x16384xi32, #tpu.memory_space<hbm>>
        %dma_start3A_245 = tpu.memref_squeeze %dma_start3A_244 : memref<1x16384xi32, #tpu.memory_space<hbm>> -> memref<16384xi32, #tpu.memory_space<hbm>>
        tpu.enqueue_dma source(%dma_start3A_245 : memref<16384xi32, #tpu.memory_space<hbm>>) target(%arg5 : memref<16384xi32, #tpu.memory_space<vmem>>) target_semaphore(%run_scoped3A : memref<!tpu.dma_semaphore, #tpu.memory_space<semaphore_mem>>)
        %dma_wait3A = arith.constant 0 : i32
        %dma_wait3A_246 = tpu.memref_slice %arg2[%add3A_12, %dma_wait3A] : memref<64x16384xi32, #tpu.memory_space<hbm>> -> memref<1x16384xi32, #tpu.memory_space<hbm>>
        %dma_wait3A_247 = tpu.memref_squeeze %dma_wait3A_246 : memref<1x16384xi32, #tpu.memory_space<hbm>> -> memref<16384xi32, #tpu.memory_space<hbm>>
        %dma_wait3A_248 = arith.constant 0 : i32
        %dma_wait3A_249 = tpu.memref_slice %arg2[%add3A_12, %dma_wait3A_248] : memref<64x16384xi32, #tpu.memory_space<hbm>> -> memref<1x16384xi32, #tpu.memory_space<hbm>>
        %dma_wait3A_250 = tpu.memref_squeeze %dma_wait3A_249 : memref<1x16384xi32, #tpu.memory_space<hbm>> -> memref<16384xi32, #tpu.memory_space<hbm>>
        tpu.wait_dma2 semaphore(%run_scoped3A : memref<!tpu.dma_semaphore, #tpu.memory_space<semaphore_mem>>) src(%dma_wait3A_250 : memref<16384xi32, #tpu.memory_space<hbm>>) dst(%arg5 : memref<16384xi32, #tpu.memory_space<vmem>>)
        tpu.yield
      }) : () -> ()
      "tpu.region"() ({
        %run_scoped3A = tpu.sem_alloc : memref<!tpu.dma_semaphore, #tpu.memory_space<semaphore_mem>>
        %dma_start3A = arith.constant 0 : i32
        %dma_start3A_241 = tpu.memref_slice %arg3[%add3A_12, %dma_start3A] : memref<64x16384xi32, #tpu.memory_space<hbm>> -> memref<1x16384xi32, #tpu.memory_space<hbm>>
        %dma_start3A_242 = tpu.memref_squeeze %dma_start3A_241 : memref<1x16384xi32, #tpu.memory_space<hbm>> -> memref<16384xi32, #tpu.memory_space<hbm>>
        %dma_start3A_243 = arith.constant 0 : i32
        %dma_start3A_244 = tpu.memref_slice %arg3[%add3A_12, %dma_start3A_243] : memref<64x16384xi32, #tpu.memory_space<hbm>> -> memref<1x16384xi32, #tpu.memory_space<hbm>>
        %dma_start3A_245 = tpu.memref_squeeze %dma_start3A_244 : memref<1x16384xi32, #tpu.memory_space<hbm>> -> memref<16384xi32, #tpu.memory_space<hbm>>
        tpu.enqueue_dma source(%dma_start3A_245 : memref<16384xi32, #tpu.memory_space<hbm>>) target(%arg7 : memref<16384xi32, #tpu.memory_space<vmem>>) target_semaphore(%run_scoped3A : memref<!tpu.dma_semaphore, #tpu.memory_space<semaphore_mem>>)
        %dma_wait3A = arith.constant 0 : i32
        %dma_wait3A_246 = tpu.memref_slice %arg3[%add3A_12, %dma_wait3A] : memref<64x16384xi32, #tpu.memory_space<hbm>> -> memref<1x16384xi32, #tpu.memory_space<hbm>>
        %dma_wait3A_247 = tpu.memref_squeeze %dma_wait3A_246 : memref<1x16384xi32, #tpu.memory_space<hbm>> -> memref<16384xi32, #tpu.memory_space<hbm>>
        %dma_wait3A_248 = arith.constant 0 : i32
        %dma_wait3A_249 = tpu.memref_slice %arg3[%add3A_12, %dma_wait3A_248] : memref<64x16384xi32, #tpu.memory_space<hbm>> -> memref<1x16384xi32, #tpu.memory_space<hbm>>
        %dma_wait3A_250 = tpu.memref_squeeze %dma_wait3A_249 : memref<1x16384xi32, #tpu.memory_space<hbm>> -> memref<16384xi32, #tpu.memory_space<hbm>>
        tpu.wait_dma2 semaphore(%run_scoped3A : memref<!tpu.dma_semaphore, #tpu.memory_space<semaphore_mem>>) src(%dma_wait3A_250 : memref<16384xi32, #tpu.memory_space<hbm>>) dst(%arg7 : memref<16384xi32, #tpu.memory_space<vmem>>)
        tpu.yield
      }) : () -> ()
      %broadcast_in_dim3A_13 = arith.constant 1 : i32
      %broadcast_in_dim3A_14 = vector.broadcast %broadcast_in_dim3A_13 : i32 to vector<16xi32>
      %broadcast_in_dim3A_15 = arith.constant 0 : i32
      %broadcast_in_dim3A_16 = vector.broadcast %broadcast_in_dim3A_15 : i32 to vector<16xi32>
      %broadcast_in_dim3A_17 = arith.constant 0 : i32
      %broadcast_in_dim3A_18 = vector.broadcast %broadcast_in_dim3A_17 : i32 to vector<16xi32>
      %parallel_loop3A = arith.constant 0 : i32
      %parallel_loop3A_19 = arith.constant 128 : i32
      %parallel_loop3A_20 = arith.constant 1 : i32
      scf.for %parallel_loop3A_241 = %parallel_loop3A to %parallel_loop3A_19 step %parallel_loop3A_20  : i32 {
        %parallel_loop3A_242 = arith.constant 16 : i32
        %parallel_loop3A_243 = arith.muli %parallel_loop3A_241, %parallel_loop3A_242 : i32
        %parallel_loop3A_244 = arith.index_cast %parallel_loop3A_243 : i32 to index
        %parallel_loop3A_245 = tpu.vector_load %arg9[%parallel_loop3A_244] {strides = array<i32>} : memref<2048xi32, #tpu.memory_space<vmem>>, vector<16xi32>,
        tpu.vector_store %arg9[%parallel_loop3A_244], %broadcast_in_dim3A_16 {strides = array<i32>} : memref<2048xi32, #tpu.memory_space<vmem>>, vector<16xi32>,
      } {sc.loop_unroll_factor = 4 : i64, sc.parallel_access}
      %parallel_loop3A_21 = arith.constant 0 : i32
      %parallel_loop3A_22 = arith.constant 1024 : i32
      %parallel_loop3A_23 = arith.constant 1 : i32
      scf.for %parallel_loop3A_241 = %parallel_loop3A_21 to %parallel_loop3A_22 step %parallel_loop3A_23  : i32 {
        %parallel_loop3A_242 = arith.constant 16 : i32
        %parallel_loop3A_243 = arith.muli %parallel_loop3A_241, %parallel_loop3A_242 : i32
        %parallel_loop3A_244 = arith.index_cast %parallel_loop3A_243 : i32 to index
        %parallel_loop3A_245 = tpu.vector_load %arg7[%parallel_loop3A_244] {strides = array<i32>} : memref<16384xi32, #tpu.memory_space<vmem>>, vector<16xi32>,
        %parallel_loop3A_246 = arith.constant 0 : i32
        %parallel_loop3A_247 = vector.broadcast %parallel_loop3A_246 : i32 to vector<16xi32>
        %parallel_loop3A_248 = arith.cmpi sge, %parallel_loop3A_245, %parallel_loop3A_247 : vector<16xi32>
        %parallel_loop3A_249 = arith.constant 2147483647 : i32
        %parallel_loop3A_250 = vector.broadcast %parallel_loop3A_249 : i32 to vector<16xi32>
        %parallel_loop3A_251 = arith.xori %parallel_loop3A_245, %parallel_loop3A_250 : vector<16xi32>
        %parallel_loop3A_252 = arith.select %parallel_loop3A_248, %parallel_loop3A_245, %parallel_loop3A_251 : vector<16xi1>, vector<16xi32>
        %parallel_loop3A_253 = arith.shrui %parallel_loop3A_252, %broadcast_in_dim3A_18 : vector<16xi32>
        %parallel_loop3A_254 = arith.constant 2047 : i32
        %parallel_loop3A_255 = vector.broadcast %parallel_loop3A_254 : i32 to vector<16xi32>
        %parallel_loop3A_256 = arith.andi %parallel_loop3A_253, %parallel_loop3A_255 : vector<16xi32>
        %parallel_loop3A_257 = arith.constant true
        %parallel_loop3A_258 = vector.broadcast %parallel_loop3A_257 : i1 to vector<16xi1>
        %parallel_loop3A_259, %parallel_loop3A_260 = tpu.scan_count mask(%parallel_loop3A_258 : vector<16xi1>) value(%parallel_loop3A_256 : vector<16xi32>) : vector<16xi1>, vector<16xi32>
        tpu.vector_store_idx %arg9[%parallel_loop3A_256], %parallel_loop3A_260 masked %parallel_loop3A_259 {add = true} : memref<2048xi32, #tpu.memory_space<vmem>>[vector<16xi32>], vector<16xi32>, vector<16xi1>
        %parallel_loop3A_261 = arith.constant 1 : i32
        %parallel_loop3A_262 = vector.broadcast %parallel_loop3A_261 : i32 to vector<16xi32>
        %parallel_loop3A_263 = arith.subi %parallel_loop3A_260, %parallel_loop3A_262 : vector<16xi32>
        %parallel_loop3A_264 = arith.constant 11 : i32
        %parallel_loop3A_265 = vector.broadcast %parallel_loop3A_264 : i32 to vector<16xi32>
        %parallel_loop3A_266 = arith.shli %parallel_loop3A_263, %parallel_loop3A_265 : vector<16xi32>
        %parallel_loop3A_267 = arith.ori %parallel_loop3A_256, %parallel_loop3A_266 : vector<16xi32>
        %parallel_loop3A_268 = arith.constant 1 : i32
        %parallel_loop3A_269 = arith.constant 0 : i32
        %parallel_loop3A_270 = vector.broadcast %parallel_loop3A_268 : i32 to vector<16xi32>
        %parallel_loop3A_271 = vector.broadcast %parallel_loop3A_269 : i32 to vector<16xi32>
        %parallel_loop3A_272 = arith.select %parallel_loop3A_259, %parallel_loop3A_270, %parallel_loop3A_271 : vector<16xi1>, vector<16xi32>
        %parallel_loop3A_273 = arith.constant 15 : i32
        %parallel_loop3A_274 = vector.broadcast %parallel_loop3A_273 : i32 to vector<16xi32>
        %parallel_loop3A_275 = arith.shli %parallel_loop3A_272, %parallel_loop3A_274 : vector<16xi32>
        %parallel_loop3A_276 = arith.ori %parallel_loop3A_267, %parallel_loop3A_275 : vector<16xi32>
        %parallel_loop3A_277 = arith.index_cast %parallel_loop3A_243 : i32 to index
        %parallel_loop3A_278 = tpu.vector_load %arg10[%parallel_loop3A_277] {strides = array<i32>} : memref<16384xi32, #tpu.memory_space<vmem>>, vector<16xi32>,
        tpu.vector_store %arg10[%parallel_loop3A_277], %parallel_loop3A_276 {strides = array<i32>} : memref<16384xi32, #tpu.memory_space<vmem>>, vector<16xi32>,
      } {sc.loop_unroll_factor = 4 : i64, sc.parallel_access}
      %broadcast_in_dim3A_24 = arith.constant 0 : i32
      %broadcast_in_dim3A_25 = vector.broadcast %broadcast_in_dim3A_24 : i32 to vector<16xi32>
      %parallel_loop3A_26 = arith.constant 0 : i32
      %parallel_loop3A_27 = arith.constant 128 : i32
      %parallel_loop3A_28 = arith.constant 1 : i32
      %parallel_loop3A_29 = scf.for %parallel_loop3A_241 = %parallel_loop3A_26 to %parallel_loop3A_27 step %parallel_loop3A_28 iter_args(%parallel_loop3A_242 = %broadcast_in_dim3A_25) -> (vector<16xi32>)  : i32 {
        %parallel_loop3A_243 = arith.constant 16 : i32
        %parallel_loop3A_244 = arith.muli %parallel_loop3A_241, %parallel_loop3A_243 : i32
        %parallel_loop3A_245 = arith.index_cast %parallel_loop3A_244 : i32 to index
        %parallel_loop3A_246 = tpu.vector_load %arg9[%parallel_loop3A_245] {strides = array<i32>} : memref<2048xi32, #tpu.memory_space<vmem>>, vector<16xi32>,
        %parallel_loop3A_247 = arith.constant true
        %parallel_loop3A_248 = vector.broadcast %parallel_loop3A_247 : i1 to vector<16xi1>
        %parallel_loop3A_249 = tpu.scan <sum>, %parallel_loop3A_246 masked %parallel_loop3A_248 : vector<16xi32>, vector<16xi1> -> vector<16xi32>
        %parallel_loop3A_250 = arith.addi %parallel_loop3A_242, %parallel_loop3A_249 : vector<16xi32>
        %parallel_loop3A_251 = arith.subi %parallel_loop3A_250, %parallel_loop3A_246 : vector<16xi32>
        %parallel_loop3A_252 = arith.index_cast %parallel_loop3A_244 : i32 to index
        %parallel_loop3A_253 = tpu.vector_load %arg9[%parallel_loop3A_252] {strides = array<i32>} : memref<2048xi32, #tpu.memory_space<vmem>>, vector<16xi32>,
        tpu.vector_store %arg9[%parallel_loop3A_252], %parallel_loop3A_251 {strides = array<i32>} : memref<2048xi32, #tpu.memory_space<vmem>>, vector<16xi32>,
        %parallel_loop3A_254 = arith.constant true
        %parallel_loop3A_255 = vector.broadcast %parallel_loop3A_254 : i1 to vector<16xi1>
        %parallel_loop3A_256 = tpu.scan <sum>, %parallel_loop3A_246 masked %parallel_loop3A_255 : vector<16xi32>, vector<16xi1> -> vector<16xi32>
        %parallel_loop3A_257 = vector.extract %parallel_loop3A_256[15] : i32 from vector<16xi32>
        %parallel_loop3A_258 = vector.broadcast %parallel_loop3A_257 : i32 to vector<16xi32>
        %parallel_loop3A_259 = arith.addi %parallel_loop3A_242, %parallel_loop3A_258 : vector<16xi32>
        scf.yield %parallel_loop3A_259 : vector<16xi32>
      } {sc.loop_unroll_factor = 4 : i64, sc.parallel_access}
      %scan3A_30 = arith.constant 0 : i32
      %scan3A_31 = arith.constant 0 : i32
      %scan3A_32 = arith.constant 512 : i32
      %scan3A_33 = arith.addi %scan3A_31, %scan3A_32 : i32
      %scan3A_34 = arith.constant 1 : i32
      %scan3A_35 = scf.for %scan3A_241 = %scan3A_31 to %scan3A_33 step %scan3A_34 iter_args(%scan3A_242 = %scan3A_30) -> (i32)  : i32 {
        %mul3A_243 = arith.constant 2 : i32
        %mul3A_244 = arith.muli %mul3A_243, %scan3A_241 : i32
        %add3A_245 = arith.constant 0 : i32
        %add3A_246 = arith.addi %mul3A_244, %add3A_245 : i32
        %mul3A_247 = arith.constant 16 : i32
        %mul3A_248 = arith.muli %add3A_246, %mul3A_247 : i32
        %get3A_249 = arith.index_cast %mul3A_248 : i32 to index
        %get3A_250 = tpu.vector_load %arg10[%get3A_249] {strides = array<i32>} : memref<16384xi32, #tpu.memory_space<vmem>>, vector<16xi32>,
        %and3A = arith.constant 2047 : i32
        %and3A_251 = vector.broadcast %and3A : i32 to vector<16xi32>
        %and3A_252 = arith.andi %get3A_250, %and3A_251 : vector<16xi32>
        %broadcast_in_dim3A_253 = arith.constant 11 : i32
        %broadcast_in_dim3A_254 = vector.broadcast %broadcast_in_dim3A_253 : i32 to vector<16xi32>
        %shift_right_logical3A_255 = arith.shrui %get3A_250, %broadcast_in_dim3A_254 : vector<16xi32>
        %and3A_256 = arith.constant 15 : i32
        %and3A_257 = vector.broadcast %and3A_256 : i32 to vector<16xi32>
        %and3A_258 = arith.andi %shift_right_logical3A_255, %and3A_257 : vector<16xi32>
        %ge3A_259 = arith.constant 32768 : i32
        %ge3A_260 = vector.broadcast %ge3A_259 : i32 to vector<16xi32>
        %ge3A_261 = arith.cmpi sge, %get3A_250, %ge3A_260 : vector<16xi32>
        %gather3A = tpu.vector_load_idx %arg9[%and3A_252] : memref<2048xi32, #tpu.memory_space<vmem>>[vector<16xi32>], vector<16xi32>,
        %add3A_262 = arith.addi %gather3A, %and3A_258 : vector<16xi32>
        %swap3A_263 = arith.index_cast %mul3A_248 : i32 to index
        %swap3A_264 = tpu.vector_load %arg11[%swap3A_263] {strides = array<i32>} : memref<16384xi32, #tpu.memory_space<vmem>>, vector<16xi32>,
        tpu.vector_store %arg11[%swap3A_263], %add3A_262 {strides = array<i32>} : memref<16384xi32, #tpu.memory_space<vmem>>, vector<16xi32>,
        %add3A_265 = arith.constant 1 : i32
        %add3A_266 = vector.broadcast %add3A_265 : i32 to vector<16xi32>
        %add3A_267 = arith.addi %and3A_258, %add3A_266 : vector<16xi32>
        tpu.vector_store_idx %arg9[%and3A_252], %add3A_267 masked %ge3A_261 {add = true} : memref<2048xi32, #tpu.memory_space<vmem>>[vector<16xi32>], vector<16xi32>, vector<16xi1>
        %mul3A_268 = arith.constant 2 : i32
        %mul3A_269 = arith.muli %mul3A_268, %scan3A_241 : i32
        %add3A_270 = arith.constant 1 : i32
        %add3A_271 = arith.addi %mul3A_269, %add3A_270 : i32
        %mul3A_272 = arith.constant 16 : i32
        %mul3A_273 = arith.muli %add3A_271, %mul3A_272 : i32
        %get3A_274 = arith.index_cast %mul3A_273 : i32 to index
        %get3A_275 = tpu.vector_load %arg10[%get3A_274] {strides = array<i32>} : memref<16384xi32, #tpu.memory_space<vmem>>, vector<16xi32>,
        %and3A_276 = arith.constant 2047 : i32
        %and3A_277 = vector.broadcast %and3A_276 : i32 to vector<16xi32>
        %and3A_278 = arith.andi %get3A_275, %and3A_277 : vector<16xi32>
        %broadcast_in_dim3A_279 = arith.constant 11 : i32
        %broadcast_in_dim3A_280 = vector.broadcast %broadcast_in_dim3A_279 : i32 to vector<16xi32>
        %shift_right_logical3A_281 = arith.shrui %get3A_275, %broadcast_in_dim3A_280 : vector<16xi32>
        %and3A_282 = arith.constant 15 : i32
        %and3A_283 = vector.broadcast %and3A_282 : i32 to vector<16xi32>
        %and3A_284 = arith.andi %shift_right_logical3A_281, %and3A_283 : vector<16xi32>
        %ge3A_285 = arith.constant 32768 : i32
        %ge3A_286 = vector.broadcast %ge3A_285 : i32 to vector<16xi32>
        %ge3A_287 = arith.cmpi sge, %get3A_275, %ge3A_286 : vector<16xi32>
        %gather3A_288 = tpu.vector_load_idx %arg9[%and3A_278] : memref<2048xi32, #tpu.memory_space<vmem>>[vector<16xi32>], vector<16xi32>,
        %add3A_289 = arith.addi %gather3A_288, %and3A_284 : vector<16xi32>
        %swap3A_290 = arith.index_cast %mul3A_273 : i32 to index
        %swap3A_291 = tpu.vector_load %arg11[%swap3A_290] {strides = array<i32>} : memref<16384xi32, #tpu.memory_space<vmem>>, vector<16xi32>,
        tpu.vector_store %arg11[%swap3A_290], %add3A_289 {strides = array<i32>} : memref<16384xi32, #tpu.memory_space<vmem>>, vector<16xi32>,
        %add3A_292 = arith.constant 1 : i32
        %add3A_293 = vector.broadcast %add3A_292 : i32 to vector<16xi32>
        %add3A_294 = arith.addi %and3A_284, %add3A_293 : vector<16xi32>
        tpu.vector_store_idx %arg9[%and3A_278], %add3A_294 masked %ge3A_287 {add = true} : memref<2048xi32, #tpu.memory_space<vmem>>[vector<16xi32>], vector<16xi32>, vector<16xi1>
        %scan3A_295 = arith.constant 0 : i32
        scf.yield %scan3A_295 : i32
      }
      %scan3A_36 = arith.constant 512 : i32
      %parallel_loop3A_37 = arith.constant 0 : i32
      %parallel_loop3A_38 = arith.constant 1024 : i32
      %parallel_loop3A_39 = arith.constant 1 : i32
      scf.for %parallel_loop3A_241 = %parallel_loop3A_37 to %parallel_loop3A_38 step %parallel_loop3A_39  : i32 {
        %parallel_loop3A_242 = arith.constant 16 : i32
        %parallel_loop3A_243 = arith.muli %parallel_loop3A_241, %parallel_loop3A_242 : i32
        %parallel_loop3A_244 = arith.index_cast %parallel_loop3A_243 : i32 to index
        %parallel_loop3A_245 = tpu.vector_load %arg11[%parallel_loop3A_244] {strides = array<i32>} : memref<16384xi32, #tpu.memory_space<vmem>>, vector<16xi32>,
        %parallel_loop3A_246 = arith.index_cast %parallel_loop3A_243 : i32 to index
        %parallel_loop3A_247 = tpu.vector_load %arg7[%parallel_loop3A_246] {strides = array<i32>} : memref<16384xi32, #tpu.memory_space<vmem>>, vector<16xi32>,
        %parallel_loop3A_248 = arith.constant 0 : i32
        %parallel_loop3A_249 = vector.broadcast %parallel_loop3A_248 : i32 to vector<16xi32>
        %parallel_loop3A_250 = arith.cmpi sge, %parallel_loop3A_247, %parallel_loop3A_249 : vector<16xi32>
        %parallel_loop3A_251 = arith.constant 2147483647 : i32
        %parallel_loop3A_252 = vector.broadcast %parallel_loop3A_251 : i32 to vector<16xi32>
        %parallel_loop3A_253 = arith.xori %parallel_loop3A_247, %parallel_loop3A_252 : vector<16xi32>
        %parallel_loop3A_254 = arith.select %parallel_loop3A_250, %parallel_loop3A_247, %parallel_loop3A_253 : vector<16xi1>, vector<16xi32>
        tpu.vector_store_idx %arg8[%parallel_loop3A_245], %parallel_loop3A_254 : memref<16384xi32, #tpu.memory_space<vmem>>[vector<16xi32>], vector<16xi32>,
      } {sc.loop_unroll_factor = 4 : i64, sc.parallel_access}
      %broadcast_in_dim3A_40 = arith.constant 11 : i32
      %broadcast_in_dim3A_41 = vector.broadcast %broadcast_in_dim3A_40 : i32 to vector<16xi32>
      %parallel_loop3A_42 = arith.constant 0 : i32
      %parallel_loop3A_43 = arith.constant 128 : i32
      %parallel_loop3A_44 = arith.constant 1 : i32
      scf.for %parallel_loop3A_241 = %parallel_loop3A_42 to %parallel_loop3A_43 step %parallel_loop3A_44  : i32 {
        %parallel_loop3A_242 = arith.constant 16 : i32
        %parallel_loop3A_243 = arith.muli %parallel_loop3A_241, %parallel_loop3A_242 : i32
        %parallel_loop3A_244 = arith.index_cast %parallel_loop3A_243 : i32 to index
        %parallel_loop3A_245 = tpu.vector_load %arg9[%parallel_loop3A_244] {strides = array<i32>} : memref<2048xi32, #tpu.memory_space<vmem>>, vector<16xi32>,
        tpu.vector_store %arg9[%parallel_loop3A_244], %broadcast_in_dim3A_16 {strides = array<i32>} : memref<2048xi32, #tpu.memory_space<vmem>>, vector<16xi32>,
      } {sc.loop_unroll_factor = 4 : i64, sc.parallel_access}
      %parallel_loop3A_45 = arith.constant 0 : i32
      %parallel_loop3A_46 = arith.constant 1024 : i32
      %parallel_loop3A_47 = arith.constant 1 : i32
      scf.for %parallel_loop3A_241 = %parallel_loop3A_45 to %parallel_loop3A_46 step %parallel_loop3A_47  : i32 {
        %parallel_loop3A_242 = arith.constant 16 : i32
        %parallel_loop3A_243 = arith.muli %parallel_loop3A_241, %parallel_loop3A_242 : i32
        %parallel_loop3A_244 = arith.index_cast %parallel_loop3A_243 : i32 to index
        %parallel_loop3A_245 = tpu.vector_load %arg8[%parallel_loop3A_244] {strides = array<i32>} : memref<16384xi32, #tpu.memory_space<vmem>>, vector<16xi32>,
        %parallel_loop3A_246 = arith.shrui %parallel_loop3A_245, %broadcast_in_dim3A_41 : vector<16xi32>
        %parallel_loop3A_247 = arith.constant 2047 : i32
        %parallel_loop3A_248 = vector.broadcast %parallel_loop3A_247 : i32 to vector<16xi32>
        %parallel_loop3A_249 = arith.andi %parallel_loop3A_246, %parallel_loop3A_248 : vector<16xi32>
        %parallel_loop3A_250 = arith.constant true
        %parallel_loop3A_251 = vector.broadcast %parallel_loop3A_250 : i1 to vector<16xi1>
        %parallel_loop3A_252, %parallel_loop3A_253 = tpu.scan_count mask(%parallel_loop3A_251 : vector<16xi1>) value(%parallel_loop3A_249 : vector<16xi32>) : vector<16xi1>, vector<16xi32>
        tpu.vector_store_idx %arg9[%parallel_loop3A_249], %parallel_loop3A_253 masked %parallel_loop3A_252 {add = true} : memref<2048xi32, #tpu.memory_space<vmem>>[vector<16xi32>], vector<16xi32>, vector<16xi1>
        %parallel_loop3A_254 = arith.constant 1 : i32
        %parallel_loop3A_255 = vector.broadcast %parallel_loop3A_254 : i32 to vector<16xi32>
        %parallel_loop3A_256 = arith.subi %parallel_loop3A_253, %parallel_loop3A_255 : vector<16xi32>
        %parallel_loop3A_257 = arith.constant 11 : i32
        %parallel_loop3A_258 = vector.broadcast %parallel_loop3A_257 : i32 to vector<16xi32>
        %parallel_loop3A_259 = arith.shli %parallel_loop3A_256, %parallel_loop3A_258 : vector<16xi32>
        %parallel_loop3A_260 = arith.ori %parallel_loop3A_249, %parallel_loop3A_259 : vector<16xi32>
        %parallel_loop3A_261 = arith.constant 1 : i32
        %parallel_loop3A_262 = arith.constant 0 : i32
        %parallel_loop3A_263 = vector.broadcast %parallel_loop3A_261 : i32 to vector<16xi32>
        %parallel_loop3A_264 = vector.broadcast %parallel_loop3A_262 : i32 to vector<16xi32>
        %parallel_loop3A_265 = arith.select %parallel_loop3A_252, %parallel_loop3A_263, %parallel_loop3A_264 : vector<16xi1>, vector<16xi32>
        %parallel_loop3A_266 = arith.constant 15 : i32
        %parallel_loop3A_267 = vector.broadcast %parallel_loop3A_266 : i32 to vector<16xi32>
        %parallel_loop3A_268 = arith.shli %parallel_loop3A_265, %parallel_loop3A_267 : vector<16xi32>
        %parallel_loop3A_269 = arith.ori %parallel_loop3A_260, %parallel_loop3A_268 : vector<16xi32>
        %parallel_loop3A_270 = arith.index_cast %parallel_loop3A_243 : i32 to index
        %parallel_loop3A_271 = tpu.vector_load %arg10[%parallel_loop3A_270] {strides = array<i32>} : memref<16384xi32, #tpu.memory_space<vmem>>, vector<16xi32>,
        tpu.vector_store %arg10[%parallel_loop3A_270], %parallel_loop3A_269 {strides = array<i32>} : memref<16384xi32, #tpu.memory_space<vmem>>, vector<16xi32>,
      } {sc.loop_unroll_factor = 4 : i64, sc.parallel_access}
      %broadcast_in_dim3A_48 = arith.constant 0 : i32
      %broadcast_in_dim3A_49 = vector.broadcast %broadcast_in_dim3A_48 : i32 to vector<16xi32>
      %parallel_loop3A_50 = arith.constant 0 : i32
      %parallel_loop3A_51 = arith.constant 128 : i32
      %parallel_loop3A_52 = arith.constant 1 : i32
      %parallel_loop3A_53 = scf.for %parallel_loop3A_241 = %parallel_loop3A_50 to %parallel_loop3A_51 step %parallel_loop3A_52 iter_args(%parallel_loop3A_242 = %broadcast_in_dim3A_49) -> (vector<16xi32>)  : i32 {
        %parallel_loop3A_243 = arith.constant 16 : i32
        %parallel_loop3A_244 = arith.muli %parallel_loop3A_241, %parallel_loop3A_243 : i32
        %parallel_loop3A_245 = arith.index_cast %parallel_loop3A_244 : i32 to index
        %parallel_loop3A_246 = tpu.vector_load %arg9[%parallel_loop3A_245] {strides = array<i32>} : memref<2048xi32, #tpu.memory_space<vmem>>, vector<16xi32>,
        %parallel_loop3A_247 = arith.constant true
        %parallel_loop3A_248 = vector.broadcast %parallel_loop3A_247 : i1 to vector<16xi1>
        %parallel_loop3A_249 = tpu.scan <sum>, %parallel_loop3A_246 masked %parallel_loop3A_248 : vector<16xi32>, vector<16xi1> -> vector<16xi32>
        %parallel_loop3A_250 = arith.addi %parallel_loop3A_242, %parallel_loop3A_249 : vector<16xi32>
        %parallel_loop3A_251 = arith.subi %parallel_loop3A_250, %parallel_loop3A_246 : vector<16xi32>
        %parallel_loop3A_252 = arith.index_cast %parallel_loop3A_244 : i32 to index
        %parallel_loop3A_253 = tpu.vector_load %arg9[%parallel_loop3A_252] {strides = array<i32>} : memref<2048xi32, #tpu.memory_space<vmem>>, vector<16xi32>,
        tpu.vector_store %arg9[%parallel_loop3A_252], %parallel_loop3A_251 {strides = array<i32>} : memref<2048xi32, #tpu.memory_space<vmem>>, vector<16xi32>,
        %parallel_loop3A_254 = arith.constant true
        %parallel_loop3A_255 = vector.broadcast %parallel_loop3A_254 : i1 to vector<16xi1>
        %parallel_loop3A_256 = tpu.scan <sum>, %parallel_loop3A_246 masked %parallel_loop3A_255 : vector<16xi32>, vector<16xi1> -> vector<16xi32>
        %parallel_loop3A_257 = vector.extract %parallel_loop3A_256[15] : i32 from vector<16xi32>
        %parallel_loop3A_258 = vector.broadcast %parallel_loop3A_257 : i32 to vector<16xi32>
        %parallel_loop3A_259 = arith.addi %parallel_loop3A_242, %parallel_loop3A_258 : vector<16xi32>
        scf.yield %parallel_loop3A_259 : vector<16xi32>
      } {sc.loop_unroll_factor = 4 : i64, sc.parallel_access}
      %scan3A_54 = arith.constant 0 : i32
      %scan3A_55 = arith.constant 0 : i32
      %scan3A_56 = arith.constant 512 : i32
      %scan3A_57 = arith.addi %scan3A_55, %scan3A_56 : i32
      %scan3A_58 = arith.constant 1 : i32
      %scan3A_59 = scf.for %scan3A_241 = %scan3A_55 to %scan3A_57 step %scan3A_58 iter_args(%scan3A_242 = %scan3A_54) -> (i32)  : i32 {
        %mul3A_243 = arith.constant 2 : i32
        %mul3A_244 = arith.muli %mul3A_243, %scan3A_241 : i32
        %add3A_245 = arith.constant 0 : i32
        %add3A_246 = arith.addi %mul3A_244, %add3A_245 : i32
        %mul3A_247 = arith.constant 16 : i32
        %mul3A_248 = arith.muli %add3A_246, %mul3A_247 : i32
        %get3A_249 = arith.index_cast %mul3A_248 : i32 to index
        %get3A_250 = tpu.vector_load %arg10[%get3A_249] {strides = array<i32>} : memref<16384xi32, #tpu.memory_space<vmem>>, vector<16xi32>,
        %and3A = arith.constant 2047 : i32
        %and3A_251 = vector.broadcast %and3A : i32 to vector<16xi32>
        %and3A_252 = arith.andi %get3A_250, %and3A_251 : vector<16xi32>
        %broadcast_in_dim3A_253 = arith.constant 11 : i32
        %broadcast_in_dim3A_254 = vector.broadcast %broadcast_in_dim3A_253 : i32 to vector<16xi32>
        %shift_right_logical3A_255 = arith.shrui %get3A_250, %broadcast_in_dim3A_254 : vector<16xi32>
        %and3A_256 = arith.constant 15 : i32
        %and3A_257 = vector.broadcast %and3A_256 : i32 to vector<16xi32>
        %and3A_258 = arith.andi %shift_right_logical3A_255, %and3A_257 : vector<16xi32>
        %ge3A_259 = arith.constant 32768 : i32
        %ge3A_260 = vector.broadcast %ge3A_259 : i32 to vector<16xi32>
        %ge3A_261 = arith.cmpi sge, %get3A_250, %ge3A_260 : vector<16xi32>
        %gather3A = tpu.vector_load_idx %arg9[%and3A_252] : memref<2048xi32, #tpu.memory_space<vmem>>[vector<16xi32>], vector<16xi32>,
        %add3A_262 = arith.addi %gather3A, %and3A_258 : vector<16xi32>
        %swap3A_263 = arith.index_cast %mul3A_248 : i32 to index
        %swap3A_264 = tpu.vector_load %arg11[%swap3A_263] {strides = array<i32>} : memref<16384xi32, #tpu.memory_space<vmem>>, vector<16xi32>,
        tpu.vector_store %arg11[%swap3A_263], %add3A_262 {strides = array<i32>} : memref<16384xi32, #tpu.memory_space<vmem>>, vector<16xi32>,
        %add3A_265 = arith.constant 1 : i32
        %add3A_266 = vector.broadcast %add3A_265 : i32 to vector<16xi32>
        %add3A_267 = arith.addi %and3A_258, %add3A_266 : vector<16xi32>
        tpu.vector_store_idx %arg9[%and3A_252], %add3A_267 masked %ge3A_261 {add = true} : memref<2048xi32, #tpu.memory_space<vmem>>[vector<16xi32>], vector<16xi32>, vector<16xi1>
        %mul3A_268 = arith.constant 2 : i32
        %mul3A_269 = arith.muli %mul3A_268, %scan3A_241 : i32
        %add3A_270 = arith.constant 1 : i32
        %add3A_271 = arith.addi %mul3A_269, %add3A_270 : i32
        %mul3A_272 = arith.constant 16 : i32
        %mul3A_273 = arith.muli %add3A_271, %mul3A_272 : i32
        %get3A_274 = arith.index_cast %mul3A_273 : i32 to index
        %get3A_275 = tpu.vector_load %arg10[%get3A_274] {strides = array<i32>} : memref<16384xi32, #tpu.memory_space<vmem>>, vector<16xi32>,
        %and3A_276 = arith.constant 2047 : i32
        %and3A_277 = vector.broadcast %and3A_276 : i32 to vector<16xi32>
        %and3A_278 = arith.andi %get3A_275, %and3A_277 : vector<16xi32>
        %broadcast_in_dim3A_279 = arith.constant 11 : i32
        %broadcast_in_dim3A_280 = vector.broadcast %broadcast_in_dim3A_279 : i32 to vector<16xi32>
        %shift_right_logical3A_281 = arith.shrui %get3A_275, %broadcast_in_dim3A_280 : vector<16xi32>
        %and3A_282 = arith.constant 15 : i32
        %and3A_283 = vector.broadcast %and3A_282 : i32 to vector<16xi32>
        %and3A_284 = arith.andi %shift_right_logical3A_281, %and3A_283 : vector<16xi32>
        %ge3A_285 = arith.constant 32768 : i32
        %ge3A_286 = vector.broadcast %ge3A_285 : i32 to vector<16xi32>
        %ge3A_287 = arith.cmpi sge, %get3A_275, %ge3A_286 : vector<16xi32>
        %gather3A_288 = tpu.vector_load_idx %arg9[%and3A_278] : memref<2048xi32, #tpu.memory_space<vmem>>[vector<16xi32>], vector<16xi32>,
        %add3A_289 = arith.addi %gather3A_288, %and3A_284 : vector<16xi32>
        %swap3A_290 = arith.index_cast %mul3A_273 : i32 to index
        %swap3A_291 = tpu.vector_load %arg11[%swap3A_290] {strides = array<i32>} : memref<16384xi32, #tpu.memory_space<vmem>>, vector<16xi32>,
        tpu.vector_store %arg11[%swap3A_290], %add3A_289 {strides = array<i32>} : memref<16384xi32, #tpu.memory_space<vmem>>, vector<16xi32>,
        %add3A_292 = arith.constant 1 : i32
        %add3A_293 = vector.broadcast %add3A_292 : i32 to vector<16xi32>
        %add3A_294 = arith.addi %and3A_284, %add3A_293 : vector<16xi32>
        tpu.vector_store_idx %arg9[%and3A_278], %add3A_294 masked %ge3A_287 {add = true} : memref<2048xi32, #tpu.memory_space<vmem>>[vector<16xi32>], vector<16xi32>, vector<16xi1>
        %scan3A_295 = arith.constant 0 : i32
        scf.yield %scan3A_295 : i32
      }
      %scan3A_60 = arith.constant 512 : i32
      %parallel_loop3A_61 = arith.constant 0 : i32
      %parallel_loop3A_62 = arith.constant 1024 : i32
      %parallel_loop3A_63 = arith.constant 1 : i32
      scf.for %parallel_loop3A_241 = %parallel_loop3A_61 to %parallel_loop3A_62 step %parallel_loop3A_63  : i32 {
        %parallel_loop3A_242 = arith.constant 16 : i32
        %parallel_loop3A_243 = arith.muli %parallel_loop3A_241, %parallel_loop3A_242 : i32
        %parallel_loop3A_244 = arith.index_cast %parallel_loop3A_243 : i32 to index
        %parallel_loop3A_245 = tpu.vector_load %arg11[%parallel_loop3A_244] {strides = array<i32>} : memref<16384xi32, #tpu.memory_space<vmem>>, vector<16xi32>,
        %parallel_loop3A_246 = arith.index_cast %parallel_loop3A_243 : i32 to index
        %parallel_loop3A_247 = tpu.vector_load %arg8[%parallel_loop3A_246] {strides = array<i32>} : memref<16384xi32, #tpu.memory_space<vmem>>, vector<16xi32>,
        tpu.vector_store_idx %arg7[%parallel_loop3A_245], %parallel_loop3A_247 : memref<16384xi32, #tpu.memory_space<vmem>>[vector<16xi32>], vector<16xi32>,
      } {sc.loop_unroll_factor = 4 : i64, sc.parallel_access}
      %broadcast_in_dim3A_64 = arith.constant 22 : i32
      %broadcast_in_dim3A_65 = vector.broadcast %broadcast_in_dim3A_64 : i32 to vector<16xi32>
      %parallel_loop3A_66 = arith.constant 0 : i32
      %parallel_loop3A_67 = arith.constant 128 : i32
      %parallel_loop3A_68 = arith.constant 1 : i32
      scf.for %parallel_loop3A_241 = %parallel_loop3A_66 to %parallel_loop3A_67 step %parallel_loop3A_68  : i32 {
        %parallel_loop3A_242 = arith.constant 16 : i32
        %parallel_loop3A_243 = arith.muli %parallel_loop3A_241, %parallel_loop3A_242 : i32
        %parallel_loop3A_244 = arith.index_cast %parallel_loop3A_243 : i32 to index
        %parallel_loop3A_245 = tpu.vector_load %arg9[%parallel_loop3A_244] {strides = array<i32>} : memref<2048xi32, #tpu.memory_space<vmem>>, vector<16xi32>,
        tpu.vector_store %arg9[%parallel_loop3A_244], %broadcast_in_dim3A_16 {strides = array<i32>} : memref<2048xi32, #tpu.memory_space<vmem>>, vector<16xi32>,
      } {sc.loop_unroll_factor = 4 : i64, sc.parallel_access}
      %parallel_loop3A_69 = arith.constant 0 : i32
      %parallel_loop3A_70 = arith.constant 1024 : i32
      %parallel_loop3A_71 = arith.constant 1 : i32
      scf.for %parallel_loop3A_241 = %parallel_loop3A_69 to %parallel_loop3A_70 step %parallel_loop3A_71  : i32 {
        %parallel_loop3A_242 = arith.constant 16 : i32
        %parallel_loop3A_243 = arith.muli %parallel_loop3A_241, %parallel_loop3A_242 : i32
        %parallel_loop3A_244 = arith.index_cast %parallel_loop3A_243 : i32 to index
        %parallel_loop3A_245 = tpu.vector_load %arg7[%parallel_loop3A_244] {strides = array<i32>} : memref<16384xi32, #tpu.memory_space<vmem>>, vector<16xi32>,
        %parallel_loop3A_246 = arith.shrui %parallel_loop3A_245, %broadcast_in_dim3A_65 : vector<16xi32>
        %parallel_loop3A_247 = arith.constant 1023 : i32
        %parallel_loop3A_248 = vector.broadcast %parallel_loop3A_247 : i32 to vector<16xi32>
        %parallel_loop3A_249 = arith.andi %parallel_loop3A_246, %parallel_loop3A_248 : vector<16xi32>
        %parallel_loop3A_250 = arith.constant 512 : i32
        %parallel_loop3A_251 = vector.broadcast %parallel_loop3A_250 : i32 to vector<16xi32>
        %parallel_loop3A_252 = arith.xori %parallel_loop3A_249, %parallel_loop3A_251 : vector<16xi32>
        %parallel_loop3A_253 = arith.constant true
        %parallel_loop3A_254 = vector.broadcast %parallel_loop3A_253 : i1 to vector<16xi1>
        %parallel_loop3A_255, %parallel_loop3A_256 = tpu.scan_count mask(%parallel_loop3A_254 : vector<16xi1>) value(%parallel_loop3A_252 : vector<16xi32>) : vector<16xi1>, vector<16xi32>
        tpu.vector_store_idx %arg9[%parallel_loop3A_252], %parallel_loop3A_256 masked %parallel_loop3A_255 {add = true} : memref<2048xi32, #tpu.memory_space<vmem>>[vector<16xi32>], vector<16xi32>, vector<16xi1>
        %parallel_loop3A_257 = arith.constant 1 : i32
        %parallel_loop3A_258 = vector.broadcast %parallel_loop3A_257 : i32 to vector<16xi32>
        %parallel_loop3A_259 = arith.subi %parallel_loop3A_256, %parallel_loop3A_258 : vector<16xi32>
        %parallel_loop3A_260 = arith.constant 11 : i32
        %parallel_loop3A_261 = vector.broadcast %parallel_loop3A_260 : i32 to vector<16xi32>
        %parallel_loop3A_262 = arith.shli %parallel_loop3A_259, %parallel_loop3A_261 : vector<16xi32>
        %parallel_loop3A_263 = arith.ori %parallel_loop3A_252, %parallel_loop3A_262 : vector<16xi32>
        %parallel_loop3A_264 = arith.constant 1 : i32
        %parallel_loop3A_265 = arith.constant 0 : i32
        %parallel_loop3A_266 = vector.broadcast %parallel_loop3A_264 : i32 to vector<16xi32>
        %parallel_loop3A_267 = vector.broadcast %parallel_loop3A_265 : i32 to vector<16xi32>
        %parallel_loop3A_268 = arith.select %parallel_loop3A_255, %parallel_loop3A_266, %parallel_loop3A_267 : vector<16xi1>, vector<16xi32>
        %parallel_loop3A_269 = arith.constant 15 : i32
        %parallel_loop3A_270 = vector.broadcast %parallel_loop3A_269 : i32 to vector<16xi32>
        %parallel_loop3A_271 = arith.shli %parallel_loop3A_268, %parallel_loop3A_270 : vector<16xi32>
        %parallel_loop3A_272 = arith.ori %parallel_loop3A_263, %parallel_loop3A_271 : vector<16xi32>
        %parallel_loop3A_273 = arith.index_cast %parallel_loop3A_243 : i32 to index
        %parallel_loop3A_274 = tpu.vector_load %arg10[%parallel_loop3A_273] {strides = array<i32>} : memref<16384xi32, #tpu.memory_space<vmem>>, vector<16xi32>,
        tpu.vector_store %arg10[%parallel_loop3A_273], %parallel_loop3A_272 {strides = array<i32>} : memref<16384xi32, #tpu.memory_space<vmem>>, vector<16xi32>,
      } {sc.loop_unroll_factor = 4 : i64, sc.parallel_access}
      %broadcast_in_dim3A_72 = arith.constant 0 : i32
      %broadcast_in_dim3A_73 = vector.broadcast %broadcast_in_dim3A_72 : i32 to vector<16xi32>
      %parallel_loop3A_74 = arith.constant 0 : i32
      %parallel_loop3A_75 = arith.constant 128 : i32
      %parallel_loop3A_76 = arith.constant 1 : i32
      %parallel_loop3A_77 = scf.for %parallel_loop3A_241 = %parallel_loop3A_74 to %parallel_loop3A_75 step %parallel_loop3A_76 iter_args(%parallel_loop3A_242 = %broadcast_in_dim3A_73) -> (vector<16xi32>)  : i32 {
        %parallel_loop3A_243 = arith.constant 16 : i32
        %parallel_loop3A_244 = arith.muli %parallel_loop3A_241, %parallel_loop3A_243 : i32
        %parallel_loop3A_245 = arith.index_cast %parallel_loop3A_244 : i32 to index
        %parallel_loop3A_246 = tpu.vector_load %arg9[%parallel_loop3A_245] {strides = array<i32>} : memref<2048xi32, #tpu.memory_space<vmem>>, vector<16xi32>,
        %parallel_loop3A_247 = arith.constant true
        %parallel_loop3A_248 = vector.broadcast %parallel_loop3A_247 : i1 to vector<16xi1>
        %parallel_loop3A_249 = tpu.scan <sum>, %parallel_loop3A_246 masked %parallel_loop3A_248 : vector<16xi32>, vector<16xi1> -> vector<16xi32>
        %parallel_loop3A_250 = arith.addi %parallel_loop3A_242, %parallel_loop3A_249 : vector<16xi32>
        %parallel_loop3A_251 = arith.subi %parallel_loop3A_250, %parallel_loop3A_246 : vector<16xi32>
        %parallel_loop3A_252 = arith.index_cast %parallel_loop3A_244 : i32 to index
        %parallel_loop3A_253 = tpu.vector_load %arg9[%parallel_loop3A_252] {strides = array<i32>} : memref<2048xi32, #tpu.memory_space<vmem>>, vector<16xi32>,
        tpu.vector_store %arg9[%parallel_loop3A_252], %parallel_loop3A_251 {strides = array<i32>} : memref<2048xi32, #tpu.memory_space<vmem>>, vector<16xi32>,
        %parallel_loop3A_254 = arith.constant true
        %parallel_loop3A_255 = vector.broadcast %parallel_loop3A_254 : i1 to vector<16xi1>
        %parallel_loop3A_256 = tpu.scan <sum>, %parallel_loop3A_246 masked %parallel_loop3A_255 : vector<16xi32>, vector<16xi1> -> vector<16xi32>
        %parallel_loop3A_257 = vector.extract %parallel_loop3A_256[15] : i32 from vector<16xi32>
        %parallel_loop3A_258 = vector.broadcast %parallel_loop3A_257 : i32 to vector<16xi32>
        %parallel_loop3A_259 = arith.addi %parallel_loop3A_242, %parallel_loop3A_258 : vector<16xi32>
        scf.yield %parallel_loop3A_259 : vector<16xi32>
      } {sc.loop_unroll_factor = 4 : i64, sc.parallel_access}
      %scan3A_78 = arith.constant 0 : i32
      %scan3A_79 = arith.constant 0 : i32
      %scan3A_80 = arith.constant 512 : i32
      %scan3A_81 = arith.addi %scan3A_79, %scan3A_80 : i32
      %scan3A_82 = arith.constant 1 : i32
      %scan3A_83 = scf.for %scan3A_241 = %scan3A_79 to %scan3A_81 step %scan3A_82 iter_args(%scan3A_242 = %scan3A_78) -> (i32)  : i32 {
        %mul3A_243 = arith.constant 2 : i32
        %mul3A_244 = arith.muli %mul3A_243, %scan3A_241 : i32
        %add3A_245 = arith.constant 0 : i32
        %add3A_246 = arith.addi %mul3A_244, %add3A_245 : i32
        %mul3A_247 = arith.constant 16 : i32
        %mul3A_248 = arith.muli %add3A_246, %mul3A_247 : i32
        %get3A_249 = arith.index_cast %mul3A_248 : i32 to index
        %get3A_250 = tpu.vector_load %arg10[%get3A_249] {strides = array<i32>} : memref<16384xi32, #tpu.memory_space<vmem>>, vector<16xi32>,
        %and3A = arith.constant 2047 : i32
        %and3A_251 = vector.broadcast %and3A : i32 to vector<16xi32>
        %and3A_252 = arith.andi %get3A_250, %and3A_251 : vector<16xi32>
        %broadcast_in_dim3A_253 = arith.constant 11 : i32
        %broadcast_in_dim3A_254 = vector.broadcast %broadcast_in_dim3A_253 : i32 to vector<16xi32>
        %shift_right_logical3A_255 = arith.shrui %get3A_250, %broadcast_in_dim3A_254 : vector<16xi32>
        %and3A_256 = arith.constant 15 : i32
        %and3A_257 = vector.broadcast %and3A_256 : i32 to vector<16xi32>
        %and3A_258 = arith.andi %shift_right_logical3A_255, %and3A_257 : vector<16xi32>
        %ge3A_259 = arith.constant 32768 : i32
        %ge3A_260 = vector.broadcast %ge3A_259 : i32 to vector<16xi32>
        %ge3A_261 = arith.cmpi sge, %get3A_250, %ge3A_260 : vector<16xi32>
        %gather3A = tpu.vector_load_idx %arg9[%and3A_252] : memref<2048xi32, #tpu.memory_space<vmem>>[vector<16xi32>], vector<16xi32>,
        %add3A_262 = arith.addi %gather3A, %and3A_258 : vector<16xi32>
        %swap3A_263 = arith.index_cast %mul3A_248 : i32 to index
        %swap3A_264 = tpu.vector_load %arg11[%swap3A_263] {strides = array<i32>} : memref<16384xi32, #tpu.memory_space<vmem>>, vector<16xi32>,
        tpu.vector_store %arg11[%swap3A_263], %add3A_262 {strides = array<i32>} : memref<16384xi32, #tpu.memory_space<vmem>>, vector<16xi32>,
        %add3A_265 = arith.constant 1 : i32
        %add3A_266 = vector.broadcast %add3A_265 : i32 to vector<16xi32>
        %add3A_267 = arith.addi %and3A_258, %add3A_266 : vector<16xi32>
        tpu.vector_store_idx %arg9[%and3A_252], %add3A_267 masked %ge3A_261 {add = true} : memref<2048xi32, #tpu.memory_space<vmem>>[vector<16xi32>], vector<16xi32>, vector<16xi1>
        %mul3A_268 = arith.constant 2 : i32
        %mul3A_269 = arith.muli %mul3A_268, %scan3A_241 : i32
        %add3A_270 = arith.constant 1 : i32
        %add3A_271 = arith.addi %mul3A_269, %add3A_270 : i32
        %mul3A_272 = arith.constant 16 : i32
        %mul3A_273 = arith.muli %add3A_271, %mul3A_272 : i32
        %get3A_274 = arith.index_cast %mul3A_273 : i32 to index
        %get3A_275 = tpu.vector_load %arg10[%get3A_274] {strides = array<i32>} : memref<16384xi32, #tpu.memory_space<vmem>>, vector<16xi32>,
        %and3A_276 = arith.constant 2047 : i32
        %and3A_277 = vector.broadcast %and3A_276 : i32 to vector<16xi32>
        %and3A_278 = arith.andi %get3A_275, %and3A_277 : vector<16xi32>
        %broadcast_in_dim3A_279 = arith.constant 11 : i32
        %broadcast_in_dim3A_280 = vector.broadcast %broadcast_in_dim3A_279 : i32 to vector<16xi32>
        %shift_right_logical3A_281 = arith.shrui %get3A_275, %broadcast_in_dim3A_280 : vector<16xi32>
        %and3A_282 = arith.constant 15 : i32
        %and3A_283 = vector.broadcast %and3A_282 : i32 to vector<16xi32>
        %and3A_284 = arith.andi %shift_right_logical3A_281, %and3A_283 : vector<16xi32>
        %ge3A_285 = arith.constant 32768 : i32
        %ge3A_286 = vector.broadcast %ge3A_285 : i32 to vector<16xi32>
        %ge3A_287 = arith.cmpi sge, %get3A_275, %ge3A_286 : vector<16xi32>
        %gather3A_288 = tpu.vector_load_idx %arg9[%and3A_278] : memref<2048xi32, #tpu.memory_space<vmem>>[vector<16xi32>], vector<16xi32>,
        %add3A_289 = arith.addi %gather3A_288, %and3A_284 : vector<16xi32>
        %swap3A_290 = arith.index_cast %mul3A_273 : i32 to index
        %swap3A_291 = tpu.vector_load %arg11[%swap3A_290] {strides = array<i32>} : memref<16384xi32, #tpu.memory_space<vmem>>, vector<16xi32>,
        tpu.vector_store %arg11[%swap3A_290], %add3A_289 {strides = array<i32>} : memref<16384xi32, #tpu.memory_space<vmem>>, vector<16xi32>,
        %add3A_292 = arith.constant 1 : i32
        %add3A_293 = vector.broadcast %add3A_292 : i32 to vector<16xi32>
        %add3A_294 = arith.addi %and3A_284, %add3A_293 : vector<16xi32>
        tpu.vector_store_idx %arg9[%and3A_278], %add3A_294 masked %ge3A_287 {add = true} : memref<2048xi32, #tpu.memory_space<vmem>>[vector<16xi32>], vector<16xi32>, vector<16xi1>
        %scan3A_295 = arith.constant 0 : i32
        scf.yield %scan3A_295 : i32
      }
      %scan3A_84 = arith.constant 512 : i32
      %parallel_loop3A_85 = arith.constant 0 : i32
      %parallel_loop3A_86 = arith.constant 1024 : i32
      %parallel_loop3A_87 = arith.constant 1 : i32
      scf.for %parallel_loop3A_241 = %parallel_loop3A_85 to %parallel_loop3A_86 step %parallel_loop3A_87  : i32 {
        %parallel_loop3A_242 = arith.constant 16 : i32
        %parallel_loop3A_243 = arith.muli %parallel_loop3A_241, %parallel_loop3A_242 : i32
        %parallel_loop3A_244 = arith.index_cast %parallel_loop3A_243 : i32 to index
        %parallel_loop3A_245 = tpu.vector_load %arg11[%parallel_loop3A_244] {strides = array<i32>} : memref<16384xi32, #tpu.memory_space<vmem>>, vector<16xi32>,
        %parallel_loop3A_246 = arith.index_cast %parallel_loop3A_243 : i32 to index
        %parallel_loop3A_247 = tpu.vector_load %arg7[%parallel_loop3A_246] {strides = array<i32>} : memref<16384xi32, #tpu.memory_space<vmem>>, vector<16xi32>,
        tpu.vector_store_idx %arg8[%parallel_loop3A_245], %parallel_loop3A_247 : memref<16384xi32, #tpu.memory_space<vmem>>[vector<16xi32>], vector<16xi32>,
      } {sc.loop_unroll_factor = 4 : i64, sc.parallel_access}
      %broadcast_in_dim3A_88 = arith.constant 1 : i32
      %broadcast_in_dim3A_89 = vector.broadcast %broadcast_in_dim3A_88 : i32 to vector<16xi32>
      %broadcast_in_dim3A_90 = arith.constant 0 : i32
      %broadcast_in_dim3A_91 = vector.broadcast %broadcast_in_dim3A_90 : i32 to vector<16xi32>
      %broadcast_in_dim3A_92 = arith.constant 0 : i32
      %broadcast_in_dim3A_93 = vector.broadcast %broadcast_in_dim3A_92 : i32 to vector<16xi32>
      %parallel_loop3A_94 = arith.constant 0 : i32
      %parallel_loop3A_95 = arith.constant 128 : i32
      %parallel_loop3A_96 = arith.constant 1 : i32
      scf.for %parallel_loop3A_241 = %parallel_loop3A_94 to %parallel_loop3A_95 step %parallel_loop3A_96  : i32 {
        %parallel_loop3A_242 = arith.constant 16 : i32
        %parallel_loop3A_243 = arith.muli %parallel_loop3A_241, %parallel_loop3A_242 : i32
        %parallel_loop3A_244 = arith.index_cast %parallel_loop3A_243 : i32 to index
        %parallel_loop3A_245 = tpu.vector_load %arg9[%parallel_loop3A_244] {strides = array<i32>} : memref<2048xi32, #tpu.memory_space<vmem>>, vector<16xi32>,
        tpu.vector_store %arg9[%parallel_loop3A_244], %broadcast_in_dim3A_91 {strides = array<i32>} : memref<2048xi32, #tpu.memory_space<vmem>>, vector<16xi32>,
      } {sc.loop_unroll_factor = 4 : i64, sc.parallel_access}
      %parallel_loop3A_97 = arith.constant 0 : i32
      %parallel_loop3A_98 = arith.constant 1024 : i32
      %parallel_loop3A_99 = arith.constant 1 : i32
      scf.for %parallel_loop3A_241 = %parallel_loop3A_97 to %parallel_loop3A_98 step %parallel_loop3A_99  : i32 {
        %parallel_loop3A_242 = arith.constant 16 : i32
        %parallel_loop3A_243 = arith.muli %parallel_loop3A_241, %parallel_loop3A_242 : i32
        %parallel_loop3A_244 = arith.index_cast %parallel_loop3A_243 : i32 to index
        %parallel_loop3A_245 = tpu.vector_load %arg5[%parallel_loop3A_244] {strides = array<i32>} : memref<16384xi32, #tpu.memory_space<vmem>>, vector<16xi32>,
        %parallel_loop3A_246 = arith.constant 0 : i32
        %parallel_loop3A_247 = vector.broadcast %parallel_loop3A_246 : i32 to vector<16xi32>
        %parallel_loop3A_248 = arith.cmpi sge, %parallel_loop3A_245, %parallel_loop3A_247 : vector<16xi32>
        %parallel_loop3A_249 = arith.constant 2147483647 : i32
        %parallel_loop3A_250 = vector.broadcast %parallel_loop3A_249 : i32 to vector<16xi32>
        %parallel_loop3A_251 = arith.xori %parallel_loop3A_245, %parallel_loop3A_250 : vector<16xi32>
        %parallel_loop3A_252 = arith.select %parallel_loop3A_248, %parallel_loop3A_245, %parallel_loop3A_251 : vector<16xi1>, vector<16xi32>
        %parallel_loop3A_253 = arith.shrui %parallel_loop3A_252, %broadcast_in_dim3A_93 : vector<16xi32>
        %parallel_loop3A_254 = arith.constant 2047 : i32
        %parallel_loop3A_255 = vector.broadcast %parallel_loop3A_254 : i32 to vector<16xi32>
        %parallel_loop3A_256 = arith.andi %parallel_loop3A_253, %parallel_loop3A_255 : vector<16xi32>
        %parallel_loop3A_257 = arith.constant true
        %parallel_loop3A_258 = vector.broadcast %parallel_loop3A_257 : i1 to vector<16xi1>
        %parallel_loop3A_259, %parallel_loop3A_260 = tpu.scan_count mask(%parallel_loop3A_258 : vector<16xi1>) value(%parallel_loop3A_256 : vector<16xi32>) : vector<16xi1>, vector<16xi32>
        tpu.vector_store_idx %arg9[%parallel_loop3A_256], %parallel_loop3A_260 masked %parallel_loop3A_259 {add = true} : memref<2048xi32, #tpu.memory_space<vmem>>[vector<16xi32>], vector<16xi32>, vector<16xi1>
        %parallel_loop3A_261 = arith.constant 1 : i32
        %parallel_loop3A_262 = vector.broadcast %parallel_loop3A_261 : i32 to vector<16xi32>
        %parallel_loop3A_263 = arith.subi %parallel_loop3A_260, %parallel_loop3A_262 : vector<16xi32>
        %parallel_loop3A_264 = arith.constant 11 : i32
        %parallel_loop3A_265 = vector.broadcast %parallel_loop3A_264 : i32 to vector<16xi32>
        %parallel_loop3A_266 = arith.shli %parallel_loop3A_263, %parallel_loop3A_265 : vector<16xi32>
        %parallel_loop3A_267 = arith.ori %parallel_loop3A_256, %parallel_loop3A_266 : vector<16xi32>
        %parallel_loop3A_268 = arith.constant 1 : i32
        %parallel_loop3A_269 = arith.constant 0 : i32
        %parallel_loop3A_270 = vector.broadcast %parallel_loop3A_268 : i32 to vector<16xi32>
        %parallel_loop3A_271 = vector.broadcast %parallel_loop3A_269 : i32 to vector<16xi32>
        %parallel_loop3A_272 = arith.select %parallel_loop3A_259, %parallel_loop3A_270, %parallel_loop3A_271 : vector<16xi1>, vector<16xi32>
        %parallel_loop3A_273 = arith.constant 15 : i32
        %parallel_loop3A_274 = vector.broadcast %parallel_loop3A_273 : i32 to vector<16xi32>
        %parallel_loop3A_275 = arith.shli %parallel_loop3A_272, %parallel_loop3A_274 : vector<16xi32>
        %parallel_loop3A_276 = arith.ori %parallel_loop3A_267, %parallel_loop3A_275 : vector<16xi32>
        %parallel_loop3A_277 = arith.index_cast %parallel_loop3A_243 : i32 to index
        %parallel_loop3A_278 = tpu.vector_load %arg10[%parallel_loop3A_277] {strides = array<i32>} : memref<16384xi32, #tpu.memory_space<vmem>>, vector<16xi32>,
        tpu.vector_store %arg10[%parallel_loop3A_277], %parallel_loop3A_276 {strides = array<i32>} : memref<16384xi32, #tpu.memory_space<vmem>>, vector<16xi32>,
      } {sc.loop_unroll_factor = 4 : i64, sc.parallel_access}
      %broadcast_in_dim3A_100 = arith.constant 0 : i32
      %broadcast_in_dim3A_101 = vector.broadcast %broadcast_in_dim3A_100 : i32 to vector<16xi32>
      %parallel_loop3A_102 = arith.constant 0 : i32
      %parallel_loop3A_103 = arith.constant 128 : i32
      %parallel_loop3A_104 = arith.constant 1 : i32
      %parallel_loop3A_105 = scf.for %parallel_loop3A_241 = %parallel_loop3A_102 to %parallel_loop3A_103 step %parallel_loop3A_104 iter_args(%parallel_loop3A_242 = %broadcast_in_dim3A_101) -> (vector<16xi32>)  : i32 {
        %parallel_loop3A_243 = arith.constant 16 : i32
        %parallel_loop3A_244 = arith.muli %parallel_loop3A_241, %parallel_loop3A_243 : i32
        %parallel_loop3A_245 = arith.index_cast %parallel_loop3A_244 : i32 to index
        %parallel_loop3A_246 = tpu.vector_load %arg9[%parallel_loop3A_245] {strides = array<i32>} : memref<2048xi32, #tpu.memory_space<vmem>>, vector<16xi32>,
        %parallel_loop3A_247 = arith.constant true
        %parallel_loop3A_248 = vector.broadcast %parallel_loop3A_247 : i1 to vector<16xi1>
        %parallel_loop3A_249 = tpu.scan <sum>, %parallel_loop3A_246 masked %parallel_loop3A_248 : vector<16xi32>, vector<16xi1> -> vector<16xi32>
        %parallel_loop3A_250 = arith.addi %parallel_loop3A_242, %parallel_loop3A_249 : vector<16xi32>
        %parallel_loop3A_251 = arith.subi %parallel_loop3A_250, %parallel_loop3A_246 : vector<16xi32>
        %parallel_loop3A_252 = arith.index_cast %parallel_loop3A_244 : i32 to index
        %parallel_loop3A_253 = tpu.vector_load %arg9[%parallel_loop3A_252] {strides = array<i32>} : memref<2048xi32, #tpu.memory_space<vmem>>, vector<16xi32>,
        tpu.vector_store %arg9[%parallel_loop3A_252], %parallel_loop3A_251 {strides = array<i32>} : memref<2048xi32, #tpu.memory_space<vmem>>, vector<16xi32>,
        %parallel_loop3A_254 = arith.constant true
        %parallel_loop3A_255 = vector.broadcast %parallel_loop3A_254 : i1 to vector<16xi1>
        %parallel_loop3A_256 = tpu.scan <sum>, %parallel_loop3A_246 masked %parallel_loop3A_255 : vector<16xi32>, vector<16xi1> -> vector<16xi32>
        %parallel_loop3A_257 = vector.extract %parallel_loop3A_256[15] : i32 from vector<16xi32>
        %parallel_loop3A_258 = vector.broadcast %parallel_loop3A_257 : i32 to vector<16xi32>
        %parallel_loop3A_259 = arith.addi %parallel_loop3A_242, %parallel_loop3A_258 : vector<16xi32>
        scf.yield %parallel_loop3A_259 : vector<16xi32>
      } {sc.loop_unroll_factor = 4 : i64, sc.parallel_access}
      %scan3A_106 = arith.constant 0 : i32
      %scan3A_107 = arith.constant 0 : i32
      %scan3A_108 = arith.constant 512 : i32
      %scan3A_109 = arith.addi %scan3A_107, %scan3A_108 : i32
      %scan3A_110 = arith.constant 1 : i32
      %scan3A_111 = scf.for %scan3A_241 = %scan3A_107 to %scan3A_109 step %scan3A_110 iter_args(%scan3A_242 = %scan3A_106) -> (i32)  : i32 {
        %mul3A_243 = arith.constant 2 : i32
        %mul3A_244 = arith.muli %mul3A_243, %scan3A_241 : i32
        %add3A_245 = arith.constant 0 : i32
        %add3A_246 = arith.addi %mul3A_244, %add3A_245 : i32
        %mul3A_247 = arith.constant 16 : i32
        %mul3A_248 = arith.muli %add3A_246, %mul3A_247 : i32
        %get3A_249 = arith.index_cast %mul3A_248 : i32 to index
        %get3A_250 = tpu.vector_load %arg10[%get3A_249] {strides = array<i32>} : memref<16384xi32, #tpu.memory_space<vmem>>, vector<16xi32>,
        %and3A = arith.constant 2047 : i32
        %and3A_251 = vector.broadcast %and3A : i32 to vector<16xi32>
        %and3A_252 = arith.andi %get3A_250, %and3A_251 : vector<16xi32>
        %broadcast_in_dim3A_253 = arith.constant 11 : i32
        %broadcast_in_dim3A_254 = vector.broadcast %broadcast_in_dim3A_253 : i32 to vector<16xi32>
        %shift_right_logical3A_255 = arith.shrui %get3A_250, %broadcast_in_dim3A_254 : vector<16xi32>
        %and3A_256 = arith.constant 15 : i32
        %and3A_257 = vector.broadcast %and3A_256 : i32 to vector<16xi32>
        %and3A_258 = arith.andi %shift_right_logical3A_255, %and3A_257 : vector<16xi32>
        %ge3A_259 = arith.constant 32768 : i32
        %ge3A_260 = vector.broadcast %ge3A_259 : i32 to vector<16xi32>
        %ge3A_261 = arith.cmpi sge, %get3A_250, %ge3A_260 : vector<16xi32>
        %gather3A = tpu.vector_load_idx %arg9[%and3A_252] : memref<2048xi32, #tpu.memory_space<vmem>>[vector<16xi32>], vector<16xi32>,
        %add3A_262 = arith.addi %gather3A, %and3A_258 : vector<16xi32>
        %swap3A_263 = arith.index_cast %mul3A_248 : i32 to index
        %swap3A_264 = tpu.vector_load %arg11[%swap3A_263] {strides = array<i32>} : memref<16384xi32, #tpu.memory_space<vmem>>, vector<16xi32>,
        tpu.vector_store %arg11[%swap3A_263], %add3A_262 {strides = array<i32>} : memref<16384xi32, #tpu.memory_space<vmem>>, vector<16xi32>,
        %add3A_265 = arith.constant 1 : i32
        %add3A_266 = vector.broadcast %add3A_265 : i32 to vector<16xi32>
        %add3A_267 = arith.addi %and3A_258, %add3A_266 : vector<16xi32>
        tpu.vector_store_idx %arg9[%and3A_252], %add3A_267 masked %ge3A_261 {add = true} : memref<2048xi32, #tpu.memory_space<vmem>>[vector<16xi32>], vector<16xi32>, vector<16xi1>
        %mul3A_268 = arith.constant 2 : i32
        %mul3A_269 = arith.muli %mul3A_268, %scan3A_241 : i32
        %add3A_270 = arith.constant 1 : i32
        %add3A_271 = arith.addi %mul3A_269, %add3A_270 : i32
        %mul3A_272 = arith.constant 16 : i32
        %mul3A_273 = arith.muli %add3A_271, %mul3A_272 : i32
        %get3A_274 = arith.index_cast %mul3A_273 : i32 to index
        %get3A_275 = tpu.vector_load %arg10[%get3A_274] {strides = array<i32>} : memref<16384xi32, #tpu.memory_space<vmem>>, vector<16xi32>,
        %and3A_276 = arith.constant 2047 : i32
        %and3A_277 = vector.broadcast %and3A_276 : i32 to vector<16xi32>
        %and3A_278 = arith.andi %get3A_275, %and3A_277 : vector<16xi32>
        %broadcast_in_dim3A_279 = arith.constant 11 : i32
        %broadcast_in_dim3A_280 = vector.broadcast %broadcast_in_dim3A_279 : i32 to vector<16xi32>
        %shift_right_logical3A_281 = arith.shrui %get3A_275, %broadcast_in_dim3A_280 : vector<16xi32>
        %and3A_282 = arith.constant 15 : i32
        %and3A_283 = vector.broadcast %and3A_282 : i32 to vector<16xi32>
        %and3A_284 = arith.andi %shift_right_logical3A_281, %and3A_283 : vector<16xi32>
        %ge3A_285 = arith.constant 32768 : i32
        %ge3A_286 = vector.broadcast %ge3A_285 : i32 to vector<16xi32>
        %ge3A_287 = arith.cmpi sge, %get3A_275, %ge3A_286 : vector<16xi32>
        %gather3A_288 = tpu.vector_load_idx %arg9[%and3A_278] : memref<2048xi32, #tpu.memory_space<vmem>>[vector<16xi32>], vector<16xi32>,
        %add3A_289 = arith.addi %gather3A_288, %and3A_284 : vector<16xi32>
        %swap3A_290 = arith.index_cast %mul3A_273 : i32 to index
        %swap3A_291 = tpu.vector_load %arg11[%swap3A_290] {strides = array<i32>} : memref<16384xi32, #tpu.memory_space<vmem>>, vector<16xi32>,
        tpu.vector_store %arg11[%swap3A_290], %add3A_289 {strides = array<i32>} : memref<16384xi32, #tpu.memory_space<vmem>>, vector<16xi32>,
        %add3A_292 = arith.constant 1 : i32
        %add3A_293 = vector.broadcast %add3A_292 : i32 to vector<16xi32>
        %add3A_294 = arith.addi %and3A_284, %add3A_293 : vector<16xi32>
        tpu.vector_store_idx %arg9[%and3A_278], %add3A_294 masked %ge3A_287 {add = true} : memref<2048xi32, #tpu.memory_space<vmem>>[vector<16xi32>], vector<16xi32>, vector<16xi1>
        %scan3A_295 = arith.constant 0 : i32
        scf.yield %scan3A_295 : i32
      }
      %scan3A_112 = arith.constant 512 : i32
      %parallel_loop3A_113 = arith.constant 0 : i32
      %parallel_loop3A_114 = arith.constant 1024 : i32
      %parallel_loop3A_115 = arith.constant 1 : i32
      scf.for %parallel_loop3A_241 = %parallel_loop3A_113 to %parallel_loop3A_114 step %parallel_loop3A_115  : i32 {
        %parallel_loop3A_242 = arith.constant 16 : i32
        %parallel_loop3A_243 = arith.muli %parallel_loop3A_241, %parallel_loop3A_242 : i32
        %parallel_loop3A_244 = arith.index_cast %parallel_loop3A_243 : i32 to index
        %parallel_loop3A_245 = tpu.vector_load %arg11[%parallel_loop3A_244] {strides = array<i32>} : memref<16384xi32, #tpu.memory_space<vmem>>, vector<16xi32>,
        %parallel_loop3A_246 = arith.index_cast %parallel_loop3A_243 : i32 to index
        %parallel_loop3A_247 = tpu.vector_load %arg5[%parallel_loop3A_246] {strides = array<i32>} : memref<16384xi32, #tpu.memory_space<vmem>>, vector<16xi32>,
        %parallel_loop3A_248 = arith.constant 0 : i32
        %parallel_loop3A_249 = vector.broadcast %parallel_loop3A_248 : i32 to vector<16xi32>
        %parallel_loop3A_250 = arith.cmpi sge, %parallel_loop3A_247, %parallel_loop3A_249 : vector<16xi32>
        %parallel_loop3A_251 = arith.constant 2147483647 : i32
        %parallel_loop3A_252 = vector.broadcast %parallel_loop3A_251 : i32 to vector<16xi32>
        %parallel_loop3A_253 = arith.xori %parallel_loop3A_247, %parallel_loop3A_252 : vector<16xi32>
        %parallel_loop3A_254 = arith.select %parallel_loop3A_250, %parallel_loop3A_247, %parallel_loop3A_253 : vector<16xi1>, vector<16xi32>
        tpu.vector_store_idx %arg6[%parallel_loop3A_245], %parallel_loop3A_254 : memref<16384xi32, #tpu.memory_space<vmem>>[vector<16xi32>], vector<16xi32>,
      } {sc.loop_unroll_factor = 4 : i64, sc.parallel_access}
      %broadcast_in_dim3A_116 = arith.constant 11 : i32
      %broadcast_in_dim3A_117 = vector.broadcast %broadcast_in_dim3A_116 : i32 to vector<16xi32>
      %parallel_loop3A_118 = arith.constant 0 : i32
      %parallel_loop3A_119 = arith.constant 128 : i32
      %parallel_loop3A_120 = arith.constant 1 : i32
      scf.for %parallel_loop3A_241 = %parallel_loop3A_118 to %parallel_loop3A_119 step %parallel_loop3A_120  : i32 {
        %parallel_loop3A_242 = arith.constant 16 : i32
        %parallel_loop3A_243 = arith.muli %parallel_loop3A_241, %parallel_loop3A_242 : i32
        %parallel_loop3A_244 = arith.index_cast %parallel_loop3A_243 : i32 to index
        %parallel_loop3A_245 = tpu.vector_load %arg9[%parallel_loop3A_244] {strides = array<i32>} : memref<2048xi32, #tpu.memory_space<vmem>>, vector<16xi32>,
        tpu.vector_store %arg9[%parallel_loop3A_244], %broadcast_in_dim3A_91 {strides = array<i32>} : memref<2048xi32, #tpu.memory_space<vmem>>, vector<16xi32>,
      } {sc.loop_unroll_factor = 4 : i64, sc.parallel_access}
      %parallel_loop3A_121 = arith.constant 0 : i32
      %parallel_loop3A_122 = arith.constant 1024 : i32
      %parallel_loop3A_123 = arith.constant 1 : i32
      scf.for %parallel_loop3A_241 = %parallel_loop3A_121 to %parallel_loop3A_122 step %parallel_loop3A_123  : i32 {
        %parallel_loop3A_242 = arith.constant 16 : i32
        %parallel_loop3A_243 = arith.muli %parallel_loop3A_241, %parallel_loop3A_242 : i32
        %parallel_loop3A_244 = arith.index_cast %parallel_loop3A_243 : i32 to index
        %parallel_loop3A_245 = tpu.vector_load %arg6[%parallel_loop3A_244] {strides = array<i32>} : memref<16384xi32, #tpu.memory_space<vmem>>, vector<16xi32>,
        %parallel_loop3A_246 = arith.shrui %parallel_loop3A_245, %broadcast_in_dim3A_117 : vector<16xi32>
        %parallel_loop3A_247 = arith.constant 2047 : i32
        %parallel_loop3A_248 = vector.broadcast %parallel_loop3A_247 : i32 to vector<16xi32>
        %parallel_loop3A_249 = arith.andi %parallel_loop3A_246, %parallel_loop3A_248 : vector<16xi32>
        %parallel_loop3A_250 = arith.constant true
        %parallel_loop3A_251 = vector.broadcast %parallel_loop3A_250 : i1 to vector<16xi1>
        %parallel_loop3A_252, %parallel_loop3A_253 = tpu.scan_count mask(%parallel_loop3A_251 : vector<16xi1>) value(%parallel_loop3A_249 : vector<16xi32>) : vector<16xi1>, vector<16xi32>
        tpu.vector_store_idx %arg9[%parallel_loop3A_249], %parallel_loop3A_253 masked %parallel_loop3A_252 {add = true} : memref<2048xi32, #tpu.memory_space<vmem>>[vector<16xi32>], vector<16xi32>, vector<16xi1>
        %parallel_loop3A_254 = arith.constant 1 : i32
        %parallel_loop3A_255 = vector.broadcast %parallel_loop3A_254 : i32 to vector<16xi32>
        %parallel_loop3A_256 = arith.subi %parallel_loop3A_253, %parallel_loop3A_255 : vector<16xi32>
        %parallel_loop3A_257 = arith.constant 11 : i32
        %parallel_loop3A_258 = vector.broadcast %parallel_loop3A_257 : i32 to vector<16xi32>
        %parallel_loop3A_259 = arith.shli %parallel_loop3A_256, %parallel_loop3A_258 : vector<16xi32>
        %parallel_loop3A_260 = arith.ori %parallel_loop3A_249, %parallel_loop3A_259 : vector<16xi32>
        %parallel_loop3A_261 = arith.constant 1 : i32
        %parallel_loop3A_262 = arith.constant 0 : i32
        %parallel_loop3A_263 = vector.broadcast %parallel_loop3A_261 : i32 to vector<16xi32>
        %parallel_loop3A_264 = vector.broadcast %parallel_loop3A_262 : i32 to vector<16xi32>
        %parallel_loop3A_265 = arith.select %parallel_loop3A_252, %parallel_loop3A_263, %parallel_loop3A_264 : vector<16xi1>, vector<16xi32>
        %parallel_loop3A_266 = arith.constant 15 : i32
        %parallel_loop3A_267 = vector.broadcast %parallel_loop3A_266 : i32 to vector<16xi32>
        %parallel_loop3A_268 = arith.shli %parallel_loop3A_265, %parallel_loop3A_267 : vector<16xi32>
        %parallel_loop3A_269 = arith.ori %parallel_loop3A_260, %parallel_loop3A_268 : vector<16xi32>
        %parallel_loop3A_270 = arith.index_cast %parallel_loop3A_243 : i32 to index
        %parallel_loop3A_271 = tpu.vector_load %arg10[%parallel_loop3A_270] {strides = array<i32>} : memref<16384xi32, #tpu.memory_space<vmem>>, vector<16xi32>,
        tpu.vector_store %arg10[%parallel_loop3A_270], %parallel_loop3A_269 {strides = array<i32>} : memref<16384xi32, #tpu.memory_space<vmem>>, vector<16xi32>,
      } {sc.loop_unroll_factor = 4 : i64, sc.parallel_access}
      %broadcast_in_dim3A_124 = arith.constant 0 : i32
      %broadcast_in_dim3A_125 = vector.broadcast %broadcast_in_dim3A_124 : i32 to vector<16xi32>
      %parallel_loop3A_126 = arith.constant 0 : i32
      %parallel_loop3A_127 = arith.constant 128 : i32
      %parallel_loop3A_128 = arith.constant 1 : i32
      %parallel_loop3A_129 = scf.for %parallel_loop3A_241 = %parallel_loop3A_126 to %parallel_loop3A_127 step %parallel_loop3A_128 iter_args(%parallel_loop3A_242 = %broadcast_in_dim3A_125) -> (vector<16xi32>)  : i32 {
        %parallel_loop3A_243 = arith.constant 16 : i32
        %parallel_loop3A_244 = arith.muli %parallel_loop3A_241, %parallel_loop3A_243 : i32
        %parallel_loop3A_245 = arith.index_cast %parallel_loop3A_244 : i32 to index
        %parallel_loop3A_246 = tpu.vector_load %arg9[%parallel_loop3A_245] {strides = array<i32>} : memref<2048xi32, #tpu.memory_space<vmem>>, vector<16xi32>,
        %parallel_loop3A_247 = arith.constant true
        %parallel_loop3A_248 = vector.broadcast %parallel_loop3A_247 : i1 to vector<16xi1>
        %parallel_loop3A_249 = tpu.scan <sum>, %parallel_loop3A_246 masked %parallel_loop3A_248 : vector<16xi32>, vector<16xi1> -> vector<16xi32>
        %parallel_loop3A_250 = arith.addi %parallel_loop3A_242, %parallel_loop3A_249 : vector<16xi32>
        %parallel_loop3A_251 = arith.subi %parallel_loop3A_250, %parallel_loop3A_246 : vector<16xi32>
        %parallel_loop3A_252 = arith.index_cast %parallel_loop3A_244 : i32 to index
        %parallel_loop3A_253 = tpu.vector_load %arg9[%parallel_loop3A_252] {strides = array<i32>} : memref<2048xi32, #tpu.memory_space<vmem>>, vector<16xi32>,
        tpu.vector_store %arg9[%parallel_loop3A_252], %parallel_loop3A_251 {strides = array<i32>} : memref<2048xi32, #tpu.memory_space<vmem>>, vector<16xi32>,
        %parallel_loop3A_254 = arith.constant true
        %parallel_loop3A_255 = vector.broadcast %parallel_loop3A_254 : i1 to vector<16xi1>
        %parallel_loop3A_256 = tpu.scan <sum>, %parallel_loop3A_246 masked %parallel_loop3A_255 : vector<16xi32>, vector<16xi1> -> vector<16xi32>
        %parallel_loop3A_257 = vector.extract %parallel_loop3A_256[15] : i32 from vector<16xi32>
        %parallel_loop3A_258 = vector.broadcast %parallel_loop3A_257 : i32 to vector<16xi32>
        %parallel_loop3A_259 = arith.addi %parallel_loop3A_242, %parallel_loop3A_258 : vector<16xi32>
        scf.yield %parallel_loop3A_259 : vector<16xi32>
      } {sc.loop_unroll_factor = 4 : i64, sc.parallel_access}
      %scan3A_130 = arith.constant 0 : i32
      %scan3A_131 = arith.constant 0 : i32
      %scan3A_132 = arith.constant 512 : i32
      %scan3A_133 = arith.addi %scan3A_131, %scan3A_132 : i32
      %scan3A_134 = arith.constant 1 : i32
      %scan3A_135 = scf.for %scan3A_241 = %scan3A_131 to %scan3A_133 step %scan3A_134 iter_args(%scan3A_242 = %scan3A_130) -> (i32)  : i32 {
        %mul3A_243 = arith.constant 2 : i32
        %mul3A_244 = arith.muli %mul3A_243, %scan3A_241 : i32
        %add3A_245 = arith.constant 0 : i32
        %add3A_246 = arith.addi %mul3A_244, %add3A_245 : i32
        %mul3A_247 = arith.constant 16 : i32
        %mul3A_248 = arith.muli %add3A_246, %mul3A_247 : i32
        %get3A_249 = arith.index_cast %mul3A_248 : i32 to index
        %get3A_250 = tpu.vector_load %arg10[%get3A_249] {strides = array<i32>} : memref<16384xi32, #tpu.memory_space<vmem>>, vector<16xi32>,
        %and3A = arith.constant 2047 : i32
        %and3A_251 = vector.broadcast %and3A : i32 to vector<16xi32>
        %and3A_252 = arith.andi %get3A_250, %and3A_251 : vector<16xi32>
        %broadcast_in_dim3A_253 = arith.constant 11 : i32
        %broadcast_in_dim3A_254 = vector.broadcast %broadcast_in_dim3A_253 : i32 to vector<16xi32>
        %shift_right_logical3A_255 = arith.shrui %get3A_250, %broadcast_in_dim3A_254 : vector<16xi32>
        %and3A_256 = arith.constant 15 : i32
        %and3A_257 = vector.broadcast %and3A_256 : i32 to vector<16xi32>
        %and3A_258 = arith.andi %shift_right_logical3A_255, %and3A_257 : vector<16xi32>
        %ge3A_259 = arith.constant 32768 : i32
        %ge3A_260 = vector.broadcast %ge3A_259 : i32 to vector<16xi32>
        %ge3A_261 = arith.cmpi sge, %get3A_250, %ge3A_260 : vector<16xi32>
        %gather3A = tpu.vector_load_idx %arg9[%and3A_252] : memref<2048xi32, #tpu.memory_space<vmem>>[vector<16xi32>], vector<16xi32>,
        %add3A_262 = arith.addi %gather3A, %and3A_258 : vector<16xi32>
        %swap3A_263 = arith.index_cast %mul3A_248 : i32 to index
        %swap3A_264 = tpu.vector_load %arg11[%swap3A_263] {strides = array<i32>} : memref<16384xi32, #tpu.memory_space<vmem>>, vector<16xi32>,
        tpu.vector_store %arg11[%swap3A_263], %add3A_262 {strides = array<i32>} : memref<16384xi32, #tpu.memory_space<vmem>>, vector<16xi32>,
        %add3A_265 = arith.constant 1 : i32
        %add3A_266 = vector.broadcast %add3A_265 : i32 to vector<16xi32>
        %add3A_267 = arith.addi %and3A_258, %add3A_266 : vector<16xi32>
        tpu.vector_store_idx %arg9[%and3A_252], %add3A_267 masked %ge3A_261 {add = true} : memref<2048xi32, #tpu.memory_space<vmem>>[vector<16xi32>], vector<16xi32>, vector<16xi1>
        %mul3A_268 = arith.constant 2 : i32
        %mul3A_269 = arith.muli %mul3A_268, %scan3A_241 : i32
        %add3A_270 = arith.constant 1 : i32
        %add3A_271 = arith.addi %mul3A_269, %add3A_270 : i32
        %mul3A_272 = arith.constant 16 : i32
        %mul3A_273 = arith.muli %add3A_271, %mul3A_272 : i32
        %get3A_274 = arith.index_cast %mul3A_273 : i32 to index
        %get3A_275 = tpu.vector_load %arg10[%get3A_274] {strides = array<i32>} : memref<16384xi32, #tpu.memory_space<vmem>>, vector<16xi32>,
        %and3A_276 = arith.constant 2047 : i32
        %and3A_277 = vector.broadcast %and3A_276 : i32 to vector<16xi32>
        %and3A_278 = arith.andi %get3A_275, %and3A_277 : vector<16xi32>
        %broadcast_in_dim3A_279 = arith.constant 11 : i32
        %broadcast_in_dim3A_280 = vector.broadcast %broadcast_in_dim3A_279 : i32 to vector<16xi32>
        %shift_right_logical3A_281 = arith.shrui %get3A_275, %broadcast_in_dim3A_280 : vector<16xi32>
        %and3A_282 = arith.constant 15 : i32
        %and3A_283 = vector.broadcast %and3A_282 : i32 to vector<16xi32>
        %and3A_284 = arith.andi %shift_right_logical3A_281, %and3A_283 : vector<16xi32>
        %ge3A_285 = arith.constant 32768 : i32
        %ge3A_286 = vector.broadcast %ge3A_285 : i32 to vector<16xi32>
        %ge3A_287 = arith.cmpi sge, %get3A_275, %ge3A_286 : vector<16xi32>
        %gather3A_288 = tpu.vector_load_idx %arg9[%and3A_278] : memref<2048xi32, #tpu.memory_space<vmem>>[vector<16xi32>], vector<16xi32>,
        %add3A_289 = arith.addi %gather3A_288, %and3A_284 : vector<16xi32>
        %swap3A_290 = arith.index_cast %mul3A_273 : i32 to index
        %swap3A_291 = tpu.vector_load %arg11[%swap3A_290] {strides = array<i32>} : memref<16384xi32, #tpu.memory_space<vmem>>, vector<16xi32>,
        tpu.vector_store %arg11[%swap3A_290], %add3A_289 {strides = array<i32>} : memref<16384xi32, #tpu.memory_space<vmem>>, vector<16xi32>,
        %add3A_292 = arith.constant 1 : i32
        %add3A_293 = vector.broadcast %add3A_292 : i32 to vector<16xi32>
        %add3A_294 = arith.addi %and3A_284, %add3A_293 : vector<16xi32>
        tpu.vector_store_idx %arg9[%and3A_278], %add3A_294 masked %ge3A_287 {add = true} : memref<2048xi32, #tpu.memory_space<vmem>>[vector<16xi32>], vector<16xi32>, vector<16xi1>
        %scan3A_295 = arith.constant 0 : i32
        scf.yield %scan3A_295 : i32
      }
      %scan3A_136 = arith.constant 512 : i32
      %parallel_loop3A_137 = arith.constant 0 : i32
      %parallel_loop3A_138 = arith.constant 1024 : i32
      %parallel_loop3A_139 = arith.constant 1 : i32
      scf.for %parallel_loop3A_241 = %parallel_loop3A_137 to %parallel_loop3A_138 step %parallel_loop3A_139  : i32 {
        %parallel_loop3A_242 = arith.constant 16 : i32
        %parallel_loop3A_243 = arith.muli %parallel_loop3A_241, %parallel_loop3A_242 : i32
        %parallel_loop3A_244 = arith.index_cast %parallel_loop3A_243 : i32 to index
        %parallel_loop3A_245 = tpu.vector_load %arg11[%parallel_loop3A_244] {strides = array<i32>} : memref<16384xi32, #tpu.memory_space<vmem>>, vector<16xi32>,
        %parallel_loop3A_246 = arith.index_cast %parallel_loop3A_243 : i32 to index
        %parallel_loop3A_247 = tpu.vector_load %arg6[%parallel_loop3A_246] {strides = array<i32>} : memref<16384xi32, #tpu.memory_space<vmem>>, vector<16xi32>,
        tpu.vector_store_idx %arg5[%parallel_loop3A_245], %parallel_loop3A_247 : memref<16384xi32, #tpu.memory_space<vmem>>[vector<16xi32>], vector<16xi32>,
      } {sc.loop_unroll_factor = 4 : i64, sc.parallel_access}
      %broadcast_in_dim3A_140 = arith.constant 22 : i32
      %broadcast_in_dim3A_141 = vector.broadcast %broadcast_in_dim3A_140 : i32 to vector<16xi32>
      %parallel_loop3A_142 = arith.constant 0 : i32
      %parallel_loop3A_143 = arith.constant 128 : i32
      %parallel_loop3A_144 = arith.constant 1 : i32
      scf.for %parallel_loop3A_241 = %parallel_loop3A_142 to %parallel_loop3A_143 step %parallel_loop3A_144  : i32 {
        %parallel_loop3A_242 = arith.constant 16 : i32
        %parallel_loop3A_243 = arith.muli %parallel_loop3A_241, %parallel_loop3A_242 : i32
        %parallel_loop3A_244 = arith.index_cast %parallel_loop3A_243 : i32 to index
        %parallel_loop3A_245 = tpu.vector_load %arg9[%parallel_loop3A_244] {strides = array<i32>} : memref<2048xi32, #tpu.memory_space<vmem>>, vector<16xi32>,
        tpu.vector_store %arg9[%parallel_loop3A_244], %broadcast_in_dim3A_91 {strides = array<i32>} : memref<2048xi32, #tpu.memory_space<vmem>>, vector<16xi32>,
      } {sc.loop_unroll_factor = 4 : i64, sc.parallel_access}
      %parallel_loop3A_145 = arith.constant 0 : i32
      %parallel_loop3A_146 = arith.constant 1024 : i32
      %parallel_loop3A_147 = arith.constant 1 : i32
      scf.for %parallel_loop3A_241 = %parallel_loop3A_145 to %parallel_loop3A_146 step %parallel_loop3A_147  : i32 {
        %parallel_loop3A_242 = arith.constant 16 : i32
        %parallel_loop3A_243 = arith.muli %parallel_loop3A_241, %parallel_loop3A_242 : i32
        %parallel_loop3A_244 = arith.index_cast %parallel_loop3A_243 : i32 to index
        %parallel_loop3A_245 = tpu.vector_load %arg5[%parallel_loop3A_244] {strides = array<i32>} : memref<16384xi32, #tpu.memory_space<vmem>>, vector<16xi32>,
        %parallel_loop3A_246 = arith.shrui %parallel_loop3A_245, %broadcast_in_dim3A_141 : vector<16xi32>
        %parallel_loop3A_247 = arith.constant 1023 : i32
        %parallel_loop3A_248 = vector.broadcast %parallel_loop3A_247 : i32 to vector<16xi32>
        %parallel_loop3A_249 = arith.andi %parallel_loop3A_246, %parallel_loop3A_248 : vector<16xi32>
        %parallel_loop3A_250 = arith.constant 512 : i32
        %parallel_loop3A_251 = vector.broadcast %parallel_loop3A_250 : i32 to vector<16xi32>
        %parallel_loop3A_252 = arith.xori %parallel_loop3A_249, %parallel_loop3A_251 : vector<16xi32>
        %parallel_loop3A_253 = arith.constant true
        %parallel_loop3A_254 = vector.broadcast %parallel_loop3A_253 : i1 to vector<16xi1>
        %parallel_loop3A_255, %parallel_loop3A_256 = tpu.scan_count mask(%parallel_loop3A_254 : vector<16xi1>) value(%parallel_loop3A_252 : vector<16xi32>) : vector<16xi1>, vector<16xi32>
        tpu.vector_store_idx %arg9[%parallel_loop3A_252], %parallel_loop3A_256 masked %parallel_loop3A_255 {add = true} : memref<2048xi32, #tpu.memory_space<vmem>>[vector<16xi32>], vector<16xi32>, vector<16xi1>
        %parallel_loop3A_257 = arith.constant 1 : i32
        %parallel_loop3A_258 = vector.broadcast %parallel_loop3A_257 : i32 to vector<16xi32>
        %parallel_loop3A_259 = arith.subi %parallel_loop3A_256, %parallel_loop3A_258 : vector<16xi32>
        %parallel_loop3A_260 = arith.constant 11 : i32
        %parallel_loop3A_261 = vector.broadcast %parallel_loop3A_260 : i32 to vector<16xi32>
        %parallel_loop3A_262 = arith.shli %parallel_loop3A_259, %parallel_loop3A_261 : vector<16xi32>
        %parallel_loop3A_263 = arith.ori %parallel_loop3A_252, %parallel_loop3A_262 : vector<16xi32>
        %parallel_loop3A_264 = arith.constant 1 : i32
        %parallel_loop3A_265 = arith.constant 0 : i32
        %parallel_loop3A_266 = vector.broadcast %parallel_loop3A_264 : i32 to vector<16xi32>
        %parallel_loop3A_267 = vector.broadcast %parallel_loop3A_265 : i32 to vector<16xi32>
        %parallel_loop3A_268 = arith.select %parallel_loop3A_255, %parallel_loop3A_266, %parallel_loop3A_267 : vector<16xi1>, vector<16xi32>
        %parallel_loop3A_269 = arith.constant 15 : i32
        %parallel_loop3A_270 = vector.broadcast %parallel_loop3A_269 : i32 to vector<16xi32>
        %parallel_loop3A_271 = arith.shli %parallel_loop3A_268, %parallel_loop3A_270 : vector<16xi32>
        %parallel_loop3A_272 = arith.ori %parallel_loop3A_263, %parallel_loop3A_271 : vector<16xi32>
        %parallel_loop3A_273 = arith.index_cast %parallel_loop3A_243 : i32 to index
        %parallel_loop3A_274 = tpu.vector_load %arg10[%parallel_loop3A_273] {strides = array<i32>} : memref<16384xi32, #tpu.memory_space<vmem>>, vector<16xi32>,
        tpu.vector_store %arg10[%parallel_loop3A_273], %parallel_loop3A_272 {strides = array<i32>} : memref<16384xi32, #tpu.memory_space<vmem>>, vector<16xi32>,
      } {sc.loop_unroll_factor = 4 : i64, sc.parallel_access}
      %broadcast_in_dim3A_148 = arith.constant 0 : i32
      %broadcast_in_dim3A_149 = vector.broadcast %broadcast_in_dim3A_148 : i32 to vector<16xi32>
      %parallel_loop3A_150 = arith.constant 0 : i32
      %parallel_loop3A_151 = arith.constant 128 : i32
      %parallel_loop3A_152 = arith.constant 1 : i32
      %parallel_loop3A_153 = scf.for %parallel_loop3A_241 = %parallel_loop3A_150 to %parallel_loop3A_151 step %parallel_loop3A_152 iter_args(%parallel_loop3A_242 = %broadcast_in_dim3A_149) -> (vector<16xi32>)  : i32 {
        %parallel_loop3A_243 = arith.constant 16 : i32
        %parallel_loop3A_244 = arith.muli %parallel_loop3A_241, %parallel_loop3A_243 : i32
        %parallel_loop3A_245 = arith.index_cast %parallel_loop3A_244 : i32 to index
        %parallel_loop3A_246 = tpu.vector_load %arg9[%parallel_loop3A_245] {strides = array<i32>} : memref<2048xi32, #tpu.memory_space<vmem>>, vector<16xi32>,
        %parallel_loop3A_247 = arith.constant true
        %parallel_loop3A_248 = vector.broadcast %parallel_loop3A_247 : i1 to vector<16xi1>
        %parallel_loop3A_249 = tpu.scan <sum>, %parallel_loop3A_246 masked %parallel_loop3A_248 : vector<16xi32>, vector<16xi1> -> vector<16xi32>
        %parallel_loop3A_250 = arith.addi %parallel_loop3A_242, %parallel_loop3A_249 : vector<16xi32>
        %parallel_loop3A_251 = arith.subi %parallel_loop3A_250, %parallel_loop3A_246 : vector<16xi32>
        %parallel_loop3A_252 = arith.index_cast %parallel_loop3A_244 : i32 to index
        %parallel_loop3A_253 = tpu.vector_load %arg9[%parallel_loop3A_252] {strides = array<i32>} : memref<2048xi32, #tpu.memory_space<vmem>>, vector<16xi32>,
        tpu.vector_store %arg9[%parallel_loop3A_252], %parallel_loop3A_251 {strides = array<i32>} : memref<2048xi32, #tpu.memory_space<vmem>>, vector<16xi32>,
        %parallel_loop3A_254 = arith.constant true
        %parallel_loop3A_255 = vector.broadcast %parallel_loop3A_254 : i1 to vector<16xi1>
        %parallel_loop3A_256 = tpu.scan <sum>, %parallel_loop3A_246 masked %parallel_loop3A_255 : vector<16xi32>, vector<16xi1> -> vector<16xi32>
        %parallel_loop3A_257 = vector.extract %parallel_loop3A_256[15] : i32 from vector<16xi32>
        %parallel_loop3A_258 = vector.broadcast %parallel_loop3A_257 : i32 to vector<16xi32>
        %parallel_loop3A_259 = arith.addi %parallel_loop3A_242, %parallel_loop3A_258 : vector<16xi32>
        scf.yield %parallel_loop3A_259 : vector<16xi32>
      } {sc.loop_unroll_factor = 4 : i64, sc.parallel_access}
      %scan3A_154 = arith.constant 0 : i32
      %scan3A_155 = arith.constant 0 : i32
      %scan3A_156 = arith.constant 512 : i32
      %scan3A_157 = arith.addi %scan3A_155, %scan3A_156 : i32
      %scan3A_158 = arith.constant 1 : i32
      %scan3A_159 = scf.for %scan3A_241 = %scan3A_155 to %scan3A_157 step %scan3A_158 iter_args(%scan3A_242 = %scan3A_154) -> (i32)  : i32 {
        %mul3A_243 = arith.constant 2 : i32
        %mul3A_244 = arith.muli %mul3A_243, %scan3A_241 : i32
        %add3A_245 = arith.constant 0 : i32
        %add3A_246 = arith.addi %mul3A_244, %add3A_245 : i32
        %mul3A_247 = arith.constant 16 : i32
        %mul3A_248 = arith.muli %add3A_246, %mul3A_247 : i32
        %get3A_249 = arith.index_cast %mul3A_248 : i32 to index
        %get3A_250 = tpu.vector_load %arg10[%get3A_249] {strides = array<i32>} : memref<16384xi32, #tpu.memory_space<vmem>>, vector<16xi32>,
        %and3A = arith.constant 2047 : i32
        %and3A_251 = vector.broadcast %and3A : i32 to vector<16xi32>
        %and3A_252 = arith.andi %get3A_250, %and3A_251 : vector<16xi32>
        %broadcast_in_dim3A_253 = arith.constant 11 : i32
        %broadcast_in_dim3A_254 = vector.broadcast %broadcast_in_dim3A_253 : i32 to vector<16xi32>
        %shift_right_logical3A_255 = arith.shrui %get3A_250, %broadcast_in_dim3A_254 : vector<16xi32>
        %and3A_256 = arith.constant 15 : i32
        %and3A_257 = vector.broadcast %and3A_256 : i32 to vector<16xi32>
        %and3A_258 = arith.andi %shift_right_logical3A_255, %and3A_257 : vector<16xi32>
        %ge3A_259 = arith.constant 32768 : i32
        %ge3A_260 = vector.broadcast %ge3A_259 : i32 to vector<16xi32>
        %ge3A_261 = arith.cmpi sge, %get3A_250, %ge3A_260 : vector<16xi32>
        %gather3A = tpu.vector_load_idx %arg9[%and3A_252] : memref<2048xi32, #tpu.memory_space<vmem>>[vector<16xi32>], vector<16xi32>,
        %add3A_262 = arith.addi %gather3A, %and3A_258 : vector<16xi32>
        %swap3A_263 = arith.index_cast %mul3A_248 : i32 to index
        %swap3A_264 = tpu.vector_load %arg11[%swap3A_263] {strides = array<i32>} : memref<16384xi32, #tpu.memory_space<vmem>>, vector<16xi32>,
        tpu.vector_store %arg11[%swap3A_263], %add3A_262 {strides = array<i32>} : memref<16384xi32, #tpu.memory_space<vmem>>, vector<16xi32>,
        %add3A_265 = arith.constant 1 : i32
        %add3A_266 = vector.broadcast %add3A_265 : i32 to vector<16xi32>
        %add3A_267 = arith.addi %and3A_258, %add3A_266 : vector<16xi32>
        tpu.vector_store_idx %arg9[%and3A_252], %add3A_267 masked %ge3A_261 {add = true} : memref<2048xi32, #tpu.memory_space<vmem>>[vector<16xi32>], vector<16xi32>, vector<16xi1>
        %mul3A_268 = arith.constant 2 : i32
        %mul3A_269 = arith.muli %mul3A_268, %scan3A_241 : i32
        %add3A_270 = arith.constant 1 : i32
        %add3A_271 = arith.addi %mul3A_269, %add3A_270 : i32
        %mul3A_272 = arith.constant 16 : i32
        %mul3A_273 = arith.muli %add3A_271, %mul3A_272 : i32
        %get3A_274 = arith.index_cast %mul3A_273 : i32 to index
        %get3A_275 = tpu.vector_load %arg10[%get3A_274] {strides = array<i32>} : memref<16384xi32, #tpu.memory_space<vmem>>, vector<16xi32>,
        %and3A_276 = arith.constant 2047 : i32
        %and3A_277 = vector.broadcast %and3A_276 : i32 to vector<16xi32>
        %and3A_278 = arith.andi %get3A_275, %and3A_277 : vector<16xi32>
        %broadcast_in_dim3A_279 = arith.constant 11 : i32
        %broadcast_in_dim3A_280 = vector.broadcast %broadcast_in_dim3A_279 : i32 to vector<16xi32>
        %shift_right_logical3A_281 = arith.shrui %get3A_275, %broadcast_in_dim3A_280 : vector<16xi32>
        %and3A_282 = arith.constant 15 : i32
        %and3A_283 = vector.broadcast %and3A_282 : i32 to vector<16xi32>
        %and3A_284 = arith.andi %shift_right_logical3A_281, %and3A_283 : vector<16xi32>
        %ge3A_285 = arith.constant 32768 : i32
        %ge3A_286 = vector.broadcast %ge3A_285 : i32 to vector<16xi32>
        %ge3A_287 = arith.cmpi sge, %get3A_275, %ge3A_286 : vector<16xi32>
        %gather3A_288 = tpu.vector_load_idx %arg9[%and3A_278] : memref<2048xi32, #tpu.memory_space<vmem>>[vector<16xi32>], vector<16xi32>,
        %add3A_289 = arith.addi %gather3A_288, %and3A_284 : vector<16xi32>
        %swap3A_290 = arith.index_cast %mul3A_273 : i32 to index
        %swap3A_291 = tpu.vector_load %arg11[%swap3A_290] {strides = array<i32>} : memref<16384xi32, #tpu.memory_space<vmem>>, vector<16xi32>,
        tpu.vector_store %arg11[%swap3A_290], %add3A_289 {strides = array<i32>} : memref<16384xi32, #tpu.memory_space<vmem>>, vector<16xi32>,
        %add3A_292 = arith.constant 1 : i32
        %add3A_293 = vector.broadcast %add3A_292 : i32 to vector<16xi32>
        %add3A_294 = arith.addi %and3A_284, %add3A_293 : vector<16xi32>
        tpu.vector_store_idx %arg9[%and3A_278], %add3A_294 masked %ge3A_287 {add = true} : memref<2048xi32, #tpu.memory_space<vmem>>[vector<16xi32>], vector<16xi32>, vector<16xi1>
        %scan3A_295 = arith.constant 0 : i32
        scf.yield %scan3A_295 : i32
      }
      %scan3A_160 = arith.constant 512 : i32
      %parallel_loop3A_161 = arith.constant 0 : i32
      %parallel_loop3A_162 = arith.constant 1024 : i32
      %parallel_loop3A_163 = arith.constant 1 : i32
      scf.for %parallel_loop3A_241 = %parallel_loop3A_161 to %parallel_loop3A_162 step %parallel_loop3A_163  : i32 {
        %parallel_loop3A_242 = arith.constant 16 : i32
        %parallel_loop3A_243 = arith.muli %parallel_loop3A_241, %parallel_loop3A_242 : i32
        %parallel_loop3A_244 = arith.index_cast %parallel_loop3A_243 : i32 to index
        %parallel_loop3A_245 = tpu.vector_load %arg11[%parallel_loop3A_244] {strides = array<i32>} : memref<16384xi32, #tpu.memory_space<vmem>>, vector<16xi32>,
        %parallel_loop3A_246 = arith.index_cast %parallel_loop3A_243 : i32 to index
        %parallel_loop3A_247 = tpu.vector_load %arg5[%parallel_loop3A_246] {strides = array<i32>} : memref<16384xi32, #tpu.memory_space<vmem>>, vector<16xi32>,
        tpu.vector_store_idx %arg6[%parallel_loop3A_245], %parallel_loop3A_247 : memref<16384xi32, #tpu.memory_space<vmem>>[vector<16xi32>], vector<16xi32>,
      } {sc.loop_unroll_factor = 4 : i64, sc.parallel_access}
      %parallel_loop3A_164 = arith.constant 0 : i32
      %parallel_loop3A_165 = arith.constant 1025 : i32
      %parallel_loop3A_166 = arith.constant 1 : i32
      scf.for %parallel_loop3A_241 = %parallel_loop3A_164 to %parallel_loop3A_165 step %parallel_loop3A_166  : i32 {
        %parallel_loop3A_242 = arith.constant 16 : i32
        %parallel_loop3A_243 = arith.muli %parallel_loop3A_241, %parallel_loop3A_242 : i32
        %parallel_loop3A_244 = arith.index_cast %parallel_loop3A_243 : i32 to index
        %parallel_loop3A_245 = tpu.vector_load %arg12[%parallel_loop3A_244] {strides = array<i32>} : memref<16400xi32, #tpu.memory_space<vmem>>, vector<16xi32>,
        tpu.vector_store %arg12[%parallel_loop3A_244], %broadcast_in_dim3A_1 {strides = array<i32>} : memref<16400xi32, #tpu.memory_space<vmem>>, vector<16xi32>,
      } {sc.loop_unroll_factor = 4 : i64, sc.parallel_access}
      %get3A = arith.constant 16368 : index
      %get3A_167 = tpu.vector_load %arg6[%get3A] {strides = array<i32>} : memref<16384xi32, #tpu.memory_space<vmem>>, vector<16xi32>,
      %reduce_max3A = arith.constant true
      %reduce_max3A_168 = vector.broadcast %reduce_max3A : i1 to vector<16xi1>
      %reduce_max3A_169 = arith.constant -2147483648 : i32
      %reduce_max3A_170 = vector.broadcast %reduce_max3A_169 : i32 to vector<16xi32>
      %reduce_max3A_171 = arith.xori %get3A_167, %reduce_max3A_170 : vector<16xi32>
      %reduce_max3A_172 = tpu.scan <max>, %reduce_max3A_171 masked %reduce_max3A_168 : vector<16xi32>, vector<16xi1> -> vector<16xi32>
      %reduce_max3A_173 = arith.xori %reduce_max3A_172, %reduce_max3A_170 : vector<16xi32>
      %reduce_max3A_174 = vector.extract %reduce_max3A_173[15] : i32 from vector<16xi32>
      %get3A_175 = arith.constant 16368 : index
      %get3A_176 = tpu.vector_load %arg8[%get3A_175] {strides = array<i32>} : memref<16384xi32, #tpu.memory_space<vmem>>, vector<16xi32>,
      %reduce_max3A_177 = arith.constant true
      %reduce_max3A_178 = vector.broadcast %reduce_max3A_177 : i1 to vector<16xi1>
      %reduce_max3A_179 = arith.constant -2147483648 : i32
      %reduce_max3A_180 = vector.broadcast %reduce_max3A_179 : i32 to vector<16xi32>
      %reduce_max3A_181 = arith.xori %get3A_176, %reduce_max3A_180 : vector<16xi32>
      %reduce_max3A_182 = tpu.scan <max>, %reduce_max3A_181 masked %reduce_max3A_178 : vector<16xi32>, vector<16xi1> -> vector<16xi32>
      %reduce_max3A_183 = arith.xori %reduce_max3A_182, %reduce_max3A_180 : vector<16xi32>
      %reduce_max3A_184 = vector.extract %reduce_max3A_183[15] : i32 from vector<16xi32>
      %max3A = arith.maxsi %reduce_max3A_174, %reduce_max3A_184 : i32
      %broadcast_in_dim3A_185 = vector.broadcast %max3A : i32 to vector<16xi32>
      %ge3A = arith.constant 0 : i32
      %ge3A_186 = vector.broadcast %ge3A : i32 to vector<16xi32>
      %ge3A_187 = arith.cmpi sge, %broadcast_in_dim3A_185, %ge3A_186 : vector<16xi32>
      %xor3A = arith.constant 2147483647 : i32
      %xor3A_188 = vector.broadcast %xor3A : i32 to vector<16xi32>
      %xor3A_189 = arith.xori %broadcast_in_dim3A_185, %xor3A_188 : vector<16xi32>
      %select_n3A = arith.select %ge3A_187, %broadcast_in_dim3A_185, %xor3A_189 : vector<16xi1>, vector<16xi32>
      %bitcast3A = vector.bitcast %select_n3A : vector<16xi32> to vector<16xf32>
      %broadcast_in_dim3A_190 = arith.constant 0.000000e+00 : f32
      %broadcast_in_dim3A_191 = vector.broadcast %broadcast_in_dim3A_190 : f32 to vector<16xf32>
      %iota3A = tpu.iota {dimensions = array<i32: 0>} : vector<16xi32>
      %parallel_loop3A_192 = arith.constant 0 : i32
      %parallel_loop3A_193 = arith.constant 1024 : i32
      %parallel_loop3A_194 = arith.constant 1 : i32
      %parallel_loop3A_195 = arith.constant 6.10351563E-5 : f32
      %parallel_loop3A_196 = scf.for %parallel_loop3A_241 = %parallel_loop3A_192 to %parallel_loop3A_193 step %parallel_loop3A_194 iter_args(%parallel_loop3A_242 = %broadcast_in_dim3A_191) -> (vector<16xf32>)  : i32 {
        %parallel_loop3A_243 = arith.constant 16 : i32
        %parallel_loop3A_244 = arith.muli %parallel_loop3A_241, %parallel_loop3A_243 : i32
        %parallel_loop3A_245 = vector.broadcast %parallel_loop3A_244 : i32 to vector<16xi32>
        %parallel_loop3A_246 = arith.addi %parallel_loop3A_245, %iota3A : vector<16xi32>
        %parallel_loop3A_247 = arith.constant 16 : i32
        %parallel_loop3A_248 = arith.muli %parallel_loop3A_241, %parallel_loop3A_247 : i32
        %parallel_loop3A_249 = arith.index_cast %parallel_loop3A_248 : i32 to index
        %parallel_loop3A_250 = tpu.vector_load %arg8[%parallel_loop3A_249] {strides = array<i32>} : memref<16384xi32, #tpu.memory_space<vmem>>, vector<16xi32>,
        %parallel_loop3A_251 = arith.constant 22 : i32
        %parallel_loop3A_252 = vector.broadcast %parallel_loop3A_251 : i32 to vector<16xi32>
        %parallel_loop3A_253 = arith.shrui %parallel_loop3A_250, %parallel_loop3A_252 : vector<16xi32>
        %parallel_loop3A_254 = arith.constant 1023 : i32
        %parallel_loop3A_255 = vector.broadcast %parallel_loop3A_254 : i32 to vector<16xi32>
        %parallel_loop3A_256 = arith.andi %parallel_loop3A_253, %parallel_loop3A_255 : vector<16xi32>
        %parallel_loop3A_257 = arith.constant 512 : i32
        %parallel_loop3A_258 = vector.broadcast %parallel_loop3A_257 : i32 to vector<16xi32>
        %parallel_loop3A_259 = arith.xori %parallel_loop3A_256, %parallel_loop3A_258 : vector<16xi32>
        %parallel_loop3A_260 = tpu.vector_load_idx %arg9[%parallel_loop3A_259] : memref<2048xi32, #tpu.memory_space<vmem>>[vector<16xi32>], vector<16xi32>,
        %parallel_loop3A_261 = arith.constant 0 : i32
        %parallel_loop3A_262 = vector.broadcast %parallel_loop3A_261 : i32 to vector<16xi32>
        %parallel_loop3A_263 = arith.cmpi sgt, %parallel_loop3A_259, %parallel_loop3A_262 : vector<16xi32>
        %parallel_loop3A_264 = arith.constant 1 : i32
        %parallel_loop3A_265 = vector.broadcast %parallel_loop3A_264 : i32 to vector<16xi32>
        %parallel_loop3A_266 = arith.subi %parallel_loop3A_259, %parallel_loop3A_265 : vector<16xi32>
        %parallel_loop3A_267 = arith.constant 0 : i32
        %parallel_loop3A_268 = vector.broadcast %parallel_loop3A_267 : i32 to vector<16xi32>
        %parallel_loop3A_269 = arith.maxsi %parallel_loop3A_266, %parallel_loop3A_268 : vector<16xi32>
        %parallel_loop3A_270 = tpu.vector_load_idx %arg9[%parallel_loop3A_269] : memref<2048xi32, #tpu.memory_space<vmem>>[vector<16xi32>], vector<16xi32>,
        %parallel_loop3A_271 = arith.constant 0 : i32
        %parallel_loop3A_272 = vector.broadcast %parallel_loop3A_271 : i32 to vector<16xi32>
        %parallel_loop3A_273 = arith.select %parallel_loop3A_263, %parallel_loop3A_270, %parallel_loop3A_272 : vector<16xi1>, vector<16xi32>
        %parallel_loop3A_274 = arith.addi %parallel_loop3A_273, %parallel_loop3A_260 : vector<16xi32>
        %parallel_loop3A_275 = arith.constant 1 : i32
        %parallel_loop3A_276 = vector.broadcast %parallel_loop3A_275 : i32 to vector<16xi32>
        %parallel_loop3A_277 = arith.shrsi %parallel_loop3A_274, %parallel_loop3A_276 : vector<16xi32>
        %parallel_loop3A_278 = arith.constant 16383 : i32
        %parallel_loop3A_279 = vector.broadcast %parallel_loop3A_278 : i32 to vector<16xi32>
        %parallel_loop3A_280 = arith.minsi %parallel_loop3A_277, %parallel_loop3A_279 : vector<16xi32>
        %parallel_loop3A_281 = tpu.vector_load_idx %arg6[%parallel_loop3A_280] : memref<16384xi32, #tpu.memory_space<vmem>>[vector<16xi32>], vector<16xi32>,
        %parallel_loop3A_282 = arith.cmpi sle, %parallel_loop3A_281, %parallel_loop3A_250 : vector<16xi32>
        %parallel_loop3A_283 = arith.constant 1 : i32
        %parallel_loop3A_284 = vector.broadcast %parallel_loop3A_283 : i32 to vector<16xi32>
        %parallel_loop3A_285 = arith.addi %parallel_loop3A_277, %parallel_loop3A_284 : vector<16xi32>
        %parallel_loop3A_286 = arith.select %parallel_loop3A_282, %parallel_loop3A_285, %parallel_loop3A_273 : vector<16xi1>, vector<16xi32>
        %parallel_loop3A_287 = arith.select %parallel_loop3A_282, %parallel_loop3A_260, %parallel_loop3A_277 : vector<16xi1>, vector<16xi32>
        %parallel_loop3A_288 = arith.addi %parallel_loop3A_286, %parallel_loop3A_287 : vector<16xi32>
        %parallel_loop3A_289 = arith.constant 1 : i32
        %parallel_loop3A_290 = vector.broadcast %parallel_loop3A_289 : i32 to vector<16xi32>
        %parallel_loop3A_291 = arith.shrsi %parallel_loop3A_288, %parallel_loop3A_290 : vector<16xi32>
        %parallel_loop3A_292 = arith.constant 16383 : i32
        %parallel_loop3A_293 = vector.broadcast %parallel_loop3A_292 : i32 to vector<16xi32>
        %parallel_loop3A_294 = arith.minsi %parallel_loop3A_291, %parallel_loop3A_293 : vector<16xi32>
        %parallel_loop3A_295 = tpu.vector_load_idx %arg6[%parallel_loop3A_294] : memref<16384xi32, #tpu.memory_space<vmem>>[vector<16xi32>], vector<16xi32>,
        %parallel_loop3A_296 = arith.cmpi sle, %parallel_loop3A_295, %parallel_loop3A_250 : vector<16xi32>
        %parallel_loop3A_297 = arith.constant 1 : i32
        %parallel_loop3A_298 = vector.broadcast %parallel_loop3A_297 : i32 to vector<16xi32>
        %parallel_loop3A_299 = arith.addi %parallel_loop3A_291, %parallel_loop3A_298 : vector<16xi32>
        %parallel_loop3A_300 = arith.select %parallel_loop3A_296, %parallel_loop3A_299, %parallel_loop3A_286 : vector<16xi1>, vector<16xi32>
        %parallel_loop3A_301 = arith.select %parallel_loop3A_296, %parallel_loop3A_287, %parallel_loop3A_291 : vector<16xi1>, vector<16xi32>
        %parallel_loop3A_302 = arith.addi %parallel_loop3A_300, %parallel_loop3A_301 : vector<16xi32>
        %parallel_loop3A_303 = arith.constant 1 : i32
        %parallel_loop3A_304 = vector.broadcast %parallel_loop3A_303 : i32 to vector<16xi32>
        %parallel_loop3A_305 = arith.shrsi %parallel_loop3A_302, %parallel_loop3A_304 : vector<16xi32>
        %parallel_loop3A_306 = arith.constant 16383 : i32
        %parallel_loop3A_307 = vector.broadcast %parallel_loop3A_306 : i32 to vector<16xi32>
        %parallel_loop3A_308 = arith.minsi %parallel_loop3A_305, %parallel_loop3A_307 : vector<16xi32>
        %parallel_loop3A_309 = tpu.vector_load_idx %arg6[%parallel_loop3A_308] : memref<16384xi32, #tpu.memory_space<vmem>>[vector<16xi32>], vector<16xi32>,
        %parallel_loop3A_310 = arith.cmpi sle, %parallel_loop3A_309, %parallel_loop3A_250 : vector<16xi32>
        %parallel_loop3A_311 = arith.constant 1 : i32
        %parallel_loop3A_312 = vector.broadcast %parallel_loop3A_311 : i32 to vector<16xi32>
        %parallel_loop3A_313 = arith.addi %parallel_loop3A_305, %parallel_loop3A_312 : vector<16xi32>
        %parallel_loop3A_314 = arith.select %parallel_loop3A_310, %parallel_loop3A_313, %parallel_loop3A_300 : vector<16xi1>, vector<16xi32>
        %parallel_loop3A_315 = arith.select %parallel_loop3A_310, %parallel_loop3A_301, %parallel_loop3A_305 : vector<16xi1>, vector<16xi32>
        %parallel_loop3A_316 = arith.addi %parallel_loop3A_314, %parallel_loop3A_315 : vector<16xi32>
        %parallel_loop3A_317 = arith.constant 1 : i32
        %parallel_loop3A_318 = vector.broadcast %parallel_loop3A_317 : i32 to vector<16xi32>
        %parallel_loop3A_319 = arith.shrsi %parallel_loop3A_316, %parallel_loop3A_318 : vector<16xi32>
        %parallel_loop3A_320 = arith.constant 16383 : i32
        %parallel_loop3A_321 = vector.broadcast %parallel_loop3A_320 : i32 to vector<16xi32>
        %parallel_loop3A_322 = arith.minsi %parallel_loop3A_319, %parallel_loop3A_321 : vector<16xi32>
        %parallel_loop3A_323 = tpu.vector_load_idx %arg6[%parallel_loop3A_322] : memref<16384xi32, #tpu.memory_space<vmem>>[vector<16xi32>], vector<16xi32>,
        %parallel_loop3A_324 = arith.cmpi sle, %parallel_loop3A_323, %parallel_loop3A_250 : vector<16xi32>
        %parallel_loop3A_325 = arith.constant 1 : i32
        %parallel_loop3A_326 = vector.broadcast %parallel_loop3A_325 : i32 to vector<16xi32>
        %parallel_loop3A_327 = arith.addi %parallel_loop3A_319, %parallel_loop3A_326 : vector<16xi32>
        %parallel_loop3A_328 = arith.select %parallel_loop3A_324, %parallel_loop3A_327, %parallel_loop3A_314 : vector<16xi1>, vector<16xi32>
        %parallel_loop3A_329 = arith.select %parallel_loop3A_324, %parallel_loop3A_315, %parallel_loop3A_319 : vector<16xi1>, vector<16xi32>
        %parallel_loop3A_330 = arith.addi %parallel_loop3A_328, %parallel_loop3A_329 : vector<16xi32>
        %parallel_loop3A_331 = arith.constant 1 : i32
        %parallel_loop3A_332 = vector.broadcast %parallel_loop3A_331 : i32 to vector<16xi32>
        %parallel_loop3A_333 = arith.shrsi %parallel_loop3A_330, %parallel_loop3A_332 : vector<16xi32>
        %parallel_loop3A_334 = arith.constant 16383 : i32
        %parallel_loop3A_335 = vector.broadcast %parallel_loop3A_334 : i32 to vector<16xi32>
        %parallel_loop3A_336 = arith.minsi %parallel_loop3A_333, %parallel_loop3A_335 : vector<16xi32>
        %parallel_loop3A_337 = tpu.vector_load_idx %arg6[%parallel_loop3A_336] : memref<16384xi32, #tpu.memory_space<vmem>>[vector<16xi32>], vector<16xi32>,
        %parallel_loop3A_338 = arith.cmpi sle, %parallel_loop3A_337, %parallel_loop3A_250 : vector<16xi32>
        %parallel_loop3A_339 = arith.constant 1 : i32
        %parallel_loop3A_340 = vector.broadcast %parallel_loop3A_339 : i32 to vector<16xi32>
        %parallel_loop3A_341 = arith.addi %parallel_loop3A_333, %parallel_loop3A_340 : vector<16xi32>
        %parallel_loop3A_342 = arith.select %parallel_loop3A_338, %parallel_loop3A_341, %parallel_loop3A_328 : vector<16xi1>, vector<16xi32>
        %parallel_loop3A_343 = arith.select %parallel_loop3A_338, %parallel_loop3A_329, %parallel_loop3A_333 : vector<16xi1>, vector<16xi32>
        %parallel_loop3A_344 = arith.addi %parallel_loop3A_342, %parallel_loop3A_343 : vector<16xi32>
        %parallel_loop3A_345 = arith.constant 1 : i32
        %parallel_loop3A_346 = vector.broadcast %parallel_loop3A_345 : i32 to vector<16xi32>
        %parallel_loop3A_347 = arith.shrsi %parallel_loop3A_344, %parallel_loop3A_346 : vector<16xi32>
        %parallel_loop3A_348 = arith.constant 16383 : i32
        %parallel_loop3A_349 = vector.broadcast %parallel_loop3A_348 : i32 to vector<16xi32>
        %parallel_loop3A_350 = arith.minsi %parallel_loop3A_347, %parallel_loop3A_349 : vector<16xi32>
        %parallel_loop3A_351 = tpu.vector_load_idx %arg6[%parallel_loop3A_350] : memref<16384xi32, #tpu.memory_space<vmem>>[vector<16xi32>], vector<16xi32>,
        %parallel_loop3A_352 = arith.cmpi sle, %parallel_loop3A_351, %parallel_loop3A_250 : vector<16xi32>
        %parallel_loop3A_353 = arith.constant 1 : i32
        %parallel_loop3A_354 = vector.broadcast %parallel_loop3A_353 : i32 to vector<16xi32>
        %parallel_loop3A_355 = arith.addi %parallel_loop3A_347, %parallel_loop3A_354 : vector<16xi32>
        %parallel_loop3A_356 = arith.select %parallel_loop3A_352, %parallel_loop3A_355, %parallel_loop3A_342 : vector<16xi1>, vector<16xi32>
        %parallel_loop3A_357 = arith.select %parallel_loop3A_352, %parallel_loop3A_343, %parallel_loop3A_347 : vector<16xi1>, vector<16xi32>
        %parallel_loop3A_358 = arith.addi %parallel_loop3A_356, %parallel_loop3A_357 : vector<16xi32>
        %parallel_loop3A_359 = arith.constant 1 : i32
        %parallel_loop3A_360 = vector.broadcast %parallel_loop3A_359 : i32 to vector<16xi32>
        %parallel_loop3A_361 = arith.shrsi %parallel_loop3A_358, %parallel_loop3A_360 : vector<16xi32>
        %parallel_loop3A_362 = arith.constant 16383 : i32
        %parallel_loop3A_363 = vector.broadcast %parallel_loop3A_362 : i32 to vector<16xi32>
        %parallel_loop3A_364 = arith.minsi %parallel_loop3A_361, %parallel_loop3A_363 : vector<16xi32>
        %parallel_loop3A_365 = tpu.vector_load_idx %arg6[%parallel_loop3A_364] : memref<16384xi32, #tpu.memory_space<vmem>>[vector<16xi32>], vector<16xi32>,
        %parallel_loop3A_366 = arith.cmpi sle, %parallel_loop3A_365, %parallel_loop3A_250 : vector<16xi32>
        %parallel_loop3A_367 = arith.constant 1 : i32
        %parallel_loop3A_368 = vector.broadcast %parallel_loop3A_367 : i32 to vector<16xi32>
        %parallel_loop3A_369 = arith.addi %parallel_loop3A_361, %parallel_loop3A_368 : vector<16xi32>
        %parallel_loop3A_370 = arith.select %parallel_loop3A_366, %parallel_loop3A_369, %parallel_loop3A_356 : vector<16xi1>, vector<16xi32>
        %parallel_loop3A_371 = arith.select %parallel_loop3A_366, %parallel_loop3A_357, %parallel_loop3A_361 : vector<16xi1>, vector<16xi32>
        %parallel_loop3A_372 = arith.addi %parallel_loop3A_370, %parallel_loop3A_371 : vector<16xi32>
        %parallel_loop3A_373 = arith.constant 1 : i32
        %parallel_loop3A_374 = vector.broadcast %parallel_loop3A_373 : i32 to vector<16xi32>
        %parallel_loop3A_375 = arith.shrsi %parallel_loop3A_372, %parallel_loop3A_374 : vector<16xi32>
        %parallel_loop3A_376 = arith.constant 16383 : i32
        %parallel_loop3A_377 = vector.broadcast %parallel_loop3A_376 : i32 to vector<16xi32>
        %parallel_loop3A_378 = arith.minsi %parallel_loop3A_375, %parallel_loop3A_377 : vector<16xi32>
        %parallel_loop3A_379 = tpu.vector_load_idx %arg6[%parallel_loop3A_378] : memref<16384xi32, #tpu.memory_space<vmem>>[vector<16xi32>], vector<16xi32>,
        %parallel_loop3A_380 = arith.cmpi sle, %parallel_loop3A_379, %parallel_loop3A_250 : vector<16xi32>
        %parallel_loop3A_381 = arith.constant 1 : i32
        %parallel_loop3A_382 = vector.broadcast %parallel_loop3A_381 : i32 to vector<16xi32>
        %parallel_loop3A_383 = arith.addi %parallel_loop3A_375, %parallel_loop3A_382 : vector<16xi32>
        %parallel_loop3A_384 = arith.select %parallel_loop3A_380, %parallel_loop3A_383, %parallel_loop3A_370 : vector<16xi1>, vector<16xi32>
        %parallel_loop3A_385 = arith.select %parallel_loop3A_380, %parallel_loop3A_371, %parallel_loop3A_375 : vector<16xi1>, vector<16xi32>
        %parallel_loop3A_386 = arith.addi %parallel_loop3A_384, %parallel_loop3A_385 : vector<16xi32>
        %parallel_loop3A_387 = arith.constant 1 : i32
        %parallel_loop3A_388 = vector.broadcast %parallel_loop3A_387 : i32 to vector<16xi32>
        %parallel_loop3A_389 = arith.shrsi %parallel_loop3A_386, %parallel_loop3A_388 : vector<16xi32>
        %parallel_loop3A_390 = arith.constant 16383 : i32
        %parallel_loop3A_391 = vector.broadcast %parallel_loop3A_390 : i32 to vector<16xi32>
        %parallel_loop3A_392 = arith.minsi %parallel_loop3A_389, %parallel_loop3A_391 : vector<16xi32>
        %parallel_loop3A_393 = tpu.vector_load_idx %arg6[%parallel_loop3A_392] : memref<16384xi32, #tpu.memory_space<vmem>>[vector<16xi32>], vector<16xi32>,
        %parallel_loop3A_394 = arith.cmpi sle, %parallel_loop3A_393, %parallel_loop3A_250 : vector<16xi32>
        %parallel_loop3A_395 = arith.constant 1 : i32
        %parallel_loop3A_396 = vector.broadcast %parallel_loop3A_395 : i32 to vector<16xi32>
        %parallel_loop3A_397 = arith.addi %parallel_loop3A_389, %parallel_loop3A_396 : vector<16xi32>
        %parallel_loop3A_398 = arith.select %parallel_loop3A_394, %parallel_loop3A_397, %parallel_loop3A_384 : vector<16xi1>, vector<16xi32>
        %parallel_loop3A_399 = arith.select %parallel_loop3A_394, %parallel_loop3A_385, %parallel_loop3A_389 : vector<16xi1>, vector<16xi32>
        %parallel_loop3A_400 = arith.addi %parallel_loop3A_398, %parallel_loop3A_399 : vector<16xi32>
        %parallel_loop3A_401 = arith.constant 1 : i32
        %parallel_loop3A_402 = vector.broadcast %parallel_loop3A_401 : i32 to vector<16xi32>
        %parallel_loop3A_403 = arith.shrsi %parallel_loop3A_400, %parallel_loop3A_402 : vector<16xi32>
        %parallel_loop3A_404 = arith.constant 16383 : i32
        %parallel_loop3A_405 = vector.broadcast %parallel_loop3A_404 : i32 to vector<16xi32>
        %parallel_loop3A_406 = arith.minsi %parallel_loop3A_403, %parallel_loop3A_405 : vector<16xi32>
        %parallel_loop3A_407 = tpu.vector_load_idx %arg6[%parallel_loop3A_406] : memref<16384xi32, #tpu.memory_space<vmem>>[vector<16xi32>], vector<16xi32>,
        %parallel_loop3A_408 = arith.cmpi sle, %parallel_loop3A_407, %parallel_loop3A_250 : vector<16xi32>
        %parallel_loop3A_409 = arith.constant 1 : i32
        %parallel_loop3A_410 = vector.broadcast %parallel_loop3A_409 : i32 to vector<16xi32>
        %parallel_loop3A_411 = arith.addi %parallel_loop3A_403, %parallel_loop3A_410 : vector<16xi32>
        %parallel_loop3A_412 = arith.select %parallel_loop3A_408, %parallel_loop3A_411, %parallel_loop3A_398 : vector<16xi1>, vector<16xi32>
        %parallel_loop3A_413 = arith.select %parallel_loop3A_408, %parallel_loop3A_399, %parallel_loop3A_403 : vector<16xi1>, vector<16xi32>
        %parallel_loop3A_414 = arith.addi %parallel_loop3A_412, %parallel_loop3A_413 : vector<16xi32>
        %parallel_loop3A_415 = arith.constant 1 : i32
        %parallel_loop3A_416 = vector.broadcast %parallel_loop3A_415 : i32 to vector<16xi32>
        %parallel_loop3A_417 = arith.shrsi %parallel_loop3A_414, %parallel_loop3A_416 : vector<16xi32>
        %parallel_loop3A_418 = arith.constant 16383 : i32
        %parallel_loop3A_419 = vector.broadcast %parallel_loop3A_418 : i32 to vector<16xi32>
        %parallel_loop3A_420 = arith.minsi %parallel_loop3A_417, %parallel_loop3A_419 : vector<16xi32>
        %parallel_loop3A_421 = tpu.vector_load_idx %arg6[%parallel_loop3A_420] : memref<16384xi32, #tpu.memory_space<vmem>>[vector<16xi32>], vector<16xi32>,
        %parallel_loop3A_422 = arith.cmpi sle, %parallel_loop3A_421, %parallel_loop3A_250 : vector<16xi32>
        %parallel_loop3A_423 = arith.constant 1 : i32
        %parallel_loop3A_424 = vector.broadcast %parallel_loop3A_423 : i32 to vector<16xi32>
        %parallel_loop3A_425 = arith.addi %parallel_loop3A_417, %parallel_loop3A_424 : vector<16xi32>
        %parallel_loop3A_426 = arith.select %parallel_loop3A_422, %parallel_loop3A_425, %parallel_loop3A_412 : vector<16xi1>, vector<16xi32>
        %parallel_loop3A_427 = arith.select %parallel_loop3A_422, %parallel_loop3A_413, %parallel_loop3A_417 : vector<16xi1>, vector<16xi32>
        %parallel_loop3A_428 = arith.addi %parallel_loop3A_426, %parallel_loop3A_427 : vector<16xi32>
        %parallel_loop3A_429 = arith.constant 1 : i32
        %parallel_loop3A_430 = vector.broadcast %parallel_loop3A_429 : i32 to vector<16xi32>
        %parallel_loop3A_431 = arith.shrsi %parallel_loop3A_428, %parallel_loop3A_430 : vector<16xi32>
        %parallel_loop3A_432 = arith.constant 16383 : i32
        %parallel_loop3A_433 = vector.broadcast %parallel_loop3A_432 : i32 to vector<16xi32>
        %parallel_loop3A_434 = arith.minsi %parallel_loop3A_431, %parallel_loop3A_433 : vector<16xi32>
        %parallel_loop3A_435 = tpu.vector_load_idx %arg6[%parallel_loop3A_434] : memref<16384xi32, #tpu.memory_space<vmem>>[vector<16xi32>], vector<16xi32>,
        %parallel_loop3A_436 = arith.cmpi sle, %parallel_loop3A_435, %parallel_loop3A_250 : vector<16xi32>
        %parallel_loop3A_437 = arith.constant 1 : i32
        %parallel_loop3A_438 = vector.broadcast %parallel_loop3A_437 : i32 to vector<16xi32>
        %parallel_loop3A_439 = arith.addi %parallel_loop3A_431, %parallel_loop3A_438 : vector<16xi32>
        %parallel_loop3A_440 = arith.select %parallel_loop3A_436, %parallel_loop3A_439, %parallel_loop3A_426 : vector<16xi1>, vector<16xi32>
        %parallel_loop3A_441 = arith.select %parallel_loop3A_436, %parallel_loop3A_427, %parallel_loop3A_431 : vector<16xi1>, vector<16xi32>
        %parallel_loop3A_442 = arith.addi %parallel_loop3A_440, %parallel_loop3A_441 : vector<16xi32>
        %parallel_loop3A_443 = arith.constant 1 : i32
        %parallel_loop3A_444 = vector.broadcast %parallel_loop3A_443 : i32 to vector<16xi32>
        %parallel_loop3A_445 = arith.shrsi %parallel_loop3A_442, %parallel_loop3A_444 : vector<16xi32>
        %parallel_loop3A_446 = arith.constant 16383 : i32
        %parallel_loop3A_447 = vector.broadcast %parallel_loop3A_446 : i32 to vector<16xi32>
        %parallel_loop3A_448 = arith.minsi %parallel_loop3A_445, %parallel_loop3A_447 : vector<16xi32>
        %parallel_loop3A_449 = tpu.vector_load_idx %arg6[%parallel_loop3A_448] : memref<16384xi32, #tpu.memory_space<vmem>>[vector<16xi32>], vector<16xi32>,
        %parallel_loop3A_450 = arith.cmpi sle, %parallel_loop3A_449, %parallel_loop3A_250 : vector<16xi32>
        %parallel_loop3A_451 = arith.constant 1 : i32
        %parallel_loop3A_452 = vector.broadcast %parallel_loop3A_451 : i32 to vector<16xi32>
        %parallel_loop3A_453 = arith.addi %parallel_loop3A_445, %parallel_loop3A_452 : vector<16xi32>
        %parallel_loop3A_454 = arith.select %parallel_loop3A_450, %parallel_loop3A_453, %parallel_loop3A_440 : vector<16xi1>, vector<16xi32>
        %parallel_loop3A_455 = arith.select %parallel_loop3A_450, %parallel_loop3A_441, %parallel_loop3A_445 : vector<16xi1>, vector<16xi32>
        %parallel_loop3A_456 = arith.addi %parallel_loop3A_454, %parallel_loop3A_455 : vector<16xi32>
        %parallel_loop3A_457 = arith.constant 1 : i32
        %parallel_loop3A_458 = vector.broadcast %parallel_loop3A_457 : i32 to vector<16xi32>
        %parallel_loop3A_459 = arith.shrsi %parallel_loop3A_456, %parallel_loop3A_458 : vector<16xi32>
        %parallel_loop3A_460 = arith.constant 16383 : i32
        %parallel_loop3A_461 = vector.broadcast %parallel_loop3A_460 : i32 to vector<16xi32>
        %parallel_loop3A_462 = arith.minsi %parallel_loop3A_459, %parallel_loop3A_461 : vector<16xi32>
        %parallel_loop3A_463 = tpu.vector_load_idx %arg6[%parallel_loop3A_462] : memref<16384xi32, #tpu.memory_space<vmem>>[vector<16xi32>], vector<16xi32>,
        %parallel_loop3A_464 = arith.cmpi sle, %parallel_loop3A_463, %parallel_loop3A_250 : vector<16xi32>
        %parallel_loop3A_465 = arith.constant 1 : i32
        %parallel_loop3A_466 = vector.broadcast %parallel_loop3A_465 : i32 to vector<16xi32>
        %parallel_loop3A_467 = arith.addi %parallel_loop3A_459, %parallel_loop3A_466 : vector<16xi32>
        %parallel_loop3A_468 = arith.select %parallel_loop3A_464, %parallel_loop3A_467, %parallel_loop3A_454 : vector<16xi1>, vector<16xi32>
        %parallel_loop3A_469 = arith.select %parallel_loop3A_464, %parallel_loop3A_455, %parallel_loop3A_459 : vector<16xi1>, vector<16xi32>
        %parallel_loop3A_470 = arith.addi %parallel_loop3A_468, %parallel_loop3A_469 : vector<16xi32>
        %parallel_loop3A_471 = arith.constant 1 : i32
        %parallel_loop3A_472 = vector.broadcast %parallel_loop3A_471 : i32 to vector<16xi32>
        %parallel_loop3A_473 = arith.shrsi %parallel_loop3A_470, %parallel_loop3A_472 : vector<16xi32>
        %parallel_loop3A_474 = arith.constant 16383 : i32
        %parallel_loop3A_475 = vector.broadcast %parallel_loop3A_474 : i32 to vector<16xi32>
        %parallel_loop3A_476 = arith.minsi %parallel_loop3A_473, %parallel_loop3A_475 : vector<16xi32>
        %parallel_loop3A_477 = tpu.vector_load_idx %arg6[%parallel_loop3A_476] : memref<16384xi32, #tpu.memory_space<vmem>>[vector<16xi32>], vector<16xi32>,
        %parallel_loop3A_478 = arith.cmpi sle, %parallel_loop3A_477, %parallel_loop3A_250 : vector<16xi32>
        %parallel_loop3A_479 = arith.constant 1 : i32
        %parallel_loop3A_480 = vector.broadcast %parallel_loop3A_479 : i32 to vector<16xi32>
        %parallel_loop3A_481 = arith.addi %parallel_loop3A_473, %parallel_loop3A_480 : vector<16xi32>
        %parallel_loop3A_482 = arith.select %parallel_loop3A_478, %parallel_loop3A_481, %parallel_loop3A_468 : vector<16xi1>, vector<16xi32>
        %parallel_loop3A_483 = arith.select %parallel_loop3A_478, %parallel_loop3A_469, %parallel_loop3A_473 : vector<16xi1>, vector<16xi32>
        %parallel_loop3A_484 = arith.constant 16383 : i32
        %parallel_loop3A_485 = vector.broadcast %parallel_loop3A_484 : i32 to vector<16xi32>
        %parallel_loop3A_486 = arith.cmpi slt, %parallel_loop3A_246, %parallel_loop3A_485 : vector<16xi32>
        %parallel_loop3A_487 = arith.constant 1 : i32
        %parallel_loop3A_488 = vector.broadcast %parallel_loop3A_487 : i32 to vector<16xi32>
        %parallel_loop3A_489 = arith.addi %parallel_loop3A_246, %parallel_loop3A_488 : vector<16xi32>
        %parallel_loop3A_490 = arith.constant 16383 : i32
        %parallel_loop3A_491 = vector.broadcast %parallel_loop3A_490 : i32 to vector<16xi32>
        %parallel_loop3A_492 = arith.minsi %parallel_loop3A_489, %parallel_loop3A_491 : vector<16xi32>
        %parallel_loop3A_493 = tpu.vector_load_idx %arg8[%parallel_loop3A_492] : memref<16384xi32, #tpu.memory_space<vmem>>[vector<16xi32>], vector<16xi32>,
        %parallel_loop3A_494 = arith.constant 0 : i32
        %parallel_loop3A_495 = vector.broadcast %parallel_loop3A_494 : i32 to vector<16xi32>
        %parallel_loop3A_496 = arith.cmpi sge, %parallel_loop3A_493, %parallel_loop3A_495 : vector<16xi32>
        %parallel_loop3A_497 = arith.constant 2147483647 : i32
        %parallel_loop3A_498 = vector.broadcast %parallel_loop3A_497 : i32 to vector<16xi32>
        %parallel_loop3A_499 = arith.xori %parallel_loop3A_493, %parallel_loop3A_498 : vector<16xi32>
        %parallel_loop3A_500 = arith.select %parallel_loop3A_496, %parallel_loop3A_493, %parallel_loop3A_499 : vector<16xi1>, vector<16xi32>
        %parallel_loop3A_501 = vector.bitcast %parallel_loop3A_500 : vector<16xi32> to vector<16xf32>
        %parallel_loop3A_502 = arith.select %parallel_loop3A_486, %parallel_loop3A_501, %bitcast3A : vector<16xi1>, vector<16xf32>
        %parallel_loop3A_503 = arith.constant 16384 : i32
        %parallel_loop3A_504 = vector.broadcast %parallel_loop3A_503 : i32 to vector<16xi32>
        %parallel_loop3A_505 = arith.cmpi slt, %parallel_loop3A_482, %parallel_loop3A_504 : vector<16xi32>
        %parallel_loop3A_506 = arith.constant 16383 : i32
        %parallel_loop3A_507 = vector.broadcast %parallel_loop3A_506 : i32 to vector<16xi32>
        %parallel_loop3A_508 = arith.minsi %parallel_loop3A_482, %parallel_loop3A_507 : vector<16xi32>
        %parallel_loop3A_509 = tpu.vector_load_idx %arg6[%parallel_loop3A_508] : memref<16384xi32, #tpu.memory_space<vmem>>[vector<16xi32>], vector<16xi32>,
        %parallel_loop3A_510 = arith.constant 0 : i32
        %parallel_loop3A_511 = vector.broadcast %parallel_loop3A_510 : i32 to vector<16xi32>
        %parallel_loop3A_512 = arith.cmpi sge, %parallel_loop3A_509, %parallel_loop3A_511 : vector<16xi32>
        %parallel_loop3A_513 = arith.constant 2147483647 : i32
        %parallel_loop3A_514 = vector.broadcast %parallel_loop3A_513 : i32 to vector<16xi32>
        %parallel_loop3A_515 = arith.xori %parallel_loop3A_509, %parallel_loop3A_514 : vector<16xi32>
        %parallel_loop3A_516 = arith.select %parallel_loop3A_512, %parallel_loop3A_509, %parallel_loop3A_515 : vector<16xi1>, vector<16xi32>
        %parallel_loop3A_517 = vector.bitcast %parallel_loop3A_516 : vector<16xi32> to vector<16xf32>
        %parallel_loop3A_518 = arith.select %parallel_loop3A_505, %parallel_loop3A_517, %bitcast3A : vector<16xi1>, vector<16xf32>
        %parallel_loop3A_519 = arith.minimumf %parallel_loop3A_502, %parallel_loop3A_518 : vector<16xf32>
        %parallel_loop3A_520 = arith.constant 1 : i32
        %parallel_loop3A_521 = vector.broadcast %parallel_loop3A_520 : i32 to vector<16xi32>
        %parallel_loop3A_522 = arith.addi %parallel_loop3A_246, %parallel_loop3A_521 : vector<16xi32>
        %parallel_loop3A_523 = arith.subi %parallel_loop3A_482, %parallel_loop3A_522 : vector<16xi32>
        %parallel_loop3A_524 = arith.sitofp %parallel_loop3A_523 : vector<16xi32> to vector<16xf32>
        %parallel_loop3A_525 = vector.broadcast %parallel_loop3A_195 : f32 to vector<16xf32>
        %parallel_loop3A_526 = arith.mulf %parallel_loop3A_524, %parallel_loop3A_525 : vector<16xf32>
        %parallel_loop3A_527 = arith.mulf %parallel_loop3A_526, %parallel_loop3A_526 : vector<16xf32>
        %parallel_loop3A_528 = arith.constant 0 : i32
        %parallel_loop3A_529 = vector.broadcast %parallel_loop3A_528 : i32 to vector<16xi32>
        %parallel_loop3A_530 = arith.cmpi sge, %parallel_loop3A_250, %parallel_loop3A_529 : vector<16xi32>
        %parallel_loop3A_531 = arith.constant 2147483647 : i32
        %parallel_loop3A_532 = vector.broadcast %parallel_loop3A_531 : i32 to vector<16xi32>
        %parallel_loop3A_533 = arith.xori %parallel_loop3A_250, %parallel_loop3A_532 : vector<16xi32>
        %parallel_loop3A_534 = arith.select %parallel_loop3A_530, %parallel_loop3A_250, %parallel_loop3A_533 : vector<16xi1>, vector<16xi32>
        %parallel_loop3A_535 = vector.bitcast %parallel_loop3A_534 : vector<16xi32> to vector<16xf32>
        %parallel_loop3A_536 = arith.subf %parallel_loop3A_519, %parallel_loop3A_535 : vector<16xf32>
        %parallel_loop3A_537 = arith.mulf %parallel_loop3A_527, %parallel_loop3A_536 : vector<16xf32>
        %parallel_loop3A_538 = arith.addf %parallel_loop3A_242, %parallel_loop3A_537 : vector<16xf32>
        %parallel_loop3A_539 = arith.constant 1 : i32
        %parallel_loop3A_540 = vector.broadcast %parallel_loop3A_539 : i32 to vector<16xi32>
        %parallel_loop3A_541 = arith.subi %iota3A, %parallel_loop3A_540 : vector<16xi32>
        %parallel_loop3A_542 = arith.constant 0 : i32
        %parallel_loop3A_543 = vector.broadcast %parallel_loop3A_542 : i32 to vector<16xi32>
        %parallel_loop3A_544 = arith.maxsi %parallel_loop3A_541, %parallel_loop3A_543 : vector<16xi32>
        %parallel_loop3A_545 = arith.constant 0 : i32
        %parallel_loop3A_546 = vector.broadcast %parallel_loop3A_545 : i32 to vector<16xi32>
        %parallel_loop3A_547 = arith.cmpi slt, %parallel_loop3A_544, %parallel_loop3A_546 : vector<16xi32>
        %parallel_loop3A_548 = arith.constant 16 : i32
        %parallel_loop3A_549 = vector.broadcast %parallel_loop3A_548 : i32 to vector<16xi32>
        %parallel_loop3A_550 = arith.addi %parallel_loop3A_544, %parallel_loop3A_549 : vector<16xi32>
        %parallel_loop3A_551 = arith.select %parallel_loop3A_547, %parallel_loop3A_550, %parallel_loop3A_544 : vector<16xi1>, vector<16xi32>
        %parallel_loop3A_552 = vector.shape_cast %parallel_loop3A_551 : vector<16xi32> to vector<16x1xi32>
        %parallel_loop3A_553 = vector.shape_cast %parallel_loop3A_552 : vector<16x1xi32> to vector<16xi32>
        %parallel_loop3A_554 = tpu.dynamic_gather %parallel_loop3A_482[%parallel_loop3A_553] in [0] : vector<16xi32>, vector<16xi32> -> vector<16xi32>
        %parallel_loop3A_555 = arith.constant 0 : i32
        %parallel_loop3A_556 = vector.broadcast %parallel_loop3A_555 : i32 to vector<16xi32>
        %parallel_loop3A_557 = arith.cmpi eq, %iota3A, %parallel_loop3A_556 : vector<16xi32>
        %parallel_loop3A_558 = arith.cmpi ne, %parallel_loop3A_482, %parallel_loop3A_554 : vector<16xi32>
        %parallel_loop3A_559 = arith.ori %parallel_loop3A_557, %parallel_loop3A_558 : vector<16xi1>
        %parallel_loop3A_560 = arith.constant 0 : i32
        %parallel_loop3A_561 = vector.broadcast %parallel_loop3A_560 : i32 to vector<16xi32>
        %parallel_loop3A_562 = arith.select %parallel_loop3A_559, %iota3A, %parallel_loop3A_561 : vector<16xi1>, vector<16xi32>
        %parallel_loop3A_563 = arith.constant true
        %parallel_loop3A_564 = vector.broadcast %parallel_loop3A_563 : i1 to vector<16xi1>
        %parallel_loop3A_565 = arith.constant -2147483648 : i32
        %parallel_loop3A_566 = vector.broadcast %parallel_loop3A_565 : i32 to vector<16xi32>
        %parallel_loop3A_567 = arith.xori %parallel_loop3A_562, %parallel_loop3A_566 : vector<16xi32>
        %parallel_loop3A_568 = tpu.scan <max>, %parallel_loop3A_567 masked %parallel_loop3A_564 : vector<16xi32>, vector<16xi1> -> vector<16xi32>
        %parallel_loop3A_569 = arith.xori %parallel_loop3A_568, %parallel_loop3A_566 : vector<16xi32>
        %parallel_loop3A_570 = arith.subi %iota3A, %parallel_loop3A_569 : vector<16xi32>
        %parallel_loop3A_571 = arith.constant 1 : i32
        %parallel_loop3A_572 = vector.broadcast %parallel_loop3A_571 : i32 to vector<16xi32>
        %parallel_loop3A_573 = arith.addi %parallel_loop3A_570, %parallel_loop3A_572 : vector<16xi32>
        %parallel_loop3A_574 = arith.constant 1 : i32
        %parallel_loop3A_575 = vector.broadcast %parallel_loop3A_574 : i32 to vector<16xi32>
        %parallel_loop3A_576 = arith.addi %iota3A, %parallel_loop3A_575 : vector<16xi32>
        %parallel_loop3A_577 = arith.constant 15 : i32
        %parallel_loop3A_578 = vector.broadcast %parallel_loop3A_577 : i32 to vector<16xi32>
        %parallel_loop3A_579 = arith.minsi %parallel_loop3A_576, %parallel_loop3A_578 : vector<16xi32>
        %parallel_loop3A_580 = arith.constant 0 : i32
        %parallel_loop3A_581 = vector.broadcast %parallel_loop3A_580 : i32 to vector<16xi32>
        %parallel_loop3A_582 = arith.cmpi slt, %parallel_loop3A_579, %parallel_loop3A_581 : vector<16xi32>
        %parallel_loop3A_583 = arith.constant 16 : i32
        %parallel_loop3A_584 = vector.broadcast %parallel_loop3A_583 : i32 to vector<16xi32>
        %parallel_loop3A_585 = arith.addi %parallel_loop3A_579, %parallel_loop3A_584 : vector<16xi32>
        %parallel_loop3A_586 = arith.select %parallel_loop3A_582, %parallel_loop3A_585, %parallel_loop3A_579 : vector<16xi1>, vector<16xi32>
        %parallel_loop3A_587 = vector.shape_cast %parallel_loop3A_586 : vector<16xi32> to vector<16x1xi32>
        %parallel_loop3A_588 = vector.shape_cast %parallel_loop3A_587 : vector<16x1xi32> to vector<16xi32>
        %parallel_loop3A_589 = tpu.dynamic_gather %parallel_loop3A_482[%parallel_loop3A_588] in [0] : vector<16xi32>, vector<16xi32> -> vector<16xi32>
        %parallel_loop3A_590 = arith.constant 15 : i32
        %parallel_loop3A_591 = vector.broadcast %parallel_loop3A_590 : i32 to vector<16xi32>
        %parallel_loop3A_592 = arith.cmpi eq, %iota3A, %parallel_loop3A_591 : vector<16xi32>
        %parallel_loop3A_593 = arith.cmpi ne, %parallel_loop3A_482, %parallel_loop3A_589 : vector<16xi32>
        %parallel_loop3A_594 = arith.ori %parallel_loop3A_592, %parallel_loop3A_593 : vector<16xi1>
        tpu.vector_store_idx %arg12[%parallel_loop3A_482], %parallel_loop3A_573 masked %parallel_loop3A_594 {add = true} : memref<16400xi32, #tpu.memory_space<vmem>>[vector<16xi32>], vector<16xi32>, vector<16xi1>
        scf.yield %parallel_loop3A_538 : vector<16xf32>
      } {sc.loop_unroll_factor = 4 : i64, sc.parallel_access}
      %iota3A_197 = tpu.iota {dimensions = array<i32: 0>} : vector<16xi32>
      %broadcast_in_dim3A_198 = arith.constant 0 : i32
      %broadcast_in_dim3A_199 = vector.broadcast %broadcast_in_dim3A_198 : i32 to vector<16xi32>
      %parallel_loop3A_200 = arith.constant 0 : i32
      %parallel_loop3A_201 = arith.constant 1024 : i32
      %parallel_loop3A_202 = arith.constant 1 : i32
      %parallel_loop3A_203 = arith.constant 6.10351563E-5 : f32
      %parallel_loop3A_204:2 = scf.for %parallel_loop3A_241 = %parallel_loop3A_200 to %parallel_loop3A_201 step %parallel_loop3A_202 iter_args(%parallel_loop3A_242 = %parallel_loop3A_196, %parallel_loop3A_243 = %broadcast_in_dim3A_199) -> (vector<16xf32>, vector<16xi32>)  : i32 {
        %parallel_loop3A_244 = arith.constant 16 : i32
        %parallel_loop3A_245 = arith.muli %parallel_loop3A_241, %parallel_loop3A_244 : i32
        %parallel_loop3A_246 = vector.broadcast %parallel_loop3A_245 : i32 to vector<16xi32>
        %parallel_loop3A_247 = arith.addi %parallel_loop3A_246, %iota3A_197 : vector<16xi32>
        %parallel_loop3A_248 = arith.constant 16 : i32
        %parallel_loop3A_249 = arith.muli %parallel_loop3A_241, %parallel_loop3A_248 : i32
        %parallel_loop3A_250 = arith.index_cast %parallel_loop3A_249 : i32 to index
        %parallel_loop3A_251 = tpu.vector_load %arg12[%parallel_loop3A_250] {strides = array<i32>} : memref<16400xi32, #tpu.memory_space<vmem>>, vector<16xi32>,
        %parallel_loop3A_252 = arith.constant true
        %parallel_loop3A_253 = vector.broadcast %parallel_loop3A_252 : i1 to vector<16xi1>
        %parallel_loop3A_254 = tpu.scan <sum>, %parallel_loop3A_251 masked %parallel_loop3A_253 : vector<16xi32>, vector<16xi1> -> vector<16xi32>
        %parallel_loop3A_255 = arith.addi %parallel_loop3A_254, %parallel_loop3A_243 : vector<16xi32>
        %parallel_loop3A_256 = arith.constant true
        %parallel_loop3A_257 = vector.broadcast %parallel_loop3A_256 : i1 to vector<16xi1>
        %parallel_loop3A_258 = tpu.scan <sum>, %parallel_loop3A_251 masked %parallel_loop3A_257 : vector<16xi32>, vector<16xi1> -> vector<16xi32>
        %parallel_loop3A_259 = vector.extract %parallel_loop3A_258[15] : i32 from vector<16xi32>
        %parallel_loop3A_260 = vector.broadcast %parallel_loop3A_259 : i32 to vector<16xi32>
        %parallel_loop3A_261 = arith.addi %parallel_loop3A_243, %parallel_loop3A_260 : vector<16xi32>
        %parallel_loop3A_262 = arith.constant 16 : i32
        %parallel_loop3A_263 = arith.muli %parallel_loop3A_241, %parallel_loop3A_262 : i32
        %parallel_loop3A_264 = arith.index_cast %parallel_loop3A_263 : i32 to index
        %parallel_loop3A_265 = tpu.vector_load %arg6[%parallel_loop3A_264] {strides = array<i32>} : memref<16384xi32, #tpu.memory_space<vmem>>, vector<16xi32>,
        %parallel_loop3A_266 = arith.constant 16383 : i32
        %parallel_loop3A_267 = vector.broadcast %parallel_loop3A_266 : i32 to vector<16xi32>
        %parallel_loop3A_268 = arith.cmpi slt, %parallel_loop3A_247, %parallel_loop3A_267 : vector<16xi32>
        %parallel_loop3A_269 = arith.constant 1 : i32
        %parallel_loop3A_270 = vector.broadcast %parallel_loop3A_269 : i32 to vector<16xi32>
        %parallel_loop3A_271 = arith.addi %parallel_loop3A_247, %parallel_loop3A_270 : vector<16xi32>
        %parallel_loop3A_272 = arith.constant 16383 : i32
        %parallel_loop3A_273 = vector.broadcast %parallel_loop3A_272 : i32 to vector<16xi32>
        %parallel_loop3A_274 = arith.minsi %parallel_loop3A_271, %parallel_loop3A_273 : vector<16xi32>
        %parallel_loop3A_275 = tpu.vector_load_idx %arg6[%parallel_loop3A_274] : memref<16384xi32, #tpu.memory_space<vmem>>[vector<16xi32>], vector<16xi32>,
        %parallel_loop3A_276 = arith.constant 0 : i32
        %parallel_loop3A_277 = vector.broadcast %parallel_loop3A_276 : i32 to vector<16xi32>
        %parallel_loop3A_278 = arith.cmpi sge, %parallel_loop3A_275, %parallel_loop3A_277 : vector<16xi32>
        %parallel_loop3A_279 = arith.constant 2147483647 : i32
        %parallel_loop3A_280 = vector.broadcast %parallel_loop3A_279 : i32 to vector<16xi32>
        %parallel_loop3A_281 = arith.xori %parallel_loop3A_275, %parallel_loop3A_280 : vector<16xi32>
        %parallel_loop3A_282 = arith.select %parallel_loop3A_278, %parallel_loop3A_275, %parallel_loop3A_281 : vector<16xi1>, vector<16xi32>
        %parallel_loop3A_283 = vector.bitcast %parallel_loop3A_282 : vector<16xi32> to vector<16xf32>
        %parallel_loop3A_284 = arith.select %parallel_loop3A_268, %parallel_loop3A_283, %bitcast3A : vector<16xi1>, vector<16xf32>
        %parallel_loop3A_285 = arith.constant 16384 : i32
        %parallel_loop3A_286 = vector.broadcast %parallel_loop3A_285 : i32 to vector<16xi32>
        %parallel_loop3A_287 = arith.cmpi slt, %parallel_loop3A_255, %parallel_loop3A_286 : vector<16xi32>
        %parallel_loop3A_288 = arith.constant 16383 : i32
        %parallel_loop3A_289 = vector.broadcast %parallel_loop3A_288 : i32 to vector<16xi32>
        %parallel_loop3A_290 = arith.minsi %parallel_loop3A_255, %parallel_loop3A_289 : vector<16xi32>
        %parallel_loop3A_291 = tpu.vector_load_idx %arg8[%parallel_loop3A_290] : memref<16384xi32, #tpu.memory_space<vmem>>[vector<16xi32>], vector<16xi32>,
        %parallel_loop3A_292 = arith.constant 0 : i32
        %parallel_loop3A_293 = vector.broadcast %parallel_loop3A_292 : i32 to vector<16xi32>
        %parallel_loop3A_294 = arith.cmpi sge, %parallel_loop3A_291, %parallel_loop3A_293 : vector<16xi32>
        %parallel_loop3A_295 = arith.constant 2147483647 : i32
        %parallel_loop3A_296 = vector.broadcast %parallel_loop3A_295 : i32 to vector<16xi32>
        %parallel_loop3A_297 = arith.xori %parallel_loop3A_291, %parallel_loop3A_296 : vector<16xi32>
        %parallel_loop3A_298 = arith.select %parallel_loop3A_294, %parallel_loop3A_291, %parallel_loop3A_297 : vector<16xi1>, vector<16xi32>
        %parallel_loop3A_299 = vector.bitcast %parallel_loop3A_298 : vector<16xi32> to vector<16xf32>
        %parallel_loop3A_300 = arith.select %parallel_loop3A_287, %parallel_loop3A_299, %bitcast3A : vector<16xi1>, vector<16xf32>
        %parallel_loop3A_301 = arith.minimumf %parallel_loop3A_284, %parallel_loop3A_300 : vector<16xf32>
        %parallel_loop3A_302 = arith.constant 1 : i32
        %parallel_loop3A_303 = vector.broadcast %parallel_loop3A_302 : i32 to vector<16xi32>
        %parallel_loop3A_304 = arith.addi %parallel_loop3A_247, %parallel_loop3A_303 : vector<16xi32>
        %parallel_loop3A_305 = arith.subi %parallel_loop3A_304, %parallel_loop3A_255 : vector<16xi32>
        %parallel_loop3A_306 = arith.sitofp %parallel_loop3A_305 : vector<16xi32> to vector<16xf32>
        %parallel_loop3A_307 = vector.broadcast %parallel_loop3A_203 : f32 to vector<16xf32>
        %parallel_loop3A_308 = arith.mulf %parallel_loop3A_306, %parallel_loop3A_307 : vector<16xf32>
        %parallel_loop3A_309 = arith.mulf %parallel_loop3A_308, %parallel_loop3A_308 : vector<16xf32>
        %parallel_loop3A_310 = arith.constant 0 : i32
        %parallel_loop3A_311 = vector.broadcast %parallel_loop3A_310 : i32 to vector<16xi32>
        %parallel_loop3A_312 = arith.cmpi sge, %parallel_loop3A_265, %parallel_loop3A_311 : vector<16xi32>
        %parallel_loop3A_313 = arith.constant 2147483647 : i32
        %parallel_loop3A_314 = vector.broadcast %parallel_loop3A_313 : i32 to vector<16xi32>
        %parallel_loop3A_315 = arith.xori %parallel_loop3A_265, %parallel_loop3A_314 : vector<16xi32>
        %parallel_loop3A_316 = arith.select %parallel_loop3A_312, %parallel_loop3A_265, %parallel_loop3A_315 : vector<16xi1>, vector<16xi32>
        %parallel_loop3A_317 = vector.bitcast %parallel_loop3A_316 : vector<16xi32> to vector<16xf32>
        %parallel_loop3A_318 = arith.subf %parallel_loop3A_301, %parallel_loop3A_317 : vector<16xf32>
        %parallel_loop3A_319 = arith.mulf %parallel_loop3A_309, %parallel_loop3A_318 : vector<16xf32>
        %parallel_loop3A_320 = arith.addf %parallel_loop3A_242, %parallel_loop3A_319 : vector<16xf32>
        scf.yield %parallel_loop3A_320, %parallel_loop3A_261 : vector<16xf32>, vector<16xi32>
      } {sc.loop_unroll_factor = 4 : i64, sc.parallel_access}
      %reduce_sum3A = arith.constant true
      %reduce_sum3A_205 = vector.broadcast %reduce_sum3A : i1 to vector<16xi1>
      %reduce_sum3A_206 = tpu.scan <sum>, %parallel_loop3A_204#0 masked %reduce_sum3A_205 : vector<16xf32>, vector<16xi1> -> vector<16xf32>
      %reduce_sum3A_207 = vector.extract %reduce_sum3A_206[15] : f32 from vector<16xf32>
      %broadcast_in_dim3A_208 = vector.broadcast %reduce_sum3A_207 : f32 to vector<16xf32>
      %bitcast3A_209 = vector.bitcast %broadcast_in_dim3A_208 : vector<16xf32> to vector<16xi32>
      %broadcast_in_dim3A_210 = arith.constant 1 : i32
      %broadcast_in_dim3A_211 = vector.broadcast %broadcast_in_dim3A_210 : i32 to vector<16xi32>
      %shift_right_logical3A = arith.shrui %bitcast3A_209, %broadcast_in_dim3A_211 : vector<16xi32>
      %add3A_212 = arith.constant 532487669 : i32
      %add3A_213 = vector.broadcast %add3A_212 : i32 to vector<16xi32>
      %add3A_214 = arith.addi %shift_right_logical3A, %add3A_213 : vector<16xi32>
      %bitcast3A_215 = vector.bitcast %add3A_214 : vector<16xi32> to vector<16xf32>
      %div3A = arith.divf %broadcast_in_dim3A_208, %bitcast3A_215 : vector<16xf32>
      %add3A_216 = arith.addf %bitcast3A_215, %div3A : vector<16xf32>
      %mul3A_217 = arith.constant 5.000000e-01 : f32
      %mul3A_218 = vector.broadcast %mul3A_217 : f32 to vector<16xf32>
      %mul3A_219 = arith.mulf %mul3A_218, %add3A_216 : vector<16xf32>
      %div3A_220 = arith.divf %broadcast_in_dim3A_208, %mul3A_219 : vector<16xf32>
      %add3A_221 = arith.addf %mul3A_219, %div3A_220 : vector<16xf32>
      %mul3A_222 = arith.constant 5.000000e-01 : f32
      %mul3A_223 = vector.broadcast %mul3A_222 : f32 to vector<16xf32>
      %mul3A_224 = arith.mulf %mul3A_223, %add3A_221 : vector<16xf32>
      %div3A_225 = arith.divf %broadcast_in_dim3A_208, %mul3A_224 : vector<16xf32>
      %add3A_226 = arith.addf %mul3A_224, %div3A_225 : vector<16xf32>
      %mul3A_227 = arith.constant 5.000000e-01 : f32
      %mul3A_228 = vector.broadcast %mul3A_227 : f32 to vector<16xf32>
      %mul3A_229 = arith.mulf %mul3A_228, %add3A_226 : vector<16xf32>
      %div3A_230 = arith.divf %broadcast_in_dim3A_208, %mul3A_229 : vector<16xf32>
      %add3A_231 = arith.addf %mul3A_229, %div3A_230 : vector<16xf32>
      %mul3A_232 = arith.constant 5.000000e-01 : f32
      %mul3A_233 = vector.broadcast %mul3A_232 : f32 to vector<16xf32>
      %mul3A_234 = arith.mulf %mul3A_233, %add3A_231 : vector<16xf32>
      %gt3A = arith.constant 0.000000e+00 : f32
      %gt3A_235 = vector.broadcast %gt3A : f32 to vector<16xf32>
      %gt3A_236 = arith.cmpf ogt, %broadcast_in_dim3A_208, %gt3A_235 : vector<16xf32>
      %jit3A = arith.constant 0.000000e+00 : f32
      %broadcast_in_dim3A_237 = vector.broadcast %jit3A : f32 to vector<16xf32>
      %select_n3A_238 = arith.select %gt3A_236, %mul3A_234, %broadcast_in_dim3A_237 : vector<16xi1>, vector<16xf32>
      %swap3A = arith.constant 0 : index
      %swap3A_239 = tpu.vector_load %arg13[%swap3A] {strides = array<i32>} : memref<16xf32, #tpu.memory_space<vmem>>, vector<16xf32>,
      tpu.vector_store %arg13[%swap3A], %select_n3A_238 {strides = array<i32>} : memref<16xf32, #tpu.memory_space<vmem>>, vector<16xf32>,
      "tpu.region"() ({
        %run_scoped3A = tpu.sem_alloc : memref<!tpu.dma_semaphore, #tpu.memory_space<semaphore_mem>>
        %dma_start3A = arith.constant 0 : i32
        %dma_start3A_241 = tpu.memref_slice %arg4[%add3A_12, %dma_start3A] : memref<64x16xf32, #tpu.memory_space<hbm>> -> memref<1x16xf32, #tpu.memory_space<hbm>>
        %dma_start3A_242 = tpu.memref_squeeze %dma_start3A_241 : memref<1x16xf32, #tpu.memory_space<hbm>> -> memref<16xf32, #tpu.memory_space<hbm>>
        %dma_start3A_243 = arith.constant 0 : i32
        %dma_start3A_244 = tpu.memref_slice %arg4[%add3A_12, %dma_start3A_243] : memref<64x16xf32, #tpu.memory_space<hbm>> -> memref<1x16xf32, #tpu.memory_space<hbm>>
        %dma_start3A_245 = tpu.memref_squeeze %dma_start3A_244 : memref<1x16xf32, #tpu.memory_space<hbm>> -> memref<16xf32, #tpu.memory_space<hbm>>
        tpu.enqueue_dma source(%arg13 : memref<16xf32, #tpu.memory_space<vmem>>) target(%dma_start3A_245 : memref<16xf32, #tpu.memory_space<hbm>>) target_semaphore(%run_scoped3A : memref<!tpu.dma_semaphore, #tpu.memory_space<semaphore_mem>>)
        %dma_wait3A = arith.constant 0 : i32
        %dma_wait3A_246 = tpu.memref_slice %arg4[%add3A_12, %dma_wait3A] : memref<64x16xf32, #tpu.memory_space<hbm>> -> memref<1x16xf32, #tpu.memory_space<hbm>>
        %dma_wait3A_247 = tpu.memref_squeeze %dma_wait3A_246 : memref<1x16xf32, #tpu.memory_space<hbm>> -> memref<16xf32, #tpu.memory_space<hbm>>
        %dma_wait3A_248 = arith.constant 0 : i32
        %dma_wait3A_249 = tpu.memref_slice %arg4[%add3A_12, %dma_wait3A_248] : memref<64x16xf32, #tpu.memory_space<hbm>> -> memref<1x16xf32, #tpu.memory_space<hbm>>
        %dma_wait3A_250 = tpu.memref_squeeze %dma_wait3A_249 : memref<1x16xf32, #tpu.memory_space<hbm>> -> memref<16xf32, #tpu.memory_space<hbm>>
        tpu.wait_dma2 semaphore(%run_scoped3A : memref<!tpu.dma_semaphore, #tpu.memory_space<semaphore_mem>>) src(%arg13 : memref<16xf32, #tpu.memory_space<vmem>>) dst(%dma_wait3A_250 : memref<16xf32, #tpu.memory_space<hbm>>)
        tpu.yield
      }) : () -> ()
      %scan3A_240 = arith.constant 0 : i32
      scf.yield %scan3A_240 : i32
    }
    %scan3A_7 = arith.constant 2 : i32
    return
  }
}

</mosaic_0001>

<sc_bundles>
// kernel: kernel.3.cloned.1.call-start
scs
__scs_entry_jumppad:
0x0: {  	(pc) =	sbr.rel $0x88, $3  }
0x1: {  	(tag) =	ssettag $0x0;
	lr =	simm.s32 $0x1  }
0x2: {  	[smem:$0x3F9F] =	sst lr;
	_ =	strace $0xD0000000  }
0x3: {  	_ = 	snop  }
0x4: {  	_ = 	snop  }
0x5: {  	_ = 	snop  }
0x6: {  	_ = 	snop  }
0x7: {  	_ = 	snop  }
__scs_overlays_trampoline_lowered:
0x8: {  	[smem:$0x3FAE] =	sst s0  }
0x9: {  	[smem:$0x3FAF] =	sst s1  }
0xa: {  	[smem:$0x3FB0] =	sst s2  }
0xb: {  	[smem:$0x3FB1] =	sst s3  }
0xc: {  	[smem:$0x3FB2] =	sst s4  }
0xd: {  	[smem:$0x3FB3] =	sst s5  }
0xe: {  	[smem:$0x3FB4] =	sst s6  }
0xf: {  	[smem:$0x3FB5] =	sst s7  }
0x10: {  	[smem:$0x3FB6] =	sst s8  }
0x11: {  	[smem:$0x3FB7] =	sst s9;
	s0 =	simm.s32 @!p0 $0x0  }
0x12: {  	s1 =	sld [smem:$0x3F9D];
	s0 =	simm.s32 @p0 $0x1  }
0x13: {  	[smem:$0x3FB8] =	sst s0;
	s0 =	simm.s32 @!p1 $0x0  }
0x14: {  	s2 =	sld [smem:$0x3F9C];
	s0 =	simm.s32 @p1 $0x1  }
0x15: {  	[smem:$0x3FB9] =	sst s0;
	s0 =	simm.s32 @!p2 $0x0  }
0x16: {  	s3 =	sld [smem:$0x3FDB];
	s0 =	simm.s32 @p2 $0x1  }
0x17: {  	s4 =	simm.s32 $0x1BF5;
	[smem:$0x3FBB] =	sst s0  }
0x18: {  	s0 =	sld [smem:$0x3F9E];
	_ =	swait.ge [sflag:s4], $0x0  }
0x19: {  	s7 =	sld [smem:$0x3F9F]  }
0x1a: {  	s8 =	sadd.s32 $0xFFFFE003, lr  }
0x1b: {  	s9 =	sadd.s32 $0xFFFFFEF7, lr;
	s5 =	simm.s32 $0xFFFFFFFF;
	p2 =	slt.u32 s8, $0xFFFFF086  }
0x1c: {  	p1 =	slt.u32 s9, $0xF7A;
	s5 =	simm.s32 @!p2 $0x0  }
0x1d: {  	s5 =	simm.s32 @p1 $0x1;
	p0 =	seq.s32 s7, s2  }
0x1e: {  	s7 =	smul.u32 @!p0 $0xF7A, s2;
	p2 =	seq.s32 @!p0 s5, $0x0  }
0x1f: {  	s9 =	smul.u32 $0xF7A, s1;
	s8 =	simm.s32 @!p0 $0x1BF5;
	p2 =	por !p2, p0  }
0x20: {  	[sflag:s8] =	ssyncset.s32 @!p0 $0xFFFFF086;
	s6 =	sadd.s32 @!p0 s3, s7;
	s7 =	simm.s32 @!p0 $0x108  }
0x21: {  	s3 =	sadd.s32 s3, s9;
	s6 =	sadd.s32 @!p0 $0x88, s6;
	s7 =	simm.s32 @p2 $0x1082  }
0x22: {  	[simem:s7], [sflag:s8] =	dma.local @!p0 [hbm:s6], $0xF7A  }
0x23: {  	s9 =	sor.u32 $0xD0000000, s2;
	s6 =	simm.s32 $0x108;
	_ =	swait.ge @!p0 [sflag:s8], $0x0  }
0x24: {  	s3 =	sadd.s32 $0x88, s3;
	s6 =	simm.s32 @!p1 $0x1082;
	[sflag:s4] =	ssyncset.s32 $0xFFFFF086  }
0x25: {  	[simem:s6], [sflag:s4] =	dma.local [hbm:s3], $0xF7A  }
0x26: {  	[smem:$0x3F9F] =	sst s1;
	(tag) =	ssettag s2;
	_ =	strace s9  }
0x27: {  	s1 =	sld [smem:$0x3FAF]  }
0x28: {  	s2 =	sld [smem:$0x3FB0]  }
0x29: {  	s4 =	sld [smem:$0x3FB2]  }
0x2a: {  	p0 =	seq.s32 s5, $0x0;
	s5 =	sld [smem:$0x3FB3]  }
0x2b: {  	s6 =	sld [smem:$0x3FB4]  }
0x2c: {  	s7 =	sld [smem:$0x3FB5]  }
0x2d: {  	s3 =	simm.s32 $0x108;
	s8 =	sld [smem:$0x3FB6]  }
0x2e: {  	s3 =	simm.s32 @!p0 $0x1082;
	s9 =	sld [smem:$0x3FB7]  }
0x2f: {  	lr =	sadd.s32 s0, s3;
	s0 =	sld [smem:$0x3FAE]  }
0x30: {  	s3 =	sld [smem:$0x3FB1]  }
0x31: {  	[smem:$0x3FBA] =	sst s10  }
0x32: {  	s10 =	sld [smem:$0x3FB8];
	_ =	sdelay $0x3  }
0x33: {  	p0 =	seq.s32 s10, $0x1;
	s10 =	sld [smem:$0x3FBA];
	_ =	sdelay $0x3  }
0x34: {  	[smem:$0x3FBA] =	sst s10  }
0x35: {  	s10 =	sld [smem:$0x3FB9];
	_ =	sdelay $0x3  }
0x36: {  	p1 =	seq.s32 s10, $0x1;
	s10 =	sld [smem:$0x3FBA];
	_ =	sdelay $0x3  }
0x37: {  	[smem:$0x3FBA] =	sst s10  }
0x38: {  	s10 =	sld [smem:$0x3FBB]  }
0x39: {  	_ = 	snop;
	(pc) =	sbr.ind lr, $3  }
0x3a: {  	_ = 	snop  }
0x3b: {  	_ = 	snop  }
0x3c: {  	p2 =	seq.s32 s10, $0x1;
	s10 =	sld [smem:$0x3FBA]  }
0x3d: {  	_ =	shalt  }
0x3e: {  	_ =	shalt  }
0x3f: {  	_ =	shalt  }
0x40: {  	_ =	shalt  }
0x41: {  	_ =	shalt  }
0x42: {  	_ =	shalt  }
0x43: {  	_ =	shalt  }
0x44: {  	_ =	shalt  }
0x45: {  	_ =	shalt  }
0x46: {  	_ =	shalt  }
0x47: {  	_ =	shalt  }
0x48: {  	_ =	shalt  }
0x49: {  	_ =	shalt  }
0x4a: {  	_ =	shalt  }
0x4b: {  	_ =	shalt  }
0x4c: {  	_ =	shalt  }
0x4d: {  	_ =	shalt  }
0x4e: {  	_ =	shalt  }
0x4f: {  	_ =	shalt  }
0x50: {  	_ =	shalt  }
0x51: {  	_ =	shalt  }
0x52: {  	_ =	shalt  }
0x53: {  	_ =	shalt  }
0x54: {  	_ =	shalt  }
0x55: {  	_ =	shalt  }
0x56: {  	_ =	shalt  }
0x57: {  	_ =	shalt  }
0x58: {  	_ =	shalt  }
0x59: {  	_ =	shalt  }
0x5a: {  	_ =	shalt  }
0x5b: {  	_ =	shalt  }
0x5c: {  	_ =	shalt  }
0x5d: {  	_ =	shalt  }
0x5e: {  	_ =	shalt  }
0x5f: {  	_ =	shalt  }
0x60: {  	_ =	shalt  }
0x61: {  	_ =	shalt  }
0x62: {  	_ =	shalt  }
0x63: {  	_ =	shalt  }
0x64: {  	_ =	shalt  }
0x65: {  	_ =	shalt  }
0x66: {  	_ =	shalt  }
0x67: {  	_ =	shalt  }
0x68: {  	_ =	shalt  }
0x69: {  	_ =	shalt  }
0x6a: {  	_ =	shalt  }
0x6b: {  	_ =	shalt  }
0x6c: {  	_ =	shalt  }
0x6d: {  	_ =	shalt  }
0x6e: {  	_ =	shalt  }
0x6f: {  	_ =	shalt  }
0x70: {  	_ =	shalt  }
0x71: {  	_ =	shalt  }
0x72: {  	_ =	shalt  }
0x73: {  	_ =	shalt  }
0x74: {  	_ =	shalt  }
0x75: {  	_ =	shalt  }
0x76: {  	_ =	shalt  }
0x77: {  	_ =	shalt  }
0x78: {  	_ =	shalt  }
0x79: {  	_ =	shalt  }
0x7a: {  	_ =	shalt  }
0x7b: {  	_ =	shalt  }
0x7c: {  	_ =	shalt  }
0x7d: {  	_ =	shalt  }
0x7e: {  	_ =	shalt  }
0x7f: {  	_ =	shalt  }
0x80: {  	_ =	shalt  }
0x81: {  	_ =	shalt  }
0x82: {  	_ =	shalt  }
0x83: {  	_ =	shalt  }
0x84: {  	_ =	shalt  }
0x85: {  	_ =	shalt  }
0x86: {  	_ =	shalt  }
0x87: {  	_ =	shalt  }
.Lfunc_end0:
.L_simem_size_0:
called_computation_lowered:
.L_overlay_start_0:
0x88: {  	s2 =	sld [smem:$0x3FD9]  }
0x89: {  	s3 =	sld [smem:$0x3FFE];
	_ =	sdelay $0x1  }
0x8a: {  	s1 =	srdreg.scid  }
0x8b: {  	s0 =	sand.u32 $0x1, s1  }
0x8c: {  	s16 =	sshll.u32 s0, $0xA;
	s2 =	sadd.s32 s3, s2  }
0x8d: {  	s2 =	sadd.s32 s2, s16  }
0x8e: {  	[smem:$0x3FC6] =	sst s2  }
0x8f: {  	_ = 	snop  }
0x90: {  	(tm) =	ssettm $0x1  }
0x91: {  	s17 =	sld [smem:$0x3FFB];
	_ =	sdelay $0x3  }
0x92: {  	_ =	strace s17  }
0x93: {  	s2 =	sld [smem:$0x3FFC];
	_ =	sdelay $0x3  }
0x94: {  	_ =	strace s2  }
0x95: {  	s2 =	sld [smem:$0x3FFD];
	_ =	sdelay $0x3  }
0x96: {  	_ =	strace s2  }
0x97: {  	_ =	strace $0x8FFFFFFF  }
0x98: {  	s18 =	sld [smem:$0x3FDB];
	_ =	sdelay $0x1  }
0x99: {  	s19 =	simm.s32 $_scs_section_size  }
0x9a: {  	s4 =	simm.s32 $_size__tile_overlayer_lowered;
	s5 =	simm.s32 $_tile_overlayer_lowered  }
0x9b: {  	s22 =	simm.s32 $0x1BFF;
	s21 =	sshll.u32 s5, $0x1;
	s2 =	sadd.s32 s19, s18  }
0x9c: {  	s6 =	simm.s32 $0x0;
	s20 =	sshll.u32 s4, $0x1;
	s4 =	sadd.s32 s21, s2  }
0x9d: {  	[timem:s6], [sflag:s22] =	dma.local [hbm:s4], s20  }
0x9e: {  	_ =	swait.ge [sflag:s22], s20  }
0x9f: {  	s3 =	ssub.s32 $0x0, s20;
	[sflag:s22] =	ssyncset.done $0x0  }
0xa0: {  	[sflag:s22] =	ssyncadd.s32 s3;
	_ =	sdelay $0x1  }
0xa1: {  	s23 =	simm.s32 $0x1B8B  }
0xa2: {  	_ =	swait.ge [sflag:s23], $0x1  }
0xa3: {  	[sflag:s23] =	ssyncset.done $0x0  }
0xa4: {  	s25 =	simm.s32 $0x1B8E;
	s24 =	sld [smem:$0x3FFE];
	[sflag:s23] =	ssyncadd.s32 $0xFFFFFFFF  }
0xa5: {  	s26 =	simm.s32 $execute0_lowered;
	[smem:$0x3FD2] =	sst s25  }
0xa6: {  	s4 =	sshll.u32 s26, $0x1;
	_ =	strace $0x80000046;
	[dreg:$0x1] =	wrdreg $0xFFFFFFFF  }
0xa7: {  	s28 =	simm.s32 $_size_execute0_lowered;
	s2 =	sadd.s32 s2, s4;
	[dreg:$0x0] =	wrdreg $0x0  }
0xa8: {  	s4 =	sshll.u32 s28, $0x1;
	[dreg:$0x2] =	wrdreg s2  }
0xa9: {  	[dreg:$0x3] =	wrdreg s4  }
0xaa: {  	[dreg:$0x4] =	wrdreg $0xC0  }
0xab: {  	_ =	task [dreg:s6], $0x5FFFF  }
0xac: {  	[dreg:$0x1] =	wrdreg $0xFFFFFFFF  }
0xad: {  	[dreg:$0x0] =	wrdreg $0x60  }
0xae: {  	[dreg:$0x2] =	wrdreg s24  }
0xaf: {  	[dreg:$0x3] =	wrdreg $0x9  }
0xb0: {  	_ =	task.clear_ibuf [dreg:s6], $0x4FFFF;
	_ =	strace $0x90000046  }
0xb1: {  	s29 =	simm.s32 $0x9;
	_ =	strace $0x80000048  }
0xb2: {  	_ =	swait.ge [sflag:s29], $0x1  }
0xb3: {  	[sflag:s29] =	ssyncadd.s32 $0xFFFFFFFF  }
0xb4: {  	_ =	strace $0x90000048  }
0xb5: {  	_ =	sfence  }
0xb6: {  	s30 =	sld [smem:$0x0];
	_ =	sdelay $0x2  }
0xb7: {  	s31 =	sshll.u32 s1, $0xD;
	s1 =	sshrl.u32 s1, $0x2  }
0xb8: {  	s3 =	sand.u32 $0x4000, s31;
	s1 =	sadd.s32 s1, s30  }
0xb9: {  	s0 =	sor.u32 s3, s0;
	s1 =	sshll.u32 s1, $0x11  }
0xba: {  	s0 =	sor.u32 s1, s0  }
0xbb: {  	s0 =	sadd.s32 $0x8F2B, s0  }
0xbc: {  	[sflag:s0] =	ssyncadd.remote.s32 $0x1  }
0xbd: {  	_ =	sfence.sel $0xFFFF  }
0xbe: {  	[dreg:$0x0] =	wrdreg $0xFFFFFFFF;
	(pc) =	sbr.abs _section_cstart, $3  }
0xbf: {  	[dreg:$0x1] =	wrdreg $0xFFFFFFFF  }
0xc0: {  	_ =	task.clear_ibuf [dreg:s6], $0x2FFFF;
	_ =	strace $0x9FFFFFFF  }
0xc1: {  	(tm) =	ssettm $0x7FFFFFFF  }
tec
execute0_lowered:
.L_overlay_start_1:
0x0: {  	(tag) =	ssettag $0x1  }
0x1: {  	s4 =	rddreg [dreg:$0x0]  }
0x2: {  	s0 =	rddreg [dreg:$0x1]  }
0x3: {  	s1 =	simm.s32 $0x0;
	s2 =	srdreg.scid;
	v0 =	vimm.s32 $0xFFEDCBA9;
	v2 =	vimm.s32 $0xEDCBA987;
	s11 =	simm.s32 $0x400  }
0x4: {  	v1 =	vimm.s32 $0x87654321;
	v3 =	vimm.s32 $0x65432100;
	s12 =	simm.s32 $0x1;
	s13 =	simm.s32 $0x8000;
	s14 =	simm.s32 $0x10000;
	v2 =	vunpack.c.l.s4.s8 v2  }
0x5: {  	s15 =	simm.s32 $0xC000;
	s16 =	simm.s32 $0x4000;
	s17 =	simm.s32 $0x18800;
	v0 =	vunpack.c.l.s4.s8 v0;
	v1 =	vunpack.c.l.s4.s8 v1;
	v3 =	vunpack.c.l.s4.s8 v3  }
0x6: {  	s18 =	simm.s32 $0x1C880;
	s19 =	simm.s32 $0x0;
	[smem:$0x7FF] =	sst s1;
	v5 =	vunpack.c.0.s8.s32 v2  }
0x7: {  	s6 =	sand.u32 $0x1, s2;
	s2 =	sadd.s32 $0x200, s4;
	s3 =	sadd.s32 $0x20200, s4;
	v4 =	vunpack.c.0.s8.s32 v0;
	v1 =	vunpack.c.0.s8.s32 v1;
	v3 =	vunpack.c.0.s8.s32 v3  }
0x8: {  	s5 =	sadd.s32 $0x40200, s4;
	s4 =	stileid.u32;
	_ =	strace $0x80000047;
	v5 =	vand.u32 $0xF, v5  }
0x9: {  	s7 =	ssub.s32 $0x2, s6;
	s9 =	sshll.u32 s4, $0x9;
	s31 =	sshrl.u32 s4, $0x1;
	v4 =	vcombine.low v1, v4;
	v53 =	vcombine.low v3, v5  }
0xa: {  	s10 =	sshll.u32 s6, $0x8;
	s8 =	sshrl.u32 s7, $0x1;
	s6 =	sshll.u32 s31, $0x11  }
0xb: {  	s9 =	sand.u32 $0x200, s9;
	s8 =	ssub.s32 s7, s8;
	s7 =	sshll.u32 s31, $0xA;
	v54 =	vand.u32 $0xF, v4;
	[tilespmem:$0x1FFE0] =	vst v53  }
0xc: {  	vm0 =	vcmask $0x3F3C;
	v0 =	vimm.s32 $0x0;
	s9 =	sor.u32 s10, s9;
	s10 =	simm.s32 $0x80;
	s8 =	smax.u32 s8, $0x1;
	v1 =	vimm.s32 $0x1;
	[tilespmem:$0x1FFF0] =	vst v54  }
.LBB2_1:
0xd: {  	p1 =	por $0x1, $0x1;
	s20 =	simm.s32 $0x0  }
.LBB2_2:
0xe: {  	s20 =	sor.u32 s9, s20  }
0xf: {  	s21 =	sor.u32 s6, s20  }
0x10: {  	s21 =	sshrl.u32 s21, $0x3  }
0x11: {  	s22 =	sadd.s32 s2, s21  }
0x12: {  	[tilespmem:s1], [sflag:$0x1] =	stream.strided.gather [hbm4b:s22+s10], $0x4000, s11, s10, $0x38;
	[tilespmem:$0x1C900] =	vst v63  }
0x13: {  	_ =	swait.ge [sflag:s12], $0x4000  }
0x14: {  	[sflag:s12] =	ssyncset.done $0x0  }
0x15: {  	s21 =	sadd.s32 s3, s21;
	[sflag:s12] =	ssyncadd.s32 $0xFFFFC000  }
0x16: {  	[tilespmem:s13], [sflag:$0x1] =	stream.strided.gather [hbm4b:s21+s10], $0x4000, s11, s10, $0x38;
	[tilespmem:$0x1C900] =	vst v63  }
0x17: {  	_ =	swait.ge [sflag:s12], $0x4000  }
0x18: {  	[sflag:s12] =	ssyncset.done $0x0  }
0x19: {  	s22 =	simm.s32 $0x10020;
	[sflag:s12] =	ssyncadd.s32 $0xFFFFC000  }
0x1a: {  	[tilespmem:s22+$0xFFFFFFE0] =	vst v0  }
0x1b: {  	[tilespmem:s22+$0x10] =	vst v0  }
0x1c: {  	p0 =	por p1, p1;
	s24 =	simm.s32 $0x0;
	s23 =	simm.s32 $0x8020;
	[tilespmem:s22+$0x0] =	vst v0  }
.LBB2_3:
0x1d: {  	s24 =	sadd.s32 $0x4, s24  }
0x1e: {  	[tilespmem:s22+$0xFFFFFFF0] =	vst v0;
	s22 =	sadd.s32 $0x40, s22;
	s21 =	simm.s32 $0x10820;
	p1 =	slt.u32 s24, $0x7C  }
.Ltmp0:
0x1f: {  	[tilespmem:s22+$0xFFFFFFE0] =	vst v0;
	(pc) =	sbr.rel @p1 .LBB2_3-.Ltmp0, $3  }
0x20: {  	_ =	sdelay $0x1  }
0x21: {  	[tilespmem:s22+$0x10] =	vst v0  }
0x22: {  	[tilespmem:s22+$0x0] =	vst v0  }
0x23: {  	[tilespmem:s22+$0xFFFFFFF0] =	vst v0  }
0x24: {  	v5 =	vld [tilespmem:s23+$0xFFFFFFF0]  }
0x25: {  	v6 =	vld [tilespmem:s23+$0xFFFFFFE0];
	_ =	sdelay $0x1  }
0x26: {  	v7 =	vld [tilespmem:s23+$0x10];
	_ =	sdelay $0x1  }
0x27: {  	v8 =	vshra.s32 v5, $0x1F  }
0x28: {  	v11 =	vxor.u32 v5, v8;
	v5 =	vshra.s32 v6, $0x1F  }
0x29: {  	v9 =	vld [tilespmem:s23+$0x0];
	v12 =	vxor.u32 v6, v5;
	v14 =	vand.u32 $0x7FF, v11  }
0x2a: {  	v8 =	vshra.s32 v7, $0x1F;
	v18 =	vand.u32 $0x7FF, v12;
	(xrf1) =	vunique.msk.u32 $0xffff, v14  }
0x2b: {  	v17 =	vxor.u32 v7, v8;
	(xrf1) =	vunique.msk.u32 $0xffff, v18  }
0x2c: {  	v19 =	vand.u32 $0x7FF, v17  }
0x2d: {  	(xrf1) =	vunique.msk.u32 $0xffff, v19  }
0x2e: {  	s30 =	simm.s32 $0x8060;
	v5 =	vshra.s32 v9, $0x1F  }
0x2f: {  	v20 =	vxor.u32 v9, v5;
	v5 =	vld [tilespmem:s30+$0xFFFFFFF0]  }
0x30: {  	v9 =	vld [tilespmem:s30+$0xFFFFFFE0];
	v24 =	vand.u32 $0x7FF, v20  }
0x31: {  	v6 =	vld [tilespmem:s30+$0x10];
	(xrf1) =	vunique.msk.u32 $0xffff, v24  }
0x32: {  	s31 =	simm.s32 $0x80A0  }
0x33: {  	v22 =	vld [tilespmem:s31+$0xFFFFFFF0]  }
0x34: {  	v16 =	vld [tilespmem:s30+$0x0];
	v7 =	vshra.s32 v5, $0x1F  }
0x35: {  	v13 =	vshra.s32 v9, $0x1F;
	v7 =	vxor.u32 v5, v7  }
0x36: {  	v5 =	vshra.s32 v6, $0x1F;
	v15 =	vxor.u32 v9, v13;
	v8 =	vand.u32 $0x7FF, v7  }
0x37: {  	v10 =	vxor.u32 v6, v5;
	v13 =	vand.u32 $0x7FF, v15;
	(xrf1) =	vunique.msk.u32 $0xffff, v8  }
0x38: {  	v63 =	vshra.s32 v22, $0x1F;
	v11 =	vor.u32 $0xFFFFF800, v11;
	v9 =	vand.u32 $0x7FF, v10;
	_, v21, vm1 =	vpop (xrf1);
	(xrf1) =	vunique.msk.u32 $0xffff, v13  }
0x39: {  	v12 =	vor.u32 $0xFFFFF800, v12;
	v25 =	vor.u32 $0xFFFFF800, v20;
	v5 =	vshra.s32 v16, $0x1F;
	_, v20, vm2 =	vpop (xrf1);
	(xrf1) =	vunique.msk.u32 $0xffff, v9  }
0x3a: {  	v28 =	vld [tilespmem:s31+$0xFFFFFFE0];
	v17 =	vor.u32 $0xFFFFF800, v17;
	v6 =	vxor.u32 v16, v5;
	v16 =	vimm.s32 $0x0  }
0x3b: {  	v26 =	vld [tilespmem:s31+$0x10];
	v5 =	vand.u32 $0x7FF, v6;
	v31 =	vshll.u32 v21, $0xB;
	v32 =	vsel vm1, $0x8000, v16;
	_, v27, vm3 =	vpop (xrf1)  }
0x3c: {  	v23 =	vshll.u32 v20, $0xB;
	v11 =	vadd.s32 v11, v31;
	v29 =	vshll.u32 v27, $0xB  }
0x3d: {  	v62 =	vld [tilespmem:s31+$0x0];
	(xrf1) =	vunique.msk.u32 $0xffff, v5;
	v12 =	vadd.s32 v12, v23;
	v23 =	vsel vm2, $0x8000, v16;
	v17 =	vadd.s32 v17, v29  }
0x3e: {  	v30 =	vsel vm3, $0x8000, v16;
	v12 =	vor.u32 v23, v12;
	v23 =	vor.u32 v32, v11;
	[tilespmem:v14+s14+$0x0] =	vst.idx.add.s32.msk vm1, v21  }
0x3f: {  	_, v33, vm4 =	vpop (xrf1);
	v11 =	vshra.s32 v28, $0x1F;
	v30 =	vor.u32 v30, v17;
	v14 =	vxor.u32 v22, v63;
	[tilespmem:v18+s14+$0x0] =	vst.idx.add.s32.msk vm2, v20  }
0x40: {  	v17 =	vshra.s32 v26, $0x1F;
	v20 =	vxor.u32 v28, v11;
	[tilespmem:s21+$0xFFFFFFE0] =	vst v12;
	v12 =	vand.u32 $0x7FF, v14  }
0x41: {  	v22 =	vshll.u32 v33, $0xB;
	v18 =	vxor.u32 v26, v17;
	v17 =	vand.u32 $0x7FF, v20;
	(xrf1) =	vunique.msk.u32 $0xffff, v12  }
0x42: {  	v11 =	vand.u32 $0x7FF, v18;
	(xrf1) =	vunique.msk.u32 $0xffff, v17  }
0x43: {  	[tilespmem:v19+s14+$0x0] =	vst.idx.add.s32.msk vm3, v27;
	v19 =	vshra.s32 v62, $0x1F;
	(xrf1) =	vunique.msk.u32 $0xffff, v11  }
0x44: {  	v26 =	vsel vm4, $0x8000, v16;
	v25 =	vadd.s32 v25, v22;
	v21 =	vxor.u32 v62, v19;
	[tilespmem:s21+$0x10] =	vst v30  }
0x45: {  	s24 =	simm.s32 $0x80E0;
	s22 =	simm.s32 $0x10820;
	s23 =	simm.s32 $0x8;
	[tilespmem:v24+s14+$0x0] =	vst.idx.add.s32.msk vm4, v33;
	v24 =	vor.u32 v26, v25;
	v19 =	vand.u32 $0x7FF, v21;
	_, v22, vm1 =	vpop (xrf1)  }
.LBB2_5:
0x46: {  	v25 =	vld [tilespmem:s24+$0xFFFFFFF0];
	s23 =	sadd.s32 $0x4, s23;
	v26 =	vor.u32 $0xFFFFF800, v6;
	_, v27, vm3 =	vpop (xrf1);
	[tilespmem:s21+$0xFFFFFFF0] =	vst v23;
	s22 =	sadd.s32 $0x40, s22;
	v6 =	vmov v21  }
0x47: {  	v28 =	vor.u32 $0xFFFFF800, v15;
	v29 =	vor.u32 $0xFFFFF800, v7;
	v21 =	vld [tilespmem:s24+$0x10];
	p1 =	slt.u32 s23, $0x3FC;
	v23 =	vshll.u32 v27, $0xB;
	_, v30, vm2 =	vpop (xrf1);
	[tilespmem:s21+$0x0] =	vst v24;
	s21 =	smov.u32 s22  }
0x48: {  	v3 =	vor.u32 $0xFFFFF800, v10;
	v7 =	vmovc v14;
	v10 =	vmovc v18;
	v24 =	vld [tilespmem:s24+$0xFFFFFFE0];
	v2 =	vshll.u32 v30, $0xB;
	v32 =	vsel vm2, $0x8000, v16  }
0x49: {  	v14 =	vshll.u32 v22, $0xB;
	v18 =	vsel vm1, $0x8000, v16;
	v15 =	vmovc v20;
	v33 =	vld [tilespmem:s24+$0x0];
	(xrf1) =	vunique.msk.u32 $0xffff, v19;
	v2 =	vadd.s32 v3, v2  }
0x4a: {  	v20 =	vadd.s32 v28, v23;
	v23 =	vsel vm3, $0x8000, v16;
	v28 =	vadd.s32 v29, v14;
	v29 =	vmovc v5;
	v5 =	vmovc v19  }
0x4b: {  	v19 =	vor.u32 v23, v20;
	v14 =	vshra.s32 v25, $0x1F;
	[tilespmem:v8+s14+$0x0] =	vst.idx.add.s32.msk vm1, v22;
	v22 =	vor.u32 v32, v2;
	_, v31, vm4 =	vpop (xrf1)  }
0x4c: {  	v23 =	vor.u32 v18, v28;
	v14 =	vxor.u32 v25, v14;
	v2 =	vshra.s32 v21, $0x1F;
	[tilespmem:v13+s14+$0x0] =	vst.idx.add.s32.msk vm3, v27  }
.Ltmp1:
0x4d: {  	v8 =	vmovc v12;
	v25 =	vsel vm4, $0x8000, v16;
	v13 =	vmovc v17;
	v20 =	vshra.s32 v24, $0x1F;
	v18 =	vxor.u32 v21, v2;
	[tilespmem:s22+$0xFFFFFFE0] =	vst v19;
	(pc) =	sbr.rel @p1 .LBB2_5-.Ltmp1, $4  }
0x4e: {  	v12 =	vand.u32 $0x7FF, v14;
	v20 =	vxor.u32 v24, v20;
	[tilespmem:v9+s14+$0x0] =	vst.idx.add.s32.msk vm2, v30;
	v9 =	vmovc v11;
	v11 =	vand.u32 $0x7FF, v18  }
0x4f: {  	v19 =	vshra.s32 v33, $0x1F;
	v24 =	vshll.u32 v31, $0xB;
	v17 =	vand.u32 $0x7FF, v20;
	(xrf1) =	vunique.msk.u32 $0xffff, v12  }
0x50: {  	v21 =	vxor.u32 v33, v19;
	v24 =	vadd.s32 v26, v24;
	(xrf1) =	vunique.msk.u32 $0xffff, v17;
	[tilespmem:s22+$0x10] =	vst v22  }
0x51: {  	s24 =	sadd.s32 $0x40, s24;
	v19 =	vand.u32 $0x7FF, v21;
	v24 =	vor.u32 v25, v24;
	(xrf1) =	vunique.msk.u32 $0xffff, v11;
	_, v22, vm1 =	vpop (xrf1);
	[tilespmem:v29+s14+$0x0] =	vst.idx.add.s32.msk vm4, v31  }
0x52: {  	_ =	sdelay $0x1  }
0x53: {  	(xrf1) =	vunique.msk.u32 $0xffff, v19  }
0x54: {  	_, v25, vm3 =	vpop (xrf1)  }
0x55: {  	_, v26, vm4 =	vpop (xrf1);
	_ =	sdelay $0x2  }
0x56: {  	[tilespmem:s21+$0xFFFFFFF0] =	vst v23;
	v16 =	vimm.s32 $0x0;
	_, v60, vm5 =	vpop (xrf1)  }
0x57: {  	v15 =	vor.u32 $0xFFFFF800, v15;
	v10 =	vor.u32 $0xFFFFF800, v10;
	[tilespmem:v8+s14+$0x0] =	vst.idx.add.s32.msk vm1, v22;
	v61 =	vshll.u32 v25, $0xB  }
0x58: {  	v62 =	vsel vm3, $0x8000, v16;
	v27 =	vshll.u32 v26, $0xB;
	v15 =	vadd.s32 v15, v61;
	[tilespmem:v13+s14+$0x0] =	vst.idx.add.s32.msk vm3, v25  }
0x59: {  	s31 =	sadd.s32 $0x40, s22;
	v63 =	vsel vm4, $0x8000, v16;
	v10 =	vadd.s32 v10, v27;
	v15 =	vor.u32 v62, v15;
	[tilespmem:v9+s14+$0x0] =	vst.idx.add.s32.msk vm4, v26  }
0x5a: {  	v7 =	vor.u32 $0xFFFFF800, v7;
	v10 =	vor.u32 v63, v10;
	[tilespmem:s31+$0xFFFFFFE0] =	vst v15;
	_, v13, vm2 =	vpop (xrf1)  }
0x5b: {  	v8 =	vshll.u32 v22, $0xB;
	v6 =	vor.u32 $0xFFFFF800, v6;
	[tilespmem:s31+$0x10] =	vst v10;
	v10 =	vsel vm5, $0x8000, v16;
	_, v9, vm3 =	vpop (xrf1)  }
0x5c: {  	v7 =	vadd.s32 v7, v8;
	v8 =	vshll.u32 v60, $0xB;
	v15 =	vsel vm1, $0x8000, v16;
	[tilespmem:v5+s14+$0x0] =	vst.idx.add.s32.msk vm5, v60;
	_, v5, vm1 =	vpop (xrf1)  }
0x5d: {  	[tilespmem:s21+$0x0] =	vst v24;
	v6 =	vadd.s32 v6, v8;
	v7 =	vor.u32 v15, v7  }
0x5e: {  	[tilespmem:s31+$0xFFFFFFF0] =	vst v7;
	v6 =	vor.u32 v10, v6  }
0x5f: {  	v8 =	vor.u32 $0xFFFFF800, v20;
	[tilespmem:s31+$0x0] =	vst v6;
	v7 =	vshll.u32 v9, $0xB;
	_, v10, vm15 =	vpop (xrf1)  }
0x60: {  	v6 =	vadd.s32 v8, v7;
	v7 =	vshll.u32 v5, $0xB;
	v8 =	vor.u32 $0xFFFFF800, v18;
	[tilespmem:v12+s14+$0x0] =	vst.idx.add.s32.msk vm2, v13  }
0x61: {  	v7 =	vadd.s32 v8, v7;
	[tilespmem:v17+s14+$0x0] =	vst.idx.add.s32.msk vm3, v9;
	v9 =	vsel vm3, $0x8000, v16  }
0x62: {  	s22 =	sadd.s32 $0x40, s31;
	v8 =	vshll.u32 v13, $0xB;
	v12 =	vsel vm1, $0x8000, v16;
	v6 =	vor.u32 v9, v6;
	[tilespmem:v11+s14+$0x0] =	vst.idx.add.s32.msk vm1, v5  }
0x63: {  	v7 =	vor.u32 v12, v7;
	v9 =	vor.u32 $0xFFFFF800, v21;
	[tilespmem:s22+$0xFFFFFFE0] =	vst v6;
	v6 =	vor.u32 $0xFFFFF800, v14  }
0x64: {  	v5 =	vsel vm2, $0x8000, v16;
	[tilespmem:s22+$0x10] =	vst v7;
	v6 =	vadd.s32 v6, v8;
	v8 =	vshll.u32 v10, $0xB  }
0x65: {  	[tilespmem:v19+s14+$0x0] =	vst.idx.add.s32.msk vm15, v10;
	v5 =	vor.u32 v5, v6;
	v6 =	vsel vm15, $0x8000, v16;
	v7 =	vadd.s32 v9, v8  }
0x66: {  	v6 =	vor.u32 v6, v7;
	[tilespmem:s22+$0xFFFFFFF0] =	vst v5  }
0x67: {  	s21 =	simm.s32 $0x10020;
	[tilespmem:s22+$0x0] =	vst v6  }
0x68: {  	v7 =	vld [tilespmem:s21+$0xFFFFFFE0]  }
0x69: {  	v10 =	vld [tilespmem:s21+$0xFFFFFFF0];
	_ =	sdelay $0x1  }
0x6a: {  	v11 =	vld [tilespmem:s21+$0x0]  }
0x6b: {  	v9 =	vld [tilespmem:s21+$0x10]  }
0x6c: {  	(xrf0) =	vadd.scan.msk.s32 $0xffff, v7  }
0x6d: {  	s23 =	simm.s32 $0x10060;
	(xrf0) =	vadd.scan.msk.s32 $0xffff, v10  }
0x6e: {  	v8 =	vld [tilespmem:s23+$0xFFFFFFE0]  }
0x6f: {  	(xrf0) =	vadd.scan.msk.s32 $0xffff, v11  }
0x70: {  	v5 =	vld [tilespmem:s23+$0xFFFFFFF0];
	(xrf0) =	vadd.scan.msk.s32 $0xffff, v9  }
0x71: {  	v6 =	vld [tilespmem:s23+$0x0]  }
0x72: {  	v12 =	vsub.s32 v16, v7;
	v7 =	vld [tilespmem:s23+$0x10];
	v13, _, _ =	vpop (xrf0)  }
0x73: {  	s24 =	simm.s32 $0x4;
	s22 =	simm.s32 $0x10060;
	(xrf0) =	vadd.scan.msk.s32 $0xffff, v8;
	v12 =	vadd.s32 v13, v12;
	v13 =	vbroadcast v13, $0xF;
	v14, _, _ =	vpop (xrf0)  }
.LBB2_7:
0x74: {  	[tilespmem:s21+$0xFFFFFFE0] =	vst v12;
	v12 =	vsub.s32 v14, v10  }
0x75: {  	s24 =	sadd.s32 $0x4, s24;
	s23 =	sadd.s32 $0x40, s23;
	(xrf0) =	vadd.scan.msk.s32 $0xffff, v5;
	v14 =	vbroadcast v14, $0xF;
	v15, _, _ =	vpop (xrf0);
	v17 =	vmov v8;
	v10 =	vmov v5  }
0x76: {  	v8 =	vld [tilespmem:s23+$0xFFFFFFE0];
	p1 =	slt.u32 s24, $0x7C;
	(xrf0) =	vadd.scan.msk.s32 $0xffff, v6;
	v13 =	vadd.s32 v16, v13;
	v16 =	vsub.s32 v15, v11;
	v15 =	vbroadcast v15, $0xF;
	v11, _, _ =	vpop (xrf0)  }
.Ltmp2:
0x77: {  	v5 =	vld [tilespmem:s23+$0xFFFFFFF0];
	(xrf0) =	vadd.scan.msk.s32 $0xffff, v7;
	v14 =	vadd.s32 v13, v14;
	v18 =	vsub.s32 v11, v9;
	v19 =	vbroadcast v11, $0xF;
	v11 =	vmovc v6;
	(pc) =	sbr.rel @p1 .LBB2_7-.Ltmp2, $4  }
0x78: {  	v20 =	vadd.s32 v13, v12;
	v9 =	vmovc v7;
	v6 =	vld [tilespmem:s23+$0x0];
	v12 =	vadd.s32 v14, v16;
	v13 =	vadd.s32 v14, v15  }
0x79: {  	v7 =	vld [tilespmem:s23+$0x10];
	[tilespmem:s21+$0x0] =	vst v12;
	v12 =	vadd.s32 v13, v18;
	v16 =	vadd.s32 v13, v19  }
0x7a: {  	v13 =	vsub.s32 v16, v17;
	v14, _, _ =	vpop (xrf0);
	[tilespmem:s21+$0x10] =	vst v12  }
0x7b: {  	(xrf0) =	vadd.scan.msk.s32 $0xffff, v8;
	v12 =	vadd.s32 v14, v13;
	v13 =	vbroadcast v14, $0xF;
	v14, _, _ =	vpop (xrf0);
	[tilespmem:s21+$0xFFFFFFF0] =	vst v20;
	s21 =	smov.u32 s22;
	s22 =	smov.u32 s23  }
0x7c: {  	(xrf0) =	vadd.scan.msk.s32 $0xffff, v5  }
0x7d: {  	v15 =	vbroadcast v14, $0xF;
	v45, _, _ =	vpop (xrf0);
	(xrf0) =	vadd.scan.msk.s32 $0xffff, v6  }
0x7e: {  	v10 =	vsub.s32 v14, v10;
	v13 =	vadd.s32 v16, v13;
	v46, _, _ =	vpop (xrf0);
	v14 =	vbroadcast v45, $0xF  }
0x7f: {  	(xrf0) =	vadd.scan.msk.s32 $0xffff, v7;
	v15 =	vadd.s32 v13, v15;
	v16 =	vbroadcast v46, $0xF  }
0x80: {  	v11 =	vsub.s32 v45, v11;
	v48 =	vadd.s32 v15, v14  }
0x81: {  	[tilespmem:s21+$0xFFFFFFE0] =	vst v12;
	v9 =	vsub.s32 v46, v9;
	v10 =	vadd.s32 v13, v10;
	v51 =	vadd.s32 v48, v16;
	v47, _, _ =	vpop (xrf0)  }
0x82: {  	v11 =	vadd.s32 v15, v11;
	[tilespmem:s21+$0xFFFFFFF0] =	vst v10;
	v8 =	vsub.s32 v51, v8;
	v49 =	vbroadcast v47, $0xF;
	v50, _, _ =	vpop (xrf0)  }
0x83: {  	[tilespmem:s21+$0x0] =	vst v11;
	v9 =	vadd.s32 v48, v9;
	v8 =	vadd.s32 v47, v8;
	v52 =	vbroadcast v50, $0xF;
	v55, _, _ =	vpop (xrf0)  }
0x84: {  	[tilespmem:s21+$0x10] =	vst v9;
	v62 =	vsub.s32 v50, v5;
	v56 =	vadd.s32 v51, v49;
	v57 =	vbroadcast v55, $0xF  }
0x85: {  	[tilespmem:s22+$0xFFFFFFE0] =	vst v8;
	v58 =	vsub.s32 v55, v6;
	v59, _, _ =	vpop (xrf0);
	v12 =	vadd.s32 v56, v52;
	v5 =	vadd.s32 v56, v62  }
0x86: {  	v60 =	vsub.s32 v59, v7;
	v6 =	vadd.s32 v12, v58;
	v61 =	vadd.s32 v12, v57;
	[tilespmem:s22+$0xFFFFFFF0] =	vst v5  }
0x87: {  	[tilespmem:s22+$0x0] =	vst v6;
	v63 =	vadd.s32 v61, v60  }
0x88: {  	s21 =	simm.s32 $0x0;
	[tilespmem:s22+$0x10] =	vst v63  }
.LBB2_9:
0x89: {  	s22 =	sshra.s32 s21, $0x2  }
0x8a: {  	v5 =	vld [tilespmem:s22+$0x10800];
	_ =	sdelay $0x4  }
0x8b: {  	v6 =	vand.u32 $0x7FF, v5;
	_ =	sdelay $0x4  }
0x8c: {  	v7 =	vld.idx.msk [tilespmem:v6+s14+$0x0], $0xffff  }
0x8d: {  	vm1 =	vgt.s32 v5, $0x7FFF;
	_ =	sdelay $0x1  }
0x8e: {  	v5 =	vshrl.u32 v5, $0xB  }
0x8f: {  	v5 =	vand.u32 $0xF, v5  }
0x90: {  	v7 =	vadd.s32 v7, v5  }
0x91: {  	v5 =	vadd.s32 $0x1, v5;
	[tilespmem:s22+$0x14800] =	vst v7  }
0x92: {  	[tilespmem:v6+s14+$0x0] =	vst.idx.add.s32.msk vm1, v5  }
0x93: {  	v5 =	vld [tilespmem:s22+$0x10810];
	_ =	sdelay $0x4  }
0x94: {  	v63 =	vand.u32 $0x7FF, v5;
	_ =	sdelay $0x4  }
0x95: {  	v7 =	vld.idx.msk [tilespmem:v63+s14+$0x0], $0xffff  }
0x96: {  	vm1 =	vgt.s32 v5, $0x7FFF  }
0x97: {  	p1 =	sne.s32 s21, $0xFF80  }
.Ltmp3:
0x98: {  	v5 =	vshrl.u32 v5, $0xB;
	(pc) =	sbr.rel @p1 .LBB2_9-.Ltmp3, $4  }
0x99: {  	v5 =	vand.u32 $0xF, v5  }
0x9a: {  	v7 =	vadd.s32 v7, v5  }
0x9b: {  	v5 =	vadd.s32 $0x1, v5;
	[tilespmem:s22+$0x14810] =	vst v7  }
0x9c: {  	s21 =	sadd.s32 $0x80, s21;
	[tilespmem:v63+s14+$0x0] =	vst.idx.add.s32.msk vm1, v5  }
0x9d: {  	s23 =	simm.s32 $0x14820  }
0x9e: {  	s21 =	simm.s32 $0x8020;
	v6 =	vld [tilespmem:s23+$0x10]  }
0x9f: {  	v13 =	vld [tilespmem:s21+$0x10]  }
0xa0: {  	v10 =	vld [tilespmem:s21+$0xFFFFFFE0]  }
0xa1: {  	v11 =	vld [tilespmem:s21+$0xFFFFFFF0]  }
0xa2: {  	v9 =	vld [tilespmem:s21+$0x0]  }
0xa3: {  	v7 =	vld [tilespmem:s23+$0xFFFFFFF0]  }
0xa4: {  	v5 =	vld [tilespmem:s23+$0x0];
	v14 =	vxor.u32 $0x7FFFFFFF, v13;
	vm2 =	vlt.s32 v13, $0x0  }
0xa5: {  	s22 =	simm.s32 $0x0;
	v8 =	vld [tilespmem:s23+$0xFFFFFFE0];
	s23 =	simm.s32 $0x14860;
	v12 =	vxor.u32 $0x7FFFFFFF, v10;
	vm1 =	vlt.s32 v10, $0x0;
	v13 =	vsel vm2, v14, v13  }
.LBB2_11:
0xa6: {  	s22 =	sadd.s32 $0x4, s22;
	v14 =	vsel vm1, v12, v10;
	v10 =	vxor.u32 $0x7FFFFFFF, v11;
	vm1 =	vlt.s32 v11, $0x0;
	[tilespmem:v6+s15+$0x0] =	vst.idx.msk $0xffff, v13;
	v6 =	vld [tilespmem:s23+$0x10];
	s21 =	sadd.s32 $0x40, s21  }
0xa7: {  	v13 =	vld [tilespmem:s21+$0x10];
	p1 =	slt.u32 s22, $0x3FC;
	v12 =	vsel vm1, v10, v11;
	v11 =	vxor.u32 $0x7FFFFFFF, v9;
	vm1 =	vlt.s32 v9, $0x0  }
0xa8: {  	v10 =	vld [tilespmem:s21+$0xFFFFFFE0];
	v15 =	vsel vm1, v11, v9  }
.Ltmp4:
0xa9: {  	v11 =	vld [tilespmem:s21+$0xFFFFFFF0];
	(pc) =	sbr.rel @p1 .LBB2_11-.Ltmp4, $4  }
0xaa: {  	v9 =	vld [tilespmem:s21+$0x0]  }
0xab: {  	[tilespmem:v7+s15+$0x0] =	vst.idx.msk $0xffff, v12;
	v7 =	vld [tilespmem:s23+$0xFFFFFFF0]  }
0xac: {  	v16 =	vxor.u32 $0x7FFFFFFF, v13;
	vm2 =	vlt.s32 v13, $0x0;
	[tilespmem:v5+s15+$0x0] =	vst.idx.msk $0xffff, v15;
	v5 =	vld [tilespmem:s23+$0x0]  }
0xad: {  	v12 =	vxor.u32 $0x7FFFFFFF, v10;
	vm1 =	vlt.s32 v10, $0x0;
	v13 =	vsel vm2, v16, v13;
	[tilespmem:v8+s15+$0x0] =	vst.idx.msk $0xffff, v14;
	v8 =	vld [tilespmem:s23+$0xFFFFFFE0];
	s23 =	sadd.s32 $0x40, s23  }
0xae: {  	_ =	sdelay $0x3  }
0xaf: {  	v14 =	vxor.u32 $0x7FFFFFFF, v11;
	vm2 =	vlt.s32 v11, $0x0  }
0xb0: {  	[tilespmem:v6+s15+$0x0] =	vst.idx.msk $0xffff, v13;
	v61 =	vsel vm2, v14, v11;
	v62 =	vxor.u32 $0x7FFFFFFF, v9;
	vm2 =	vlt.s32 v9, $0x0  }
0xb1: {  	v9 =	vsel vm2, v62, v9;
	[tilespmem:v7+s15+$0x0] =	vst.idx.msk $0xffff, v61  }
0xb2: {  	v63 =	vsel vm1, v12, v10;
	[tilespmem:v5+s15+$0x0] =	vst.idx.msk $0xffff, v9  }
0xb3: {  	s21 =	simm.s32 $0x10020;
	[tilespmem:v8+s15+$0x0] =	vst.idx.msk $0xffff, v63  }
0xb4: {  	[tilespmem:s21+$0xFFFFFFE0] =	vst v0  }
0xb5: {  	[tilespmem:s21+$0x10] =	vst v0  }
0xb6: {  	s24 =	simm.s32 $0x0;
	s23 =	simm.s32 $0xC020;
	[tilespmem:s21+$0x0] =	vst v0  }
.LBB2_13:
0xb7: {  	s24 =	sadd.s32 $0x4, s24  }
0xb8: {  	[tilespmem:s21+$0xFFFFFFF0] =	vst v0;
	s21 =	sadd.s32 $0x40, s21;
	p1 =	slt.u32 s24, $0x7C  }
.Ltmp5:
0xb9: {  	[tilespmem:s21+$0xFFFFFFE0] =	vst v0;
	(pc) =	sbr.rel @p1 .LBB2_13-.Ltmp5, $3  }
0xba: {  	_ =	sdelay $0x1  }
0xbb: {  	[tilespmem:s21+$0x10] =	vst v0  }
0xbc: {  	s22 =	simm.s32 $0x10820;
	[tilespmem:s21+$0x0] =	vst v0  }
0xbd: {  	[tilespmem:s21+$0xFFFFFFF0] =	vst v0  }
0xbe: {  	v5 =	vld [tilespmem:s23+$0x10];
	_ =	sdelay $0x2  }
0xbf: {  	v6 =	vld [tilespmem:s23+$0xFFFFFFE0]  }
0xc0: {  	v7 =	vld [tilespmem:s23+$0xFFFFFFF0]  }
0xc1: {  	v8 =	vld [tilespmem:s23+$0x0];
	v9 =	vshrl.u32 v5, $0xB  }
0xc2: {  	v11 =	vand.u32 $0x7FF, v9  }
0xc3: {  	(xrf1) =	vunique.msk.u32 $0xffff, v11  }
0xc4: {  	v10 =	vshrl.u32 v6, $0xB  }
0xc5: {  	v12 =	vshrl.u32 v7, $0xB;
	v14 =	vand.u32 $0x7FF, v10  }
0xc6: {  	v13 =	vshrl.u32 v8, $0xB;
	v24 =	vand.u32 $0x7FF, v12;
	(xrf1) =	vunique.msk.u32 $0xffff, v14  }
0xc7: {  	v21 =	vand.u32 $0x7FF, v13;
	(xrf1) =	vunique.msk.u32 $0xffff, v24  }
0xc8: {  	(xrf1) =	vunique.msk.u32 $0xffff, v21;
	_ =	sdelay $0x1  }
0xc9: {  	s30 =	simm.s32 $0xC060  }
0xca: {  	v6 =	vld [tilespmem:s30+$0x10]  }
0xcb: {  	v7 =	vld [tilespmem:s30+$0xFFFFFFE0]  }
0xcc: {  	v8 =	vld [tilespmem:s30+$0x0]  }
0xcd: {  	v5 =	vld [tilespmem:s30+$0xFFFFFFF0];
	_ =	sdelay $0x2  }
0xce: {  	v17 =	vshrl.u32 v6, $0xB;
	v20 =	vshrl.u32 v7, $0xB;
	_, v28, vm2 =	vpop (xrf1)  }
0xcf: {  	s31 =	simm.s32 $0xC0A0;
	v15 =	vshrl.u32 v8, $0xB;
	v8 =	vand.u32 $0x7FF, v17;
	v22 =	vshll.u32 v28, $0xB  }
0xd0: {  	v27 =	vor.u32 $0xFFFFF800, v13;
	v13 =	vld [tilespmem:s31+$0x10];
	v19 =	vshrl.u32 v5, $0xB;
	v7 =	vand.u32 $0x7FF, v20;
	(xrf1) =	vunique.msk.u32 $0xffff, v8  }
0xd1: {  	v16 =	vld [tilespmem:s31+$0xFFFFFFF0];
	v6 =	vand.u32 $0x7FF, v19;
	_, v29, vm3 =	vpop (xrf1);
	(xrf1) =	vunique.msk.u32 $0xffff, v7  }
0xd2: {  	v18 =	vimm.s32 $0x0;
	v30 =	vld [tilespmem:s31+$0xFFFFFFE0];
	v9 =	vor.u32 $0xFFFFF800, v9;
	v5 =	vand.u32 $0x7FF, v15;
	_, v31, vm4 =	vpop (xrf1);
	(xrf1) =	vunique.msk.u32 $0xffff, v6  }
0xd3: {  	v10 =	vor.u32 $0xFFFFF800, v10;
	v25 =	vshll.u32 v29, $0xB;
	v23 =	vadd.s32 v9, v22;
	_, v22, vm1 =	vpop (xrf1);
	(xrf1) =	vunique.msk.u32 $0xffff, v5  }
0xd4: {  	v12 =	vor.u32 $0xFFFFF800, v12;
	v26 =	vsel vm3, $0x8000, v18;
	v9 =	vadd.s32 v10, v25  }
0xd5: {  	v13 =	vshrl.u32 v13, $0xB;
	v10 =	vshll.u32 v31, $0xB;
	v25 =	vor.u32 v26, v9  }
0xd6: {  	v32 =	vld [tilespmem:s31+$0x0];
	v9 =	vadd.s32 v12, v10;
	v10 =	vshrl.u32 v16, $0xB;
	v12 =	vshll.u32 v22, $0xB  }
0xd7: {  	v16 =	vshrl.u32 v30, $0xB;
	v27 =	vadd.s32 v27, v12;
	v12 =	vand.u32 $0x7FF, v13  }
0xd8: {  	[tilespmem:v11+s14+$0x0] =	vst.idx.add.s32.msk vm2, v28;
	v11 =	vand.u32 $0x7FF, v16;
	(xrf1) =	vunique.msk.u32 $0xffff, v12  }
0xd9: {  	(xrf1) =	vunique.msk.u32 $0xffff, v11  }
0xda: {  	v33 =	vsel vm4, $0x8000, v18;
	v26 =	vsel vm2, $0x8000, v18;
	[tilespmem:v14+s14+$0x0] =	vst.idx.add.s32.msk vm3, v29  }
0xdb: {  	s21 =	simm.s32 $0x4;
	v33 =	vor.u32 v33, v9;
	v34 =	vsel vm1, $0x8000, v18;
	v14 =	vshrl.u32 v32, $0xB;
	[tilespmem:v24+s14+$0x0] =	vst.idx.add.s32.msk vm4, v31  }
0xdc: {  	s24 =	simm.s32 $0x8;
	s25 =	simm.s32 $0xC0E0;
	s23 =	simm.s32 $0x10820;
	v9 =	vand.u32 $0x7FF, v10;
	v24 =	vand.u32 $0x7FF, v14;
	v27 =	vor.u32 v34, v27;
	[tilespmem:s22+$0xFFFFFFF0] =	vst v33  }
.LBB2_15:
0xdd: {  	v28 =	vld [tilespmem:s25+$0xFFFFFFF0];
	s24 =	sadd.s32 $0x4, s24;
	(xrf1) =	vunique.msk.u32 $0xffff, v9;
	[tilespmem:s22+$0xFFFFFFE0] =	vst v25;
	v23 =	vor.u32 v26, v23;
	s23 =	sadd.s32 $0x40, s23;
	v29 =	vmovc v5;
	v5 =	vmov v24  }
0xde: {  	v19 =	vor.u32 $0xFFFFF800, v19;
	v30 =	vor.u32 $0xFFFFF800, v15;
	v24 =	vld [tilespmem:s25+$0x10];
	p1 =	slt.u32 s24, $0x3FC;
	(xrf1) =	vunique.msk.u32 $0xffff, v5;
	_, v31, vm4 =	vpop (xrf1);
	[tilespmem:s22+$0x10] =	vst v23  }
0xdf: {  	v15 =	vor.u32 $0xFFFFF800, v20;
	v17 =	vor.u32 $0xFFFFF800, v17;
	v20 =	vshll.u32 v31, $0xB;
	_, v32, vm2 =	vpop (xrf1);
	[tilespmem:v21+s14+$0x0] =	vst.idx.add.s32.msk vm1, v22  }
0xe0: {  	v21 =	vld [tilespmem:s25+$0xFFFFFFE0];
	v2 =	vshll.u32 v32, $0xB;
	v25 =	vsel vm2, $0x8000, v18;
	v23 =	vadd.s32 v17, v20;
	_, v33, vm3 =	vpop (xrf1);
	[tilespmem:s22+$0x0] =	vst v27;
	s22 =	smov.u32 s23  }
0xe1: {  	v27 =	vld [tilespmem:s25+$0x0];
	v4 =	vadd.s32 v15, v2;
	v2 =	vshll.u32 v33, $0xB;
	v3 =	vsel vm3, $0x8000, v18;
	_, v22, vm1 =	vpop (xrf1)  }
0xe2: {  	v17 =	vmovc v13;
	v25 =	vor.u32 v25, v4;
	v2 =	vadd.s32 v19, v2;
	v34 =	vshll.u32 v22, $0xB;
	v19 =	vmovc v10  }
.Ltmp6:
0xe3: {  	v26 =	vsel vm4, $0x8000, v18;
	v15 =	vmovc v14;
	v10 =	vshrl.u32 v28, $0xB;
	v20 =	vmovc v16;
	v28 =	vor.u32 v3, v2;
	(pc) =	sbr.rel @p1 .LBB2_15-.Ltmp6, $4  }
0xe4: {  	v13 =	vshrl.u32 v24, $0xB;
	v30 =	vadd.s32 v30, v34;
	v34 =	vsel vm1, $0x8000, v18;
	[tilespmem:v8+s14+$0x0] =	vst.idx.add.s32.msk vm4, v31;
	v8 =	vmovc v12  }
0xe5: {  	v31 =	vand.u32 $0x7FF, v10;
	v12 =	vand.u32 $0x7FF, v13;
	v16 =	vshrl.u32 v21, $0xB;
	[tilespmem:v7+s14+$0x0] =	vst.idx.add.s32.msk vm2, v32;
	v7 =	vmovc v11;
	v21 =	vmovc v29  }
0xe6: {  	v11 =	vand.u32 $0x7FF, v16;
	v14 =	vshrl.u32 v27, $0xB;
	(xrf1) =	vunique.msk.u32 $0xffff, v12;
	[tilespmem:v6+s14+$0x0] =	vst.idx.add.s32.msk vm3, v33;
	v6 =	vmovc v9  }
0xe7: {  	s25 =	sadd.s32 $0x40, s25;
	v27 =	vor.u32 v34, v30;
	v9 =	vmovc v31;
	v24 =	vand.u32 $0x7FF, v14;
	(xrf1) =	vunique.msk.u32 $0xffff, v11;
	[tilespmem:s23+$0xFFFFFFF0] =	vst v28  }
0xe8: {  	(xrf1) =	vunique.msk.u32 $0xffff, v9;
	_ =	sdelay $0x1  }
0xe9: {  	_, v28, vm2 =	vpop (xrf1)  }
0xea: {  	(xrf1) =	vunique.msk.u32 $0xffff, v24;
	_, v29, vm3 =	vpop (xrf1);
	_ =	sdelay $0x2  }
0xeb: {  	[tilespmem:s22+$0xFFFFFFE0] =	vst v25;
	v18 =	vor.u32 v26, v23;
	v19 =	vor.u32 $0xFFFFF800, v19;
	_, v59, vm4 =	vpop (xrf1)  }
0xec: {  	v20 =	vor.u32 $0xFFFFF800, v20;
	[tilespmem:s22+$0x10] =	vst v18;
	v18 =	vimm.s32 $0x0;
	v61 =	vshll.u32 v59, $0xB  }
0xed: {  	v63 =	vsel vm4, $0x8000, v18;
	v19 =	vadd.s32 v19, v61;
	[tilespmem:v8+s14+$0x0] =	vst.idx.add.s32.msk vm2, v28;
	v8 =	vshll.u32 v29, $0xB  }
0xee: {  	v19 =	vor.u32 v63, v19;
	[tilespmem:v7+s14+$0x0] =	vst.idx.add.s32.msk vm3, v29;
	v7 =	vsel vm3, $0x8000, v18;
	v8 =	vadd.s32 v20, v8  }
0xef: {  	[tilespmem:v21+s14+$0x0] =	vst.idx.add.s32.msk vm1, v22;
	_, v62, vm5 =	vpop (xrf1);
	v7 =	vor.u32 v7, v8;
	v8 =	vsel vm2, $0x8000, v18  }
0xf0: {  	[tilespmem:s22+$0x0] =	vst v27  }
0xf1: {  	v17 =	vor.u32 $0xFFFFF800, v17;
	s31 =	sadd.s32 $0x40, s23;
	v60 =	vshll.u32 v28, $0xB;
	[tilespmem:v6+s14+$0x0] =	vst.idx.add.s32.msk vm4, v59;
	_, v6, vm1 =	vpop (xrf1)  }
0xf2: {  	v17 =	vadd.s32 v17, v60;
	[tilespmem:s31+$0xFFFFFFF0] =	vst v19;
	_, v19, vm2 =	vpop (xrf1)  }
0xf3: {  	v15 =	vor.u32 $0xFFFFF800, v15;
	v20 =	vshll.u32 v62, $0xB;
	[tilespmem:s31+$0xFFFFFFE0] =	vst v7;
	v7 =	vor.u32 v8, v17;
	_, v8, vm3 =	vpop (xrf1)  }
0xf4: {  	v15 =	vadd.s32 v15, v20;
	v17 =	vsel vm5, $0x8000, v18;
	[tilespmem:s31+$0x10] =	vst v7  }
0xf5: {  	v7 =	vor.u32 v17, v15;
	[tilespmem:v5+s14+$0x0] =	vst.idx.add.s32.msk vm5, v62  }
0xf6: {  	v5 =	vor.u32 $0xFFFFF800, v10;
	v10 =	vor.u32 $0xFFFFF800, v16;
	[tilespmem:s31+$0x0] =	vst v7;
	_, v16, vm15 =	vpop (xrf1)  }
0xf7: {  	v13 =	vor.u32 $0xFFFFF800, v13;
	v7 =	vshll.u32 v6, $0xB;
	v15 =	vshll.u32 v8, $0xB;
	[tilespmem:v12+s14+$0x0] =	vst.idx.add.s32.msk vm1, v6  }
0xf8: {  	v5 =	vadd.s32 v5, v15;
	v6 =	vshll.u32 v19, $0xB;
	v12 =	vsel vm3, $0x8000, v18;
	[tilespmem:v11+s14+$0x0] =	vst.idx.add.s32.msk vm2, v19  }
0xf9: {  	s23 =	sadd.s32 $0x40, s31;
	v11 =	vsel vm2, $0x8000, v18;
	v6 =	vadd.s32 v10, v6;
	v5 =	vor.u32 v12, v5;
	[tilespmem:v9+s14+$0x0] =	vst.idx.add.s32.msk vm3, v8  }
0xfa: {  	v7 =	vadd.s32 v13, v7;
	v6 =	vor.u32 v11, v6;
	[tilespmem:s23+$0xFFFFFFF0] =	vst v5  }
0xfb: {  	v8 =	vsel vm1, $0x8000, v18;
	v9 =	vshll.u32 v16, $0xB;
	v5 =	vor.u32 $0xFFFFF800, v14;
	[tilespmem:s23+$0xFFFFFFE0] =	vst v6  }
0xfc: {  	v6 =	vor.u32 v8, v7;
	v7 =	vsel vm15, $0x8000, v18;
	[tilespmem:v24+s14+$0x0] =	vst.idx.add.s32.msk vm15, v16;
	v5 =	vadd.s32 v5, v9  }
0xfd: {  	[tilespmem:s23+$0x10] =	vst v6;
	v5 =	vor.u32 v7, v5  }
0xfe: {  	s22 =	simm.s32 $0x10020;
	[tilespmem:s23+$0x0] =	vst v5  }
0xff: {  	v6 =	vld [tilespmem:s22+$0xFFFFFFE0]  }
0x100: {  	v10 =	vld [tilespmem:s22+$0xFFFFFFF0];
	_ =	sdelay $0x1  }
0x101: {  	v11 =	vld [tilespmem:s22+$0x0]  }
0x102: {  	v9 =	vld [tilespmem:s22+$0x10]  }
0x103: {  	(xrf0) =	vadd.scan.msk.s32 $0xffff, v6  }
0x104: {  	s24 =	simm.s32 $0x10060;
	(xrf0) =	vadd.scan.msk.s32 $0xffff, v10  }
0x105: {  	v8 =	vld [tilespmem:s24+$0xFFFFFFE0]  }
0x106: {  	(xrf0) =	vadd.scan.msk.s32 $0xffff, v11  }
0x107: {  	v5 =	vld [tilespmem:s24+$0xFFFFFFF0];
	(xrf0) =	vadd.scan.msk.s32 $0xffff, v9  }
0x108: {  	v7 =	vld [tilespmem:s24+$0x0]  }
0x109: {  	v12 =	vsub.s32 v18, v6;
	v6 =	vld [tilespmem:s24+$0x10];
	v13, _, _ =	vpop (xrf0)  }
0x10a: {  	s23 =	simm.s32 $0x10060;
	(xrf0) =	vadd.scan.msk.s32 $0xffff, v8;
	v12 =	vadd.s32 v13, v12;
	v13 =	vbroadcast v13, $0xF;
	v14, _, _ =	vpop (xrf0)  }
.LBB2_17:
0x10b: {  	[tilespmem:s22+$0xFFFFFFE0] =	vst v12;
	v12 =	vsub.s32 v14, v10  }
0x10c: {  	s21 =	sadd.s32 $0x4, s21;
	s24 =	sadd.s32 $0x40, s24;
	(xrf0) =	vadd.scan.msk.s32 $0xffff, v5;
	v14 =	vbroadcast v14, $0xF;
	v15, _, _ =	vpop (xrf0);
	v16 =	vmov v8;
	v10 =	vmov v5  }
0x10d: {  	v8 =	vld [tilespmem:s24+$0xFFFFFFE0];
	p1 =	slt.u32 s21, $0x7C;
	(xrf0) =	vadd.scan.msk.s32 $0xffff, v7;
	v13 =	vadd.s32 v18, v13;
	v17 =	vsub.s32 v15, v11;
	v15 =	vbroadcast v15, $0xF;
	v11, _, _ =	vpop (xrf0)  }
.Ltmp7:
0x10e: {  	v5 =	vld [tilespmem:s24+$0xFFFFFFF0];
	(xrf0) =	vadd.scan.msk.s32 $0xffff, v6;
	v14 =	vadd.s32 v13, v14;
	v18 =	vsub.s32 v11, v9;
	v19 =	vbroadcast v11, $0xF;
	v11 =	vmovc v7;
	(pc) =	sbr.rel @p1 .LBB2_17-.Ltmp7, $4  }
0x10f: {  	v20 =	vadd.s32 v13, v12;
	v9 =	vmovc v6;
	v7 =	vld [tilespmem:s24+$0x0];
	v12 =	vadd.s32 v14, v17;
	v13 =	vadd.s32 v14, v15  }
0x110: {  	v6 =	vld [tilespmem:s24+$0x10];
	[tilespmem:s22+$0x0] =	vst v12;
	v12 =	vadd.s32 v13, v18;
	v18 =	vadd.s32 v13, v19  }
0x111: {  	v13 =	vsub.s32 v18, v16;
	v14, _, _ =	vpop (xrf0);
	[tilespmem:s22+$0x10] =	vst v12  }
0x112: {  	(xrf0) =	vadd.scan.msk.s32 $0xffff, v8;
	v12 =	vadd.s32 v14, v13;
	v13 =	vbroadcast v14, $0xF;
	v14, _, _ =	vpop (xrf0);
	[tilespmem:s22+$0xFFFFFFF0] =	vst v20;
	s22 =	smov.u32 s23;
	s23 =	smov.u32 s24  }
0x113: {  	(xrf0) =	vadd.scan.msk.s32 $0xffff, v5  }
0x114: {  	v15 =	vbroadcast v14, $0xF;
	v47, _, _ =	vpop (xrf0);
	(xrf0) =	vadd.scan.msk.s32 $0xffff, v7  }
0x115: {  	v10 =	vsub.s32 v14, v10;
	v13 =	vadd.s32 v18, v13;
	v16, _, _ =	vpop (xrf0);
	v14 =	vbroadcast v47, $0xF  }
0x116: {  	(xrf0) =	vadd.scan.msk.s32 $0xffff, v6;
	v15 =	vadd.s32 v13, v15;
	v9 =	vsub.s32 v16, v9;
	v16 =	vbroadcast v16, $0xF  }
0x117: {  	v49 =	vadd.s32 v15, v14  }
0x118: {  	[tilespmem:s22+$0xFFFFFFE0] =	vst v12;
	v11 =	vsub.s32 v47, v11;
	v10 =	vadd.s32 v13, v10;
	v52 =	vadd.s32 v49, v16;
	v48, _, _ =	vpop (xrf0)  }
0x119: {  	v11 =	vadd.s32 v15, v11;
	[tilespmem:s22+$0xFFFFFFF0] =	vst v10;
	v8 =	vsub.s32 v52, v8;
	v50 =	vbroadcast v48, $0xF;
	v51, _, _ =	vpop (xrf0)  }
0x11a: {  	[tilespmem:s22+$0x0] =	vst v11;
	v9 =	vadd.s32 v49, v9;
	v8 =	vadd.s32 v48, v8;
	v55 =	vbroadcast v51, $0xF;
	v56, _, _ =	vpop (xrf0)  }
0x11b: {  	[tilespmem:s22+$0x10] =	vst v9;
	v63 =	vsub.s32 v51, v5;
	v57 =	vadd.s32 v52, v50;
	v58 =	vbroadcast v56, $0xF  }
0x11c: {  	[tilespmem:s23+$0xFFFFFFE0] =	vst v8;
	v59 =	vsub.s32 v56, v7;
	v60, _, _ =	vpop (xrf0);
	v12 =	vadd.s32 v57, v55;
	v5 =	vadd.s32 v57, v63  }
0x11d: {  	v61 =	vsub.s32 v60, v6;
	v7 =	vadd.s32 v12, v59;
	v62 =	vadd.s32 v12, v58;
	[tilespmem:s23+$0xFFFFFFF0] =	vst v5  }
0x11e: {  	[tilespmem:s23+$0x0] =	vst v7;
	v6 =	vadd.s32 v62, v61  }
0x11f: {  	s21 =	simm.s32 $0x0;
	[tilespmem:s23+$0x10] =	vst v6  }
.LBB2_19:
0x120: {  	s22 =	sshra.s32 s21, $0x2  }
0x121: {  	v5 =	vld [tilespmem:s22+$0x10800];
	_ =	sdelay $0x4  }
0x122: {  	v6 =	vand.u32 $0x7FF, v5;
	_ =	sdelay $0x4  }
0x123: {  	v7 =	vld.idx.msk [tilespmem:v6+s14+$0x0], $0xffff  }
0x124: {  	vm1 =	vgt.s32 v5, $0x7FFF;
	_ =	sdelay $0x1  }
0x125: {  	v5 =	vshrl.u32 v5, $0xB  }
0x126: {  	v5 =	vand.u32 $0xF, v5  }
0x127: {  	v7 =	vadd.s32 v7, v5  }
0x128: {  	v5 =	vadd.s32 $0x1, v5;
	[tilespmem:s22+$0x14800] =	vst v7  }
0x129: {  	[tilespmem:v6+s14+$0x0] =	vst.idx.add.s32.msk vm1, v5  }
0x12a: {  	v5 =	vld [tilespmem:s22+$0x10810];
	_ =	sdelay $0x4  }
0x12b: {  	v63 =	vand.u32 $0x7FF, v5;
	_ =	sdelay $0x4  }
0x12c: {  	v7 =	vld.idx.msk [tilespmem:v63+s14+$0x0], $0xffff  }
0x12d: {  	vm1 =	vgt.s32 v5, $0x7FFF  }
0x12e: {  	p1 =	sne.s32 s21, $0xFF80  }
.Ltmp8:
0x12f: {  	v5 =	vshrl.u32 v5, $0xB;
	(pc) =	sbr.rel @p1 .LBB2_19-.Ltmp8, $4  }
0x130: {  	v5 =	vand.u32 $0xF, v5  }
0x131: {  	v7 =	vadd.s32 v7, v5  }
0x132: {  	v5 =	vadd.s32 $0x1, v5;
	[tilespmem:s22+$0x14810] =	vst v7  }
0x133: {  	s21 =	sadd.s32 $0x80, s21;
	[tilespmem:v63+s14+$0x0] =	vst.idx.add.s32.msk vm1, v5  }
0x134: {  	s22 =	simm.s32 $0x14820  }
0x135: {  	v5 =	vld [tilespmem:s22+$0x10]  }
0x136: {  	v9 =	vld [tilespmem:s22+$0xFFFFFFF0]  }
0x137: {  	s21 =	simm.s32 $0xC020;
	v7 =	vld [tilespmem:s22+$0x0]  }
0x138: {  	v11 =	vld [tilespmem:s21+$0x10]  }
0x139: {  	v6 =	vld [tilespmem:s22+$0xFFFFFFE0]  }
0x13a: {  	v8 =	vld [tilespmem:s21+$0xFFFFFFE0]  }
0x13b: {  	v12 =	vld [tilespmem:s21+$0xFFFFFFF0]  }
0x13c: {  	s23 =	simm.s32 $0x14860;
	s22 =	simm.s32 $0x0;
	v10 =	vld [tilespmem:s21+$0x0]  }
.LBB2_21:
0x13d: {  	s22 =	sadd.s32 $0x4, s22;
	[tilespmem:v5+s13+$0x0] =	vst.idx.msk $0xffff, v11;
	v5 =	vld [tilespmem:s23+$0x10]  }
0x13e: {  	v13 =	vld [tilespmem:s23+$0xFFFFFFF0];
	p1 =	slt.u32 s22, $0x3FC  }
0x13f: {  	s21 =	sadd.s32 $0x40, s21;
	v14 =	vld [tilespmem:s23+$0x0]  }
.Ltmp9:
0x140: {  	v11 =	vld [tilespmem:s21+$0x10];
	[tilespmem:v9+s13+$0x0] =	vst.idx.msk $0xffff, v12;
	(pc) =	sbr.rel @p1 .LBB2_21-.Ltmp9, $4  }
0x141: {  	[tilespmem:v6+s13+$0x0] =	vst.idx.msk $0xffff, v8;
	v6 =	vld [tilespmem:s23+$0xFFFFFFE0]  }
0x142: {  	v8 =	vld [tilespmem:s21+$0xFFFFFFE0];
	[tilespmem:v7+s13+$0x0] =	vst.idx.msk $0xffff, v10  }
0x143: {  	v12 =	vld [tilespmem:s21+$0xFFFFFFF0];
	v9 =	vmov v13  }
0x144: {  	s23 =	sadd.s32 $0x40, s23;
	v10 =	vld [tilespmem:s21+$0x0];
	v7 =	vmov v14  }
0x145: {  	_ =	sdelay $0x3  }
0x146: {  	[tilespmem:v5+s13+$0x0] =	vst.idx.msk $0xffff, v11  }
0x147: {  	[tilespmem:v6+s13+$0x0] =	vst.idx.msk $0xffff, v8  }
0x148: {  	[tilespmem:v9+s13+$0x0] =	vst.idx.msk $0xffff, v12  }
0x149: {  	s21 =	simm.s32 $0x10020;
	[tilespmem:v7+s13+$0x0] =	vst.idx.msk $0xffff, v10  }
0x14a: {  	[tilespmem:s21+$0xFFFFFFE0] =	vst v0  }
0x14b: {  	[tilespmem:s21+$0x10] =	vst v0  }
0x14c: {  	s23 =	simm.s32 $0x0;
	[tilespmem:s21+$0x0] =	vst v0  }
.LBB2_23:
0x14d: {  	s23 =	sadd.s32 $0x4, s23  }
0x14e: {  	[tilespmem:s21+$0xFFFFFFF0] =	vst v0;
	s21 =	sadd.s32 $0x40, s21;
	p1 =	slt.u32 s23, $0x7C  }
.Ltmp10:
0x14f: {  	[tilespmem:s21+$0xFFFFFFE0] =	vst v0;
	(pc) =	sbr.rel @p1 .LBB2_23-.Ltmp10, $3  }
0x150: {  	_ =	sdelay $0x1  }
0x151: {  	[tilespmem:s21+$0x10] =	vst v0  }
0x152: {  	s22 =	simm.s32 $0x10820;
	s24 =	simm.s32 $0x8020;
	[tilespmem:s21+$0x0] =	vst v0  }
0x153: {  	[tilespmem:s21+$0xFFFFFFF0] =	vst v0  }
0x154: {  	v5 =	vld [tilespmem:s24+$0x10]  }
0x155: {  	v6 =	vld [tilespmem:s24+$0x0]  }
0x156: {  	v7 =	vld [tilespmem:s24+$0xFFFFFFF0]  }
0x157: {  	v8 =	vld [tilespmem:s24+$0xFFFFFFE0];
	_ =	sdelay $0x1  }
0x158: {  	v5 =	vshrl.u32 v5, $0x16  }
0x159: {  	v6 =	vshrl.u32 v6, $0x16;
	v10 =	vxor.u32 $0x200, v5  }
0x15a: {  	v7 =	vshrl.u32 v7, $0x16;
	v11 =	vxor.u32 $0x200, v6;
	(xrf1) =	vunique.msk.u32 $0xffff, v10  }
0x15b: {  	s30 =	simm.s32 $0x8060;
	v8 =	vshrl.u32 v8, $0x16;
	v32 =	vxor.u32 $0x200, v7;
	(xrf1) =	vunique.msk.u32 $0xffff, v11  }
0x15c: {  	v9 =	vld [tilespmem:s30+$0xFFFFFFF0];
	v13 =	vxor.u32 $0x200, v8;
	(xrf1) =	vunique.msk.u32 $0xffff, v32  }
0x15d: {  	v12 =	vld [tilespmem:s30+$0x10];
	(xrf1) =	vunique.msk.u32 $0xffff, v13  }
0x15e: {  	v15 =	vld [tilespmem:s30+$0x0]  }
0x15f: {  	v17 =	vld [tilespmem:s30+$0xFFFFFFE0];
	_ =	sdelay $0x1  }
0x160: {  	v7 =	vand.u32 $0x7F, v7;
	v14 =	vand.u32 $0x380, v32  }
0x161: {  	v14 =	vor.u32 v7, v14;
	v7 =	vshrl.u32 v12, $0x16  }
0x162: {  	v18 =	vshrl.u32 v9, $0x16;
	v15 =	vshrl.u32 v15, $0x16;
	v9 =	vxor.u32 $0x200, v7  }
0x163: {  	v20 =	vshrl.u32 v17, $0x16;
	v6 =	vand.u32 $0x7F, v6;
	v16 =	vand.u32 $0x380, v11;
	(xrf1) =	vunique.msk.u32 $0xffff, v9  }
0x164: {  	v5 =	vand.u32 $0x7F, v5;
	v16 =	vor.u32 v6, v16;
	v6 =	vand.u32 $0x380, v10  }
0x165: {  	v8 =	vand.u32 $0x7F, v8;
	v12 =	vand.u32 $0x380, v13;
	v33 =	vor.u32 v5, v6  }
0x166: {  	v6 =	vimm.s32 $0x0;
	v19 =	vand.u32 $0x7F, v7;
	v7 =	vxor.u32 $0x200, v15  }
0x167: {  	v5 =	vxor.u32 $0x200, v18;
	v17 =	vor.u32 v8, v12;
	v8 =	vxor.u32 $0x200, v20;
	_, v34, vm2 =	vpop (xrf1);
	(xrf1) =	vunique.msk.u32 $0xffff, v7  }
0x168: {  	v15 =	vand.u32 $0x7F, v15;
	v12 =	vshll.u32 v34, $0xB;
	_, v21, vm1 =	vpop (xrf1);
	v22 =	vsel vm2, $0x8000, v6;
	(xrf1) =	vunique.msk.u32 $0xffff, v5  }
0x169: {  	vm5 =	vmmov vm2;
	v23 =	vshll.u32 v21, $0xB;
	v24 =	vsel vm1, $0x8000, v6;
	_, v25, vm3 =	vpop (xrf1);
	(xrf1) =	vunique.msk.u32 $0xffff, v8  }
0x16a: {  	v12 =	vadd.s32 $0xFFFFF800, v12;
	v26 =	vshll.u32 v25, $0xB;
	v23 =	vadd.s32 $0xFFFFF800, v23;
	_, v27, vm4 =	vpop (xrf1)  }
0x16b: {  	s31 =	simm.s32 $0x80A0;
	v29 =	vsel vm3, $0x8000, v6;
	v12 =	vor.u32 v12, v22;
	v28 =	vshll.u32 v27, $0xB  }
0x16c: {  	v26 =	vadd.s32 $0xFFFFF800, v26;
	v23 =	vor.u32 v23, v24;
	v12 =	vor.u32 v10, v12;
	v24 =	vld [tilespmem:s31+$0x10]  }
0x16d: {  	v10 =	vand.u32 $0x380, v5;
	v22 =	vadd.s32 $0xFFFFF800, v28;
	v35 =	vor.u32 v26, v29;
	v26 =	vld [tilespmem:s31+$0xFFFFFFF0]  }
0x16e: {  	v28 =	vsel vm4, $0x8000, v6;
	v31 =	vor.u32 v11, v23;
	v23 =	vld [tilespmem:s31+$0x0];
	v11 =	vand.u32 $0x380, v7  }
0x16f: {  	v22 =	vor.u32 v22, v28;
	v28 =	vld [tilespmem:s31+$0xFFFFFFE0];
	v11 =	vor.u32 v15, v11;
	v15 =	vand.u32 $0x380, v9  }
0x170: {  	v32 =	vor.u32 v32, v35;
	v22 =	vor.u32 v13, v22;
	v13 =	vand.u32 $0x7F, v18;
	[tilespmem:v16+s14+$0x0] =	vst.idx.add.s32.msk vm1, v21  }
0x171: {  	v20 =	vand.u32 $0x7F, v20;
	v18 =	vor.u32 v19, v15;
	v13 =	vor.u32 v13, v10;
	[tilespmem:v14+s14+$0x0] =	vst.idx.add.s32.msk vm3, v25;
	_, v25, vm2 =	vpop (xrf1)  }
0x172: {  	[tilespmem:v17+s14+$0x0] =	vst.idx.add.s32.msk vm4, v27;
	v15 =	vshrl.u32 v24, $0x16;
	v27 =	vsel vm2, $0x8000, v6;
	v17 =	vshrl.u32 v26, $0x16  }
0x173: {  	[tilespmem:s22+$0xFFFFFFE0] =	vst v22;
	v22 =	vand.u32 $0x380, v8;
	v19 =	vshrl.u32 v23, $0x16;
	v14 =	vxor.u32 $0x200, v15  }
0x174: {  	[tilespmem:v33+s14+$0x0] =	vst.idx.add.s32.msk vm5, v34;
	v15 =	vand.u32 $0x7F, v15;
	v10 =	vxor.u32 $0x200, v17;
	v21 =	vshrl.u32 v28, $0x16  }
0x175: {  	v16 =	vxor.u32 $0x200, v19;
	(xrf1) =	vunique.msk.u32 $0xffff, v14;
	v24 =	vor.u32 v20, v22;
	v22 =	vshll.u32 v25, $0xB;
	_, v23, vm1 =	vpop (xrf1)  }
0x176: {  	v20 =	vxor.u32 $0x200, v21;
	(xrf1) =	vunique.msk.u32 $0xffff, v16;
	v22 =	vadd.s32 $0xFFFFF800, v22;
	v29 =	vshll.u32 v23, $0xB;
	_, v26, vm3 =	vpop (xrf1)  }
0x177: {  	(xrf1) =	vunique.msk.u32 $0xffff, v10;
	v36 =	vshll.u32 v26, $0xB;
	v30 =	vadd.s32 $0xFFFFF800, v29;
	v29 =	vor.u32 v22, v27;
	_, v27, vm4 =	vpop (xrf1)  }
0x178: {  	s21 =	simm.s32 $0x4;
	(xrf1) =	vunique.msk.u32 $0xffff, v20;
	v37 =	vsel vm3, $0x8000, v6;
	v22 =	vshll.u32 v27, $0xB;
	v36 =	vadd.s32 $0xFFFFF800, v36  }
0x179: {  	s25 =	simm.s32 $0x80E0;
	s23 =	simm.s32 $0x10820;
	s24 =	simm.s32 $0x8;
	[tilespmem:s22+$0x0] =	vst v31;
	v28 =	vsel vm1, $0x8000, v6;
	v31 =	vadd.s32 $0xFFFFF800, v22;
	v22 =	vor.u32 v36, v37  }
.LBB2_25:
0x17a: {  	v34 =	vsel vm4, $0x8000, v6;
	v28 =	vor.u32 v30, v28;
	v29 =	vor.u32 v9, v29  }
0x17b: {  	v33 =	vld [tilespmem:s25+$0xFFFFFFF0];
	s24 =	sadd.s32 $0x4, s24;
	[tilespmem:s22+$0xFFFFFFF0] =	vst v32;
	s23 =	sadd.s32 $0x40, s23;
	v35 =	vmovc v18;
	v32 =	vmovc v5;
	v5 =	vmov v10;
	v9 =	vmov v14;
	v36 =	vmov v25  }
0x17c: {  	v14 =	vld [tilespmem:s25+$0x10];
	p1 =	slt.u32 s24, $0x3FC;
	v10 =	vand.u32 $0x380, v5;
	v18 =	vor.u32 v31, v34;
	v31 =	vor.u32 v7, v28;
	[tilespmem:s22+$0x10] =	vst v12;
	v12 =	vmovc v29;
	s22 =	smov.u32 s23  }
0x17d: {  	v19 =	vand.u32 $0x7F, v19;
	v28 =	vand.u32 $0x380, v16;
	v7 =	vmovc v16;
	v25 =	vld [tilespmem:s25+$0x0];
	v29 =	vor.u32 v8, v18;
	v8 =	vmovc v20  }
0x17e: {  	v17 =	vand.u32 $0x7F, v17;
	v20 =	vor.u32 v19, v28;
	v18 =	vand.u32 $0x380, v9;
	v16 =	vld [tilespmem:s25+$0xFFFFFFE0]  }
0x17f: {  	vm5 =	vmmov vm2;
	v19 =	vor.u32 v17, v10;
	v18 =	vor.u32 v15, v18;
	[tilespmem:v24+s14+$0x0] =	vst.idx.add.s32.msk vm4, v27  }
0x180: {  	v24 =	vand.u32 $0x7F, v21;
	v17 =	vshrl.u32 v33, $0x16;
	[tilespmem:s23+$0xFFFFFFE0] =	vst v29  }
0x181: {  	v27 =	vand.u32 $0x380, v8;
	v10 =	vxor.u32 $0x200, v17;
	v15 =	vshrl.u32 v14, $0x16;
	[tilespmem:v13+s14+$0x0] =	vst.idx.add.s32.msk vm3, v26;
	v13 =	vmovc v19  }
0x182: {  	v19 =	vshrl.u32 v25, $0x16;
	v14 =	vxor.u32 $0x200, v15;
	v15 =	vand.u32 $0x7F, v15;
	[tilespmem:v11+s14+$0x0] =	vst.idx.add.s32.msk vm1, v23;
	v11 =	vmovc v20  }
0x183: {  	v24 =	vor.u32 v24, v27;
	v21 =	vshrl.u32 v16, $0x16;
	v16 =	vxor.u32 $0x200, v19;
	(xrf1) =	vunique.msk.u32 $0xffff, v14;
	_, v25, vm2 =	vpop (xrf1)  }
.Ltmp11:
0x184: {  	v20 =	vxor.u32 $0x200, v21;
	(xrf1) =	vunique.msk.u32 $0xffff, v16;
	v2 =	vshll.u32 v25, $0xB;
	v3 =	vsel vm2, $0x8000, v6;
	_, v23, vm1 =	vpop (xrf1);
	(pc) =	sbr.rel @p1 .LBB2_25-.Ltmp11, $4  }
0x185: {  	(xrf1) =	vunique.msk.u32 $0xffff, v10;
	v29 =	vshll.u32 v23, $0xB;
	v28 =	vsel vm1, $0x8000, v6;
	v33 =	vadd.s32 $0xFFFFF800, v2;
	_, v26, vm3 =	vpop (xrf1)  }
0x186: {  	(xrf1) =	vunique.msk.u32 $0xffff, v20;
	v34 =	vshll.u32 v26, $0xB;
	v30 =	vadd.s32 $0xFFFFF800, v29;
	v29 =	vor.u32 v33, v3;
	_, v27, vm4 =	vpop (xrf1)  }
0x187: {  	v37 =	vsel vm3, $0x8000, v6;
	v33 =	vshll.u32 v27, $0xB;
	v34 =	vadd.s32 $0xFFFFF800, v34;
	[tilespmem:s23+$0x0] =	vst v31  }
0x188: {  	v32 =	vor.u32 v32, v22;
	s25 =	sadd.s32 $0x40, s25;
	v31 =	vadd.s32 $0xFFFFF800, v33;
	v22 =	vor.u32 v34, v37;
	[tilespmem:v35+s14+$0x0] =	vst.idx.add.s32.msk vm5, v36  }
0x189: {  	_ =	sdelay $0x5  }
0x18a: {  	[tilespmem:s22+$0x10] =	vst v12  }
0x18b: {  	[tilespmem:v24+s14+$0x0] =	vst.idx.add.s32.msk vm4, v27  }
0x18c: {  	vm5 =	vmmov vm2;
	v6 =	vsel vm4, $0x8000, v6;
	v28 =	vor.u32 v30, v28;
	[tilespmem:v13+s14+$0x0] =	vst.idx.add.s32.msk vm3, v26;
	_, v12, vm2 =	vpop (xrf1)  }
0x18d: {  	v59 =	vand.u32 $0x380, v10;
	v60 =	vand.u32 $0x380, v20;
	[tilespmem:v11+s14+$0x0] =	vst.idx.add.s32.msk vm1, v23;
	v17 =	vand.u32 $0x7F, v17;
	_, v24, vm4 =	vpop (xrf1)  }
0x18e: {  	[tilespmem:s22+$0xFFFFFFF0] =	vst v32;
	s31 =	sadd.s32 $0x40, s23;
	v5 =	vor.u32 v5, v22;
	v6 =	vor.u32 v31, v6;
	v7 =	vor.u32 v7, v28;
	_, v13, vm3 =	vpop (xrf1)  }
0x18f: {  	v17 =	vor.u32 v17, v59;
	[tilespmem:s31+$0xFFFFFFF0] =	vst v5;
	v6 =	vor.u32 v8, v6;
	v8 =	vand.u32 $0x7F, v21;
	_, v11, vm1 =	vpop (xrf1)  }
0x190: {  	v9 =	vor.u32 v9, v29;
	[tilespmem:s31+$0x0] =	vst v7;
	v8 =	vor.u32 v8, v60  }
0x191: {  	v61 =	vand.u32 $0x380, v16;
	v19 =	vand.u32 $0x7F, v19;
	v5 =	vand.u32 $0x380, v14;
	[tilespmem:s31+$0xFFFFFFE0] =	vst v6  }
0x192: {  	v5 =	vor.u32 v15, v5;
	v6 =	vimm.s32 $0x0;
	[tilespmem:v18+s14+$0x0] =	vst.idx.add.s32.msk vm5, v25;
	v7 =	vshll.u32 v11, $0xB  }
0x193: {  	v62 =	vor.u32 v19, v61;
	[tilespmem:s31+$0x10] =	vst v9;
	v63 =	vsel vm1, $0x8000, v6;
	v7 =	vadd.s32 $0xFFFFF800, v7  }
0x194: {  	v9 =	vshll.u32 v24, $0xB;
	v7 =	vor.u32 v7, v63;
	[tilespmem:v17+s14+$0x0] =	vst.idx.add.s32.msk vm3, v13  }
0x195: {  	s23 =	sadd.s32 $0x40, s31;
	v9 =	vadd.s32 $0xFFFFF800, v9;
	v7 =	vor.u32 v20, v7;
	[tilespmem:v8+s14+$0x0] =	vst.idx.add.s32.msk vm1, v11;
	v8 =	vsel vm4, $0x8000, v6  }
0x196: {  	v11 =	vshll.u32 v13, $0xB;
	v13 =	vsel vm2, $0x8000, v6;
	[tilespmem:s23+$0xFFFFFFE0] =	vst v7;
	v7 =	vshll.u32 v12, $0xB  }
0x197: {  	[tilespmem:v5+s14+$0x0] =	vst.idx.add.s32.msk vm2, v12;
	v8 =	vor.u32 v9, v8;
	v9 =	vadd.s32 $0xFFFFF800, v11;
	v11 =	vsel vm3, $0x8000, v6  }
0x198: {  	[tilespmem:v62+s14+$0x0] =	vst.idx.add.s32.msk vm4, v24;
	v8 =	vor.u32 v16, v8;
	v7 =	vadd.s32 $0xFFFFF800, v7;
	v9 =	vor.u32 v9, v11  }
0x199: {  	[tilespmem:s23+$0x0] =	vst v8;
	v7 =	vor.u32 v7, v13;
	v8 =	vor.u32 v10, v9  }
0x19a: {  	v5 =	vor.u32 v14, v7;
	[tilespmem:s23+$0xFFFFFFF0] =	vst v8  }
0x19b: {  	s22 =	simm.s32 $0x10020;
	[tilespmem:s23+$0x10] =	vst v5  }
0x19c: {  	v7 =	vld [tilespmem:s22+$0xFFFFFFE0]  }
0x19d: {  	v11 =	vld [tilespmem:s22+$0xFFFFFFF0];
	_ =	sdelay $0x1  }
0x19e: {  	v12 =	vld [tilespmem:s22+$0x0]  }
0x19f: {  	v10 =	vld [tilespmem:s22+$0x10]  }
0x1a0: {  	(xrf0) =	vadd.scan.msk.s32 $0xffff, v7  }
0x1a1: {  	s24 =	simm.s32 $0x10060;
	(xrf0) =	vadd.scan.msk.s32 $0xffff, v11  }
0x1a2: {  	v9 =	vld [tilespmem:s24+$0xFFFFFFE0]  }
0x1a3: {  	(xrf0) =	vadd.scan.msk.s32 $0xffff, v12  }
0x1a4: {  	v5 =	vld [tilespmem:s24+$0xFFFFFFF0];
	(xrf0) =	vadd.scan.msk.s32 $0xffff, v10  }
0x1a5: {  	v8 =	vld [tilespmem:s24+$0x0]  }
0x1a6: {  	v13 =	vsub.s32 v6, v7;
	v7 =	vld [tilespmem:s24+$0x10];
	v14, _, _ =	vpop (xrf0)  }
0x1a7: {  	vm15 =	vmmov vm2;
	s23 =	simm.s32 $0x10060;
	(xrf0) =	vadd.scan.msk.s32 $0xffff, v9;
	v13 =	vadd.s32 v14, v13;
	v14 =	vbroadcast v14, $0xF;
	v15, _, _ =	vpop (xrf0)  }
.LBB2_27:
0x1a8: {  	[tilespmem:s22+$0xFFFFFFE0] =	vst v13;
	v13 =	vsub.s32 v15, v11  }
0x1a9: {  	s21 =	sadd.s32 $0x4, s21;
	s24 =	sadd.s32 $0x40, s24;
	(xrf0) =	vadd.scan.msk.s32 $0xffff, v5;
	v15 =	vbroadcast v15, $0xF;
	v16, _, _ =	vpop (xrf0);
	v17 =	vmov v9;
	v11 =	vmov v5  }
0x1aa: {  	v9 =	vld [tilespmem:s24+$0xFFFFFFE0];
	p1 =	slt.u32 s21, $0x7C;
	(xrf0) =	vadd.scan.msk.s32 $0xffff, v8;
	v6 =	vadd.s32 v6, v14;
	v14 =	vsub.s32 v16, v12;
	v16 =	vbroadcast v16, $0xF;
	v12, _, _ =	vpop (xrf0)  }
.Ltmp12:
0x1ab: {  	v5 =	vld [tilespmem:s24+$0xFFFFFFF0];
	(xrf0) =	vadd.scan.msk.s32 $0xffff, v7;
	v15 =	vadd.s32 v6, v15;
	v18 =	vsub.s32 v12, v10;
	v19 =	vbroadcast v12, $0xF;
	v12 =	vmovc v8;
	(pc) =	sbr.rel @p1 .LBB2_27-.Ltmp12, $4  }
0x1ac: {  	v20 =	vadd.s32 v6, v13;
	v10 =	vmovc v7;
	v8 =	vld [tilespmem:s24+$0x0];
	v6 =	vadd.s32 v15, v14;
	v13 =	vadd.s32 v15, v16  }
0x1ad: {  	v7 =	vld [tilespmem:s24+$0x10];
	[tilespmem:s22+$0x0] =	vst v6;
	v14 =	vadd.s32 v13, v18;
	v6 =	vadd.s32 v13, v19  }
0x1ae: {  	v13 =	vsub.s32 v6, v17;
	v15, _, _ =	vpop (xrf0);
	[tilespmem:s22+$0x10] =	vst v14  }
0x1af: {  	(xrf0) =	vadd.scan.msk.s32 $0xffff, v9;
	v13 =	vadd.s32 v15, v13;
	v14 =	vbroadcast v15, $0xF;
	v15, _, _ =	vpop (xrf0);
	[tilespmem:s22+$0xFFFFFFF0] =	vst v20;
	s22 =	smov.u32 s23;
	s23 =	smov.u32 s24  }
0x1b0: {  	(xrf0) =	vadd.scan.msk.s32 $0xffff, v5  }
0x1b1: {  	v16 =	vbroadcast v15, $0xF;
	v44, _, _ =	vpop (xrf0);
	(xrf0) =	vadd.scan.msk.s32 $0xffff, v8  }
0x1b2: {  	v11 =	vsub.s32 v15, v11;
	v6 =	vadd.s32 v6, v14;
	v45, _, _ =	vpop (xrf0);
	v15 =	vbroadcast v44, $0xF  }
0x1b3: {  	(xrf0) =	vadd.scan.msk.s32 $0xffff, v7;
	v16 =	vadd.s32 v6, v16;
	v14 =	vbroadcast v45, $0xF  }
0x1b4: {  	v12 =	vsub.s32 v44, v12;
	v47 =	vadd.s32 v16, v15  }
0x1b5: {  	[tilespmem:s22+$0xFFFFFFE0] =	vst v13;
	v10 =	vsub.s32 v45, v10;
	v6 =	vadd.s32 v6, v11;
	v50 =	vadd.s32 v47, v14;
	v46, _, _ =	vpop (xrf0)  }
0x1b6: {  	v12 =	vadd.s32 v16, v12;
	[tilespmem:s22+$0xFFFFFFF0] =	vst v6;
	v9 =	vsub.s32 v50, v9;
	v48 =	vbroadcast v46, $0xF;
	v49, _, _ =	vpop (xrf0)  }
0x1b7: {  	[tilespmem:s22+$0x0] =	vst v12;
	v10 =	vadd.s32 v47, v10;
	v9 =	vadd.s32 v46, v9;
	v51 =	vbroadcast v49, $0xF;
	v52, _, _ =	vpop (xrf0)  }
0x1b8: {  	[tilespmem:s22+$0x10] =	vst v10;
	v62 =	vsub.s32 v49, v5;
	v55 =	vadd.s32 v50, v48;
	v56 =	vbroadcast v52, $0xF  }
0x1b9: {  	[tilespmem:s23+$0xFFFFFFE0] =	vst v9;
	v57 =	vsub.s32 v52, v8;
	v58, _, _ =	vpop (xrf0);
	v59 =	vadd.s32 v55, v51;
	v5 =	vadd.s32 v55, v62  }
0x1ba: {  	v60 =	vsub.s32 v58, v7;
	v6 =	vadd.s32 v59, v57;
	v61 =	vadd.s32 v59, v56;
	[tilespmem:s23+$0xFFFFFFF0] =	vst v5  }
0x1bb: {  	[tilespmem:s23+$0x0] =	vst v6;
	v63 =	vadd.s32 v61, v60  }
0x1bc: {  	s21 =	simm.s32 $0x0;
	[tilespmem:s23+$0x10] =	vst v63  }
.LBB2_29:
0x1bd: {  	s22 =	sshra.s32 s21, $0x2  }
0x1be: {  	v5 =	vld [tilespmem:s22+$0x10800];
	_ =	sdelay $0x4  }
0x1bf: {  	v6 =	vand.u32 $0x7FF, v5;
	_ =	sdelay $0x4  }
0x1c0: {  	v7 =	vld.idx.msk [tilespmem:v6+s14+$0x0], $0xffff  }
0x1c1: {  	vm1 =	vgt.s32 v5, $0x7FFF;
	_ =	sdelay $0x1  }
0x1c2: {  	v5 =	vshrl.u32 v5, $0xB  }
0x1c3: {  	v5 =	vand.u32 $0xF, v5  }
0x1c4: {  	v7 =	vadd.s32 v7, v5  }
0x1c5: {  	v5 =	vadd.s32 $0x1, v5;
	[tilespmem:s22+$0x14800] =	vst v7  }
0x1c6: {  	[tilespmem:v6+s14+$0x0] =	vst.idx.add.s32.msk vm1, v5  }
0x1c7: {  	v5 =	vld [tilespmem:s22+$0x10810];
	_ =	sdelay $0x4  }
0x1c8: {  	v63 =	vand.u32 $0x7FF, v5;
	_ =	sdelay $0x4  }
0x1c9: {  	v7 =	vld.idx.msk [tilespmem:v63+s14+$0x0], $0xffff  }
0x1ca: {  	vm1 =	vgt.s32 v5, $0x7FFF  }
0x1cb: {  	p1 =	sne.s32 s21, $0xFF80  }
.Ltmp13:
0x1cc: {  	v5 =	vshrl.u32 v5, $0xB;
	(pc) =	sbr.rel @p1 .LBB2_29-.Ltmp13, $4  }
0x1cd: {  	v5 =	vand.u32 $0xF, v5  }
0x1ce: {  	v7 =	vadd.s32 v7, v5  }
0x1cf: {  	v5 =	vadd.s32 $0x1, v5;
	[tilespmem:s22+$0x14810] =	vst v7  }
0x1d0: {  	s21 =	sadd.s32 $0x80, s21;
	[tilespmem:v63+s14+$0x0] =	vst.idx.add.s32.msk vm1, v5  }
0x1d1: {  	s22 =	simm.s32 $0x14820  }
0x1d2: {  	v5 =	vld [tilespmem:s22+$0x10]  }
0x1d3: {  	v9 =	vld [tilespmem:s22+$0xFFFFFFF0]  }
0x1d4: {  	s21 =	simm.s32 $0x8020;
	v7 =	vld [tilespmem:s22+$0x0]  }
0x1d5: {  	v11 =	vld [tilespmem:s21+$0x10]  }
0x1d6: {  	v6 =	vld [tilespmem:s22+$0xFFFFFFE0]  }
0x1d7: {  	v8 =	vld [tilespmem:s21+$0xFFFFFFE0]  }
0x1d8: {  	v12 =	vld [tilespmem:s21+$0xFFFFFFF0]  }
0x1d9: {  	s23 =	simm.s32 $0x14860;
	s22 =	simm.s32 $0x0;
	v10 =	vld [tilespmem:s21+$0x0]  }
.LBB2_31:
0x1da: {  	s22 =	sadd.s32 $0x4, s22;
	[tilespmem:v5+s15+$0x0] =	vst.idx.msk $0xffff, v11;
	v5 =	vld [tilespmem:s23+$0x10]  }
0x1db: {  	v13 =	vld [tilespmem:s23+$0xFFFFFFF0];
	p1 =	slt.u32 s22, $0x3FC  }
0x1dc: {  	s21 =	sadd.s32 $0x40, s21;
	v14 =	vld [tilespmem:s23+$0x0]  }
.Ltmp14:
0x1dd: {  	v11 =	vld [tilespmem:s21+$0x10];
	[tilespmem:v9+s15+$0x0] =	vst.idx.msk $0xffff, v12;
	(pc) =	sbr.rel @p1 .LBB2_31-.Ltmp14, $4  }
0x1de: {  	[tilespmem:v6+s15+$0x0] =	vst.idx.msk $0xffff, v8;
	v6 =	vld [tilespmem:s23+$0xFFFFFFE0]  }
0x1df: {  	v8 =	vld [tilespmem:s21+$0xFFFFFFE0];
	[tilespmem:v7+s15+$0x0] =	vst.idx.msk $0xffff, v10  }
0x1e0: {  	v12 =	vld [tilespmem:s21+$0xFFFFFFF0];
	v9 =	vmov v13  }
0x1e1: {  	s23 =	sadd.s32 $0x40, s23;
	v10 =	vld [tilespmem:s21+$0x0];
	v7 =	vmov v14  }
0x1e2: {  	_ =	sdelay $0x3  }
0x1e3: {  	[tilespmem:v5+s15+$0x0] =	vst.idx.msk $0xffff, v11  }
0x1e4: {  	[tilespmem:v6+s15+$0x0] =	vst.idx.msk $0xffff, v8  }
0x1e5: {  	[tilespmem:v9+s15+$0x0] =	vst.idx.msk $0xffff, v12  }
0x1e6: {  	s21 =	simm.s32 $0x10020;
	[tilespmem:v7+s15+$0x0] =	vst.idx.msk $0xffff, v10  }
0x1e7: {  	[tilespmem:s21+$0xFFFFFFE0] =	vst v0  }
0x1e8: {  	[tilespmem:s21+$0x10] =	vst v0  }
0x1e9: {  	s24 =	simm.s32 $0x0;
	s23 =	simm.s32 $0x20;
	[tilespmem:s21+$0x0] =	vst v0  }
.LBB2_33:
0x1ea: {  	s24 =	sadd.s32 $0x4, s24  }
0x1eb: {  	[tilespmem:s21+$0xFFFFFFF0] =	vst v0;
	s21 =	sadd.s32 $0x40, s21;
	p1 =	slt.u32 s24, $0x7C  }
.Ltmp15:
0x1ec: {  	[tilespmem:s21+$0xFFFFFFE0] =	vst v0;
	(pc) =	sbr.rel @p1 .LBB2_33-.Ltmp15, $3  }
0x1ed: {  	_ =	sdelay $0x1  }
0x1ee: {  	[tilespmem:s21+$0x10] =	vst v0  }
0x1ef: {  	s22 =	simm.s32 $0x10820;
	[tilespmem:s21+$0x0] =	vst v0  }
0x1f0: {  	[tilespmem:s21+$0xFFFFFFF0] =	vst v0  }
0x1f1: {  	v5 =	vld [tilespmem:s23+$0xFFFFFFF0]  }
0x1f2: {  	v6 =	vld [tilespmem:s23+$0xFFFFFFE0];
	_ =	sdelay $0x1  }
0x1f3: {  	v7 =	vld [tilespmem:s23+$0x10];
	_ =	sdelay $0x1  }
0x1f4: {  	v8 =	vshra.s32 v5, $0x1F  }
0x1f5: {  	v11 =	vxor.u32 v5, v8;
	v5 =	vshra.s32 v6, $0x1F  }
0x1f6: {  	v9 =	vld [tilespmem:s23+$0x0];
	v12 =	vxor.u32 v6, v5;
	v14 =	vand.u32 $0x7FF, v11  }
0x1f7: {  	v8 =	vshra.s32 v7, $0x1F;
	v18 =	vand.u32 $0x7FF, v12;
	(xrf1) =	vunique.msk.u32 $0xffff, v14  }
0x1f8: {  	v17 =	vxor.u32 v7, v8;
	(xrf1) =	vunique.msk.u32 $0xffff, v18  }
0x1f9: {  	v19 =	vand.u32 $0x7FF, v17  }
0x1fa: {  	(xrf1) =	vunique.msk.u32 $0xffff, v19  }
0x1fb: {  	s30 =	simm.s32 $0x60;
	v5 =	vshra.s32 v9, $0x1F  }
0x1fc: {  	v20 =	vxor.u32 v9, v5;
	v5 =	vld [tilespmem:s30+$0xFFFFFFF0]  }
0x1fd: {  	v9 =	vld [tilespmem:s30+$0xFFFFFFE0];
	v24 =	vand.u32 $0x7FF, v20  }
0x1fe: {  	v6 =	vld [tilespmem:s30+$0x10];
	(xrf1) =	vunique.msk.u32 $0xffff, v24  }
0x1ff: {  	s31 =	simm.s32 $0xA0  }
0x200: {  	v22 =	vld [tilespmem:s31+$0xFFFFFFF0]  }
0x201: {  	v16 =	vld [tilespmem:s30+$0x0];
	v7 =	vshra.s32 v5, $0x1F  }
0x202: {  	v13 =	vshra.s32 v9, $0x1F;
	v7 =	vxor.u32 v5, v7  }
0x203: {  	v5 =	vshra.s32 v6, $0x1F;
	v15 =	vxor.u32 v9, v13;
	v8 =	vand.u32 $0x7FF, v7  }
0x204: {  	v10 =	vxor.u32 v6, v5;
	v13 =	vand.u32 $0x7FF, v15;
	(xrf1) =	vunique.msk.u32 $0xffff, v8  }
0x205: {  	v63 =	vshra.s32 v22, $0x1F;
	v11 =	vor.u32 $0xFFFFF800, v11;
	v9 =	vand.u32 $0x7FF, v10;
	_, v21, vm1 =	vpop (xrf1);
	(xrf1) =	vunique.msk.u32 $0xffff, v13  }
0x206: {  	v12 =	vor.u32 $0xFFFFF800, v12;
	v25 =	vor.u32 $0xFFFFF800, v20;
	v5 =	vshra.s32 v16, $0x1F;
	_, v20, vm2 =	vpop (xrf1);
	(xrf1) =	vunique.msk.u32 $0xffff, v9  }
0x207: {  	v28 =	vld [tilespmem:s31+$0xFFFFFFE0];
	v17 =	vor.u32 $0xFFFFF800, v17;
	v6 =	vxor.u32 v16, v5;
	v16 =	vimm.s32 $0x0  }
0x208: {  	v26 =	vld [tilespmem:s31+$0x10];
	v5 =	vand.u32 $0x7FF, v6;
	v31 =	vshll.u32 v21, $0xB;
	v32 =	vsel vm1, $0x8000, v16;
	_, v27, vm3 =	vpop (xrf1)  }
0x209: {  	v23 =	vshll.u32 v20, $0xB;
	v11 =	vadd.s32 v11, v31;
	v29 =	vshll.u32 v27, $0xB  }
0x20a: {  	v62 =	vld [tilespmem:s31+$0x0];
	(xrf1) =	vunique.msk.u32 $0xffff, v5;
	v12 =	vadd.s32 v12, v23;
	v23 =	vsel vm2, $0x8000, v16;
	v17 =	vadd.s32 v17, v29  }
0x20b: {  	v30 =	vsel vm3, $0x8000, v16;
	v12 =	vor.u32 v23, v12;
	v23 =	vor.u32 v32, v11;
	[tilespmem:v14+s14+$0x0] =	vst.idx.add.s32.msk vm1, v21  }
0x20c: {  	_, v33, vm4 =	vpop (xrf1);
	v11 =	vshra.s32 v28, $0x1F;
	v30 =	vor.u32 v30, v17;
	v14 =	vxor.u32 v22, v63;
	[tilespmem:v18+s14+$0x0] =	vst.idx.add.s32.msk vm2, v20  }
0x20d: {  	v17 =	vshra.s32 v26, $0x1F;
	v20 =	vxor.u32 v28, v11;
	[tilespmem:s22+$0xFFFFFFE0] =	vst v12;
	v12 =	vand.u32 $0x7FF, v14  }
0x20e: {  	v22 =	vshll.u32 v33, $0xB;
	v18 =	vxor.u32 v26, v17;
	v17 =	vand.u32 $0x7FF, v20;
	(xrf1) =	vunique.msk.u32 $0xffff, v12  }
0x20f: {  	v11 =	vand.u32 $0x7FF, v18;
	(xrf1) =	vunique.msk.u32 $0xffff, v17  }
0x210: {  	[tilespmem:v19+s14+$0x0] =	vst.idx.add.s32.msk vm3, v27;
	v19 =	vshra.s32 v62, $0x1F;
	(xrf1) =	vunique.msk.u32 $0xffff, v11  }
0x211: {  	s21 =	simm.s32 $0x4;
	v26 =	vsel vm4, $0x8000, v16;
	v25 =	vadd.s32 v25, v22;
	v21 =	vxor.u32 v62, v19;
	[tilespmem:s22+$0x10] =	vst v30  }
0x212: {  	s24 =	simm.s32 $0x8;
	s25 =	simm.s32 $0xE0;
	s23 =	simm.s32 $0x10820;
	[tilespmem:v24+s14+$0x0] =	vst.idx.add.s32.msk vm4, v33;
	v24 =	vor.u32 v26, v25;
	v19 =	vand.u32 $0x7FF, v21;
	_, v22, vm1 =	vpop (xrf1)  }
.LBB2_35:
0x213: {  	v25 =	vld [tilespmem:s25+$0xFFFFFFF0];
	s24 =	sadd.s32 $0x4, s24;
	v26 =	vor.u32 $0xFFFFF800, v6;
	_, v27, vm3 =	vpop (xrf1);
	[tilespmem:s22+$0xFFFFFFF0] =	vst v23;
	s23 =	sadd.s32 $0x40, s23;
	v6 =	vmov v21  }
0x214: {  	v28 =	vor.u32 $0xFFFFF800, v15;
	v29 =	vor.u32 $0xFFFFF800, v7;
	v21 =	vld [tilespmem:s25+$0x10];
	p1 =	slt.u32 s24, $0x3FC;
	v23 =	vshll.u32 v27, $0xB;
	_, v30, vm2 =	vpop (xrf1);
	[tilespmem:s22+$0x0] =	vst v24;
	s22 =	smov.u32 s23  }
0x215: {  	v3 =	vor.u32 $0xFFFFF800, v10;
	v7 =	vmovc v14;
	v10 =	vmovc v18;
	v24 =	vld [tilespmem:s25+$0xFFFFFFE0];
	v2 =	vshll.u32 v30, $0xB;
	v32 =	vsel vm2, $0x8000, v16  }
0x216: {  	v14 =	vshll.u32 v22, $0xB;
	v18 =	vsel vm1, $0x8000, v16;
	v15 =	vmovc v20;
	v33 =	vld [tilespmem:s25+$0x0];
	(xrf1) =	vunique.msk.u32 $0xffff, v19;
	v2 =	vadd.s32 v3, v2  }
0x217: {  	v20 =	vadd.s32 v28, v23;
	v23 =	vsel vm3, $0x8000, v16;
	v28 =	vadd.s32 v29, v14;
	v29 =	vmovc v5;
	v5 =	vmovc v19  }
0x218: {  	v19 =	vor.u32 v23, v20;
	v14 =	vshra.s32 v25, $0x1F;
	[tilespmem:v8+s14+$0x0] =	vst.idx.add.s32.msk vm1, v22;
	v22 =	vor.u32 v32, v2;
	_, v31, vm4 =	vpop (xrf1)  }
0x219: {  	v23 =	vor.u32 v18, v28;
	v14 =	vxor.u32 v25, v14;
	v2 =	vshra.s32 v21, $0x1F;
	[tilespmem:v13+s14+$0x0] =	vst.idx.add.s32.msk vm3, v27  }
.Ltmp16:
0x21a: {  	v8 =	vmovc v12;
	v25 =	vsel vm4, $0x8000, v16;
	v13 =	vmovc v17;
	v20 =	vshra.s32 v24, $0x1F;
	v18 =	vxor.u32 v21, v2;
	[tilespmem:s23+$0xFFFFFFE0] =	vst v19;
	(pc) =	sbr.rel @p1 .LBB2_35-.Ltmp16, $4  }
0x21b: {  	v12 =	vand.u32 $0x7FF, v14;
	v20 =	vxor.u32 v24, v20;
	[tilespmem:v9+s14+$0x0] =	vst.idx.add.s32.msk vm2, v30;
	v9 =	vmovc v11;
	v11 =	vand.u32 $0x7FF, v18  }
0x21c: {  	v19 =	vshra.s32 v33, $0x1F;
	v24 =	vshll.u32 v31, $0xB;
	v17 =	vand.u32 $0x7FF, v20;
	(xrf1) =	vunique.msk.u32 $0xffff, v12  }
0x21d: {  	v21 =	vxor.u32 v33, v19;
	v24 =	vadd.s32 v26, v24;
	(xrf1) =	vunique.msk.u32 $0xffff, v17;
	[tilespmem:s23+$0x10] =	vst v22  }
0x21e: {  	s25 =	sadd.s32 $0x40, s25;
	v19 =	vand.u32 $0x7FF, v21;
	v24 =	vor.u32 v25, v24;
	(xrf1) =	vunique.msk.u32 $0xffff, v11;
	_, v22, vm1 =	vpop (xrf1);
	[tilespmem:v29+s14+$0x0] =	vst.idx.add.s32.msk vm4, v31  }
0x21f: {  	_ =	sdelay $0x1  }
0x220: {  	(xrf1) =	vunique.msk.u32 $0xffff, v19  }
0x221: {  	_, v25, vm3 =	vpop (xrf1)  }
0x222: {  	_, v26, vm4 =	vpop (xrf1);
	_ =	sdelay $0x2  }
0x223: {  	[tilespmem:s22+$0xFFFFFFF0] =	vst v23;
	v16 =	vimm.s32 $0x0;
	_, v60, vm5 =	vpop (xrf1)  }
0x224: {  	v15 =	vor.u32 $0xFFFFF800, v15;
	v10 =	vor.u32 $0xFFFFF800, v10;
	[tilespmem:v8+s14+$0x0] =	vst.idx.add.s32.msk vm1, v22;
	v61 =	vshll.u32 v25, $0xB  }
0x225: {  	v62 =	vsel vm3, $0x8000, v16;
	v27 =	vshll.u32 v26, $0xB;
	v15 =	vadd.s32 v15, v61;
	[tilespmem:v13+s14+$0x0] =	vst.idx.add.s32.msk vm3, v25  }
0x226: {  	s31 =	sadd.s32 $0x40, s23;
	v63 =	vsel vm4, $0x8000, v16;
	v10 =	vadd.s32 v10, v27;
	v15 =	vor.u32 v62, v15;
	[tilespmem:v9+s14+$0x0] =	vst.idx.add.s32.msk vm4, v26  }
0x227: {  	v7 =	vor.u32 $0xFFFFF800, v7;
	v10 =	vor.u32 v63, v10;
	[tilespmem:s31+$0xFFFFFFE0] =	vst v15;
	_, v13, vm2 =	vpop (xrf1)  }
0x228: {  	v8 =	vshll.u32 v22, $0xB;
	v6 =	vor.u32 $0xFFFFF800, v6;
	[tilespmem:s31+$0x10] =	vst v10;
	v10 =	vsel vm5, $0x8000, v16;
	_, v9, vm3 =	vpop (xrf1)  }
0x229: {  	v7 =	vadd.s32 v7, v8;
	v8 =	vshll.u32 v60, $0xB;
	v15 =	vsel vm1, $0x8000, v16;
	[tilespmem:v5+s14+$0x0] =	vst.idx.add.s32.msk vm5, v60;
	_, v5, vm1 =	vpop (xrf1)  }
0x22a: {  	[tilespmem:s22+$0x0] =	vst v24;
	v6 =	vadd.s32 v6, v8;
	v7 =	vor.u32 v15, v7  }
0x22b: {  	[tilespmem:s31+$0xFFFFFFF0] =	vst v7;
	v6 =	vor.u32 v10, v6  }
0x22c: {  	v8 =	vor.u32 $0xFFFFF800, v20;
	[tilespmem:s31+$0x0] =	vst v6;
	v7 =	vshll.u32 v9, $0xB;
	_, v10, vm15 =	vpop (xrf1)  }
0x22d: {  	v6 =	vadd.s32 v8, v7;
	v7 =	vshll.u32 v5, $0xB;
	v8 =	vor.u32 $0xFFFFF800, v18;
	[tilespmem:v12+s14+$0x0] =	vst.idx.add.s32.msk vm2, v13  }
0x22e: {  	v7 =	vadd.s32 v8, v7;
	[tilespmem:v17+s14+$0x0] =	vst.idx.add.s32.msk vm3, v9;
	v9 =	vsel vm3, $0x8000, v16  }
0x22f: {  	s23 =	sadd.s32 $0x40, s31;
	v8 =	vshll.u32 v13, $0xB;
	v12 =	vsel vm1, $0x8000, v16;
	v6 =	vor.u32 v9, v6;
	[tilespmem:v11+s14+$0x0] =	vst.idx.add.s32.msk vm1, v5  }
0x230: {  	v7 =	vor.u32 v12, v7;
	v9 =	vor.u32 $0xFFFFF800, v21;
	[tilespmem:s23+$0xFFFFFFE0] =	vst v6;
	v6 =	vor.u32 $0xFFFFF800, v14  }
0x231: {  	v5 =	vsel vm2, $0x8000, v16;
	[tilespmem:s23+$0x10] =	vst v7;
	v6 =	vadd.s32 v6, v8;
	v8 =	vshll.u32 v10, $0xB  }
0x232: {  	[tilespmem:v19+s14+$0x0] =	vst.idx.add.s32.msk vm15, v10;
	v5 =	vor.u32 v5, v6;
	v6 =	vsel vm15, $0x8000, v16;
	v7 =	vadd.s32 v9, v8  }
0x233: {  	v6 =	vor.u32 v6, v7;
	[tilespmem:s23+$0xFFFFFFF0] =	vst v5  }
0x234: {  	s22 =	simm.s32 $0x10020;
	[tilespmem:s23+$0x0] =	vst v6  }
0x235: {  	v6 =	vld [tilespmem:s22+$0xFFFFFFE0]  }
0x236: {  	v10 =	vld [tilespmem:s22+$0xFFFFFFF0];
	_ =	sdelay $0x1  }
0x237: {  	v11 =	vld [tilespmem:s22+$0x0]  }
0x238: {  	v9 =	vld [tilespmem:s22+$0x10]  }
0x239: {  	(xrf0) =	vadd.scan.msk.s32 $0xffff, v6  }
0x23a: {  	s24 =	simm.s32 $0x10060;
	(xrf0) =	vadd.scan.msk.s32 $0xffff, v10  }
0x23b: {  	v8 =	vld [tilespmem:s24+$0xFFFFFFE0]  }
0x23c: {  	(xrf0) =	vadd.scan.msk.s32 $0xffff, v11  }
0x23d: {  	v5 =	vld [tilespmem:s24+$0xFFFFFFF0];
	(xrf0) =	vadd.scan.msk.s32 $0xffff, v9  }
0x23e: {  	v7 =	vld [tilespmem:s24+$0x0]  }
0x23f: {  	v12 =	vsub.s32 v16, v6;
	v6 =	vld [tilespmem:s24+$0x10];
	v13, _, _ =	vpop (xrf0)  }
0x240: {  	s23 =	simm.s32 $0x10060;
	(xrf0) =	vadd.scan.msk.s32 $0xffff, v8;
	v12 =	vadd.s32 v13, v12;
	v13 =	vbroadcast v13, $0xF;
	v14, _, _ =	vpop (xrf0)  }
.LBB2_37:
0x241: {  	[tilespmem:s22+$0xFFFFFFE0] =	vst v12;
	v12 =	vsub.s32 v14, v10  }
0x242: {  	s21 =	sadd.s32 $0x4, s21;
	s24 =	sadd.s32 $0x40, s24;
	(xrf0) =	vadd.scan.msk.s32 $0xffff, v5;
	v14 =	vbroadcast v14, $0xF;
	v15, _, _ =	vpop (xrf0);
	v17 =	vmov v8;
	v10 =	vmov v5  }
0x243: {  	v8 =	vld [tilespmem:s24+$0xFFFFFFE0];
	p1 =	slt.u32 s21, $0x7C;
	(xrf0) =	vadd.scan.msk.s32 $0xffff, v7;
	v13 =	vadd.s32 v16, v13;
	v16 =	vsub.s32 v15, v11;
	v15 =	vbroadcast v15, $0xF;
	v11, _, _ =	vpop (xrf0)  }
.Ltmp17:
0x244: {  	v5 =	vld [tilespmem:s24+$0xFFFFFFF0];
	(xrf0) =	vadd.scan.msk.s32 $0xffff, v6;
	v14 =	vadd.s32 v13, v14;
	v18 =	vsub.s32 v11, v9;
	v19 =	vbroadcast v11, $0xF;
	v11 =	vmovc v7;
	(pc) =	sbr.rel @p1 .LBB2_37-.Ltmp17, $4  }
0x245: {  	v20 =	vadd.s32 v13, v12;
	v9 =	vmovc v6;
	v7 =	vld [tilespmem:s24+$0x0];
	v12 =	vadd.s32 v14, v16;
	v13 =	vadd.s32 v14, v15  }
0x246: {  	v6 =	vld [tilespmem:s24+$0x10];
	[tilespmem:s22+$0x0] =	vst v12;
	v12 =	vadd.s32 v13, v18;
	v16 =	vadd.s32 v13, v19  }
0x247: {  	v13 =	vsub.s32 v16, v17;
	v14, _, _ =	vpop (xrf0);
	[tilespmem:s22+$0x10] =	vst v12  }
0x248: {  	(xrf0) =	vadd.scan.msk.s32 $0xffff, v8;
	v12 =	vadd.s32 v14, v13;
	v13 =	vbroadcast v14, $0xF;
	v14, _, _ =	vpop (xrf0);
	[tilespmem:s22+$0xFFFFFFF0] =	vst v20;
	s22 =	smov.u32 s23;
	s23 =	smov.u32 s24  }
0x249: {  	(xrf0) =	vadd.scan.msk.s32 $0xffff, v5  }
0x24a: {  	v15 =	vbroadcast v14, $0xF;
	v46, _, _ =	vpop (xrf0);
	(xrf0) =	vadd.scan.msk.s32 $0xffff, v7  }
0x24b: {  	v10 =	vsub.s32 v14, v10;
	v13 =	vadd.s32 v16, v13;
	v47, _, _ =	vpop (xrf0);
	v14 =	vbroadcast v46, $0xF  }
0x24c: {  	(xrf0) =	vadd.scan.msk.s32 $0xffff, v6;
	v15 =	vadd.s32 v13, v15;
	v16 =	vbroadcast v47, $0xF  }
0x24d: {  	v11 =	vsub.s32 v46, v11;
	v49 =	vadd.s32 v15, v14  }
0x24e: {  	[tilespmem:s22+$0xFFFFFFE0] =	vst v12;
	v9 =	vsub.s32 v47, v9;
	v10 =	vadd.s32 v13, v10;
	v52 =	vadd.s32 v49, v16;
	v48, _, _ =	vpop (xrf0)  }
0x24f: {  	v11 =	vadd.s32 v15, v11;
	[tilespmem:s22+$0xFFFFFFF0] =	vst v10;
	v8 =	vsub.s32 v52, v8;
	v50 =	vbroadcast v48, $0xF;
	v51, _, _ =	vpop (xrf0)  }
0x250: {  	[tilespmem:s22+$0x0] =	vst v11;
	v9 =	vadd.s32 v49, v9;
	v8 =	vadd.s32 v48, v8;
	v55 =	vbroadcast v51, $0xF;
	v56, _, _ =	vpop (xrf0)  }
0x251: {  	[tilespmem:s22+$0x10] =	vst v9;
	v63 =	vsub.s32 v51, v5;
	v57 =	vadd.s32 v52, v50;
	v58 =	vbroadcast v56, $0xF  }
0x252: {  	[tilespmem:s23+$0xFFFFFFE0] =	vst v8;
	v59 =	vsub.s32 v56, v7;
	v60, _, _ =	vpop (xrf0);
	v12 =	vadd.s32 v57, v55;
	v5 =	vadd.s32 v57, v63  }
0x253: {  	v61 =	vsub.s32 v60, v6;
	v7 =	vadd.s32 v12, v59;
	v62 =	vadd.s32 v12, v58;
	[tilespmem:s23+$0xFFFFFFF0] =	vst v5  }
0x254: {  	[tilespmem:s23+$0x0] =	vst v7;
	v6 =	vadd.s32 v62, v61  }
0x255: {  	s21 =	simm.s32 $0x0;
	[tilespmem:s23+$0x10] =	vst v6  }
.LBB2_39:
0x256: {  	s22 =	sshra.s32 s21, $0x2  }
0x257: {  	v5 =	vld [tilespmem:s22+$0x10800];
	_ =	sdelay $0x4  }
0x258: {  	v6 =	vand.u32 $0x7FF, v5;
	_ =	sdelay $0x4  }
0x259: {  	v7 =	vld.idx.msk [tilespmem:v6+s14+$0x0], $0xffff  }
0x25a: {  	vm1 =	vgt.s32 v5, $0x7FFF;
	_ =	sdelay $0x1  }
0x25b: {  	v5 =	vshrl.u32 v5, $0xB  }
0x25c: {  	v5 =	vand.u32 $0xF, v5  }
0x25d: {  	v7 =	vadd.s32 v7, v5  }
0x25e: {  	v5 =	vadd.s32 $0x1, v5;
	[tilespmem:s22+$0x14800] =	vst v7  }
0x25f: {  	[tilespmem:v6+s14+$0x0] =	vst.idx.add.s32.msk vm1, v5  }
0x260: {  	v5 =	vld [tilespmem:s22+$0x10810];
	_ =	sdelay $0x4  }
0x261: {  	v63 =	vand.u32 $0x7FF, v5;
	_ =	sdelay $0x4  }
0x262: {  	v7 =	vld.idx.msk [tilespmem:v63+s14+$0x0], $0xffff  }
0x263: {  	vm1 =	vgt.s32 v5, $0x7FFF  }
0x264: {  	p1 =	sne.s32 s21, $0xFF80  }
.Ltmp18:
0x265: {  	v5 =	vshrl.u32 v5, $0xB;
	(pc) =	sbr.rel @p1 .LBB2_39-.Ltmp18, $4  }
0x266: {  	v5 =	vand.u32 $0xF, v5  }
0x267: {  	v7 =	vadd.s32 v7, v5  }
0x268: {  	v5 =	vadd.s32 $0x1, v5;
	[tilespmem:s22+$0x14810] =	vst v7  }
0x269: {  	s21 =	sadd.s32 $0x80, s21;
	[tilespmem:v63+s14+$0x0] =	vst.idx.add.s32.msk vm1, v5  }
0x26a: {  	s23 =	simm.s32 $0x14820  }
0x26b: {  	s21 =	simm.s32 $0x20;
	v6 =	vld [tilespmem:s23+$0x10]  }
0x26c: {  	v13 =	vld [tilespmem:s21+$0x10]  }
0x26d: {  	v10 =	vld [tilespmem:s21+$0xFFFFFFE0]  }
0x26e: {  	v11 =	vld [tilespmem:s21+$0xFFFFFFF0]  }
0x26f: {  	v9 =	vld [tilespmem:s21+$0x0]  }
0x270: {  	v7 =	vld [tilespmem:s23+$0xFFFFFFF0]  }
0x271: {  	v5 =	vld [tilespmem:s23+$0x0];
	v14 =	vxor.u32 $0x7FFFFFFF, v13;
	vm2 =	vlt.s32 v13, $0x0  }
0x272: {  	s22 =	simm.s32 $0x0;
	v8 =	vld [tilespmem:s23+$0xFFFFFFE0];
	s23 =	simm.s32 $0x14860;
	v12 =	vxor.u32 $0x7FFFFFFF, v10;
	vm1 =	vlt.s32 v10, $0x0;
	v13 =	vsel vm2, v14, v13  }
.LBB2_41:
0x273: {  	s22 =	sadd.s32 $0x4, s22;
	v14 =	vsel vm1, v12, v10;
	v10 =	vxor.u32 $0x7FFFFFFF, v11;
	vm1 =	vlt.s32 v11, $0x0;
	[tilespmem:v6+s16+$0x0] =	vst.idx.msk $0xffff, v13;
	v6 =	vld [tilespmem:s23+$0x10];
	s21 =	sadd.s32 $0x40, s21  }
0x274: {  	v13 =	vld [tilespmem:s21+$0x10];
	p1 =	slt.u32 s22, $0x3FC;
	v12 =	vsel vm1, v10, v11;
	v11 =	vxor.u32 $0x7FFFFFFF, v9;
	vm1 =	vlt.s32 v9, $0x0  }
0x275: {  	v10 =	vld [tilespmem:s21+$0xFFFFFFE0];
	v15 =	vsel vm1, v11, v9  }
.Ltmp19:
0x276: {  	v11 =	vld [tilespmem:s21+$0xFFFFFFF0];
	(pc) =	sbr.rel @p1 .LBB2_41-.Ltmp19, $4  }
0x277: {  	v9 =	vld [tilespmem:s21+$0x0]  }
0x278: {  	[tilespmem:v7+s16+$0x0] =	vst.idx.msk $0xffff, v12;
	v7 =	vld [tilespmem:s23+$0xFFFFFFF0]  }
0x279: {  	v16 =	vxor.u32 $0x7FFFFFFF, v13;
	vm2 =	vlt.s32 v13, $0x0;
	[tilespmem:v5+s16+$0x0] =	vst.idx.msk $0xffff, v15;
	v5 =	vld [tilespmem:s23+$0x0]  }
0x27a: {  	v12 =	vxor.u32 $0x7FFFFFFF, v10;
	vm1 =	vlt.s32 v10, $0x0;
	v13 =	vsel vm2, v16, v13;
	[tilespmem:v8+s16+$0x0] =	vst.idx.msk $0xffff, v14;
	v8 =	vld [tilespmem:s23+$0xFFFFFFE0];
	s23 =	sadd.s32 $0x40, s23  }
0x27b: {  	_ =	sdelay $0x3  }
0x27c: {  	v14 =	vxor.u32 $0x7FFFFFFF, v11;
	vm2 =	vlt.s32 v11, $0x0  }
0x27d: {  	[tilespmem:v6+s16+$0x0] =	vst.idx.msk $0xffff, v13;
	v61 =	vsel vm2, v14, v11;
	v62 =	vxor.u32 $0x7FFFFFFF, v9;
	vm2 =	vlt.s32 v9, $0x0  }
0x27e: {  	v9 =	vsel vm2, v62, v9;
	[tilespmem:v7+s16+$0x0] =	vst.idx.msk $0xffff, v61  }
0x27f: {  	v63 =	vsel vm1, v12, v10;
	[tilespmem:v5+s16+$0x0] =	vst.idx.msk $0xffff, v9  }
0x280: {  	s21 =	simm.s32 $0x10020;
	[tilespmem:v8+s16+$0x0] =	vst.idx.msk $0xffff, v63  }
0x281: {  	[tilespmem:s21+$0xFFFFFFE0] =	vst v0  }
0x282: {  	[tilespmem:s21+$0x10] =	vst v0  }
0x283: {  	s24 =	simm.s32 $0x0;
	s23 =	simm.s32 $0x4020;
	[tilespmem:s21+$0x0] =	vst v0  }
.LBB2_43:
0x284: {  	s24 =	sadd.s32 $0x4, s24  }
0x285: {  	[tilespmem:s21+$0xFFFFFFF0] =	vst v0;
	s21 =	sadd.s32 $0x40, s21;
	p1 =	slt.u32 s24, $0x7C  }
.Ltmp20:
0x286: {  	[tilespmem:s21+$0xFFFFFFE0] =	vst v0;
	(pc) =	sbr.rel @p1 .LBB2_43-.Ltmp20, $3  }
0x287: {  	_ =	sdelay $0x1  }
0x288: {  	[tilespmem:s21+$0x10] =	vst v0  }
0x289: {  	s22 =	simm.s32 $0x10820;
	[tilespmem:s21+$0x0] =	vst v0  }
0x28a: {  	[tilespmem:s21+$0xFFFFFFF0] =	vst v0  }
0x28b: {  	v5 =	vld [tilespmem:s23+$0x10];
	_ =	sdelay $0x2  }
0x28c: {  	v6 =	vld [tilespmem:s23+$0xFFFFFFE0]  }
0x28d: {  	v7 =	vld [tilespmem:s23+$0xFFFFFFF0]  }
0x28e: {  	v8 =	vld [tilespmem:s23+$0x0];
	v9 =	vshrl.u32 v5, $0xB  }
0x28f: {  	v11 =	vand.u32 $0x7FF, v9  }
0x290: {  	(xrf1) =	vunique.msk.u32 $0xffff, v11  }
0x291: {  	v10 =	vshrl.u32 v6, $0xB  }
0x292: {  	v12 =	vshrl.u32 v7, $0xB;
	v14 =	vand.u32 $0x7FF, v10  }
0x293: {  	v13 =	vshrl.u32 v8, $0xB;
	v24 =	vand.u32 $0x7FF, v12;
	(xrf1) =	vunique.msk.u32 $0xffff, v14  }
0x294: {  	v21 =	vand.u32 $0x7FF, v13;
	(xrf1) =	vunique.msk.u32 $0xffff, v24  }
0x295: {  	(xrf1) =	vunique.msk.u32 $0xffff, v21;
	_ =	sdelay $0x1  }
0x296: {  	s30 =	simm.s32 $0x4060  }
0x297: {  	v6 =	vld [tilespmem:s30+$0x10]  }
0x298: {  	v7 =	vld [tilespmem:s30+$0xFFFFFFE0]  }
0x299: {  	v8 =	vld [tilespmem:s30+$0x0]  }
0x29a: {  	v5 =	vld [tilespmem:s30+$0xFFFFFFF0];
	_ =	sdelay $0x2  }
0x29b: {  	v17 =	vshrl.u32 v6, $0xB;
	v20 =	vshrl.u32 v7, $0xB;
	_, v28, vm2 =	vpop (xrf1)  }
0x29c: {  	s31 =	simm.s32 $0x40A0;
	v15 =	vshrl.u32 v8, $0xB;
	v8 =	vand.u32 $0x7FF, v17;
	v22 =	vshll.u32 v28, $0xB  }
0x29d: {  	v27 =	vor.u32 $0xFFFFF800, v13;
	v13 =	vld [tilespmem:s31+$0x10];
	v19 =	vshrl.u32 v5, $0xB;
	v7 =	vand.u32 $0x7FF, v20;
	(xrf1) =	vunique.msk.u32 $0xffff, v8  }
0x29e: {  	v16 =	vld [tilespmem:s31+$0xFFFFFFF0];
	v6 =	vand.u32 $0x7FF, v19;
	_, v29, vm3 =	vpop (xrf1);
	(xrf1) =	vunique.msk.u32 $0xffff, v7  }
0x29f: {  	v18 =	vimm.s32 $0x0;
	v30 =	vld [tilespmem:s31+$0xFFFFFFE0];
	v9 =	vor.u32 $0xFFFFF800, v9;
	v5 =	vand.u32 $0x7FF, v15;
	_, v31, vm4 =	vpop (xrf1);
	(xrf1) =	vunique.msk.u32 $0xffff, v6  }
0x2a0: {  	v10 =	vor.u32 $0xFFFFF800, v10;
	v25 =	vshll.u32 v29, $0xB;
	v23 =	vadd.s32 v9, v22;
	_, v22, vm1 =	vpop (xrf1);
	(xrf1) =	vunique.msk.u32 $0xffff, v5  }
0x2a1: {  	v12 =	vor.u32 $0xFFFFF800, v12;
	v26 =	vsel vm3, $0x8000, v18;
	v9 =	vadd.s32 v10, v25  }
0x2a2: {  	v13 =	vshrl.u32 v13, $0xB;
	v10 =	vshll.u32 v31, $0xB;
	v25 =	vor.u32 v26, v9  }
0x2a3: {  	v32 =	vld [tilespmem:s31+$0x0];
	v9 =	vadd.s32 v12, v10;
	v10 =	vshrl.u32 v16, $0xB;
	v12 =	vshll.u32 v22, $0xB  }
0x2a4: {  	v16 =	vshrl.u32 v30, $0xB;
	v27 =	vadd.s32 v27, v12;
	v12 =	vand.u32 $0x7FF, v13  }
0x2a5: {  	[tilespmem:v11+s14+$0x0] =	vst.idx.add.s32.msk vm2, v28;
	v11 =	vand.u32 $0x7FF, v16;
	(xrf1) =	vunique.msk.u32 $0xffff, v12  }
0x2a6: {  	(xrf1) =	vunique.msk.u32 $0xffff, v11  }
0x2a7: {  	v33 =	vsel vm4, $0x8000, v18;
	v26 =	vsel vm2, $0x8000, v18;
	[tilespmem:v14+s14+$0x0] =	vst.idx.add.s32.msk vm3, v29  }
0x2a8: {  	s21 =	simm.s32 $0x4;
	v33 =	vor.u32 v33, v9;
	v34 =	vsel vm1, $0x8000, v18;
	v14 =	vshrl.u32 v32, $0xB;
	[tilespmem:v24+s14+$0x0] =	vst.idx.add.s32.msk vm4, v31  }
0x2a9: {  	s24 =	simm.s32 $0x8;
	s25 =	simm.s32 $0x40E0;
	s23 =	simm.s32 $0x10820;
	v9 =	vand.u32 $0x7FF, v10;
	v24 =	vand.u32 $0x7FF, v14;
	v27 =	vor.u32 v34, v27;
	[tilespmem:s22+$0xFFFFFFF0] =	vst v33  }
.LBB2_45:
0x2aa: {  	v28 =	vld [tilespmem:s25+$0xFFFFFFF0];
	s24 =	sadd.s32 $0x4, s24;
	(xrf1) =	vunique.msk.u32 $0xffff, v9;
	[tilespmem:s22+$0xFFFFFFE0] =	vst v25;
	v23 =	vor.u32 v26, v23;
	s23 =	sadd.s32 $0x40, s23;
	v29 =	vmovc v5;
	v5 =	vmov v24  }
0x2ab: {  	v19 =	vor.u32 $0xFFFFF800, v19;
	v30 =	vor.u32 $0xFFFFF800, v15;
	v24 =	vld [tilespmem:s25+$0x10];
	p1 =	slt.u32 s24, $0x3FC;
	(xrf1) =	vunique.msk.u32 $0xffff, v5;
	_, v31, vm4 =	vpop (xrf1);
	[tilespmem:s22+$0x10] =	vst v23  }
0x2ac: {  	v15 =	vor.u32 $0xFFFFF800, v20;
	v17 =	vor.u32 $0xFFFFF800, v17;
	v20 =	vshll.u32 v31, $0xB;
	_, v32, vm2 =	vpop (xrf1);
	[tilespmem:v21+s14+$0x0] =	vst.idx.add.s32.msk vm1, v22  }
0x2ad: {  	v21 =	vld [tilespmem:s25+$0xFFFFFFE0];
	v2 =	vshll.u32 v32, $0xB;
	v25 =	vsel vm2, $0x8000, v18;
	v23 =	vadd.s32 v17, v20;
	_, v33, vm3 =	vpop (xrf1);
	[tilespmem:s22+$0x0] =	vst v27;
	s22 =	smov.u32 s23  }
0x2ae: {  	v27 =	vld [tilespmem:s25+$0x0];
	v4 =	vadd.s32 v15, v2;
	v2 =	vshll.u32 v33, $0xB;
	v3 =	vsel vm3, $0x8000, v18;
	_, v22, vm1 =	vpop (xrf1)  }
0x2af: {  	v17 =	vmovc v13;
	v25 =	vor.u32 v25, v4;
	v2 =	vadd.s32 v19, v2;
	v34 =	vshll.u32 v22, $0xB;
	v19 =	vmovc v10  }
.Ltmp21:
0x2b0: {  	v26 =	vsel vm4, $0x8000, v18;
	v15 =	vmovc v14;
	v10 =	vshrl.u32 v28, $0xB;
	v20 =	vmovc v16;
	v28 =	vor.u32 v3, v2;
	(pc) =	sbr.rel @p1 .LBB2_45-.Ltmp21, $4  }
0x2b1: {  	v13 =	vshrl.u32 v24, $0xB;
	v30 =	vadd.s32 v30, v34;
	v34 =	vsel vm1, $0x8000, v18;
	[tilespmem:v8+s14+$0x0] =	vst.idx.add.s32.msk vm4, v31;
	v8 =	vmovc v12  }
0x2b2: {  	v31 =	vand.u32 $0x7FF, v10;
	v12 =	vand.u32 $0x7FF, v13;
	v16 =	vshrl.u32 v21, $0xB;
	[tilespmem:v7+s14+$0x0] =	vst.idx.add.s32.msk vm2, v32;
	v7 =	vmovc v11;
	v21 =	vmovc v29  }
0x2b3: {  	v11 =	vand.u32 $0x7FF, v16;
	v14 =	vshrl.u32 v27, $0xB;
	(xrf1) =	vunique.msk.u32 $0xffff, v12;
	[tilespmem:v6+s14+$0x0] =	vst.idx.add.s32.msk vm3, v33;
	v6 =	vmovc v9  }
0x2b4: {  	s25 =	sadd.s32 $0x40, s25;
	v27 =	vor.u32 v34, v30;
	v9 =	vmovc v31;
	v24 =	vand.u32 $0x7FF, v14;
	(xrf1) =	vunique.msk.u32 $0xffff, v11;
	[tilespmem:s23+$0xFFFFFFF0] =	vst v28  }
0x2b5: {  	(xrf1) =	vunique.msk.u32 $0xffff, v9;
	_ =	sdelay $0x1  }
0x2b6: {  	_, v28, vm2 =	vpop (xrf1)  }
0x2b7: {  	(xrf1) =	vunique.msk.u32 $0xffff, v24;
	_, v29, vm3 =	vpop (xrf1);
	_ =	sdelay $0x2  }
0x2b8: {  	[tilespmem:s22+$0xFFFFFFE0] =	vst v25;
	v18 =	vor.u32 v26, v23;
	v19 =	vor.u32 $0xFFFFF800, v19;
	_, v59, vm4 =	vpop (xrf1)  }
0x2b9: {  	v20 =	vor.u32 $0xFFFFF800, v20;
	[tilespmem:s22+$0x10] =	vst v18;
	v18 =	vimm.s32 $0x0;
	v61 =	vshll.u32 v59, $0xB  }
0x2ba: {  	v63 =	vsel vm4, $0x8000, v18;
	v19 =	vadd.s32 v19, v61;
	[tilespmem:v8+s14+$0x0] =	vst.idx.add.s32.msk vm2, v28;
	v8 =	vshll.u32 v29, $0xB  }
0x2bb: {  	v19 =	vor.u32 v63, v19;
	[tilespmem:v7+s14+$0x0] =	vst.idx.add.s32.msk vm3, v29;
	v7 =	vsel vm3, $0x8000, v18;
	v8 =	vadd.s32 v20, v8  }
0x2bc: {  	[tilespmem:v21+s14+$0x0] =	vst.idx.add.s32.msk vm1, v22;
	_, v62, vm5 =	vpop (xrf1);
	v7 =	vor.u32 v7, v8;
	v8 =	vsel vm2, $0x8000, v18  }
0x2bd: {  	[tilespmem:s22+$0x0] =	vst v27  }
0x2be: {  	v17 =	vor.u32 $0xFFFFF800, v17;
	s31 =	sadd.s32 $0x40, s23;
	v60 =	vshll.u32 v28, $0xB;
	[tilespmem:v6+s14+$0x0] =	vst.idx.add.s32.msk vm4, v59;
	_, v6, vm1 =	vpop (xrf1)  }
0x2bf: {  	v17 =	vadd.s32 v17, v60;
	[tilespmem:s31+$0xFFFFFFF0] =	vst v19;
	_, v19, vm2 =	vpop (xrf1)  }
0x2c0: {  	v15 =	vor.u32 $0xFFFFF800, v15;
	v20 =	vshll.u32 v62, $0xB;
	[tilespmem:s31+$0xFFFFFFE0] =	vst v7;
	v7 =	vor.u32 v8, v17;
	_, v8, vm3 =	vpop (xrf1)  }
0x2c1: {  	v15 =	vadd.s32 v15, v20;
	v17 =	vsel vm5, $0x8000, v18;
	[tilespmem:s31+$0x10] =	vst v7  }
0x2c2: {  	v7 =	vor.u32 v17, v15;
	[tilespmem:v5+s14+$0x0] =	vst.idx.add.s32.msk vm5, v62  }
0x2c3: {  	v5 =	vor.u32 $0xFFFFF800, v10;
	v10 =	vor.u32 $0xFFFFF800, v16;
	[tilespmem:s31+$0x0] =	vst v7;
	_, v16, vm15 =	vpop (xrf1)  }
0x2c4: {  	v13 =	vor.u32 $0xFFFFF800, v13;
	v7 =	vshll.u32 v6, $0xB;
	v15 =	vshll.u32 v8, $0xB;
	[tilespmem:v12+s14+$0x0] =	vst.idx.add.s32.msk vm1, v6  }
0x2c5: {  	v5 =	vadd.s32 v5, v15;
	v6 =	vshll.u32 v19, $0xB;
	v12 =	vsel vm3, $0x8000, v18;
	[tilespmem:v11+s14+$0x0] =	vst.idx.add.s32.msk vm2, v19  }
0x2c6: {  	s23 =	sadd.s32 $0x40, s31;
	v11 =	vsel vm2, $0x8000, v18;
	v6 =	vadd.s32 v10, v6;
	v5 =	vor.u32 v12, v5;
	[tilespmem:v9+s14+$0x0] =	vst.idx.add.s32.msk vm3, v8  }
0x2c7: {  	v7 =	vadd.s32 v13, v7;
	v6 =	vor.u32 v11, v6;
	[tilespmem:s23+$0xFFFFFFF0] =	vst v5  }
0x2c8: {  	v8 =	vsel vm1, $0x8000, v18;
	v9 =	vshll.u32 v16, $0xB;
	v5 =	vor.u32 $0xFFFFF800, v14;
	[tilespmem:s23+$0xFFFFFFE0] =	vst v6  }
0x2c9: {  	v6 =	vor.u32 v8, v7;
	v7 =	vsel vm15, $0x8000, v18;
	[tilespmem:v24+s14+$0x0] =	vst.idx.add.s32.msk vm15, v16;
	v5 =	vadd.s32 v5, v9  }
0x2ca: {  	[tilespmem:s23+$0x10] =	vst v6;
	v5 =	vor.u32 v7, v5  }
0x2cb: {  	s22 =	simm.s32 $0x10020;
	[tilespmem:s23+$0x0] =	vst v5  }
0x2cc: {  	v6 =	vld [tilespmem:s22+$0xFFFFFFE0]  }
0x2cd: {  	v10 =	vld [tilespmem:s22+$0xFFFFFFF0];
	_ =	sdelay $0x1  }
0x2ce: {  	v11 =	vld [tilespmem:s22+$0x0]  }
0x2cf: {  	v9 =	vld [tilespmem:s22+$0x10]  }
0x2d0: {  	(xrf0) =	vadd.scan.msk.s32 $0xffff, v6  }
0x2d1: {  	s24 =	simm.s32 $0x10060;
	(xrf0) =	vadd.scan.msk.s32 $0xffff, v10  }
0x2d2: {  	v8 =	vld [tilespmem:s24+$0xFFFFFFE0]  }
0x2d3: {  	(xrf0) =	vadd.scan.msk.s32 $0xffff, v11  }
0x2d4: {  	v5 =	vld [tilespmem:s24+$0xFFFFFFF0];
	(xrf0) =	vadd.scan.msk.s32 $0xffff, v9  }
0x2d5: {  	v7 =	vld [tilespmem:s24+$0x0]  }
0x2d6: {  	v12 =	vsub.s32 v18, v6;
	v6 =	vld [tilespmem:s24+$0x10];
	v13, _, _ =	vpop (xrf0)  }
0x2d7: {  	s23 =	simm.s32 $0x10060;
	(xrf0) =	vadd.scan.msk.s32 $0xffff, v8;
	v12 =	vadd.s32 v13, v12;
	v13 =	vbroadcast v13, $0xF;
	v14, _, _ =	vpop (xrf0)  }
.LBB2_47:
0x2d8: {  	[tilespmem:s22+$0xFFFFFFE0] =	vst v12;
	v12 =	vsub.s32 v14, v10  }
0x2d9: {  	s21 =	sadd.s32 $0x4, s21;
	s24 =	sadd.s32 $0x40, s24;
	(xrf0) =	vadd.scan.msk.s32 $0xffff, v5;
	v14 =	vbroadcast v14, $0xF;
	v15, _, _ =	vpop (xrf0);
	v16 =	vmov v8;
	v10 =	vmov v5  }
0x2da: {  	v8 =	vld [tilespmem:s24+$0xFFFFFFE0];
	p1 =	slt.u32 s21, $0x7C;
	(xrf0) =	vadd.scan.msk.s32 $0xffff, v7;
	v13 =	vadd.s32 v18, v13;
	v17 =	vsub.s32 v15, v11;
	v15 =	vbroadcast v15, $0xF;
	v11, _, _ =	vpop (xrf0)  }
.Ltmp22:
0x2db: {  	v5 =	vld [tilespmem:s24+$0xFFFFFFF0];
	(xrf0) =	vadd.scan.msk.s32 $0xffff, v6;
	v14 =	vadd.s32 v13, v14;
	v18 =	vsub.s32 v11, v9;
	v19 =	vbroadcast v11, $0xF;
	v11 =	vmovc v7;
	(pc) =	sbr.rel @p1 .LBB2_47-.Ltmp22, $4  }
0x2dc: {  	v20 =	vadd.s32 v13, v12;
	v9 =	vmovc v6;
	v7 =	vld [tilespmem:s24+$0x0];
	v12 =	vadd.s32 v14, v17;
	v13 =	vadd.s32 v14, v15  }
0x2dd: {  	v6 =	vld [tilespmem:s24+$0x10];
	[tilespmem:s22+$0x0] =	vst v12;
	v12 =	vadd.s32 v13, v18;
	v18 =	vadd.s32 v13, v19  }
0x2de: {  	v13 =	vsub.s32 v18, v16;
	v14, _, _ =	vpop (xrf0);
	[tilespmem:s22+$0x10] =	vst v12  }
0x2df: {  	(xrf0) =	vadd.scan.msk.s32 $0xffff, v8;
	v12 =	vadd.s32 v14, v13;
	v13 =	vbroadcast v14, $0xF;
	v14, _, _ =	vpop (xrf0);
	[tilespmem:s22+$0xFFFFFFF0] =	vst v20;
	s22 =	smov.u32 s23;
	s23 =	smov.u32 s24  }
0x2e0: {  	(xrf0) =	vadd.scan.msk.s32 $0xffff, v5  }
0x2e1: {  	v15 =	vbroadcast v14, $0xF;
	v47, _, _ =	vpop (xrf0);
	(xrf0) =	vadd.scan.msk.s32 $0xffff, v7  }
0x2e2: {  	v10 =	vsub.s32 v14, v10;
	v13 =	vadd.s32 v18, v13;
	v16, _, _ =	vpop (xrf0);
	v14 =	vbroadcast v47, $0xF  }
0x2e3: {  	(xrf0) =	vadd.scan.msk.s32 $0xffff, v6;
	v15 =	vadd.s32 v13, v15;
	v9 =	vsub.s32 v16, v9;
	v16 =	vbroadcast v16, $0xF  }
0x2e4: {  	v49 =	vadd.s32 v15, v14  }
0x2e5: {  	[tilespmem:s22+$0xFFFFFFE0] =	vst v12;
	v11 =	vsub.s32 v47, v11;
	v10 =	vadd.s32 v13, v10;
	v52 =	vadd.s32 v49, v16;
	v48, _, _ =	vpop (xrf0)  }
0x2e6: {  	v11 =	vadd.s32 v15, v11;
	[tilespmem:s22+$0xFFFFFFF0] =	vst v10;
	v8 =	vsub.s32 v52, v8;
	v50 =	vbroadcast v48, $0xF;
	v51, _, _ =	vpop (xrf0)  }
0x2e7: {  	[tilespmem:s22+$0x0] =	vst v11;
	v9 =	vadd.s32 v49, v9;
	v8 =	vadd.s32 v48, v8;
	v55 =	vbroadcast v51, $0xF;
	v56, _, _ =	vpop (xrf0)  }
0x2e8: {  	[tilespmem:s22+$0x10] =	vst v9;
	v63 =	vsub.s32 v51, v5;
	v57 =	vadd.s32 v52, v50;
	v58 =	vbroadcast v56, $0xF  }
0x2e9: {  	[tilespmem:s23+$0xFFFFFFE0] =	vst v8;
	v59 =	vsub.s32 v56, v7;
	v60, _, _ =	vpop (xrf0);
	v12 =	vadd.s32 v57, v55;
	v5 =	vadd.s32 v57, v63  }
0x2ea: {  	v61 =	vsub.s32 v60, v6;
	v7 =	vadd.s32 v12, v59;
	v62 =	vadd.s32 v12, v58;
	[tilespmem:s23+$0xFFFFFFF0] =	vst v5  }
0x2eb: {  	[tilespmem:s23+$0x0] =	vst v7;
	v6 =	vadd.s32 v62, v61  }
0x2ec: {  	s21 =	simm.s32 $0x0;
	[tilespmem:s23+$0x10] =	vst v6  }
.LBB2_49:
0x2ed: {  	s22 =	sshra.s32 s21, $0x2  }
0x2ee: {  	v5 =	vld [tilespmem:s22+$0x10800];
	_ =	sdelay $0x4  }
0x2ef: {  	v6 =	vand.u32 $0x7FF, v5;
	_ =	sdelay $0x4  }
0x2f0: {  	v7 =	vld.idx.msk [tilespmem:v6+s14+$0x0], $0xffff  }
0x2f1: {  	vm1 =	vgt.s32 v5, $0x7FFF;
	_ =	sdelay $0x1  }
0x2f2: {  	v5 =	vshrl.u32 v5, $0xB  }
0x2f3: {  	v5 =	vand.u32 $0xF, v5  }
0x2f4: {  	v7 =	vadd.s32 v7, v5  }
0x2f5: {  	v5 =	vadd.s32 $0x1, v5;
	[tilespmem:s22+$0x14800] =	vst v7  }
0x2f6: {  	[tilespmem:v6+s14+$0x0] =	vst.idx.add.s32.msk vm1, v5  }
0x2f7: {  	v5 =	vld [tilespmem:s22+$0x10810];
	_ =	sdelay $0x4  }
0x2f8: {  	v63 =	vand.u32 $0x7FF, v5;
	_ =	sdelay $0x4  }
0x2f9: {  	v7 =	vld.idx.msk [tilespmem:v63+s14+$0x0], $0xffff  }
0x2fa: {  	vm1 =	vgt.s32 v5, $0x7FFF  }
0x2fb: {  	p1 =	sne.s32 s21, $0xFF80  }
.Ltmp23:
0x2fc: {  	v5 =	vshrl.u32 v5, $0xB;
	(pc) =	sbr.rel @p1 .LBB2_49-.Ltmp23, $4  }
0x2fd: {  	v5 =	vand.u32 $0xF, v5  }
0x2fe: {  	v7 =	vadd.s32 v7, v5  }
0x2ff: {  	v5 =	vadd.s32 $0x1, v5;
	[tilespmem:s22+$0x14810] =	vst v7  }
0x300: {  	s21 =	sadd.s32 $0x80, s21;
	[tilespmem:v63+s14+$0x0] =	vst.idx.add.s32.msk vm1, v5  }
0x301: {  	s22 =	simm.s32 $0x14820  }
0x302: {  	v5 =	vld [tilespmem:s22+$0x10]  }
0x303: {  	v9 =	vld [tilespmem:s22+$0xFFFFFFF0]  }
0x304: {  	s21 =	simm.s32 $0x4020;
	v7 =	vld [tilespmem:s22+$0x0]  }
0x305: {  	v11 =	vld [tilespmem:s21+$0x10]  }
0x306: {  	v6 =	vld [tilespmem:s22+$0xFFFFFFE0]  }
0x307: {  	v8 =	vld [tilespmem:s21+$0xFFFFFFE0]  }
0x308: {  	v12 =	vld [tilespmem:s21+$0xFFFFFFF0]  }
0x309: {  	s23 =	simm.s32 $0x14860;
	s22 =	simm.s32 $0x0;
	v10 =	vld [tilespmem:s21+$0x0]  }
.LBB2_51:
0x30a: {  	s22 =	sadd.s32 $0x4, s22;
	[tilespmem:v5+s1+$0x0] =	vst.idx.msk $0xffff, v11;
	v5 =	vld [tilespmem:s23+$0x10]  }
0x30b: {  	v13 =	vld [tilespmem:s23+$0xFFFFFFF0];
	p1 =	slt.u32 s22, $0x3FC  }
0x30c: {  	s21 =	sadd.s32 $0x40, s21;
	v14 =	vld [tilespmem:s23+$0x0]  }
.Ltmp24:
0x30d: {  	v11 =	vld [tilespmem:s21+$0x10];
	[tilespmem:v9+s1+$0x0] =	vst.idx.msk $0xffff, v12;
	(pc) =	sbr.rel @p1 .LBB2_51-.Ltmp24, $4  }
0x30e: {  	[tilespmem:v6+s1+$0x0] =	vst.idx.msk $0xffff, v8;
	v6 =	vld [tilespmem:s23+$0xFFFFFFE0]  }
0x30f: {  	v8 =	vld [tilespmem:s21+$0xFFFFFFE0];
	[tilespmem:v7+s1+$0x0] =	vst.idx.msk $0xffff, v10  }
0x310: {  	v12 =	vld [tilespmem:s21+$0xFFFFFFF0];
	v9 =	vmov v13  }
0x311: {  	s23 =	sadd.s32 $0x40, s23;
	v10 =	vld [tilespmem:s21+$0x0];
	v7 =	vmov v14  }
0x312: {  	_ =	sdelay $0x3  }
0x313: {  	[tilespmem:v5+s1+$0x0] =	vst.idx.msk $0xffff, v11  }
0x314: {  	[tilespmem:v6+s1+$0x0] =	vst.idx.msk $0xffff, v8  }
0x315: {  	[tilespmem:v9+s1+$0x0] =	vst.idx.msk $0xffff, v12  }
0x316: {  	s21 =	simm.s32 $0x10020;
	[tilespmem:v7+s1+$0x0] =	vst.idx.msk $0xffff, v10  }
0x317: {  	[tilespmem:s21+$0xFFFFFFE0] =	vst v0  }
0x318: {  	[tilespmem:s21+$0x10] =	vst v0  }
0x319: {  	s23 =	simm.s32 $0x0;
	[tilespmem:s21+$0x0] =	vst v0  }
.LBB2_53:
0x31a: {  	s23 =	sadd.s32 $0x4, s23  }
0x31b: {  	[tilespmem:s21+$0xFFFFFFF0] =	vst v0;
	s21 =	sadd.s32 $0x40, s21;
	p1 =	slt.u32 s23, $0x7C  }
.Ltmp25:
0x31c: {  	[tilespmem:s21+$0xFFFFFFE0] =	vst v0;
	(pc) =	sbr.rel @p1 .LBB2_53-.Ltmp25, $3  }
0x31d: {  	_ =	sdelay $0x1  }
0x31e: {  	[tilespmem:s21+$0x10] =	vst v0  }
0x31f: {  	s22 =	simm.s32 $0x10820;
	s24 =	simm.s32 $0x20;
	[tilespmem:s21+$0x0] =	vst v0  }
0x320: {  	[tilespmem:s21+$0xFFFFFFF0] =	vst v0  }
0x321: {  	v5 =	vld [tilespmem:s24+$0x10]  }
0x322: {  	v6 =	vld [tilespmem:s24+$0x0]  }
0x323: {  	v7 =	vld [tilespmem:s24+$0xFFFFFFF0]  }
0x324: {  	v8 =	vld [tilespmem:s24+$0xFFFFFFE0];
	_ =	sdelay $0x1  }
0x325: {  	v5 =	vshrl.u32 v5, $0x16  }
0x326: {  	v6 =	vshrl.u32 v6, $0x16;
	v10 =	vxor.u32 $0x200, v5  }
0x327: {  	v7 =	vshrl.u32 v7, $0x16;
	v11 =	vxor.u32 $0x200, v6;
	(xrf1) =	vunique.msk.u32 $0xffff, v10  }
0x328: {  	s30 =	simm.s32 $0x60;
	v8 =	vshrl.u32 v8, $0x16;
	v32 =	vxor.u32 $0x200, v7;
	(xrf1) =	vunique.msk.u32 $0xffff, v11  }
0x329: {  	v9 =	vld [tilespmem:s30+$0xFFFFFFF0];
	v13 =	vxor.u32 $0x200, v8;
	(xrf1) =	vunique.msk.u32 $0xffff, v32  }
0x32a: {  	v12 =	vld [tilespmem:s30+$0x10];
	(xrf1) =	vunique.msk.u32 $0xffff, v13  }
0x32b: {  	v15 =	vld [tilespmem:s30+$0x0]  }
0x32c: {  	v17 =	vld [tilespmem:s30+$0xFFFFFFE0];
	_ =	sdelay $0x1  }
0x32d: {  	v7 =	vand.u32 $0x7F, v7;
	v14 =	vand.u32 $0x380, v32  }
0x32e: {  	v14 =	vor.u32 v7, v14;
	v7 =	vshrl.u32 v12, $0x16  }
0x32f: {  	v18 =	vshrl.u32 v9, $0x16;
	v15 =	vshrl.u32 v15, $0x16;
	v9 =	vxor.u32 $0x200, v7  }
0x330: {  	v20 =	vshrl.u32 v17, $0x16;
	v6 =	vand.u32 $0x7F, v6;
	v16 =	vand.u32 $0x380, v11;
	(xrf1) =	vunique.msk.u32 $0xffff, v9  }
0x331: {  	v5 =	vand.u32 $0x7F, v5;
	v16 =	vor.u32 v6, v16;
	v6 =	vand.u32 $0x380, v10  }
0x332: {  	v8 =	vand.u32 $0x7F, v8;
	v12 =	vand.u32 $0x380, v13;
	v33 =	vor.u32 v5, v6  }
0x333: {  	v6 =	vimm.s32 $0x0;
	v19 =	vand.u32 $0x7F, v7;
	v7 =	vxor.u32 $0x200, v15  }
0x334: {  	v5 =	vxor.u32 $0x200, v18;
	v17 =	vor.u32 v8, v12;
	v8 =	vxor.u32 $0x200, v20;
	_, v34, vm2 =	vpop (xrf1);
	(xrf1) =	vunique.msk.u32 $0xffff, v7  }
0x335: {  	v15 =	vand.u32 $0x7F, v15;
	v12 =	vshll.u32 v34, $0xB;
	_, v21, vm1 =	vpop (xrf1);
	v22 =	vsel vm2, $0x8000, v6;
	(xrf1) =	vunique.msk.u32 $0xffff, v5  }
0x336: {  	vm5 =	vmmov vm2;
	v23 =	vshll.u32 v21, $0xB;
	v24 =	vsel vm1, $0x8000, v6;
	_, v25, vm3 =	vpop (xrf1);
	(xrf1) =	vunique.msk.u32 $0xffff, v8  }
0x337: {  	v12 =	vadd.s32 $0xFFFFF800, v12;
	v26 =	vshll.u32 v25, $0xB;
	v23 =	vadd.s32 $0xFFFFF800, v23;
	_, v27, vm4 =	vpop (xrf1)  }
0x338: {  	s31 =	simm.s32 $0xA0;
	v29 =	vsel vm3, $0x8000, v6;
	v12 =	vor.u32 v12, v22;
	v28 =	vshll.u32 v27, $0xB  }
0x339: {  	v26 =	vadd.s32 $0xFFFFF800, v26;
	v23 =	vor.u32 v23, v24;
	v12 =	vor.u32 v10, v12;
	v24 =	vld [tilespmem:s31+$0x10]  }
0x33a: {  	v10 =	vand.u32 $0x380, v5;
	v22 =	vadd.s32 $0xFFFFF800, v28;
	v35 =	vor.u32 v26, v29;
	v26 =	vld [tilespmem:s31+$0xFFFFFFF0]  }
0x33b: {  	v28 =	vsel vm4, $0x8000, v6;
	v31 =	vor.u32 v11, v23;
	v23 =	vld [tilespmem:s31+$0x0];
	v11 =	vand.u32 $0x380, v7  }
0x33c: {  	v22 =	vor.u32 v22, v28;
	v28 =	vld [tilespmem:s31+$0xFFFFFFE0];
	v11 =	vor.u32 v15, v11;
	v15 =	vand.u32 $0x380, v9  }
0x33d: {  	v32 =	vor.u32 v32, v35;
	v22 =	vor.u32 v13, v22;
	v13 =	vand.u32 $0x7F, v18;
	[tilespmem:v16+s14+$0x0] =	vst.idx.add.s32.msk vm1, v21  }
0x33e: {  	v20 =	vand.u32 $0x7F, v20;
	v18 =	vor.u32 v19, v15;
	v13 =	vor.u32 v13, v10;
	[tilespmem:v14+s14+$0x0] =	vst.idx.add.s32.msk vm3, v25;
	_, v25, vm2 =	vpop (xrf1)  }
0x33f: {  	[tilespmem:v17+s14+$0x0] =	vst.idx.add.s32.msk vm4, v27;
	v15 =	vshrl.u32 v24, $0x16;
	v27 =	vsel vm2, $0x8000, v6;
	v17 =	vshrl.u32 v26, $0x16  }
0x340: {  	[tilespmem:s22+$0xFFFFFFE0] =	vst v22;
	v22 =	vand.u32 $0x380, v8;
	v19 =	vshrl.u32 v23, $0x16;
	v14 =	vxor.u32 $0x200, v15  }
0x341: {  	[tilespmem:v33+s14+$0x0] =	vst.idx.add.s32.msk vm5, v34;
	v15 =	vand.u32 $0x7F, v15;
	v10 =	vxor.u32 $0x200, v17;
	v21 =	vshrl.u32 v28, $0x16  }
0x342: {  	v16 =	vxor.u32 $0x200, v19;
	(xrf1) =	vunique.msk.u32 $0xffff, v14;
	v24 =	vor.u32 v20, v22;
	v22 =	vshll.u32 v25, $0xB;
	_, v23, vm1 =	vpop (xrf1)  }
0x343: {  	v20 =	vxor.u32 $0x200, v21;
	(xrf1) =	vunique.msk.u32 $0xffff, v16;
	v22 =	vadd.s32 $0xFFFFF800, v22;
	v29 =	vshll.u32 v23, $0xB;
	_, v26, vm3 =	vpop (xrf1)  }
0x344: {  	(xrf1) =	vunique.msk.u32 $0xffff, v10;
	v36 =	vshll.u32 v26, $0xB;
	v30 =	vadd.s32 $0xFFFFF800, v29;
	v29 =	vor.u32 v22, v27;
	_, v27, vm4 =	vpop (xrf1)  }
0x345: {  	s21 =	simm.s32 $0x4;
	(xrf1) =	vunique.msk.u32 $0xffff, v20;
	v37 =	vsel vm3, $0x8000, v6;
	v22 =	vshll.u32 v27, $0xB;
	v36 =	vadd.s32 $0xFFFFF800, v36  }
0x346: {  	s25 =	simm.s32 $0xE0;
	s23 =	simm.s32 $0x10820;
	s24 =	simm.s32 $0x8;
	[tilespmem:s22+$0x0] =	vst v31;
	v28 =	vsel vm1, $0x8000, v6;
	v31 =	vadd.s32 $0xFFFFF800, v22;
	v22 =	vor.u32 v36, v37  }
.LBB2_55:
0x347: {  	v34 =	vsel vm4, $0x8000, v6;
	v28 =	vor.u32 v30, v28;
	v29 =	vor.u32 v9, v29  }
0x348: {  	v33 =	vld [tilespmem:s25+$0xFFFFFFF0];
	s24 =	sadd.s32 $0x4, s24;
	[tilespmem:s22+$0xFFFFFFF0] =	vst v32;
	s23 =	sadd.s32 $0x40, s23;
	v35 =	vmovc v18;
	v32 =	vmovc v5;
	v5 =	vmov v10;
	v9 =	vmov v14;
	v36 =	vmov v25  }
0x349: {  	v14 =	vld [tilespmem:s25+$0x10];
	p1 =	slt.u32 s24, $0x3FC;
	v10 =	vand.u32 $0x380, v5;
	v18 =	vor.u32 v31, v34;
	v31 =	vor.u32 v7, v28;
	[tilespmem:s22+$0x10] =	vst v12;
	v12 =	vmovc v29;
	s22 =	smov.u32 s23  }
0x34a: {  	v19 =	vand.u32 $0x7F, v19;
	v28 =	vand.u32 $0x380, v16;
	v7 =	vmovc v16;
	v25 =	vld [tilespmem:s25+$0x0];
	v29 =	vor.u32 v8, v18;
	v8 =	vmovc v20  }
0x34b: {  	v17 =	vand.u32 $0x7F, v17;
	v20 =	vor.u32 v19, v28;
	v18 =	vand.u32 $0x380, v9;
	v16 =	vld [tilespmem:s25+$0xFFFFFFE0]  }
0x34c: {  	vm5 =	vmmov vm2;
	v19 =	vor.u32 v17, v10;
	v18 =	vor.u32 v15, v18;
	[tilespmem:v24+s14+$0x0] =	vst.idx.add.s32.msk vm4, v27  }
0x34d: {  	v24 =	vand.u32 $0x7F, v21;
	v17 =	vshrl.u32 v33, $0x16;
	[tilespmem:s23+$0xFFFFFFE0] =	vst v29  }
0x34e: {  	v27 =	vand.u32 $0x380, v8;
	v10 =	vxor.u32 $0x200, v17;
	v15 =	vshrl.u32 v14, $0x16;
	[tilespmem:v13+s14+$0x0] =	vst.idx.add.s32.msk vm3, v26;
	v13 =	vmovc v19  }
0x34f: {  	v19 =	vshrl.u32 v25, $0x16;
	v14 =	vxor.u32 $0x200, v15;
	v15 =	vand.u32 $0x7F, v15;
	[tilespmem:v11+s14+$0x0] =	vst.idx.add.s32.msk vm1, v23;
	v11 =	vmovc v20  }
0x350: {  	v24 =	vor.u32 v24, v27;
	v21 =	vshrl.u32 v16, $0x16;
	v16 =	vxor.u32 $0x200, v19;
	(xrf1) =	vunique.msk.u32 $0xffff, v14;
	_, v25, vm2 =	vpop (xrf1)  }
.Ltmp26:
0x351: {  	v20 =	vxor.u32 $0x200, v21;
	(xrf1) =	vunique.msk.u32 $0xffff, v16;
	v2 =	vshll.u32 v25, $0xB;
	v3 =	vsel vm2, $0x8000, v6;
	_, v23, vm1 =	vpop (xrf1);
	(pc) =	sbr.rel @p1 .LBB2_55-.Ltmp26, $4  }
0x352: {  	(xrf1) =	vunique.msk.u32 $0xffff, v10;
	v29 =	vshll.u32 v23, $0xB;
	v28 =	vsel vm1, $0x8000, v6;
	v33 =	vadd.s32 $0xFFFFF800, v2;
	_, v26, vm3 =	vpop (xrf1)  }
0x353: {  	(xrf1) =	vunique.msk.u32 $0xffff, v20;
	v34 =	vshll.u32 v26, $0xB;
	v30 =	vadd.s32 $0xFFFFF800, v29;
	v29 =	vor.u32 v33, v3;
	_, v27, vm4 =	vpop (xrf1)  }
0x354: {  	v37 =	vsel vm3, $0x8000, v6;
	v33 =	vshll.u32 v27, $0xB;
	v34 =	vadd.s32 $0xFFFFF800, v34;
	[tilespmem:s23+$0x0] =	vst v31  }
0x355: {  	v32 =	vor.u32 v32, v22;
	s25 =	sadd.s32 $0x40, s25;
	v31 =	vadd.s32 $0xFFFFF800, v33;
	v22 =	vor.u32 v34, v37;
	[tilespmem:v35+s14+$0x0] =	vst.idx.add.s32.msk vm5, v36  }
0x356: {  	_ =	sdelay $0x5  }
0x357: {  	[tilespmem:s22+$0x10] =	vst v12  }
0x358: {  	[tilespmem:v24+s14+$0x0] =	vst.idx.add.s32.msk vm4, v27  }
0x359: {  	vm5 =	vmmov vm2;
	v6 =	vsel vm4, $0x8000, v6;
	v28 =	vor.u32 v30, v28;
	[tilespmem:v13+s14+$0x0] =	vst.idx.add.s32.msk vm3, v26;
	_, v12, vm2 =	vpop (xrf1)  }
0x35a: {  	v59 =	vand.u32 $0x380, v10;
	v60 =	vand.u32 $0x380, v20;
	[tilespmem:v11+s14+$0x0] =	vst.idx.add.s32.msk vm1, v23;
	v17 =	vand.u32 $0x7F, v17;
	_, v24, vm4 =	vpop (xrf1)  }
0x35b: {  	[tilespmem:s22+$0xFFFFFFF0] =	vst v32;
	s31 =	sadd.s32 $0x40, s23;
	v5 =	vor.u32 v5, v22;
	v6 =	vor.u32 v31, v6;
	v7 =	vor.u32 v7, v28;
	_, v13, vm3 =	vpop (xrf1)  }
0x35c: {  	v17 =	vor.u32 v17, v59;
	[tilespmem:s31+$0xFFFFFFF0] =	vst v5;
	v6 =	vor.u32 v8, v6;
	v8 =	vand.u32 $0x7F, v21;
	_, v11, vm1 =	vpop (xrf1)  }
0x35d: {  	v9 =	vor.u32 v9, v29;
	[tilespmem:s31+$0x0] =	vst v7;
	v8 =	vor.u32 v8, v60  }
0x35e: {  	v61 =	vand.u32 $0x380, v16;
	v19 =	vand.u32 $0x7F, v19;
	v5 =	vand.u32 $0x380, v14;
	[tilespmem:s31+$0xFFFFFFE0] =	vst v6  }
0x35f: {  	v5 =	vor.u32 v15, v5;
	v6 =	vimm.s32 $0x0;
	[tilespmem:v18+s14+$0x0] =	vst.idx.add.s32.msk vm5, v25;
	v7 =	vshll.u32 v11, $0xB  }
0x360: {  	v62 =	vor.u32 v19, v61;
	[tilespmem:s31+$0x10] =	vst v9;
	v63 =	vsel vm1, $0x8000, v6;
	v7 =	vadd.s32 $0xFFFFF800, v7  }
0x361: {  	v9 =	vshll.u32 v24, $0xB;
	v7 =	vor.u32 v7, v63;
	[tilespmem:v17+s14+$0x0] =	vst.idx.add.s32.msk vm3, v13  }
0x362: {  	s23 =	sadd.s32 $0x40, s31;
	v9 =	vadd.s32 $0xFFFFF800, v9;
	v7 =	vor.u32 v20, v7;
	[tilespmem:v8+s14+$0x0] =	vst.idx.add.s32.msk vm1, v11;
	v8 =	vsel vm4, $0x8000, v6  }
0x363: {  	v11 =	vshll.u32 v13, $0xB;
	v13 =	vsel vm2, $0x8000, v6;
	[tilespmem:s23+$0xFFFFFFE0] =	vst v7;
	v7 =	vshll.u32 v12, $0xB  }
0x364: {  	[tilespmem:v5+s14+$0x0] =	vst.idx.add.s32.msk vm2, v12;
	v8 =	vor.u32 v9, v8;
	v9 =	vadd.s32 $0xFFFFF800, v11;
	v11 =	vsel vm3, $0x8000, v6  }
0x365: {  	[tilespmem:v62+s14+$0x0] =	vst.idx.add.s32.msk vm4, v24;
	v8 =	vor.u32 v16, v8;
	v7 =	vadd.s32 $0xFFFFF800, v7;
	v9 =	vor.u32 v9, v11  }
0x366: {  	[tilespmem:s23+$0x0] =	vst v8;
	v7 =	vor.u32 v7, v13;
	v8 =	vor.u32 v10, v9  }
0x367: {  	v5 =	vor.u32 v14, v7;
	[tilespmem:s23+$0xFFFFFFF0] =	vst v8  }
0x368: {  	s22 =	simm.s32 $0x10020;
	[tilespmem:s23+$0x10] =	vst v5  }
0x369: {  	v7 =	vld [tilespmem:s22+$0xFFFFFFE0]  }
0x36a: {  	v11 =	vld [tilespmem:s22+$0xFFFFFFF0];
	_ =	sdelay $0x1  }
0x36b: {  	v12 =	vld [tilespmem:s22+$0x0]  }
0x36c: {  	v10 =	vld [tilespmem:s22+$0x10]  }
0x36d: {  	(xrf0) =	vadd.scan.msk.s32 $0xffff, v7  }
0x36e: {  	s24 =	simm.s32 $0x10060;
	(xrf0) =	vadd.scan.msk.s32 $0xffff, v11  }
0x36f: {  	v9 =	vld [tilespmem:s24+$0xFFFFFFE0]  }
0x370: {  	(xrf0) =	vadd.scan.msk.s32 $0xffff, v12  }
0x371: {  	v5 =	vld [tilespmem:s24+$0xFFFFFFF0];
	(xrf0) =	vadd.scan.msk.s32 $0xffff, v10  }
0x372: {  	v8 =	vld [tilespmem:s24+$0x0]  }
0x373: {  	v13 =	vsub.s32 v6, v7;
	v7 =	vld [tilespmem:s24+$0x10];
	v14, _, _ =	vpop (xrf0)  }
0x374: {  	vm15 =	vmmov vm2;
	s23 =	simm.s32 $0x10060;
	(xrf0) =	vadd.scan.msk.s32 $0xffff, v9;
	v13 =	vadd.s32 v14, v13;
	v14 =	vbroadcast v14, $0xF;
	v15, _, _ =	vpop (xrf0)  }
.LBB2_57:
0x375: {  	[tilespmem:s22+$0xFFFFFFE0] =	vst v13;
	v13 =	vsub.s32 v15, v11  }
0x376: {  	s21 =	sadd.s32 $0x4, s21;
	s24 =	sadd.s32 $0x40, s24;
	(xrf0) =	vadd.scan.msk.s32 $0xffff, v5;
	v15 =	vbroadcast v15, $0xF;
	v16, _, _ =	vpop (xrf0);
	v17 =	vmov v9;
	v11 =	vmov v5  }
0x377: {  	v9 =	vld [tilespmem:s24+$0xFFFFFFE0];
	p1 =	slt.u32 s21, $0x7C;
	(xrf0) =	vadd.scan.msk.s32 $0xffff, v8;
	v6 =	vadd.s32 v6, v14;
	v14 =	vsub.s32 v16, v12;
	v16 =	vbroadcast v16, $0xF;
	v12, _, _ =	vpop (xrf0)  }
.Ltmp27:
0x378: {  	v5 =	vld [tilespmem:s24+$0xFFFFFFF0];
	(xrf0) =	vadd.scan.msk.s32 $0xffff, v7;
	v15 =	vadd.s32 v6, v15;
	v18 =	vsub.s32 v12, v10;
	v19 =	vbroadcast v12, $0xF;
	v12 =	vmovc v8;
	(pc) =	sbr.rel @p1 .LBB2_57-.Ltmp27, $4  }
0x379: {  	v20 =	vadd.s32 v6, v13;
	v10 =	vmovc v7;
	v8 =	vld [tilespmem:s24+$0x0];
	v6 =	vadd.s32 v15, v14;
	v13 =	vadd.s32 v15, v16  }
0x37a: {  	v7 =	vld [tilespmem:s24+$0x10];
	[tilespmem:s22+$0x0] =	vst v6;
	v14 =	vadd.s32 v13, v18;
	v6 =	vadd.s32 v13, v19  }
0x37b: {  	v13 =	vsub.s32 v6, v17;
	v15, _, _ =	vpop (xrf0);
	[tilespmem:s22+$0x10] =	vst v14  }
0x37c: {  	(xrf0) =	vadd.scan.msk.s32 $0xffff, v9;
	v13 =	vadd.s32 v15, v13;
	v14 =	vbroadcast v15, $0xF;
	v15, _, _ =	vpop (xrf0);
	[tilespmem:s22+$0xFFFFFFF0] =	vst v20;
	s22 =	smov.u32 s23;
	s23 =	smov.u32 s24  }
0x37d: {  	(xrf0) =	vadd.scan.msk.s32 $0xffff, v5  }
0x37e: {  	v16 =	vbroadcast v15, $0xF;
	v44, _, _ =	vpop (xrf0);
	(xrf0) =	vadd.scan.msk.s32 $0xffff, v8  }
0x37f: {  	v11 =	vsub.s32 v15, v11;
	v6 =	vadd.s32 v6, v14;
	v45, _, _ =	vpop (xrf0);
	v15 =	vbroadcast v44, $0xF  }
0x380: {  	(xrf0) =	vadd.scan.msk.s32 $0xffff, v7;
	v16 =	vadd.s32 v6, v16;
	v14 =	vbroadcast v45, $0xF  }
0x381: {  	v12 =	vsub.s32 v44, v12;
	v47 =	vadd.s32 v16, v15  }
0x382: {  	[tilespmem:s22+$0xFFFFFFE0] =	vst v13;
	v10 =	vsub.s32 v45, v10;
	v6 =	vadd.s32 v6, v11;
	v50 =	vadd.s32 v47, v14;
	v46, _, _ =	vpop (xrf0)  }
0x383: {  	v12 =	vadd.s32 v16, v12;
	[tilespmem:s22+$0xFFFFFFF0] =	vst v6;
	v9 =	vsub.s32 v50, v9;
	v48 =	vbroadcast v46, $0xF;
	v49, _, _ =	vpop (xrf0)  }
0x384: {  	[tilespmem:s22+$0x0] =	vst v12;
	v10 =	vadd.s32 v47, v10;
	v9 =	vadd.s32 v46, v9;
	v51 =	vbroadcast v49, $0xF;
	v52, _, _ =	vpop (xrf0)  }
0x385: {  	[tilespmem:s22+$0x10] =	vst v10;
	v62 =	vsub.s32 v49, v5;
	v55 =	vadd.s32 v50, v48;
	v56 =	vbroadcast v52, $0xF  }
0x386: {  	[tilespmem:s23+$0xFFFFFFE0] =	vst v9;
	v57 =	vsub.s32 v52, v8;
	v58, _, _ =	vpop (xrf0);
	v59 =	vadd.s32 v55, v51;
	v5 =	vadd.s32 v55, v62  }
0x387: {  	v60 =	vsub.s32 v58, v7;
	v6 =	vadd.s32 v59, v57;
	v61 =	vadd.s32 v59, v56;
	[tilespmem:s23+$0xFFFFFFF0] =	vst v5  }
0x388: {  	[tilespmem:s23+$0x0] =	vst v6;
	v63 =	vadd.s32 v61, v60  }
0x389: {  	s21 =	simm.s32 $0x0;
	[tilespmem:s23+$0x10] =	vst v63  }
.LBB2_59:
0x38a: {  	s22 =	sshra.s32 s21, $0x2  }
0x38b: {  	v5 =	vld [tilespmem:s22+$0x10800];
	_ =	sdelay $0x4  }
0x38c: {  	v6 =	vand.u32 $0x7FF, v5;
	_ =	sdelay $0x4  }
0x38d: {  	v7 =	vld.idx.msk [tilespmem:v6+s14+$0x0], $0xffff  }
0x38e: {  	vm1 =	vgt.s32 v5, $0x7FFF;
	_ =	sdelay $0x1  }
0x38f: {  	v5 =	vshrl.u32 v5, $0xB  }
0x390: {  	v5 =	vand.u32 $0xF, v5  }
0x391: {  	v7 =	vadd.s32 v7, v5  }
0x392: {  	v5 =	vadd.s32 $0x1, v5;
	[tilespmem:s22+$0x14800] =	vst v7  }
0x393: {  	[tilespmem:v6+s14+$0x0] =	vst.idx.add.s32.msk vm1, v5  }
0x394: {  	v5 =	vld [tilespmem:s22+$0x10810];
	_ =	sdelay $0x4  }
0x395: {  	v63 =	vand.u32 $0x7FF, v5;
	_ =	sdelay $0x4  }
0x396: {  	v7 =	vld.idx.msk [tilespmem:v63+s14+$0x0], $0xffff  }
0x397: {  	vm1 =	vgt.s32 v5, $0x7FFF  }
0x398: {  	p1 =	sne.s32 s21, $0xFF80  }
.Ltmp28:
0x399: {  	v5 =	vshrl.u32 v5, $0xB;
	(pc) =	sbr.rel @p1 .LBB2_59-.Ltmp28, $4  }
0x39a: {  	v5 =	vand.u32 $0xF, v5  }
0x39b: {  	v7 =	vadd.s32 v7, v5  }
0x39c: {  	v5 =	vadd.s32 $0x1, v5;
	[tilespmem:s22+$0x14810] =	vst v7  }
0x39d: {  	s21 =	sadd.s32 $0x80, s21;
	[tilespmem:v63+s14+$0x0] =	vst.idx.add.s32.msk vm1, v5  }
0x39e: {  	s21 =	simm.s32 $0x14820  }
0x39f: {  	v5 =	vld [tilespmem:s21+$0x10]  }
0x3a0: {  	v9 =	vld [tilespmem:s21+$0xFFFFFFF0]  }
0x3a1: {  	s22 =	simm.s32 $0x20;
	v7 =	vld [tilespmem:s21+$0x0]  }
0x3a2: {  	v11 =	vld [tilespmem:s22+$0x10]  }
0x3a3: {  	v6 =	vld [tilespmem:s21+$0xFFFFFFE0]  }
0x3a4: {  	v8 =	vld [tilespmem:s22+$0xFFFFFFE0]  }
0x3a5: {  	v12 =	vld [tilespmem:s22+$0xFFFFFFF0]  }
0x3a6: {  	s23 =	simm.s32 $0x0;
	s24 =	simm.s32 $0x14860;
	v10 =	vld [tilespmem:s22+$0x0]  }
.LBB2_61:
0x3a7: {  	s23 =	sadd.s32 $0x4, s23;
	[tilespmem:v5+s16+$0x0] =	vst.idx.msk $0xffff, v11;
	v5 =	vld [tilespmem:s24+$0x10];
	s21 =	simm.s32 $0x18820  }
0x3a8: {  	v13 =	vld [tilespmem:s24+$0xFFFFFFF0];
	p1 =	slt.u32 s23, $0x3FC  }
0x3a9: {  	s22 =	sadd.s32 $0x40, s22;
	v14 =	vld [tilespmem:s24+$0x0]  }
.Ltmp29:
0x3aa: {  	v11 =	vld [tilespmem:s22+$0x10];
	[tilespmem:v9+s16+$0x0] =	vst.idx.msk $0xffff, v12;
	(pc) =	sbr.rel @p1 .LBB2_61-.Ltmp29, $4  }
0x3ab: {  	[tilespmem:v6+s16+$0x0] =	vst.idx.msk $0xffff, v8;
	v6 =	vld [tilespmem:s24+$0xFFFFFFE0]  }
0x3ac: {  	v8 =	vld [tilespmem:s22+$0xFFFFFFE0];
	[tilespmem:v7+s16+$0x0] =	vst.idx.msk $0xffff, v10  }
0x3ad: {  	v12 =	vld [tilespmem:s22+$0xFFFFFFF0];
	v9 =	vmov v13  }
0x3ae: {  	s24 =	sadd.s32 $0x40, s24;
	v10 =	vld [tilespmem:s22+$0x0];
	v7 =	vmov v14  }
0x3af: {  	_ =	sdelay $0x3  }
0x3b0: {  	[tilespmem:v5+s16+$0x0] =	vst.idx.msk $0xffff, v11  }
0x3b1: {  	[tilespmem:v6+s16+$0x0] =	vst.idx.msk $0xffff, v8  }
0x3b2: {  	[tilespmem:v9+s16+$0x0] =	vst.idx.msk $0xffff, v12  }
0x3b3: {  	[tilespmem:v7+s16+$0x0] =	vst.idx.msk $0xffff, v10  }
0x3b4: {  	[tilespmem:s21+$0xFFFFFFE0] =	vst v0  }
0x3b5: {  	[tilespmem:s21+$0x10] =	vst v0  }
0x3b6: {  	s22 =	simm.s32 $0x0;
	[tilespmem:s21+$0x0] =	vst v0  }
.LBB2_63:
0x3b7: {  	s22 =	sadd.s32 $0x4, s22  }
0x3b8: {  	[tilespmem:s21+$0xFFFFFFF0] =	vst v0;
	s21 =	sadd.s32 $0x40, s21;
	p1 =	slt.u32 s22, $0x3FC  }
.Ltmp30:
0x3b9: {  	[tilespmem:s21+$0xFFFFFFE0] =	vst v0;
	(pc) =	sbr.rel @p1 .LBB2_63-.Ltmp30, $3  }
0x3ba: {  	_ =	sdelay $0x1  }
0x3bb: {  	[tilespmem:s21+$0x10] =	vst v0  }
0x3bc: {  	[tilespmem:s21+$0x0] =	vst v0  }
0x3bd: {  	[tilespmem:s21+$0xFFFFFFF0] =	vst v0  }
0x3be: {  	s28 =	simm.s32 $0xC020;
	[tilespmem:$0x1C800] =	vst v0  }
0x3bf: {  	v19 =	vld [tilespmem:s28+$0x10]  }
0x3c0: {  	v17 =	vld [tilespmem:s28+$0x0]  }
0x3c1: {  	v10 =	vld [tilespmem:s28+$0xFFFFFFF0]  }
0x3c2: {  	v18 =	vld [tilespmem:s28+$0xFFFFFFE0];
	_ =	sdelay $0x2  }
0x3c3: {  	v5 =	vshrl.u32 v19, $0x16  }
0x3c4: {  	v6 =	vshrl.u32 v10, $0x16;
	v7 =	vshrl.u32 v17, $0x16;
	v8 =	vxor.u32 $0x200, v5  }
0x3c5: {  	v9 =	vshrl.u32 v18, $0x16;
	v11 =	vand.u32 $0x7F, v5;
	v12 =	vand.u32 $0x380, v8  }
0x3c6: {  	v13 =	vxor.u32 $0x200, v7;
	v8 =	vmax.u32 v8, $0x1;
	v11 =	vor.u32 v11, v12  }
0x3c7: {  	v37 =	vand.u32 $0x7F, v7;
	v14 =	vand.u32 $0x380, v13;
	v8 =	vsub.s32 v8, v1  }
0x3c8: {  	v15 =	vxor.u32 $0x200, v9;
	v13 =	vmax.u32 v13, $0x1;
	v12 =	vor.u32 v37, v14  }
0x3c9: {  	v38 =	vxor.u32 $0x200, v6;
	v16 =	vmax.u32 v15, $0x1;
	v13 =	vsub.s32 v13, v1  }
0x3ca: {  	v20 =	vmax.u32 v38, $0x1;
	v16 =	vsub.s32 v16, v1  }
0x3cb: {  	v21 =	vand.u32 $0x7F, v6;
	v14 =	vand.u32 $0x380, v38;
	v20 =	vsub.s32 v20, v1;
	v11 =	vld.idx.msk [tilespmem:v11+s14+$0x0], $0xffff  }
0x3cc: {  	v22 =	vand.u32 $0x7F, v9;
	v15 =	vand.u32 $0x380, v15;
	v14 =	vor.u32 v21, v14;
	v8 =	vld.idx.msk [tilespmem:v8+s14+$0x0], $0xffff  }
0x3cd: {  	v15 =	vor.u32 v22, v15;
	v12 =	vld.idx.msk [tilespmem:v12+s14+$0x0], $0xffff  }
0x3ce: {  	v13 =	vld.idx.msk [tilespmem:v13+s14+$0x0], $0xffff  }
0x3cf: {  	v16 =	vld.idx.msk [tilespmem:v16+s14+$0x0], $0xffff  }
0x3d0: {  	v20 =	vld.idx.msk [tilespmem:v20+s14+$0x0], $0xffff  }
0x3d1: {  	v14 =	vld.idx.msk [tilespmem:v14+s14+$0x0], $0xffff  }
0x3d2: {  	v15 =	vld.idx.msk [tilespmem:v15+s14+$0x0], $0xffff  }
0x3d3: {  	vm1 =	veq.s32 v7, $0x200;
	vm2 =	veq.s32 v5, $0x200;
	vm3 =	veq.s32 v9, $0x200  }
0x3d4: {  	vm4 =	veq.s32 v6, $0x200;
	v5 =	vsel vm2, $0x0, v8;
	v6 =	vsel vm3, $0x0, v16  }
0x3d5: {  	v7 =	vsel vm4, $0x0, v20;
	v8 =	vsel vm1, $0x0, v13;
	v9 =	vadd.s32 v11, v5  }
0x3d6: {  	v39 =	vadd.s32 v14, v7;
	v40 =	vadd.s32 v12, v8;
	v9 =	vshra.s32 v9, $0x1  }
0x3d7: {  	v20 =	vadd.s32 v15, v6;
	v16 =	vshra.s32 v40, $0x1;
	vm1 =	vlt.s32 v9, $0x3FFF  }
0x3d8: {  	v13 =	vshra.s32 v39, $0x1;
	vm2 =	vlt.s32 v16, $0x3FFF;
	v21 =	vnsel vm1, $0x3FFF, v9  }
0x3d9: {  	v20 =	vshra.s32 v20, $0x1;
	vm1 =	vlt.s32 v13, $0x3FFF;
	v22 =	vnsel vm2, $0x3FFF, v16  }
0x3da: {  	vm2 =	vlt.s32 v20, $0x3FFF;
	v23 =	vnsel vm1, $0x3FFF, v13  }
0x3db: {  	v24 =	vnsel vm2, $0x3FFF, v20;
	_ =	sdelay $0x1  }
0x3dc: {  	v21 =	vld.idx.msk [tilespmem:v21+s16+$0x0], $0xffff  }
0x3dd: {  	v22 =	vld.idx.msk [tilespmem:v22+s16+$0x0], $0xffff  }
0x3de: {  	v23 =	vld.idx.msk [tilespmem:v23+s16+$0x0], $0xffff  }
0x3df: {  	v24 =	vld.idx.msk [tilespmem:v24+s16+$0x0], $0xffff;
	_ =	sdelay $0x2  }
0x3e0: {  	v25 =	vadd.s32 $0x1, v9;
	v26 =	vadd.s32 $0x1, v20  }
0x3e1: {  	v27 =	vadd.s32 $0x1, v13;
	v28 =	vadd.s32 $0x1, v16;
	vm2 =	vgt.s32 v22, v17  }
0x3e2: {  	vm3 =	vgt.s32 v21, v19;
	vm1 =	vgt.s32 v23, v10;
	vm4 =	vgt.s32 v24, v18  }
0x3e3: {  	v5 =	vsel vm3, v5, v25;
	v8 =	vsel vm2, v8, v28;
	v9 =	vsel vm3, v9, v11  }
0x3e4: {  	v12 =	vsel vm2, v16, v12;
	v7 =	vsel vm1, v7, v27;
	v11 =	vsel vm1, v13, v14  }
0x3e5: {  	v6 =	vsel vm4, v6, v26;
	v41 =	vsel vm4, v20, v15;
	v42 =	vadd.s32 v9, v5  }
0x3e6: {  	v16 =	vadd.s32 v12, v8;
	v15 =	vadd.s32 v41, v6;
	v14 =	vshra.s32 v42, $0x1  }
0x3e7: {  	v20 =	vadd.s32 v11, v7;
	v16 =	vshra.s32 v16, $0x1;
	vm1 =	vlt.s32 v14, $0x3FFF  }
0x3e8: {  	v20 =	vshra.s32 v20, $0x1;
	vm2 =	vlt.s32 v16, $0x3FFF;
	v21 =	vnsel vm1, $0x3FFF, v14  }
0x3e9: {  	v15 =	vshra.s32 v15, $0x1;
	vm1 =	vlt.s32 v20, $0x3FFF;
	v22 =	vnsel vm2, $0x3FFF, v16  }
0x3ea: {  	vm2 =	vlt.s32 v15, $0x3FFF;
	v23 =	vnsel vm1, $0x3FFF, v20  }
0x3eb: {  	v24 =	vnsel vm2, $0x3FFF, v15;
	_ =	sdelay $0x1  }
0x3ec: {  	v21 =	vld.idx.msk [tilespmem:v21+s16+$0x0], $0xffff  }
0x3ed: {  	v22 =	vld.idx.msk [tilespmem:v22+s16+$0x0], $0xffff  }
0x3ee: {  	v23 =	vld.idx.msk [tilespmem:v23+s16+$0x0], $0xffff  }
0x3ef: {  	v24 =	vld.idx.msk [tilespmem:v24+s16+$0x0], $0xffff;
	_ =	sdelay $0x2  }
0x3f0: {  	v25 =	vadd.s32 $0x1, v16;
	v26 =	vadd.s32 $0x1, v14  }
0x3f1: {  	v27 =	vadd.s32 $0x1, v15;
	v28 =	vadd.s32 $0x1, v20;
	vm1 =	vgt.s32 v21, v19  }
0x3f2: {  	vm3 =	vgt.s32 v22, v17;
	vm2 =	vgt.s32 v23, v10;
	vm4 =	vgt.s32 v24, v18  }
0x3f3: {  	v5 =	vsel vm1, v5, v26;
	v9 =	vsel vm1, v14, v9;
	v8 =	vsel vm3, v8, v25  }
0x3f4: {  	v12 =	vsel vm3, v16, v12;
	v7 =	vsel vm2, v7, v28;
	v6 =	vsel vm4, v6, v27  }
0x3f5: {  	v13 =	vsel vm4, v15, v41;
	v11 =	vsel vm2, v20, v11;
	v14 =	vadd.s32 v9, v5  }
0x3f6: {  	v16 =	vadd.s32 v12, v8;
	v43 =	vadd.s32 v11, v7;
	v14 =	vshra.s32 v14, $0x1  }
0x3f7: {  	v20 =	vadd.s32 v13, v6;
	v16 =	vshra.s32 v16, $0x1;
	vm1 =	vlt.s32 v14, $0x3FFF  }
0x3f8: {  	v15 =	vshra.s32 v43, $0x1;
	vm2 =	vlt.s32 v16, $0x3FFF;
	v21 =	vnsel vm1, $0x3FFF, v14  }
0x3f9: {  	v20 =	vshra.s32 v20, $0x1;
	vm1 =	vlt.s32 v15, $0x3FFF;
	v22 =	vnsel vm2, $0x3FFF, v16  }
0x3fa: {  	vm2 =	vlt.s32 v20, $0x3FFF;
	v23 =	vnsel vm1, $0x3FFF, v15  }
0x3fb: {  	v24 =	vnsel vm2, $0x3FFF, v20;
	_ =	sdelay $0x1  }
0x3fc: {  	v21 =	vld.idx.msk [tilespmem:v21+s16+$0x0], $0xffff  }
0x3fd: {  	v22 =	vld.idx.msk [tilespmem:v22+s16+$0x0], $0xffff  }
0x3fe: {  	v23 =	vld.idx.msk [tilespmem:v23+s16+$0x0], $0xffff  }
0x3ff: {  	v24 =	vld.idx.msk [tilespmem:v24+s16+$0x0], $0xffff;
	_ =	sdelay $0x2  }
0x400: {  	v25 =	vadd.s32 $0x1, v14;
	v28 =	vadd.s32 $0x1, v16  }
0x401: {  	v26 =	vadd.s32 $0x1, v20;
	v27 =	vadd.s32 $0x1, v15;
	vm2 =	vgt.s32 v22, v17  }
0x402: {  	vm3 =	vgt.s32 v21, v19;
	vm1 =	vgt.s32 v23, v10;
	vm4 =	vgt.s32 v24, v18  }
0x403: {  	v5 =	vsel vm3, v5, v25;
	v8 =	vsel vm2, v8, v28;
	v9 =	vsel vm3, v14, v9  }
0x404: {  	v12 =	vsel vm2, v16, v12;
	v7 =	vsel vm1, v7, v27;
	v11 =	vsel vm1, v15, v11  }
0x405: {  	v6 =	vsel vm4, v6, v26;
	v13 =	vsel vm4, v20, v13;
	v14 =	vadd.s32 v9, v5  }
0x406: {  	v16 =	vadd.s32 v12, v8;
	v44 =	vadd.s32 v13, v6;
	v14 =	vshra.s32 v14, $0x1  }
0x407: {  	v20 =	vadd.s32 v11, v7;
	v16 =	vshra.s32 v16, $0x1;
	vm1 =	vlt.s32 v14, $0x3FFF  }
0x408: {  	v20 =	vshra.s32 v20, $0x1;
	vm2 =	vlt.s32 v16, $0x3FFF;
	v21 =	vnsel vm1, $0x3FFF, v14  }
0x409: {  	v15 =	vshra.s32 v44, $0x1;
	vm1 =	vlt.s32 v20, $0x3FFF;
	v22 =	vnsel vm2, $0x3FFF, v16  }
0x40a: {  	vm2 =	vlt.s32 v15, $0x3FFF;
	v23 =	vnsel vm1, $0x3FFF, v20  }
0x40b: {  	v24 =	vnsel vm2, $0x3FFF, v15;
	_ =	sdelay $0x1  }
0x40c: {  	v21 =	vld.idx.msk [tilespmem:v21+s16+$0x0], $0xffff  }
0x40d: {  	v22 =	vld.idx.msk [tilespmem:v22+s16+$0x0], $0xffff  }
0x40e: {  	v23 =	vld.idx.msk [tilespmem:v23+s16+$0x0], $0xffff  }
0x40f: {  	v24 =	vld.idx.msk [tilespmem:v24+s16+$0x0], $0xffff;
	_ =	sdelay $0x2  }
0x410: {  	v25 =	vadd.s32 $0x1, v16;
	v26 =	vadd.s32 $0x1, v14  }
0x411: {  	v27 =	vadd.s32 $0x1, v15;
	v28 =	vadd.s32 $0x1, v20;
	vm1 =	vgt.s32 v21, v19  }
0x412: {  	vm3 =	vgt.s32 v22, v17;
	vm2 =	vgt.s32 v23, v10;
	vm4 =	vgt.s32 v24, v18  }
0x413: {  	v5 =	vsel vm1, v5, v26;
	v9 =	vsel vm1, v14, v9;
	v8 =	vsel vm3, v8, v25  }
0x414: {  	v12 =	vsel vm3, v16, v12;
	v7 =	vsel vm2, v7, v28;
	v6 =	vsel vm4, v6, v27  }
0x415: {  	v13 =	vsel vm4, v15, v13;
	v11 =	vsel vm2, v20, v11;
	v14 =	vadd.s32 v9, v5  }
0x416: {  	v16 =	vadd.s32 v12, v8;
	v45 =	vadd.s32 v11, v7;
	v14 =	vshra.s32 v14, $0x1  }
0x417: {  	v20 =	vadd.s32 v13, v6;
	v16 =	vshra.s32 v16, $0x1;
	vm1 =	vlt.s32 v14, $0x3FFF  }
0x418: {  	v15 =	vshra.s32 v45, $0x1;
	vm2 =	vlt.s32 v16, $0x3FFF;
	v21 =	vnsel vm1, $0x3FFF, v14  }
0x419: {  	v20 =	vshra.s32 v20, $0x1;
	vm1 =	vlt.s32 v15, $0x3FFF;
	v22 =	vnsel vm2, $0x3FFF, v16  }
0x41a: {  	vm2 =	vlt.s32 v20, $0x3FFF;
	v23 =	vnsel vm1, $0x3FFF, v15  }
0x41b: {  	v24 =	vnsel vm2, $0x3FFF, v20;
	_ =	sdelay $0x1  }
0x41c: {  	v21 =	vld.idx.msk [tilespmem:v21+s16+$0x0], $0xffff  }
0x41d: {  	v22 =	vld.idx.msk [tilespmem:v22+s16+$0x0], $0xffff  }
0x41e: {  	v23 =	vld.idx.msk [tilespmem:v23+s16+$0x0], $0xffff  }
0x41f: {  	v24 =	vld.idx.msk [tilespmem:v24+s16+$0x0], $0xffff;
	_ =	sdelay $0x2  }
0x420: {  	v25 =	vadd.s32 $0x1, v14;
	v28 =	vadd.s32 $0x1, v16  }
0x421: {  	v26 =	vadd.s32 $0x1, v20;
	v27 =	vadd.s32 $0x1, v15;
	vm2 =	vgt.s32 v22, v17  }
0x422: {  	vm3 =	vgt.s32 v21, v19;
	vm1 =	vgt.s32 v23, v10;
	vm4 =	vgt.s32 v24, v18  }
0x423: {  	v5 =	vsel vm3, v5, v25;
	v9 =	vsel vm3, v14, v9;
	v8 =	vsel vm2, v8, v28  }
0x424: {  	v12 =	vsel vm2, v16, v12;
	v7 =	vsel vm1, v7, v27;
	v6 =	vsel vm4, v6, v26  }
0x425: {  	v13 =	vsel vm4, v20, v13;
	v11 =	vsel vm1, v15, v11;
	v14 =	vadd.s32 v9, v5  }
0x426: {  	v46 =	vadd.s32 v12, v8;
	v47 =	vadd.s32 v13, v6;
	v14 =	vshra.s32 v14, $0x1  }
0x427: {  	v20 =	vadd.s32 v11, v7;
	v15 =	vshra.s32 v46, $0x1;
	vm1 =	vlt.s32 v14, $0x3FFF  }
0x428: {  	v20 =	vshra.s32 v20, $0x1;
	vm2 =	vlt.s32 v15, $0x3FFF;
	v21 =	vnsel vm1, $0x3FFF, v14  }
0x429: {  	v16 =	vshra.s32 v47, $0x1;
	vm1 =	vlt.s32 v20, $0x3FFF;
	v22 =	vnsel vm2, $0x3FFF, v15  }
0x42a: {  	vm2 =	vlt.s32 v16, $0x3FFF;
	v23 =	vnsel vm1, $0x3FFF, v20  }
0x42b: {  	v24 =	vnsel vm2, $0x3FFF, v16;
	_ =	sdelay $0x1  }
0x42c: {  	v21 =	vld.idx.msk [tilespmem:v21+s16+$0x0], $0xffff  }
0x42d: {  	v22 =	vld.idx.msk [tilespmem:v22+s16+$0x0], $0xffff  }
0x42e: {  	v23 =	vld.idx.msk [tilespmem:v23+s16+$0x0], $0xffff  }
0x42f: {  	v24 =	vld.idx.msk [tilespmem:v24+s16+$0x0], $0xffff;
	_ =	sdelay $0x2  }
0x430: {  	v25 =	vadd.s32 $0x1, v15;
	v26 =	vadd.s32 $0x1, v14  }
0x431: {  	v27 =	vadd.s32 $0x1, v16;
	v28 =	vadd.s32 $0x1, v20;
	vm1 =	vgt.s32 v21, v19  }
0x432: {  	vm4 =	vgt.s32 v22, v17;
	vm2 =	vgt.s32 v24, v18;
	vm3 =	vgt.s32 v23, v10  }
0x433: {  	v21 =	vsel vm4, v8, v25;
	v5 =	vsel vm1, v5, v26;
	v14 =	vsel vm1, v14, v9  }
0x434: {  	v12 =	vsel vm4, v15, v12;
	v7 =	vsel vm3, v7, v28;
	v11 =	vsel vm3, v20, v11  }
0x435: {  	v48 =	vsel vm2, v6, v27;
	v13 =	vsel vm2, v16, v13;
	v6 =	vadd.s32 v14, v5  }
0x436: {  	v9 =	vadd.s32 v12, v21;
	v8 =	vadd.s32 v11, v7;
	v49 =	vshra.s32 v6, $0x1  }
0x437: {  	s29 =	simm.s32 $0xC060;
	v20 =	vadd.s32 v13, v48;
	v22 =	vshra.s32 v9, $0x1;
	vm1 =	vlt.s32 v49, $0x3FFF  }
0x438: {  	v6 =	vld [tilespmem:s29+$0x10];
	v23 =	vshra.s32 v8, $0x1;
	vm2 =	vlt.s32 v22, $0x3FFF;
	v24 =	vnsel vm1, $0x3FFF, v49  }
0x439: {  	v9 =	vld [tilespmem:s29+$0x0];
	v20 =	vshra.s32 v20, $0x1;
	vm1 =	vlt.s32 v23, $0x3FFF;
	v25 =	vnsel vm2, $0x3FFF, v22  }
0x43a: {  	v8 =	vld [tilespmem:s29+$0xFFFFFFF0];
	vm2 =	vlt.s32 v20, $0x3FFF;
	v26 =	vnsel vm1, $0x3FFF, v23  }
0x43b: {  	v27 =	vnsel vm2, $0x3FFF, v20;
	_ =	sdelay $0x1  }
0x43c: {  	vm9 =	vlt.s32 v19, $0x0;
	v50 =	vadd.s32 $0x1, v22;
	v51 =	vadd.s32 $0x1, v49;
	v24 =	vld.idx.msk [tilespmem:v24+s16+$0x0], $0xffff  }
0x43d: {  	v37 =	vadd.s32 $0x1, v20;
	v38 =	vadd.s32 $0x1, v23;
	v29 =	vshrl.u32 v9, $0x16;
	v25 =	vld.idx.msk [tilespmem:v25+s16+$0x0], $0xffff  }
0x43e: {  	v28 =	vshrl.u32 v6, $0x16;
	v30 =	vshrl.u32 v8, $0x16;
	v31 =	vand.u32 $0x7F, v29;
	v26 =	vld.idx.msk [tilespmem:v26+s16+$0x0], $0xffff  }
0x43f: {  	v32 =	vxor.u32 $0x200, v29;
	v62 =	vand.u32 $0x7F, v28;
	v63 =	vxor.u32 $0x200, v28;
	v27 =	vld.idx.msk [tilespmem:v27+s16+$0x0], $0xffff  }
0x440: {  	v33 =	vand.u32 $0x7F, v30;
	v34 =	vxor.u32 $0x200, v30;
	v35 =	vand.u32 $0x380, v32  }
0x441: {  	v32 =	vmax.u32 v32, $0x1;
	v41 =	vand.u32 $0x380, v63;
	v36 =	vand.u32 $0x380, v34  }
0x442: {  	v34 =	vmax.u32 v34, $0x1;
	v31 =	vor.u32 v31, v35;
	v32 =	vsub.s32 v32, v1  }
0x443: {  	v33 =	vor.u32 v33, v36;
	v34 =	vsub.s32 v34, v1;
	vm1 =	vgt.s32 v24, v19  }
0x444: {  	vm4 =	vgt.s32 v25, v17;
	vm2 =	vgt.s32 v27, v18;
	vm3 =	vgt.s32 v26, v10  }
0x445: {  	v21 =	vsel vm4, v21, v50;
	v5 =	vsel vm1, v5, v51;
	v14 =	vsel vm1, v49, v14  }
0x446: {  	v22 =	vsel vm4, v22, v12;
	v7 =	vsel vm3, v7, v38;
	v16 =	vsel vm3, v23, v11  }
0x447: {  	v15 =	vsel vm2, v48, v37;
	v20 =	vsel vm2, v20, v13;
	v52 =	vadd.s32 v14, v5  }
0x448: {  	v25 =	vld.idx.msk [tilespmem:v32+s14+$0x0], $0xffff;
	v23 =	vadd.s32 v22, v21;
	v55 =	vadd.s32 v16, v7;
	v24 =	vshra.s32 v52, $0x1  }
0x449: {  	v11 =	vld [tilespmem:s29+$0xFFFFFFE0];
	v56 =	vadd.s32 v20, v15;
	v23 =	vshra.s32 v23, $0x1;
	vm1 =	vlt.s32 v24, $0x3FFF  }
0x44a: {  	v57 =	vld.idx.msk [tilespmem:v34+s14+$0x0], $0xffff;
	vm2 =	vlt.s32 v23, $0x3FFF;
	v58 =	vshra.s32 v56, $0x1;
	v27 =	vnsel vm1, $0x3FFF, v24  }
0x44b: {  	v12 =	vld.idx.msk [tilespmem:v33+s14+$0x0], $0xffff;
	v26 =	vshra.s32 v55, $0x1;
	v59 =	vnsel vm2, $0x3FFF, v23;
	vm2 =	vlt.s32 v58, $0x3FFF  }
0x44c: {  	v13 =	vld.idx.msk [tilespmem:v31+s14+$0x0], $0xffff;
	v38 =	vmax.u32 v63, $0x1;
	vm1 =	vlt.s32 v26, $0x3FFF;
	v31 =	vnsel vm2, $0x3FFF, v58  }
0x44d: {  	v2 =	vor.u32 v62, v41;
	v38 =	vsub.s32 v38, v1;
	v61 =	vnsel vm1, $0x3FFF, v26  }
0x44e: {  	v43 =	vadd.s32 $0x1, v23;
	v44 =	vadd.s32 $0x1, v24;
	vm1 =	veq.s32 v30, $0x200  }
0x44f: {  	v45 =	vadd.s32 $0x1, v58;
	vm2 =	veq.s32 v29, $0x200;
	v29 =	vsel vm1, $0x0, v57;
	v27 =	vld.idx.msk [tilespmem:v27+s16+$0x0], $0xffff  }
0x450: {  	v46 =	vadd.s32 $0x1, v26;
	v60 =	vshrl.u32 v11, $0x16;
	v48 =	vadd.s32 v12, v29;
	v0 =	vld.idx.msk [tilespmem:v59+s16+$0x0], $0xffff  }
0x451: {  	v25 =	vsel vm2, $0x0, v25;
	v39 =	vxor.u32 $0x200, v60;
	v37 =	vshra.s32 v48, $0x1;
	v31 =	vld.idx.msk [tilespmem:v31+s16+$0x0], $0xffff  }
0x452: {  	v49 =	vadd.s32 v13, v25;
	v42 =	vand.u32 $0x380, v39;
	vm1 =	vlt.s32 v37, $0x3FFF;
	v33 =	vld.idx.msk [tilespmem:v61+s16+$0x0], $0xffff  }
0x453: {  	v30 =	vmax.u32 v39, $0x1;
	v39 =	vshra.s32 v49, $0x1;
	v50 =	vnsel vm1, $0x3FFF, v37  }
0x454: {  	v40 =	vand.u32 $0x7F, v60;
	v30 =	vsub.s32 v30, v1;
	vm2 =	vlt.s32 v39, $0x3FFF  }
0x455: {  	v40 =	vor.u32 v40, v42;
	v49 =	vadd.s32 $0x1, v37;
	v51 =	vnsel vm2, $0x3FFF, v39  }
0x456: {  	vm1 =	vgt.s32 v27, v19;
	vm4 =	vgt.s32 v0, v17;
	vm2 =	vgt.s32 v31, v18  }
0x457: {  	vm3 =	vgt.s32 v33, v10;
	v21 =	vsel vm4, v21, v43;
	v27 =	vsel vm1, v5, v44  }
0x458: {  	v14 =	vsel vm1, v24, v14;
	v22 =	vsel vm4, v23, v22;
	v41 =	vld.idx.msk [tilespmem:v50+s16+$0x0], $0xffff;
	v50 =	vadd.s32 $0x1, v39  }
0x459: {  	v30 =	vld.idx.msk [tilespmem:v30+s14+$0x0], $0xffff;
	v24 =	vsel vm3, v7, v46;
	v16 =	vsel vm3, v26, v16;
	v15 =	vsel vm2, v15, v45  }
0x45a: {  	v35 =	vld.idx.msk [tilespmem:v40+s14+$0x0], $0xffff;
	v20 =	vsel vm2, v58, v20;
	v7 =	vadd.s32 v14, v27;
	v31 =	vadd.s32 v22, v21  }
0x45b: {  	v5 =	vld [tilespmem:$0x7FF0];
	v26 =	vadd.s32 v16, v24;
	v32 =	vshra.s32 v7, $0x1;
	v52 =	vadd.s32 v20, v15  }
0x45c: {  	v7 =	vld.idx.msk [tilespmem:v38+s14+$0x0], $0xffff;
	v31 =	vshra.s32 v31, $0x1;
	vm1 =	vlt.s32 v32, $0x3FFF;
	v26 =	vshra.s32 v26, $0x1  }
0x45d: {  	v23 =	vld.idx.msk [tilespmem:v2+s14+$0x0], $0xffff;
	vm2 =	vlt.s32 v31, $0x3FFF;
	v33 =	vshra.s32 v52, $0x1;
	v55 =	vnsel vm1, $0x3FFF, v32  }
0x45e: {  	v57 =	vld [tilespmem:$0xFFF0];
	v1 =	vadd.s32 $0x1, v32;
	v56 =	vnsel vm2, $0x3FFF, v31;
	vm2 =	vlt.s32 v33, $0x3FFF  }
0x45f: {  	vm1 =	vlt.s32 v26, $0x3FFF;
	v2 =	vadd.s32 $0x1, v26;
	v59 =	vnsel vm2, $0x3FFF, v33  }
0x460: {  	v58 =	vnsel vm1, $0x3FFF, v26;
	vm1 =	veq.s32 v28, $0x200;
	v28 =	vld.idx.msk [tilespmem:v51+s16+$0x0], $0xffff;
	vm2 =	veq.s32 v60, $0x200  }
0x461: {  	v5 =	vxor.u32 $0x80000000, v5;
	v30 =	vsel vm2, $0x0, v30;
	v60 =	vsel vm1, $0x0, v7  }
0x462: {  	v51 =	vadd.s32 $0x1, v33;
	v61 =	vadd.s32 v35, v30;
	v7 =	vadd.s32 v23, v60;
	v34 =	vld.idx.msk [tilespmem:v55+s16+$0x0], $0xffff  }
0x463: {  	v44 =	vshra.s32 v61, $0x1;
	v62 =	vshra.s32 v7, $0x1;
	v38 =	vld.idx.msk [tilespmem:v56+s16+$0x0], $0xffff;
	v7 =	vxor.u32 $0x80000000, v57  }
0x464: {  	vm2 =	vlt.s32 v44, $0x3FFF;
	v48 =	vadd.s32 $0x1, v44;
	vm1 =	vlt.s32 v62, $0x3FFF;
	v42 =	vld.idx.msk [tilespmem:v59+s16+$0x0], $0xffff  }
0x465: {  	v43 =	vld.idx.msk [tilespmem:v58+s16+$0x0], $0xffff;
	v0 =	vnsel vm2, $0x3FFF, v44;
	v47 =	vadd.s32 $0x1, v62;
	vm2 =	vgt.s32 v28, v9  }
0x466: {  	v28 =	vadd.s32 $0x1, v31;
	v63 =	vnsel vm1, $0x3FFF, v62;
	vm1 =	vgt.s32 v41, v8  }
0x467: {  	v25 =	vsel vm2, v25, v50;
	v29 =	vsel vm1, v29, v49;
	v12 =	vsel vm1, v37, v12  }
0x468: {  	v13 =	vsel vm2, v39, v13;
	v61 =	vadd.s32 v12, v29;
	vm3 =	vgt.s32 v34, v19  }
0x469: {  	vm6 =	vgt.s32 v38, v17;
	v39 =	vshra.s32 v61, $0x1;
	vm4 =	vgt.s32 v42, v18  }
0x46a: {  	vm5 =	vgt.s32 v43, v10;
	v21 =	vsel vm6, v21, v28;
	v27 =	vsel vm3, v27, v1  }
0x46b: {  	v14 =	vsel vm3, v32, v14;
	v22 =	vsel vm6, v31, v22;
	v24 =	vsel vm5, v24, v2  }
0x46c: {  	v16 =	vsel vm5, v26, v16;
	v15 =	vsel vm4, v15, v51;
	v28 =	vadd.s32 v14, v27  }
0x46d: {  	v20 =	vsel vm4, v33, v20;
	v52 =	vadd.s32 v22, v21;
	v28 =	vshra.s32 v28, $0x1  }
0x46e: {  	v26 =	vld.idx.msk [tilespmem:v63+s16+$0x0], $0xffff;
	v55 =	vadd.s32 v20, v15;
	v33 =	vshra.s32 v52, $0x1;
	vm3 =	vlt.s32 v28, $0x3FFF  }
0x46f: {  	vm4 =	vlt.s32 v33, $0x3FFF;
	v34 =	vshra.s32 v55, $0x1;
	v56 =	vnsel vm3, $0x3FFF, v28  }
0x470: {  	v31 =	vld.idx.msk [tilespmem:v0+s16+$0x0], $0xffff;
	v51 =	vadd.s32 v16, v24;
	v57 =	vnsel vm4, $0x3FFF, v33;
	vm5 =	vlt.s32 v34, $0x3FFF  }
0x471: {  	vm2 =	vlt.s32 v39, $0x3FFF;
	v32 =	vshra.s32 v51, $0x1;
	v58 =	vnsel vm5, $0x3FFF, v34  }
0x472: {  	v63 =	vadd.s32 v13, v25;
	v1 =	vnsel vm2, $0x3FFF, v39;
	vm3 =	vlt.s32 v32, $0x3FFF  }
0x473: {  	v42 =	vshra.s32 v63, $0x1;
	vm4 =	vgt.s32 v26, v6;
	v26 =	vnsel vm3, $0x3FFF, v32  }
0x474: {  	v43 =	vadd.s32 $0x1, v42;
	v52 =	vadd.s32 $0x1, v33;
	v55 =	vadd.s32 $0x1, v28;
	v59 =	vld.idx.msk [tilespmem:v56+s16+$0x0], $0xffff  }
0x475: {  	vm3 =	vgt.s32 v31, v11;
	v31 =	vsel vm4, v60, v47;
	v23 =	vsel vm4, v62, v23;
	v40 =	vld.idx.msk [tilespmem:v57+s16+$0x0], $0xffff  }
0x476: {  	v30 =	vsel vm3, v30, v48;
	v35 =	vsel vm3, v44, v35;
	vm3 =	vlt.s32 v42, $0x3FFF;
	v36 =	vld.idx.msk [tilespmem:v58+s16+$0x0], $0xffff  }
0x477: {  	s23 =	simm.s32 $0x20;
	v60 =	vadd.s32 v23, v31;
	v62 =	vadd.s32 v35, v30;
	v2 =	vnsel vm3, $0x3FFF, v42  }
0x478: {  	v48 =	vmov s23;
	v38 =	vshra.s32 v60, $0x1;
	v41 =	vshra.s32 v62, $0x1;
	v26 =	vld.idx.msk [tilespmem:v26+s16+$0x0], $0xffff  }
0x479: {  	v56 =	vadd.s32 $0x1, v34;
	v57 =	vadd.s32 $0x1, v32;
	vm1 =	vlt.s32 v38, $0x3FFF  }
0x47a: {  	v58 =	vld.idx.msk [tilespmem:v1+s16+$0x0], $0xffff;
	v63 =	vadd.s32 $0x1, v38;
	v1 =	vadd.s32 $0x1, v39;
	v0 =	vnsel vm1, $0x3FFF, v38  }
0x47b: {  	vm1 =	vgt.s32 v59, v19;
	vm4 =	vgt.s32 v40, v17;
	vm2 =	vgt.s32 v36, v18  }
0x47c: {  	v60 =	vld.idx.msk [tilespmem:v2+s16+$0x0], $0xffff;
	v21 =	vsel vm4, v21, v52;
	v14 =	vsel vm1, v28, v14;
	v22 =	vsel vm4, v33, v22  }
0x47d: {  	vm3 =	vgt.s32 v26, v10;
	v26 =	vsel vm1, v27, v55;
	v15 =	vsel vm2, v15, v56  }
0x47e: {  	v20 =	vsel vm2, v34, v20;
	v33 =	vadd.s32 v22, v21;
	v24 =	vsel vm3, v24, v57  }
0x47f: {  	v16 =	vsel vm3, v32, v16;
	v27 =	vadd.s32 v14, v26;
	v59 =	vadd.s32 v20, v15  }
0x480: {  	v33 =	vshra.s32 v33, $0x1;
	v32 =	vadd.s32 v16, v24;
	v27 =	vshra.s32 v27, $0x1  }
0x481: {  	vm2 =	vlt.s32 v33, $0x3FFF;
	v36 =	vshra.s32 v59, $0x1;
	vm3 =	vgt.s32 v60, v9  }
0x482: {  	v28 =	vld.idx.msk [tilespmem:v0+s16+$0x0], $0xffff;
	vm1 =	vlt.s32 v27, $0x3FFF;
	v32 =	vshra.s32 v32, $0x1;
	v62 =	vnsel vm2, $0x3FFF, v33  }
0x483: {  	vm2 =	vlt.s32 v36, $0x3FFF;
	v25 =	vsel vm3, v25, v43;
	v61 =	vnsel vm1, $0x3FFF, v27  }
0x484: {  	v13 =	vsel vm3, v42, v13;
	vm1 =	vlt.s32 v32, $0x3FFF;
	v2 =	vnsel vm2, $0x3FFF, v36  }
0x485: {  	vm2 =	vgt.s32 v58, v8;
	v56 =	vadd.s32 v13, v25;
	v0 =	vnsel vm1, $0x3FFF, v32  }
0x486: {  	vm1 =	vlt.s32 v41, $0x3FFF;
	v29 =	vsel vm2, v29, v1;
	v34 =	vsel vm2, v39, v12  }
0x487: {  	v1 =	vadd.s32 $0x1, v36;
	v49 =	vnsel vm1, $0x3FFF, v41;
	vm1 =	vgt.s32 v28, v6;
	v52 =	vld.idx.msk [tilespmem:v62+s16+$0x0], $0xffff  }
0x488: {  	v55 =	vadd.s32 v34, v29;
	v28 =	vsel vm1, v31, v63;
	v23 =	vsel vm1, v38, v23;
	v31 =	vld.idx.msk [tilespmem:v61+s16+$0x0], $0xffff  }
0x489: {  	v38 =	vshra.s32 v56, $0x1;
	v37 =	vshra.s32 v55, $0x1;
	v63 =	vadd.s32 $0x1, v33;
	v59 =	vld.idx.msk [tilespmem:v2+s16+$0x0], $0xffff  }
0x48a: {  	v58 =	vadd.s32 v23, v28;
	vm1 =	vlt.s32 v37, $0x3FFF;
	vm2 =	vlt.s32 v38, $0x3FFF  }
0x48b: {  	v40 =	vshra.s32 v58, $0x1;
	v60 =	vnsel vm1, $0x3FFF, v37;
	v61 =	vnsel vm2, $0x3FFF, v38;
	v57 =	vld.idx.msk [tilespmem:v0+s16+$0x0], $0xffff  }
0x48c: {  	s22 =	simm.s32 $0x30;
	(xrf0) =	vmax.scan.msk.u32 $0xffff, v5;
	v2 =	vadd.s32 $0x1, v32;
	v58 =	vadd.s32 $0x1, v41;
	vm3 =	vlt.s32 v40, $0x3FFF  }
0x48d: {  	(xrf0) =	vmax.scan.msk.u32 $0xffff, v7;
	v0 =	vadd.s32 $0x1, v27;
	v62 =	vnsel vm3, $0x3FFF, v40;
	v7 =	vld.idx.msk [tilespmem:v49+s16+$0x0], $0xffff;
	v49 =	vmov s22  }
0x48e: {  	vm4 =	vgt.s32 v52, v17;
	vm1 =	vgt.s32 v31, v19;
	vm2 =	vgt.s32 v59, v18  }
0x48f: {  	v21 =	vsel vm4, v21, v63;
	v22 =	vsel vm4, v33, v22;
	v63 =	vadd.s32 $0x1, v40  }
0x490: {  	vm3 =	vgt.s32 v57, v10;
	v26 =	vsel vm1, v26, v0;
	v14 =	vsel vm1, v27, v14  }
0x491: {  	v15 =	vsel vm2, v15, v1;
	v20 =	vsel vm2, v36, v20;
	v51 =	vadd.s32 v22, v21  }
0x492: {  	s21 =	simm.s32 $0x0;
	v0 =	vlaneseq.u32;
	v24 =	vsel vm3, v24, v2;
	v27 =	vsel vm3, v32, v16  }
0x493: {  	v5 =	vadd.s32 v14, v26;
	v36 =	vshra.s32 v51, $0x1;
	v16 =	vmov s21  }
0x494: {  	v1 =	vadd.s32 $0x1, v0;
	v31 =	vshra.s32 v5, $0x1;
	v5 =	vadd.s32 v20, v15  }
0x495: {  	v44 =	vld.idx.msk [tilespmem:v61+s16+$0x0], $0xffff;
	v50 =	vadd.s32 v27, v24;
	vm1 =	vlt.s32 v31, $0x3FFF;
	v33 =	vshra.s32 v5, $0x1  }
0x496: {  	v56 =	vld.idx.msk [tilespmem:v62+s16+$0x0], $0xffff;
	v32 =	vshra.s32 v50, $0x1;
	v52 =	vnsel vm1, $0x3FFF, v31;
	vm2 =	vlt.s32 v33, $0x3FFF  }
0x497: {  	v47 =	vmul.u32 $0xFFFFFFFF, v0;
	vm1 =	vlt.s32 v32, $0x3FFF;
	v57 =	vnsel vm2, $0x3FFF, v33  }
0x498: {  	v0 =	vor.u32 $0x80000000, v0;
	v55 =	vnsel vm1, $0x3FFF, v32;
	vm1 =	vlt.s32 v36, $0x3FFF  }
0x499: {  	s24 =	simm.s32 $0x10;
	v3 =	vor.u32 s21, v1;
	v5, _, _ =	vpop (xrf0);
	vm2 =	vgt.s32 v7, v11;
	v7 =	vnsel vm1, $0x3FFF, v36  }
0x49a: {  	v59 =	vld.idx.msk [tilespmem:v60+s16+$0x0], $0xffff;
	v4 =	vadd.s32 s24, v1;
	(v2sf) =	vpush v5, $0xF;
	v30 =	vsel vm2, v30, v58  }
0x49b: {  	v5, _, _ =	vpop (xrf0);
	v35 =	vsel vm2, v41, v35;
	vm2 =	vgt.s32 v44, v9;
	vm3 =	vgt.s32 v56, v6;
	v61 =	vld.idx.msk [tilespmem:v52+s16+$0x0], $0xffff  }
0x49c: {  	v56 =	vadd.s32 $0x1, v36;
	v58 =	vadd.s32 $0x1, v33;
	(v2sf) =	vpush v5, $0xF;
	v45 =	vld.idx.msk [tilespmem:v57+s16+$0x0], $0xffff  }
0x49d: {  	v60 =	vadd.s32 v35, v30;
	v28 =	vsel vm3, v28, v63;
	v23 =	vsel vm3, v40, v23;
	v39 =	vld.idx.msk [tilespmem:v55+s16+$0x0], $0xffff  }
0x49e: {  	v5 =	vor.u32 s23, v1;
	v43 =	vshra.s32 v60, $0x1;
	v44 =	vadd.s32 v23, v28;
	v7 =	vld.idx.msk [tilespmem:v7+s16+$0x0], $0xffff  }
0x49f: {  	vm1 =	vlt.s32 v43, $0x3FFF;
	v2 =	vadd.s32 $0x1, v43;
	v52 =	vadd.s32 $0x1, v37  }
0x4a0: {  	v62 =	vnsel vm1, $0x3FFF, v43;
	vm1 =	vgt.s32 v59, v8;
	v55 =	vadd.s32 $0x1, v38  }
0x4a1: {  	v57 =	vadd.s32 $0x1, v31;
	vm4 =	vgt.s32 v61, v19;
	vm5 =	vgt.s32 v45, v18  }
0x4a2: {  	vm6 =	vgt.s32 v39, v10;
	v26 =	vsel vm4, v26, v57;
	v14 =	vsel vm4, v31, v14  }
0x4a3: {  	vm7 =	vgt.s32 v7, v17;
	v7 =	vadd.s32 $0x1, v32;
	v15 =	vsel vm5, v15, v58  }
0x4a4: {  	v20 =	vsel vm5, v33, v20;
	v46 =	vsel vm7, v21, v56;
	v7 =	vsel vm6, v24, v7  }
0x4a5: {  	v24 =	vsel vm6, v32, v27;
	v22 =	vsel vm7, v36, v22;
	v27 =	vadd.s32 v14, v26  }
0x4a6: {  	v33 =	vadd.s32 v20, v15;
	v31 =	vadd.s32 v24, v7;
	v27 =	vshra.s32 v27, $0x1  }
0x4a7: {  	v21 =	vld.idx.msk [tilespmem:v62+s16+$0x0], $0xffff;
	v59 =	vadd.s32 v22, v46;
	v33 =	vshra.s32 v33, $0x1;
	vm4 =	vlt.s32 v27, $0x3FFF  }
0x4a8: {  	v31 =	vshra.s32 v31, $0x1;
	v60 =	vnsel vm4, $0x3FFF, v27;
	vm4 =	vlt.s32 v33, $0x3FFF  }
0x4a9: {  	v32 =	vshra.s32 v59, $0x1;
	vm6 =	vlt.s32 v31, $0x3FFF;
	v62 =	vnsel vm4, $0x3FFF, v33  }
0x4aa: {  	v25 =	vsel vm2, v25, v55;
	vm5 =	vlt.s32 v32, $0x3FFF;
	v63 =	vnsel vm6, $0x3FFF, v31  }
0x4ab: {  	v29 =	vsel vm1, v29, v52;
	v36 =	vshra.s32 v44, $0x1;
	v61 =	vnsel vm5, $0x3FFF, v32  }
0x4ac: {  	v12 =	vadd.s32 $0x1, v31;
	vm5 =	vgt.s32 v21, v11;
	v21 =	vsel vm1, v37, v34  }
0x4ad: {  	v34 =	vsel vm2, v38, v13;
	vm1 =	vlt.s32 v36, $0x3FFF;
	v30 =	vsel vm5, v30, v2;
	v2 =	vld.idx.msk [tilespmem:v60+s16+$0x0], $0xffff  }
0x4ae: {  	v35 =	vsel vm5, v43, v35;
	v52 =	vadd.s32 v21, v29;
	v55 =	vadd.s32 v34, v25;
	v56 =	vld.idx.msk [tilespmem:v62+s16+$0x0], $0xffff  }
0x4af: {  	v58 =	vnsel vm1, $0x3FFF, v36;
	v51 =	vadd.s32 v35, v30;
	v38 =	vshra.s32 v52, $0x1;
	v57 =	vld.idx.msk [tilespmem:v63+s16+$0x0], $0xffff  }
0x4b0: {  	v40 =	vshra.s32 v55, $0x1;
	v37 =	vshra.s32 v51, $0x1;
	vm2 =	vlt.s32 v38, $0x3FFF;
	v39 =	vld.idx.msk [tilespmem:v61+s16+$0x0], $0xffff  }
0x4b1: {  	vm3 =	vlt.s32 v40, $0x3FFF;
	v13 =	vadd.s32 $0x1, v38;
	v59 =	vnsel vm2, $0x3FFF, v38  }
0x4b2: {  	vm1 =	vlt.s32 v37, $0x3FFF;
	v60 =	vnsel vm3, $0x3FFF, v40;
	v62 =	vadd.s32 $0x1, v32  }
0x4b3: {  	v63 =	vadd.s32 $0x1, v27;
	v61 =	vnsel vm1, $0x3FFF, v37;
	vm1 =	vgt.s32 v2, v19  }
0x4b4: {  	v2 =	vadd.s32 $0x1, v33;
	vm2 =	vgt.s32 v56, v18;
	vm3 =	vgt.s32 v57, v10  }
0x4b5: {  	vm4 =	vgt.s32 v39, v17;
	v26 =	vsel vm1, v26, v63;
	v27 =	vsel vm1, v27, v14  }
0x4b6: {  	v44 =	vld.idx.msk [tilespmem:v59+s16+$0x0], $0xffff;
	v59 =	vmov s24;
	v63 =	vadd.s32 $0x1, v36;
	v39 =	vsel vm4, v46, v62  }
0x4b7: {  	v42 =	vsel vm3, v7, v12;
	v24 =	vsel vm3, v31, v24;
	v22 =	vsel vm4, v32, v22  }
0x4b8: {  	v31 =	vsel vm2, v15, v2;
	v32 =	vsel vm2, v33, v20;
	v7 =	vadd.s32 v27, v26  }
0x4b9: {  	v2 =	vadd.s32 $0x3FFF, v47;
	v12 =	vadd.s32 $0x1, v37;
	v52 =	vadd.s32 v24, v42  }
0x4ba: {  	v43 =	vld.idx.msk [tilespmem:v58+s16+$0x0], $0xffff;
	v55 =	vadd.s32 v22, v39;
	v33 =	vshra.s32 v7, $0x1;
	v7 =	vadd.s32 v32, v31  }
0x4bb: {  	vm4 =	vlt.u32 v48, v2;
	vm1 =	vlt.s32 v33, $0x3FFF;
	v41 =	vshra.s32 v52, $0x1  }
0x4bc: {  	v56 =	vshra.s32 v7, $0x1;
	v20 =	vnsel vm1, $0x3FFF, v33;
	vm1 =	vlt.s32 v41, $0x3FFF  }
0x4bd: {  	v45 =	vld.idx.msk [tilespmem:v60+s16+$0x0], $0xffff;
	v57 =	vshra.s32 v55, $0x1;
	vm2 =	vlt.s32 v56, $0x3FFF;
	v52 =	vnsel vm1, $0x3FFF, v41  }
0x4be: {  	v50 =	vld.idx.msk [tilespmem:v61+s16+$0x0], $0xffff;
	vm3 =	vlt.u32 v16, v2;
	vm1 =	vlt.s32 v57, $0x3FFF;
	v58 =	vnsel vm2, $0x3FFF, v56  }
0x4bf: {  	vm8 =	vgt.s32 v43, v6;
	v7 =	vadd.s32 s22, v1;
	v60 =	vnsel vm1, $0x3FFF, v57  }
0x4c0: {  	v28 =	vsel vm8, v28, v63;
	v36 =	vsel vm8, v36, v23;
	v23 =	vadd.s32 $0x1, v40  }
0x4c1: {  	v15 =	vadd.s32 $0x1, v33;
	vm5 =	vlt.s32 v7, $0x3FFF;
	v14 =	vadd.s32 $0x1, v57;
	v61 =	vld.idx.msk [tilespmem:v20+s16+$0x0], $0xffff;
	[tilespmem:$0x1FF30] =	vst v2  }
0x4c2: {  	v16 =	vadd.s32 $0x1, v41;
	vm2 =	vlt.u32 v49, v2;
	vm6 =	vgt.s32 v45, v9;
	v62 =	vld.idx.msk [tilespmem:v52+s16+$0x0], $0xffff  }
0x4c3: {  	v45 =	vxor.u32 $0x7FFFFFFF, v18;
	vm1 =	vlt.u32 v59, v2;
	vm7 =	vgt.s32 v50, v11;
	v47 =	vld.idx.msk [tilespmem:v58+s16+$0x0], $0xffff  }
0x4c4: {  	v50 =	vxor.u32 $0x7FFFFFFF, v10;
	v34 =	vsel vm6, v40, v34;
	v30 =	vsel vm7, v30, v12;
	v49 =	vld.idx.msk [tilespmem:v60+s16+$0x0], $0xffff  }
0x4c5: {  	v35 =	vsel vm7, v37, v35;
	v2 =	vnsel vm5, $0x3FFF, v7;
	v20 =	vxor.u32 $0x7FFFFFFF, v19  }
0x4c6: {  	vm5 =	vgt.s32 v44, v8;
	v44 =	vxor.u32 $0x7FFFFFFF, v17;
	v20 =	vsel vm9, v20, v19  }
0x4c7: {  	v29 =	vsel vm5, v29, v13;
	v37 =	vsel vm5, v38, v21;
	v58 =	vadd.s32 v35, v30  }
0x4c8: {  	v38 =	vadd.s32 v37, v29;
	vm8 =	vgt.s32 v61, v19;
	vm9 =	vgt.s32 v47, v18  }
0x4c9: {  	vm10 =	vgt.s32 v62, v10;
	v27 =	vsel vm8, v33, v27;
	vm11 =	vgt.s32 v49, v17  }
0x4ca: {  	v49 =	vsel vm8, v26, v15;
	v26 =	vadd.s32 $0x1, v56;
	v33 =	vsel vm10, v42, v16  }
0x4cb: {  	v24 =	vsel vm10, v41, v24;
	v39 =	vsel vm11, v39, v14;
	v26 =	vsel vm9, v31, v26  }
0x4cc: {  	v31 =	vsel vm9, v56, v32;
	v27 =	vadd.s32 v27, v49;
	v22 =	vsel vm11, v57, v22  }
0x4cd: {  	v24 =	vadd.s32 v24, v33;
	v31 =	vadd.s32 v31, v26;
	v27 =	vshra.s32 v27, $0x1  }
0x4ce: {  	v22 =	vadd.s32 v22, v39;
	v31 =	vshra.s32 v31, $0x1;
	vm8 =	vlt.s32 v27, $0x3FFF  }
0x4cf: {  	v22 =	vshra.s32 v22, $0x1;
	vm9 =	vlt.s32 v31, $0x3FFF;
	v52 =	vnsel vm8, $0x3FFF, v27  }
0x4d0: {  	v24 =	vshra.s32 v24, $0x1;
	vm8 =	vlt.s32 v22, $0x3FFF;
	v55 =	vnsel vm9, $0x3FFF, v31  }
0x4d1: {  	v63 =	vld.idx.msk [tilespmem:v4+s15+$0x0], $0xffff;
	v42 =	vsel vm6, v25, v23;
	vm9 =	vlt.s32 v24, $0x3FFF;
	v23 =	vnsel vm8, $0x3FFF, v22  }
0x4d2: {  	v61 =	vld.idx.msk [tilespmem:v5+s15+$0x0], $0xffff;
	v47 =	vshra.s32 v38, $0x1;
	v21 =	vadd.s32 v34, v42;
	v25 =	vnsel vm9, $0x3FFF, v24  }
0x4d3: {  	v46 =	vshra.s32 v58, $0x1;
	vm6 =	vlt.s32 v47, $0x3FFF;
	v57 =	vld.idx.msk [tilespmem:v3+s15+$0x0], $0xffff;
	v43 =	vshra.s32 v21, $0x1  }
0x4d4: {  	vm10 =	vlt.s32 v17, $0x0;
	v56 =	vadd.s32 v36, v28;
	vm5 =	vlt.s32 v43, $0x3FFF;
	v32 =	vld.idx.msk [tilespmem:v52+s16+$0x0], $0xffff  }
0x4d5: {  	v60 =	vnsel vm6, $0x3FFF, v47;
	v38 =	vshra.s32 v56, $0x1;
	v59 =	vnsel vm5, $0x3FFF, v43;
	v21 =	vld.idx.msk [tilespmem:v55+s16+$0x0], $0xffff  }
0x4d6: {  	vm6 =	vlt.s32 v46, $0x3FFF;
	v44 =	vsel vm10, v44, v17;
	vm7 =	vlt.s32 v38, $0x3FFF;
	v23 =	vld.idx.msk [tilespmem:v23+s16+$0x0], $0xffff  }
0x4d7: {  	vm10 =	vlt.s32 v61, $0x0;
	v62 =	vnsel vm7, $0x3FFF, v38;
	vm7 =	vlt.s32 v18, $0x0;
	v25 =	vld.idx.msk [tilespmem:v25+s16+$0x0], $0xffff  }
0x4d8: {  	v58 =	vadd.s32 $0x1, v38;
	v45 =	vsel vm7, v45, v18;
	vm9 =	vlt.s32 v10, $0x0;
	[tilespmem:$0x1FF40] =	vst v2  }
0x4d9: {  	v31 =	vadd.s32 $0x1, v31;
	vm7 =	vlt.s32 v57, $0x0;
	v50 =	vsel vm9, v50, v10;
	v12 =	vld.idx.msk [tilespmem:v2+s15+$0x0], $0xffff  }
0x4da: {  	v52 =	vxor.u32 $0x7FFFFFFF, v63;
	v13 =	vld.idx.msk [tilespmem:v59+s16+$0x0], $0xffff;
	v59 =	vadd.s32 $0x1, v43;
	vm5 =	vgt.s32 v32, v19  }
0x4db: {  	vm8 =	vgt.s32 v21, v18;
	v21 =	vnsel vm6, $0x3FFF, v46;
	vm6 =	vgt.s32 v23, v17  }
0x4dc: {  	v23 =	vld.idx.msk [tilespmem:v60+s16+$0x0], $0xffff;
	v60 =	vadd.s32 $0x1, v22;
	vm9 =	vgt.s32 v25, v10;
	v10 =	vxor.u32 $0x7FFFFFFF, v57  }
0x4dd: {  	v25 =	vxor.u32 $0x7FFFFFFF, v61;
	v22 =	vsel vm6, v39, v60;
	v14 =	vsel vm7, v10, v57  }
0x4de: {  	vm7 =	vlt.s32 v63, $0x0;
	v55 =	vsel vm10, v25, v61;
	vm10 =	vlt.s32 v12, $0x0  }
0x4df: {  	v10 =	vld.idx.msk [tilespmem:v62+s16+$0x0], $0xffff;
	v61 =	vadd.s32 $0x1, v27;
	v62 =	vadd.s32 $0x1, v46;
	v19 =	vsel vm7, v52, v63  }
0x4e0: {  	v49 =	vsel vm5, v49, v61;
	vm5 =	vlt.s32 v22, $0x3FFF;
	v63 =	vimm.s32 $0x0  }
0x4e1: {  	vm6 =	vlt.s32 v49, $0x3FFF;
	v27 =	vnsel vm5, $0x3FFF, v22;
	v25 =	vld.idx.msk [tilespmem:v21+s16+$0x0], $0xffff;
	v21 =	vxor.u32 $0x7FFFFFFF, v12  }
0x4e2: {  	v2 =	vsel vm3, $0xFFFFFFFF, v63;
	vm7 =	vgt.s32 v23, v8;
	v56 =	vsel vm10, v21, v12  }
0x4e3: {  	v21 =	vsel vm8, v26, v31;
	vm8 =	vgt.s32 v13, v9;
	v41 =	vsel vm7, v47, v37  }
0x4e4: {  	s30 =	spop (v2sf);
	vm10 =	vlt.s32 v21, $0x3FFF;
	vm11 =	vgt.s32 v10, v6;
	v10 =	vadd.s32 $0x1, v24  }
0x4e5: {  	s31 =	spop (v2sf);
	v31 =	vsel vm8, v42, v59;
	v42 =	vimm.s32 $0x0;
	v57 =	vnsel vm10, $0x3FFF, v21  }
0x4e6: {  	s23 =	sxor.u32 $0x80000000, s31;
	s22 =	sxor.u32 $0x80000000, s30;
	v59 =	vperm.xlane v49, v53;
	v23 =	vsel vm9, v33, v10;
	v10 =	vadd.s32 $0x1, v47  }
0x4e7: {  	p1 =	sgt.s32 s22, s23;
	v26 =	vsel vm11, v38, v36;
	v38 =	vsel vm8, v43, v34;
	vm9 =	vlt.s32 v23, $0x3FFF  }
0x4e8: {  	s23 =	smov.u32 @p1 s22;
	v47 =	vsub.s32 v22, v5;
	v33 =	vsel vm7, v29, v10;
	v24 =	vnsel vm9, $0x3FFF, v23  }
0x4e9: {  	v10 =	vmov s23;
	v43 =	vsub.s32 v23, v4;
	vm10 =	vgt.s32 v25, v11  }
0x4ea: {  	v25 =	vsel vm11, v28, v58;
	vm9 =	vlt.s32 v10, $0x0;
	v10 =	vxor.u32 $0x7FFFFFFF, v10;
	v28 =	vld.idx.msk [tilespmem:v57+s16+$0x0], $0xffff  }
0x4eb: {  	v36 =	vcvt.s32.f32 v43;
	v10 =	vnsel vm9, s23, v10;
	v39 =	vsel vm10, v30, v62  }
0x4ec: {  	v30 =	vnsel vm6, $0x3FFF, v49;
	v40 =	vsel vm10, v46, v35;
	v46 =	vadd.s32 v26, v25  }
0x4ed: {  	v29 =	vsel vm3, v14, v10;
	v14 =	vimm.f32 $0.0e+00;
	v15 =	vsel vm4, v55, v10;
	v24 =	vld.idx.msk [tilespmem:v24+s16+$0x0], $0xffff  }
0x4ee: {  	v19 =	vsel vm1, v19, v10;
	v32 =	vsel vm2, v56, v10;
	v48 =	vadd.s32 v40, v39;
	[tilespmem:$0x1FF50] =	vst v2  }
0x4ef: {  	v52 =	vshra.s32 v46, $0x1;
	[tilespmem:$0x1FF60] =	vst v3;
	v12 =	vxor.u32 $0x7FFFFFFF, v28;
	vm5 =	vlt.s32 v28, $0x0  }
0x4f0: {  	v57 =	vperm.xlane v23, v53;
	v27 =	vld.idx.msk [tilespmem:v27+s16+$0x0], $0xffff;
	v18 =	vsel vm5, v12, v28;
	v28 =	vsub.s32 v21, v3  }
0x4f1: {  	v2 =	vsel vm1, $0xFFFFFFFF, v42;
	vm5 =	vlt.s32 v21, $0x4000;
	v28 =	vcvt.s32.f32 v28  }
0x4f2: {  	v30 =	vld.idx.msk [tilespmem:v30+s16+$0x0], $0xffff;
	v18 =	vsel vm5, v18, v10;
	v13 =	vxor.u32 $0x7FFFFFFF, v24;
	vm5 =	vlt.s32 v24, $0x0  }
0x4f3: {  	v29 =	vmin.f32 v29, v18;
	v24 =	vsel vm5, v13, v24;
	vm5 =	vlt.s32 v23, $0x4000  }
0x4f4: {  	v28 =	vmul.f32 $6.103515630e-05, v28;
	v29 =	vsub.f32 v29, v45;
	v24 =	vsel vm5, v24, v10  }
0x4f5: {  	vm5 =	vlt.s32 v27, $0x0;
	v45 =	vimm.s32 $0x0;
	v19 =	vmin.f32 v19, v24  }
0x4f6: {  	[tilespmem:$0x1FF70] =	vst v2;
	v24 =	vxor.u32 $0x7FFFFFFF, v27;
	v2 =	vsel vm2, $0xFFFFFFFF, v45;
	v28 =	vmul.f32 v28, v28  }
0x4f7: {  	v24 =	vsel vm5, v24, v27;
	v27 =	vxor.u32 $0x7FFFFFFF, v30;
	vm5 =	vlt.s32 v30, $0x0  }
0x4f8: {  	v19 =	vsub.f32 v19, v50;
	v50 =	vsub.s32 v49, v7;
	v30 =	vsel vm5, v27, v30  }
0x4f9: {  	v27 =	vmul.f32 $6.103515630e-05, v36;
	vm5 =	vlt.s32 v22, $0x4000;
	v36 =	vcvt.s32.f32 v47  }
0x4fa: {  	v51 =	vcvt.s32.f32 v50;
	v28 =	vmul.f32 v29, v28;
	v29 =	vadd.s32 v38, v31  }
0x4fb: {  	v24 =	vsel vm5, v24, v10;
	vm5 =	vlt.s32 v49, $0x4000;
	v27 =	vmul.f32 v27, v27  }
0x4fc: {  	v24 =	vmin.f32 v15, v24;
	v36 =	vmul.f32 $6.103515630e-05, v36;
	v42 =	vshra.s32 v29, $0x1  }
0x4fd: {  	v29 =	vmul.f32 $6.103515630e-05, v51;
	v30 =	vsel vm5, v30, v10;
	vm5 =	vlt.s32 v52, $0x3FFF  }
0x4fe: {  	v35 =	vadd.f32 v28, v14;
	v28 =	vadd.s32 v41, v33;
	v24 =	vsub.f32 v24, v44  }
0x4ff: {  	v30 =	vmin.f32 v32, v30;
	v19 =	vmul.f32 v19, v27;
	v55 =	vmul.f32 v36, v36  }
0x500: {  	vm6 =	vlt.s32 v42, $0x3FFF;
	v27 =	vshra.s32 v28, $0x1;
	v28 =	vshra.s32 v48, $0x1  }
0x501: {  	v56 =	vnsel vm6, $0x3FFF, v42;
	v19 =	vadd.f32 v19, v35;
	v24 =	vmul.f32 v24, v55  }
0x502: {  	[tilespmem:$0x1FF80] =	vst v4;
	v29 =	vmul.f32 v29, v29;
	v20 =	vsub.f32 v30, v20;
	v30 =	vnsel vm5, $0x3FFF, v52  }
0x503: {  	[tilespmem:$0x1FFA0] =	vst v5;
	vm5 =	vlt.s32 v28, $0x3FFF;
	v19 =	vadd.f32 v24, v19;
	v24 =	vperm.xlane v21, v53  }
0x504: {  	[tilespmem:$0x1FFB0] =	vst v7;
	vm6 =	veq.s32 v23, v57;
	v20 =	vmul.f32 v20, v29;
	v29 =	vnsel vm5, $0x3FFF, v28  }
0x505: {  	[tilespmem:$0x1FF90] =	vst v2;
	vm7 =	vlt.s32 v27, $0x3FFF;
	vm5 =	veq.s32 v21, v24;
	v24 =	vperm.xlane v22, v53  }
0x506: {  	v58 =	vnsel vm7, $0x3FFF, v27;
	v32 =	vld.idx.msk [tilespmem:v56+s16+$0x0], $0xffff;
	v47 =	vadd.f32 v20, v19;
	v60 =	vsel vm5, $0x80000000, v0  }
0x507: {  	v20 =	vld.idx.msk [tilespmem:v30+s16+$0x0], $0xffff;
	v30 =	vsel vm6, $0x80000000, v0;
	vm5 =	veq.s32 v22, v24;
	(xrf0) =	vmax.scan.msk.u32 $0xffff, v60;
	v24 =	vperm.xlane v21, v54  }
0x508: {  	vm6 =	veq.s32 v49, v59;
	[tilespmem:$0x1FFC0] =	vst v0;
	v61 =	vsel vm5, $0x80000000, v0;
	(xrf0) =	vmax.scan.msk.u32 $0xffff, v30  }
0x509: {  	v36 =	vsel vm6, $0x80000000, v0;
	v29 =	vld.idx.msk [tilespmem:v29+s16+$0x0], $0xffff;
	(xrf0) =	vmax.scan.msk.u32 $0xffff, v61;
	vm5 =	vne.s32 v21, v24;
	v24 =	vperm.xlane v49, v54  }
0x50a: {  	v62 =	vperm.xlane v22, v54;
	v30 =	vperm.xlane v23, v54;
	(xrf0) =	vmax.scan.msk.u32 $0xffff, v36  }
0x50b: {  	v63 =	vadd.s32 $0x1, v42;
	v34 =	vadd.s32 $0x1, v28;
	v37 =	vadd.s32 $0x1, v27;
	v35 =	vld.idx.msk [tilespmem:v58+s16+$0x0], $0xffff  }
0x50c: {  	v4 =	vmovc v1;
	vm10 =	vgt.s32 v32, v9;
	vm6 =	vne.s32 v23, v30;
	vm8 =	vmor vm5, vm0  }
0x50d: {  	vm5 =	vne.s32 v22, v62;
	vm9 =	vne.s32 v49, v24;
	vm7 =	vmor vm6, vm0;
	v24, _, _ =	vpop (xrf0)  }
0x50e: {  	vm6 =	vmor vm5, vm0;
	vm5 =	vmor vm9, vm0;
	vm9 =	vgt.s32 v29, v11;
	v29, _, _ =	vpop (xrf0)  }
0x50f: {  	vm12 =	vgt.s32 v20, v6;
	v20 =	vadd.s32 $0x1, v52;
	v32 =	vsel vm10, v31, v63;
	v30, _, _ =	vpop (xrf0)  }
0x510: {  	s22 =	simm.s32 $0x4;
	s23 =	simm.s32 $0xC0A0;
	[tilespmem:$0x1FFD0] =	vst v1;
	vm11 =	vgt.s32 v35, v8;
	v35 =	vsel vm12, v25, v20;
	v36 =	vsel vm12, v52, v26;
	v31, _, _ =	vpop (xrf0)  }
.LBB2_65:
0x511: {  	v33 =	vsel vm11, v33, v37;
	v13 =	vsel vm11, v27, v41;
	v38 =	vsel vm10, v42, v38  }
0x512: {  	v26 =	vld [tilespmem:s23+$0x10];
	v39 =	vsel vm9, v39, v34;
	v40 =	vsel vm9, v28, v40;
	v28 =	vadd.s32 v36, v35  }
0x513: {  	v25 =	vld [tilespmem:s23+$0x0];
	v0 =	vimm.s32 $0x1;
	v14 =	vadd.s32 v13, v33;
	v15 =	vadd.s32 v38, v32  }
0x514: {  	v27 =	vld [tilespmem:s23+$0xFFFFFFF0];
	v16 =	vshra.s32 v28, $0x1;
	v43 =	vadd.s32 v40, v39;
	v41 =	vshra.s32 v15, $0x1  }
0x515: {  	v28 =	vld [tilespmem:s23+$0xFFFFFFE0];
	vm9 =	vlt.s32 v16, $0x3FFF;
	v44 =	vshra.s32 v14, $0x1;
	v43 =	vshra.s32 v43, $0x1  }
0x516: {  	vm10 =	vlt.s32 v41, $0x3FFF;
	v17 =	vnsel vm9, $0x3FFF, v16;
	vm9 =	vlt.s32 v44, $0x3FFF  }
0x517: {  	v19 =	vadd.s32 $0x1, v41;
	v1 =	vadd.s32 $0x1, v43;
	v2 =	vadd.s32 $0x1, v44  }
0x518: {  	v45 =	vnsel vm10, $0x3FFF, v41;
	vm10 =	vlt.s32 v43, $0x3FFF;
	v18 =	vnsel vm9, $0x3FFF, v44  }
0x519: {  	[tilespmem:$0x1FF20] =	vst v49;
	v46 =	vshrl.u32 v26, $0x16;
	v48 =	vshrl.u32 v27, $0x16;
	v49 =	vshrl.u32 v25, $0x16  }
0x51a: {  	v50 =	vnsel vm10, $0x3FFF, v43;
	v51 =	vshrl.u32 v28, $0x16;
	v52 =	vand.u32 $0x7F, v49  }
0x51b: {  	v53 =	vand.u32 $0x7F, v46;
	v54 =	vand.u32 $0x7F, v48;
	v55 =	vxor.u32 $0x200, v49  }
0x51c: {  	v56 =	vxor.u32 $0x200, v46;
	v59 =	vxor.u32 $0x200, v48;
	v57 =	vxor.u32 $0x200, v51;
	v34 =	vld.idx.msk [tilespmem:v17+s16+$0x0], $0xffff  }
0x51d: {  	v58 =	vand.u32 $0x7F, v51;
	v60 =	vand.u32 $0x380, v55;
	v61 =	vand.u32 $0x380, v56;
	v45 =	vld.idx.msk [tilespmem:v45+s16+$0x0], $0xffff  }
0x51e: {  	[tilespmem:$0x1FF00] =	vst v47;
	v56 =	vmax.u32 v56, $0x1;
	v62 =	vand.u32 $0x380, v59;
	v59 =	vmax.u32 v59, $0x1;
	v47 =	vld.idx.msk [tilespmem:v18+s16+$0x0], $0xffff  }
0x51f: {  	v55 =	vmax.u32 v55, $0x1;
	v63 =	vand.u32 $0x380, v57;
	v53 =	vor.u32 v53, v61;
	v50 =	vld.idx.msk [tilespmem:v50+s16+$0x0], $0xffff  }
0x520: {  	v57 =	vmax.u32 v57, $0x1;
	v52 =	vor.u32 v52, v60;
	v56 =	vsub.s32 v56, v0  }
0x521: {  	v55 =	vsub.s32 v55, v0;
	v54 =	vor.u32 v54, v62;
	v59 =	vsub.s32 v59, v0  }
0x522: {  	v58 =	vor.u32 v58, v63;
	v57 =	vsub.s32 v57, v0;
	v0 =	vadd.s32 $0x1, v16  }
0x523: {  	v63 =	vxor.u32 $0x80000000, v31;
	vm9 =	vgt.s32 v34, v6;
	vm11 =	vgt.s32 v47, v8  }
0x524: {  	v34 =	vld.idx.msk [tilespmem:v53+s14+$0x0], $0xffff;
	vm12 =	vgt.s32 v45, v9;
	v47 =	vsel vm9, v35, v0;
	vm10 =	vgt.s32 v50, v11  }
0x525: {  	v12 =	vld.idx.msk [tilespmem:v56+s14+$0x0], $0xffff;
	v32 =	vsel vm12, v32, v19;
	v50 =	vsel vm9, v16, v36;
	v33 =	vsel vm11, v33, v2  }
0x526: {  	v14 =	vld.idx.msk [tilespmem:v59+s14+$0x0], $0xffff;
	v53 =	vsel vm11, v44, v13;
	v56 =	vsel vm12, v41, v38;
	vm11 =	veq.s32 v51, $0x200  }
0x527: {  	v35 =	vld.idx.msk [tilespmem:v52+s14+$0x0], $0xffff;
	v52 =	vsel vm10, v39, v1;
	v60 =	vsel vm10, v43, v40;
	v36 =	vadd.s32 v50, v47  }
0x528: {  	v13 =	vld.idx.msk [tilespmem:v55+s14+$0x0], $0xffff;
	v37 =	vadd.s32 v53, v33;
	v38 =	vadd.s32 v56, v32;
	v55 =	vshra.s32 v36, $0x1  }
0x529: {  	v15 =	vld.idx.msk [tilespmem:v57+s14+$0x0], $0xffff;
	v40 =	vadd.s32 v60, v52;
	v59 =	vshra.s32 v38, $0x1;
	vm9 =	vlt.s32 v55, $0x3FFF  }
0x52a: {  	v36 =	vld.idx.msk [tilespmem:v54+s14+$0x0], $0xffff;
	vm10 =	vlt.s32 v59, $0x3FFF;
	v54 =	vshra.s32 v40, $0x1;
	v16 =	vnsel vm9, $0x3FFF, v55  }
0x52b: {  	v57 =	vshra.s32 v37, $0x1;
	v37 =	vld.idx.msk [tilespmem:v58+s14+$0x0], $0xffff;
	v17 =	vnsel vm10, $0x3FFF, v59;
	vm10 =	vlt.s32 v54, $0x3FFF  }
0x52c: {  	vm12 =	veq.s32 v48, $0x200;
	vm9 =	vlt.s32 v57, $0x3FFF;
	v19 =	vnsel vm10, $0x3FFF, v54  }
0x52d: {  	v39 =	vsel vm12, $0x0, v14;
	v18 =	vnsel vm9, $0x3FFF, v57;
	vm9 =	veq.s32 v49, $0x200  }
0x52e: {  	v38 =	vsel vm11, $0x0, v15;
	vm10 =	veq.s32 v46, $0x200;
	v41 =	vsel vm9, $0x0, v13  }
0x52f: {  	v40 =	vsel vm10, $0x0, v12;
	v1 =	vadd.s32 v36, v39;
	v2 =	vadd.s32 v35, v41;
	v31 =	vld.idx.msk [tilespmem:v16+s16+$0x0], $0xffff  }
0x530: {  	v12 =	vadd.s32 v34, v40;
	v13 =	vadd.s32 v37, v38;
	v42 =	vshra.s32 v2, $0x1;
	v46 =	vld.idx.msk [tilespmem:v17+s16+$0x0], $0xffff  }
0x531: {  	v45 =	vshra.s32 v12, $0x1;
	v43 =	vshra.s32 v13, $0x1;
	v44 =	vshra.s32 v1, $0x1;
	v51 =	vld.idx.msk [tilespmem:v19+s16+$0x0], $0xffff  }
0x532: {  	v2 =	vadd.s32 $0x1, v59;
	v12 =	vadd.s32 $0x1, v54;
	v13 =	vadd.s32 $0x1, v57;
	v48 =	vld.idx.msk [tilespmem:v18+s16+$0x0], $0xffff  }
0x533: {  	vm9 =	vlt.s32 v45, $0x3FFF;
	vm10 =	vlt.s32 v43, $0x3FFF;
	vm11 =	vlt.s32 v44, $0x3FFF  }
0x534: {  	vm12 =	vlt.s32 v42, $0x3FFF;
	v16 =	vadd.s32 $0x1, v55;
	v49 =	vnsel vm11, $0x3FFF, v44  }
0x535: {  	[tilespmem:$0x1FF10] =	vst v63;
	v61 =	vnsel vm12, $0x3FFF, v42;
	v62 =	vnsel vm9, $0x3FFF, v45;
	v63 =	vnsel vm10, $0x3FFF, v43  }
0x536: {  	vm9 =	vgt.s32 v31, v6;
	vm12 =	vgt.s32 v46, v9;
	vm10 =	vgt.s32 v51, v11  }
0x537: {  	vm11 =	vgt.s32 v48, v8;
	v2 =	vsel vm12, v32, v2;
	v16 =	vsel vm9, v47, v16  }
0x538: {  	v46 =	vsel vm9, v55, v50;
	v48 =	vsel vm12, v59, v56;
	v13 =	vsel vm11, v33, v13  }
0x539: {  	v47 =	vsel vm11, v57, v53;
	v12 =	vsel vm10, v52, v12;
	v31 =	vadd.s32 v46, v16  }
0x53a: {  	v50 =	vsel vm10, v54, v60;
	v15 =	vadd.s32 v48, v2;
	v51 =	vshra.s32 v31, $0x1  }
0x53b: {  	v14 =	vadd.s32 v47, v13;
	v52 =	vshra.s32 v15, $0x1;
	vm9 =	vlt.s32 v51, $0x3FFF  }
0x53c: {  	v20 =	vld [tilespmem:$0x1FFD0];
	v31 =	vadd.s32 v50, v12;
	vm10 =	vlt.s32 v52, $0x3FFF;
	v17 =	vnsel vm9, $0x3FFF, v51  }
0x53d: {  	v56 =	vld.idx.msk [tilespmem:v61+s16+$0x0], $0xffff;
	v53 =	vshra.s32 v14, $0x1;
	v55 =	vshra.s32 v31, $0x1;
	v31 =	vnsel vm10, $0x3FFF, v52  }
0x53e: {  	v49 =	vld.idx.msk [tilespmem:v49+s16+$0x0], $0xffff;
	vm9 =	vlt.s32 v53, $0x3FFF  }
0x53f: {  	v61 =	vld.idx.msk [tilespmem:v63+s16+$0x0], $0xffff;
	v33 =	vnsel vm9, $0x3FFF, v53  }
0x540: {  	v58 =	vxor.u32 $0x80000000, v24;
	v54 =	vld.idx.msk [tilespmem:v62+s16+$0x0], $0xffff;
	vm10 =	vlt.s32 v55, $0x3FFF  }
0x541: {  	v30 =	vxor.u32 $0x80000000, v30;
	s21 =	sadd.s32 $0x40, s21;
	v57 =	vsub.s32 v4, v58;
	v58 =	vnsel vm10, $0x3FFF, v55;
	v15 =	vld.idx.msk [tilespmem:v17+s16+$0x0], $0xffff  }
0x542: {  	s24 =	sadd.s32 $0x20, s21;
	s26 =	sadd.s32 $0x10, s21;
	v60 =	vsub.s32 v4, v30;
	v3 =	vld.idx.msk [tilespmem:v31+s16+$0x0], $0xffff  }
0x543: {  	v29 =	vxor.u32 $0x80000000, v29;
	v1 =	vmov s26;
	v19 =	vmov s24;
	[tilespmem:v22+s17+$0x0] =	vst.idx.add.s32.msk vm6, v60  }
0x544: {  	v24 =	vmovc v4;
	v59 =	vsub.s32 v4, v29;
	v29 =	vor.u32 s21, v20;
	v32 =	vadd.s32 s26, v20;
	v4 =	vld.idx.msk [tilespmem:v33+s16+$0x0], $0xffff  }
0x545: {  	s25 =	sadd.s32 $0x30, s21;
	v63 =	vadd.s32 $0x1, v42;
	v62 =	vmov s21;
	v30 =	vor.u32 s24, v20;
	v33 =	vld [tilespmem:$0x1FF30]  }
0x546: {  	v14 =	vmov s25;
	v18 =	vadd.s32 $0x1, v51;
	vm14 =	vgt.s32 v54, v26;
	v17 =	vld.idx.msk [tilespmem:v58+s16+$0x0], $0xffff  }
0x547: {  	v34 =	vsel vm14, v45, v34;
	v31 =	vadd.s32 s25, v20;
	v22 =	vadd.s32 $0x1, v55;
	[tilespmem:v21+s17+$0x0] =	vst.idx.add.s32.msk vm8, v57  }
0x548: {  	vm13 =	vlt.s32 v31, $0x3FFF;
	v21 =	vadd.s32 $0x1, v43;
	[tilespmem:v23+s17+$0x0] =	vst.idx.add.s32.msk vm7, v59;
	vm7 =	vgt.s32 v61, v28  }
0x549: {  	vm8 =	vgt.s32 v49, v27;
	v21 =	vsel vm7, v38, v21;
	v37 =	vsel vm7, v43, v37  }
0x54a: {  	v23 =	vadd.s32 $0x1, v52;
	v36 =	vsel vm8, v44, v36;
	v43 =	vadd.s32 v37, v21  }
0x54b: {  	vm6 =	vgt.s32 v15, v6;
	vm2 =	vgt.s32 v3, v9;
	vm9 =	vlt.u32 v14, v33  }
0x54c: {  	vm10 =	vlt.u32 v1, v33;
	vm11 =	vlt.u32 v19, v33;
	v1 =	vadd.s32 $0x1, v45  }
0x54d: {  	vm12 =	vlt.u32 v62, v33;
	v33 =	vnsel vm13, $0x3FFF, v31;
	vm13 =	vgt.s32 v56, v25  }
0x54e: {  	v19 =	vadd.s32 $0x1, v53;
	vm15 =	vgt.s32 v17, v11;
	vm1 =	vgt.s32 v4, v8  }
0x54f: {  	v2 =	vsel vm2, v2, v23;
	v3 =	vsel vm6, v16, v18;
	v4 =	vsel vm6, v51, v46  }
0x550: {  	v15 =	vsel vm2, v52, v48;
	v13 =	vsel vm1, v13, v19;
	v14 =	vsel vm1, v53, v47  }
0x551: {  	v12 =	vsel vm15, v12, v22;
	v16 =	vsel vm15, v55, v50;
	v22 =	vadd.s32 v4, v3  }
0x552: {  	v54 =	vadd.s32 v15, v2;
	v23 =	vadd.s32 v14, v13;
	v22 =	vshra.s32 v22, $0x1  }
0x553: {  	v55 =	vadd.s32 v16, v12;
	v46 =	vshra.s32 v54, $0x1;
	vm1 =	vlt.s32 v22, $0x3FFF  }
0x554: {  	v23 =	vshra.s32 v23, $0x1;
	vm2 =	vlt.s32 v46, $0x3FFF;
	v56 =	vnsel vm1, $0x3FFF, v22  }
0x555: {  	v47 =	vshra.s32 v55, $0x1;
	vm1 =	vlt.s32 v23, $0x3FFF;
	v59 =	vnsel vm2, $0x3FFF, v46  }
0x556: {  	v62 =	vadd.s32 $0x1, v44;
	vm2 =	vlt.s32 v47, $0x3FFF;
	v60 =	vnsel vm1, $0x3FFF, v23  }
0x557: {  	v51 =	vshra.s32 v43, $0x1;
	v1 =	vsel vm14, v40, v1;
	v61 =	vnsel vm2, $0x3FFF, v47  }
0x558: {  	v41 =	vsel vm13, v41, v63;
	v39 =	vsel vm8, v39, v62;
	v35 =	vsel vm13, v42, v35  }
0x559: {  	v52 =	vadd.s32 $0x1, v51;
	v44 =	vadd.s32 v36, v39;
	v63 =	vadd.s32 v35, v41;
	v42 =	vld.idx.msk [tilespmem:v56+s16+$0x0], $0xffff  }
0x55a: {  	v62 =	vadd.s32 v34, v1;
	v50 =	vshra.s32 v44, $0x1;
	v48 =	vshra.s32 v63, $0x1;
	v49 =	vld.idx.msk [tilespmem:v59+s16+$0x0], $0xffff  }
0x55b: {  	v38 =	vshra.s32 v62, $0x1;
	v0 =	vadd.s32 $0x1, v46;
	v17 =	vadd.s32 $0x1, v22;
	v40 =	vld.idx.msk [tilespmem:v60+s16+$0x0], $0xffff  }
0x55c: {  	v44 =	vadd.s32 $0x1, v48;
	v43 =	vadd.s32 $0x1, v38;
	v53 =	vadd.s32 $0x1, v50;
	v45 =	vld.idx.msk [tilespmem:v61+s16+$0x0], $0xffff  }
0x55d: {  	vm6 =	vlt.s32 v48, $0x3FFF;
	v18 =	vadd.s32 $0x1, v47;
	vm1 =	vlt.s32 v38, $0x3FFF  }
0x55e: {  	vm2 =	vlt.s32 v50, $0x3FFF;
	v54 =	vnsel vm1, $0x3FFF, v38;
	vm1 =	vlt.s32 v51, $0x3FFF  }
0x55f: {  	v19 =	vadd.s32 $0x1, v23;
	v55 =	vnsel vm2, $0x3FFF, v50;
	v57 =	vnsel vm1, $0x3FFF, v51  }
0x560: {  	v56 =	vnsel vm6, $0x3FFF, v48;
	vm1 =	vgt.s32 v42, v6;
	vm7 =	vgt.s32 v49, v9  }
0x561: {  	vm2 =	vgt.s32 v45, v11;
	vm6 =	vgt.s32 v40, v8;
	v2 =	vsel vm7, v2, v0  }
0x562: {  	v3 =	vsel vm1, v3, v17;
	v4 =	vsel vm1, v22, v4;
	v15 =	vsel vm7, v46, v15  }
0x563: {  	v13 =	vsel vm6, v13, v19;
	v14 =	vsel vm6, v23, v14;
	v12 =	vsel vm2, v12, v18  }
0x564: {  	v49 =	vld.idx.msk [tilespmem:v54+s16+$0x0], $0xffff;
	v16 =	vsel vm2, v47, v16;
	v18 =	vadd.s32 v4, v3;
	v61 =	vadd.s32 v15, v2  }
0x565: {  	v22 =	vld.idx.msk [tilespmem:v56+s16+$0x0], $0xffff;
	v60 =	vadd.s32 v14, v13;
	v54 =	vshra.s32 v18, $0x1;
	v62 =	vadd.s32 v16, v12  }
0x566: {  	v23 =	vld.idx.msk [tilespmem:v55+s16+$0x0], $0xffff;
	v55 =	vshra.s32 v61, $0x1;
	vm1 =	vlt.s32 v54, $0x3FFF;
	v63 =	vshra.s32 v60, $0x1  }
0x567: {  	v19 =	vld.idx.msk [tilespmem:v57+s16+$0x0], $0xffff;
	vm2 =	vlt.s32 v55, $0x3FFF;
	v17 =	vshra.s32 v62, $0x1;
	v59 =	vadd.s32 $0x1, v55  }
0x568: {  	v60 =	vadd.s32 $0x1, v54;
	v0 =	vnsel vm1, $0x3FFF, v54;
	vm1 =	vlt.s32 v63, $0x3FFF  }
0x569: {  	v47 =	vnsel vm2, $0x3FFF, v55;
	vm2 =	vgt.s32 v49, v26;
	vm6 =	vlt.s32 v17, $0x3FFF  }
0x56a: {  	v61 =	vadd.s32 $0x1, v17;
	v62 =	vadd.s32 $0x1, v63;
	v18 =	vnsel vm1, $0x3FFF, v63  }
0x56b: {  	vm7 =	vgt.s32 v22, v25;
	v22 =	vnsel vm6, $0x3FFF, v17;
	v45 =	vsel vm2, v1, v43  }
0x56c: {  	v43 =	vsel vm2, v38, v34;
	vm1 =	vgt.s32 v23, v27;
	vm6 =	vgt.s32 v19, v28  }
0x56d: {  	v44 =	vsel vm7, v41, v44;
	v40 =	vsel vm7, v48, v35;
	v39 =	vsel vm1, v39, v53  }
0x56e: {  	v41 =	vsel vm6, v21, v52;
	v42 =	vsel vm6, v51, v37;
	v46 =	vsel vm1, v50, v36;
	v19 =	vld.idx.msk [tilespmem:v0+s16+$0x0], $0xffff  }
0x56f: {  	v52 =	vadd.s32 v40, v44;
	v53 =	vadd.s32 v43, v45;
	v23 =	vadd.s32 v46, v39;
	v21 =	vld.idx.msk [tilespmem:v47+s16+$0x0], $0xffff  }
0x570: {  	v37 =	vadd.s32 v42, v41;
	v50 =	vshra.s32 v53, $0x1;
	v47 =	vshra.s32 v52, $0x1;
	v22 =	vld.idx.msk [tilespmem:v22+s16+$0x0], $0xffff  }
0x571: {  	v48 =	vshra.s32 v37, $0x1;
	v49 =	vshra.s32 v23, $0x1;
	vm1 =	vlt.s32 v50, $0x3FFF;
	v58 =	vld.idx.msk [tilespmem:v18+s16+$0x0], $0xffff  }
0x572: {  	vm2 =	vlt.s32 v48, $0x3FFF;
	vm6 =	vlt.s32 v49, $0x3FFF;
	vm7 =	vlt.s32 v47, $0x3FFF  }
0x573: {  	v35 =	vnsel vm1, $0x3FFF, v50;
	v18 =	vxor.u32 $0x7FFFFFFF, v6;
	v23 =	vnsel vm6, $0x3FFF, v49  }
0x574: {  	v34 =	vnsel vm7, $0x3FFF, v47;
	v37 =	vnsel vm2, $0x3FFF, v48;
	vm1 =	vgt.s32 v19, v6  }
0x575: {  	vm7 =	vgt.s32 v21, v9;
	v19 =	vxor.u32 $0x7FFFFFFF, v9;
	vm2 =	vgt.s32 v22, v11  }
0x576: {  	v52 =	vld.idx.msk [tilespmem:v30+s15+$0x0], $0xffff;
	vm6 =	vgt.s32 v58, v8;
	v1 =	vsel vm7, v2, v59;
	v2 =	vsel vm1, v3, v60  }
0x577: {  	v3 =	vsel vm1, v54, v4;
	v4 =	vsel vm6, v13, v62;
	v13 =	vsel vm6, v63, v14  }
0x578: {  	v14 =	vsel vm7, v55, v15;
	v12 =	vsel vm2, v12, v61;
	v15 =	vsel vm2, v17, v16  }
0x579: {  	v63 =	vadd.s32 v3, v2;
	vm6 =	vlt.s32 v9, $0x0;
	vm7 =	vlt.s32 v11, $0x0  }
0x57a: {  	v22 =	vld.idx.msk [tilespmem:v29+s15+$0x0], $0xffff;
	v21 =	vadd.s32 v13, v4;
	v0 =	vadd.s32 v14, v1;
	v16 =	vshra.s32 v63, $0x1  }
0x57b: {  	v54 =	vld.idx.msk [tilespmem:v35+s16+$0x0], $0xffff;
	v17 =	vadd.s32 v15, v12;
	v63 =	vxor.u32 $0x7FFFFFFF, v52;
	v51 =	vshra.s32 v0, $0x1  }
0x57c: {  	v56 =	vld.idx.msk [tilespmem:v34+s16+$0x0], $0xffff;
	vm1 =	vlt.s32 v16, $0x3FFF;
	v53 =	vshra.s32 v21, $0x1;
	v55 =	vshra.s32 v17, $0x1  }
0x57d: {  	v57 =	vld.idx.msk [tilespmem:v23+s16+$0x0], $0xffff;
	v0 =	vxor.u32 $0x7FFFFFFF, v8;
	vm2 =	vlt.s32 v51, $0x3FFF;
	v36 =	vnsel vm1, $0x3FFF, v16  }
0x57e: {  	v59 =	vld.idx.msk [tilespmem:v37+s16+$0x0], $0xffff;
	v17 =	vxor.u32 $0x7FFFFFFF, v11;
	vm1 =	vlt.s32 v53, $0x3FFF;
	v35 =	vnsel vm2, $0x3FFF, v51  }
0x57f: {  	v37 =	vsel vm7, v17, v11;
	vm2 =	vlt.s32 v55, $0x3FFF;
	v38 =	vnsel vm1, $0x3FFF, v53  }
0x580: {  	v17 =	vadd.s32 $0x1, v50;
	vm1 =	vlt.s32 v6, $0x0;
	v23 =	vnsel vm2, $0x3FFF, v55  }
0x581: {  	v21 =	vld.idx.msk [tilespmem:v32+s15+$0x0], $0xffff;
	v58 =	vxor.u32 $0x7FFFFFFF, v22;
	vm14 =	vgt.s32 v54, v26;
	v54 =	vadd.s32 $0x1, v51  }
0x582: {  	vm2 =	vlt.s32 v8, $0x0;
	v34 =	vsel vm1, v18, v6;
	vm1 =	vlt.s32 v22, $0x0;
	v61 =	vld.idx.msk [tilespmem:v36+s16+$0x0], $0xffff  }
0x583: {  	vm8 =	vgt.s32 v57, v27;
	vm13 =	vgt.s32 v56, v25;
	vm7 =	vgt.s32 v59, v28;
	v60 =	vld.idx.msk [tilespmem:v35+s16+$0x0], $0xffff  }
0x584: {  	v56 =	vadd.s32 $0x1, v16;
	v18 =	vadd.s32 $0x1, v55;
	v17 =	vsel vm14, v45, v17;
	v62 =	vld.idx.msk [tilespmem:v38+s16+$0x0], $0xffff  }
0x585: {  	v43 =	vsel vm14, v50, v43;
	v22 =	vsel vm1, v58, v22;
	v36 =	vsel vm2, v0, v8;
	v0 =	vld.idx.msk [tilespmem:v23+s16+$0x0], $0xffff  }
0x586: {  	v58 =	vadd.s32 $0x1, v49;
	v46 =	vsel vm8, v49, v46;
	v40 =	vsel vm13, v47, v40  }
0x587: {  	v42 =	vsel vm7, v48, v42;
	v39 =	vsel vm8, v39, v58;
	vm2 =	vlt.s32 v52, $0x0  }
0x588: {  	v35 =	vsel vm6, v19, v9;
	v38 =	vxor.u32 $0x7FFFFFFF, v21;
	vm6 =	vlt.s32 v21, $0x0  }
0x589: {  	v19 =	vadd.s32 $0x1, v53;
	v23 =	vsel vm2, v63, v52;
	vm1 =	vgt.s32 v61, v6  }
0x58a: {  	vm15 =	vgt.s32 v62, v8;
	vm3 =	vgt.s32 v60, v9;
	vm2 =	vgt.s32 v0, v11  }
0x58b: {  	v0 =	vsel vm3, v1, v54;
	v1 =	vsel vm1, v2, v56;
	v2 =	vsel vm1, v16, v3  }
0x58c: {  	v3 =	vsel vm15, v4, v19;
	v4 =	vsel vm15, v53, v13;
	v13 =	vsel vm3, v51, v14  }
0x58d: {  	v12 =	vsel vm2, v12, v18;
	v14 =	vsel vm2, v55, v15;
	v60 =	vadd.s32 v2, v1  }
0x58e: {  	v61 =	vadd.s32 v4, v3;
	v51 =	vadd.s32 v13, v0;
	v15 =	vshra.s32 v60, $0x1  }
0x58f: {  	v62 =	vadd.s32 v14, v12;
	v51 =	vshra.s32 v51, $0x1;
	vm1 =	vlt.s32 v15, $0x3FFF  }
0x590: {  	v16 =	vshra.s32 v61, $0x1;
	vm2 =	vlt.s32 v51, $0x3FFF;
	v57 =	vnsel vm1, $0x3FFF, v15  }
0x591: {  	v53 =	vshra.s32 v62, $0x1;
	vm1 =	vlt.s32 v16, $0x3FFF;
	v59 =	vnsel vm2, $0x3FFF, v51  }
0x592: {  	v52 =	vadd.s32 $0x1, v48;
	vm2 =	vlt.s32 v53, $0x3FFF;
	v60 =	vnsel vm1, $0x3FFF, v16  }
0x593: {  	v63 =	vadd.s32 $0x1, v47;
	v41 =	vsel vm7, v41, v52;
	v61 =	vnsel vm2, $0x3FFF, v53  }
0x594: {  	v21 =	vsel vm6, v38, v21;
	v44 =	vsel vm13, v44, v63;
	v63 =	vadd.s32 v42, v41  }
0x595: {  	v49 =	vshra.s32 v63, $0x1;
	v19 =	vadd.s32 v40, v44;
	v18 =	vadd.s32 v46, v39;
	v48 =	vld.idx.msk [tilespmem:v57+s16+$0x0], $0xffff  }
0x596: {  	v58 =	vadd.s32 $0x1, v49;
	v54 =	vshra.s32 v19, $0x1;
	v52 =	vshra.s32 v18, $0x1;
	v55 =	vld.idx.msk [tilespmem:v59+s16+$0x0], $0xffff  }
0x597: {  	v56 =	vadd.s32 $0x1, v54;
	vm3 =	vlt.s32 v54, $0x3FFF;
	v62 =	vadd.s32 v43, v17;
	v45 =	vld.idx.msk [tilespmem:v60+s16+$0x0], $0xffff  }
0x598: {  	v18 =	vadd.s32 $0x1, v51;
	v19 =	vadd.s32 $0x1, v15;
	v47 =	vshra.s32 v62, $0x1;
	v50 =	vld.idx.msk [tilespmem:v61+s16+$0x0], $0xffff  }
0x599: {  	v5 =	vadd.s32 $0x1, v16;
	v62 =	vnsel vm3, $0x3FFF, v54;
	vm1 =	vlt.s32 v47, $0x3FFF  }
0x59a: {  	v7 =	vadd.s32 $0x1, v53;
	vm2 =	vlt.s32 v52, $0x3FFF;
	v60 =	vnsel vm1, $0x3FFF, v47  }
0x59b: {  	v57 =	vadd.s32 $0x1, v47;
	v59 =	vadd.s32 $0x1, v52;
	vm1 =	vlt.s32 v49, $0x3FFF  }
0x59c: {  	v61 =	vnsel vm2, $0x3FFF, v52;
	v63 =	vnsel vm1, $0x3FFF, v49;
	vm1 =	vgt.s32 v48, v6  }
0x59d: {  	vm7 =	vgt.s32 v55, v9;
	vm2 =	vgt.s32 v50, v11;
	vm3 =	vgt.s32 v45, v8  }
0x59e: {  	v0 =	vsel vm7, v0, v18;
	v1 =	vsel vm1, v1, v19;
	v2 =	vsel vm1, v15, v2  }
0x59f: {  	v45 =	vld.idx.msk [tilespmem:v60+s16+$0x0], $0xffff;
	v3 =	vsel vm3, v3, v5;
	v4 =	vsel vm3, v16, v4;
	v5 =	vsel vm7, v51, v13  }
0x5a0: {  	v15 =	vld.idx.msk [tilespmem:v62+s16+$0x0], $0xffff;
	v7 =	vsel vm2, v12, v7;
	v12 =	vsel vm2, v53, v14;
	v53 =	vadd.s32 v2, v1  }
0x5a1: {  	v13 =	vld.idx.msk [tilespmem:v61+s16+$0x0], $0xffff;
	v55 =	vadd.s32 v4, v3;
	v60 =	vadd.s32 v5, v0;
	v14 =	vshra.s32 v53, $0x1  }
0x5a2: {  	v16 =	vld.idx.msk [tilespmem:v63+s16+$0x0], $0xffff;
	v61 =	vadd.s32 v12, v7;
	v19 =	vshra.s32 v60, $0x1;
	vm1 =	vlt.s32 v14, $0x3FFF  }
0x5a3: {  	v18 =	vshra.s32 v55, $0x1;
	v48 =	vshra.s32 v61, $0x1;
	vm2 =	vlt.s32 v19, $0x3FFF  }
0x5a4: {  	v62 =	vnsel vm1, $0x3FFF, v14;
	vm1 =	vlt.s32 v18, $0x3FFF;
	vm3 =	vlt.s32 v48, $0x3FFF  }
0x5a5: {  	v63 =	vnsel vm2, $0x3FFF, v19;
	vm2 =	vgt.s32 v45, v26;
	v53 =	vnsel vm1, $0x3FFF, v18  }
0x5a6: {  	vm7 =	vgt.s32 v15, v25;
	v55 =	vnsel vm3, $0x3FFF, v48;
	vm1 =	vgt.s32 v13, v27  }
0x5a7: {  	vm3 =	vgt.s32 v16, v28;
	v15 =	vsel vm2, v17, v57;
	v16 =	vsel vm2, v47, v43  }
0x5a8: {  	v40 =	vsel vm7, v54, v40;
	v17 =	vsel vm1, v39, v59;
	v39 =	vsel vm7, v44, v56  }
0x5a9: {  	v41 =	vsel vm3, v41, v58;
	v42 =	vsel vm3, v49, v42;
	v46 =	vsel vm1, v52, v46;
	v43 =	vld.idx.msk [tilespmem:v62+s16+$0x0], $0xffff  }
0x5aa: {  	v60 =	vadd.s32 v16, v15;
	v58 =	vadd.s32 v46, v17;
	v59 =	vadd.s32 v40, v39;
	v44 =	vld.idx.msk [tilespmem:v63+s16+$0x0], $0xffff  }
0x5ab: {  	v61 =	vadd.s32 v42, v41;
	v50 =	vshra.s32 v60, $0x1;
	v60 =	vadd.s32 $0x1, v48;
	v45 =	vld.idx.msk [tilespmem:v53+s16+$0x0], $0xffff  }
0x5ac: {  	v49 =	vshra.s32 v59, $0x1;
	v51 =	vshra.s32 v61, $0x1;
	vm1 =	vlt.s32 v50, $0x3FFF;
	v13 =	vld.idx.msk [tilespmem:v55+s16+$0x0], $0xffff  }
0x5ad: {  	v52 =	vshra.s32 v58, $0x1;
	v62 =	vadd.s32 $0x1, v19;
	v54 =	vnsel vm1, $0x3FFF, v50  }
0x5ae: {  	v61 =	vadd.s32 $0x1, v18;
	vm2 =	vlt.s32 v51, $0x3FFF;
	vm3 =	vlt.s32 v52, $0x3FFF  }
0x5af: {  	vm7 =	vlt.s32 v49, $0x3FFF;
	v63 =	vadd.s32 $0x1, v14;
	v47 =	vnsel vm3, $0x3FFF, v52  }
0x5b0: {  	v53 =	vnsel vm7, $0x3FFF, v49;
	v55 =	vnsel vm2, $0x3FFF, v51;
	vm1 =	vgt.s32 v43, v6  }
0x5b1: {  	vm2 =	vgt.s32 v13, v11;
	vm3 =	vgt.s32 v45, v8;
	vm7 =	vgt.s32 v44, v9  }
0x5b2: {  	v1 =	vsel vm1, v1, v63;
	v2 =	vsel vm1, v14, v2;
	v14 =	vld.idx.msk [tilespmem:v54+s16+$0x0], $0xffff;
	v54 =	vsel vm10, v21, v10  }
0x5b3: {  	v21 =	vadd.s32 $0x1, v52;
	v0 =	vsel vm7, v0, v62;
	v3 =	vsel vm3, v3, v61  }
0x5b4: {  	v4 =	vsel vm3, v18, v4;
	v5 =	vsel vm7, v19, v5;
	v7 =	vsel vm2, v7, v60  }
0x5b5: {  	v12 =	vsel vm2, v48, v12;
	v2 =	vadd.s32 v2, v1;
	v48 =	vsel vm12, v22, v10  }
0x5b6: {  	v18 =	vld.idx.msk [tilespmem:v53+s16+$0x0], $0xffff;
	v53 =	vsel vm11, v23, v10;
	v22 =	vadd.s32 $0x1, v50;
	v23 =	vadd.s32 $0x1, v49  }
0x5b7: {  	v12 =	vadd.s32 v12, v7;
	v5 =	vadd.s32 v5, v0;
	v2 =	vshra.s32 v2, $0x1  }
0x5b8: {  	v62 =	vld.idx.msk [tilespmem:v33+s15+$0x0], $0xffff;
	v4 =	vadd.s32 v4, v3;
	v12 =	vshra.s32 v12, $0x1;
	vm1 =	vlt.s32 v2, $0x3FFF  }
0x5b9: {  	v58 =	vld.idx.msk [tilespmem:v55+s16+$0x0], $0xffff;
	v5 =	vshra.s32 v5, $0x1;
	vm2 =	vlt.s32 v12, $0x3FFF;
	v63 =	vnsel vm1, $0x3FFF, v2  }
0x5ba: {  	v4 =	vshra.s32 v4, $0x1;
	vm1 =	vlt.s32 v5, $0x3FFF;
	v57 =	vnsel vm2, $0x3FFF, v12  }
0x5bb: {  	v33 =	vld.idx.msk [tilespmem:v47+s16+$0x0], $0xffff;
	v2 =	vadd.s32 $0x1, v2;
	vm2 =	vlt.s32 v4, $0x3FFF;
	v59 =	vnsel vm1, $0x3FFF, v5  }
0x5bc: {  	vm3 =	vgt.s32 v14, v26;
	v5 =	vadd.s32 $0x1, v5;
	v60 =	vnsel vm2, $0x3FFF, v4  }
0x5bd: {  	v12 =	vadd.s32 $0x1, v12;
	v61 =	vxor.u32 $0x7FFFFFFF, v62;
	vm1 =	vlt.s32 v62, $0x0  }
0x5be: {  	vm2 =	vgt.s32 v18, v25;
	vm6 =	vgt.s32 v58, v28;
	v43 =	vsel vm3, v15, v22;
	v19 =	vld.idx.msk [tilespmem:v63+s16+$0x0], $0xffff  }
0x5bf: {  	v44 =	vsel vm3, v50, v16;
	v4 =	vadd.s32 $0x1, v4;
	v13 =	vsel vm1, v61, v62;
	v63 =	vld.idx.msk [tilespmem:v57+s16+$0x0], $0xffff  }
0x5c0: {  	v62 =	vadd.s32 $0x1, v51;
	vm1 =	vgt.s32 v33, v27;
	v45 =	vsel vm2, v39, v23;
	v56 =	vld.idx.msk [tilespmem:v59+s16+$0x0], $0xffff  }
0x5c1: {  	v38 =	vsel vm2, v49, v40;
	v40 =	vsel vm6, v51, v42;
	v58 =	vadd.s32 v44, v43;
	v57 =	vld.idx.msk [tilespmem:v60+s16+$0x0], $0xffff  }
0x5c2: {  	v47 =	vsel vm9, v13, v10;
	v33 =	vsel vm1, v17, v21;
	v39 =	vsel vm6, v41, v62  }
0x5c3: {  	v41 =	vsel vm1, v52, v46;
	v61 =	vadd.s32 v38, v45;
	v46 =	vshra.s32 v58, $0x1  }
0x5c4: {  	v42 =	vshra.s32 v61, $0x1;
	vm2 =	vgt.s32 v19, v6;
	vm1 =	vgt.s32 v63, v11  }
0x5c5: {  	v6 =	vmovc v26;
	v26 =	vsel vm2, v1, v2;
	v21 =	vsel vm1, v7, v12;
	vm1 =	vgt.s32 v56, v9  }
0x5c6: {  	vm6 =	vgt.s32 v57, v8;
	v9 =	vmovc v25;
	vm2 =	vlt.s32 v26, $0x3FFF;
	v25 =	vimm.s32 $0x0  }
0x5c7: {  	vm3 =	vlt.s32 v21, $0x3FFF;
	v23 =	vsel vm6, v3, v4;
	v60 =	vnsel vm2, $0x3FFF, v26  }
0x5c8: {  	v22 =	vsel vm1, v0, v5;
	v59 =	vnsel vm3, $0x3FFF, v21;
	vm3 =	vlt.s32 v23, $0x3FFF  }
0x5c9: {  	v4 =	vadd.s32 v40, v39;
	vm1 =	vlt.s32 v22, $0x3FFF;
	v3 =	vnsel vm3, $0x3FFF, v23  }
0x5ca: {  	v5 =	vadd.s32 v41, v33;
	vm6 =	vlt.s32 v26, $0x4000;
	v7 =	vnsel vm1, $0x3FFF, v22  }
0x5cb: {  	v11 =	vmovc v28;
	v8 =	vmovc v27;
	vm2 =	vlt.s32 v21, $0x4000;
	v27 =	vshra.s32 v5, $0x1;
	v28 =	vshra.s32 v4, $0x1  }
0x5cc: {  	v62 =	vsub.s32 v23, v32;
	v4 =	vsub.s32 v21, v29;
	v5 =	vsub.s32 v26, v31;
	v0 =	vld.idx.msk [tilespmem:v60+s16+$0x0], $0xffff  }
0x5cd: {  	v63 =	vsub.s32 v22, v30;
	v2 =	vcvt.s32.f32 v62;
	v4 =	vcvt.s32.f32 v4;
	v1 =	vld.idx.msk [tilespmem:v59+s16+$0x0], $0xffff  }
0x5ce: {  	vm7 =	vlt.s32 v22, $0x4000;
	v5 =	vcvt.s32.f32 v5;
	v12 =	vcvt.s32.f32 v63;
	v3 =	vld.idx.msk [tilespmem:v3+s16+$0x0], $0xffff  }
0x5cf: {  	vm1 =	vlt.s32 v23, $0x4000;
	v2 =	vmul.f32 $6.103515630e-05, v2;
	v4 =	vmul.f32 $6.103515630e-05, v4;
	v7 =	vld.idx.msk [tilespmem:v7+s16+$0x0], $0xffff  }
0x5d0: {  	v62 =	vadd.s32 $0x1, v42;
	v5 =	vmul.f32 $6.103515630e-05, v5;
	v12 =	vmul.f32 $6.103515630e-05, v12  }
0x5d1: {  	v63 =	vadd.s32 $0x1, v46;
	v2 =	vmul.f32 v2, v2;
	v4 =	vmul.f32 v4, v4  }
0x5d2: {  	v17 =	vxor.u32 $0x7FFFFFFF, v0;
	v16 =	vxor.u32 $0x7FFFFFFF, v1;
	vm3 =	vlt.s32 v1, $0x0  }
0x5d3: {  	v1 =	vsel vm3, v16, v1;
	vm3 =	vlt.s32 v0, $0x0;
	v18 =	vxor.u32 $0x7FFFFFFF, v3  }
0x5d4: {  	v19 =	vxor.u32 $0x7FFFFFFF, v7;
	v1 =	vsel vm2, v1, v10;
	vm2 =	vlt.s32 v3, $0x0  }
0x5d5: {  	v0 =	vsel vm3, v17, v0;
	v1 =	vmin.f32 v48, v1;
	v3 =	vsel vm2, v18, v3  }
0x5d6: {  	v1 =	vsub.f32 v1, v37;
	v3 =	vsel vm1, v3, v10;
	vm1 =	vlt.s32 v7, $0x0  }
0x5d7: {  	v32 =	vld [tilespmem:$0x1FF00];
	vm3 =	vlt.s32 v42, $0x3FFF;
	v0 =	vsel vm6, v0, v10;
	v7 =	vsel vm1, v19, v7  }
0x5d8: {  	v3 =	vmin.f32 v54, v3;
	v1 =	vmul.f32 v1, v4;
	v4 =	vsel vm7, v7, v10  }
0x5d9: {  	vm2 =	vlt.s32 v27, $0x3FFF;
	v3 =	vsub.f32 v3, v36;
	v4 =	vmin.f32 v53, v4;
	v53 =	vld [tilespmem:$0x1FFE0]  }
0x5da: {  	v0 =	vmin.f32 v47, v0;
	v37 =	vnsel vm2, $0x3FFF, v27;
	vm1 =	vlt.s32 v46, $0x3FFF  }
0x5db: {  	v7 =	vmul.f32 v12, v12;
	v2 =	vmul.f32 v3, v2;
	v3 =	vsub.f32 v4, v35  }
0x5dc: {  	v51 =	vld [tilespmem:$0x1FFC0];
	v0 =	vsub.f32 v0, v34;
	v1 =	vadd.f32 v1, v32;
	v4 =	vmul.f32 v5, v5  }
0x5dd: {  	v54 =	vld [tilespmem:$0x1FFF0];
	v34 =	vadd.s32 $0x1, v28;
	v5 =	vnsel vm3, $0x3FFF, v42;
	v36 =	vmul.f32 v3, v7  }
0x5de: {  	v1 =	vadd.f32 v2, v1;
	v0 =	vmul.f32 v0, v4;
	v4 =	vperm.xlane v21, v53  }
0x5df: {  	v61 =	vld [tilespmem:$0x1FF20];
	v3 =	vnsel vm1, $0x3FFF, v46;
	vm1 =	vlt.s32 v28, $0x3FFF;
	v48 =	vperm.xlane v23, v53  }
0x5e0: {  	v60 =	vld [tilespmem:$0x1FF10];
	v7 =	vnsel vm1, $0x3FFF, v28;
	v49 =	vperm.xlane v22, v53;
	vm1 =	veq.s32 v21, v4  }
0x5e1: {  	v55 =	vld.idx.msk [tilespmem:v37+s16+$0x0], $0xffff;
	v50 =	vperm.xlane v26, v53;
	v4 =	vsel vm1, $0x80000000, v51;
	vm1 =	veq.s32 v23, v48  }
0x5e2: {  	v52 =	vperm.xlane v21, v54;
	v12 =	vsel vm1, $0x80000000, v51;
	vm1 =	veq.s32 v22, v49;
	(xrf0) =	vmax.scan.msk.u32 $0xffff, v4  }
0x5e3: {  	v59 =	vperm.xlane v26, v54;
	vm2 =	veq.s32 v26, v50;
	v57 =	vsel vm1, $0x80000000, v51;
	(xrf0) =	vmax.scan.msk.u32 $0xffff, v12  }
0x5e4: {  	v56 =	vperm.xlane v23, v54;
	v1 =	vadd.f32 v36, v1;
	v5 =	vld.idx.msk [tilespmem:v5+s16+$0x0], $0xffff;
	v4 =	vsel vm2, $0x80000000, v51;
	(xrf0) =	vmax.scan.msk.u32 $0xffff, v57  }
0x5e5: {  	s22 =	sadd.s32 $0x4, s22;
	v37 =	vadd.s32 $0x1, v27;
	v58 =	vperm.xlane v22, v54;
	vm3 =	vne.s32 v26, v59;
	v3 =	vld.idx.msk [tilespmem:v3+s16+$0x0], $0xffff;
	(xrf0) =	vmax.scan.msk.u32 $0xffff, v4  }
0x5e6: {  	p1 =	slt.u32 s22, $0x3FC;
	v47 =	vadd.f32 v0, v1;
	v1 =	vsub.s32 v24, v60;
	vm11 =	vgt.s32 v55, v8;
	v7 =	vld.idx.msk [tilespmem:v7+s16+$0x0], $0xffff  }
.Ltmp31:
0x5e7: {  	[tilespmem:v61+s17+$0x0] =	vst.idx.add.s32.msk vm5, v1;
	vm5 =	vmor vm3, vm0;
	vm2 =	vne.s32 v23, v56;
	vm1 =	vne.s32 v21, v52;
	(pc) =	sbr.rel @p1 .LBB2_65-.Ltmp31, $4  }
0x5e8: {  	v49 =	vmov v26;
	vm8 =	vmor vm1, vm0;
	vm1 =	vne.s32 v22, v58;
	v24, _, _ =	vpop (xrf0)  }
0x5e9: {  	vm7 =	vmor vm2, vm0;
	vm10 =	vgt.s32 v5, v9;
	vm6 =	vmor vm1, vm0;
	v29, _, _ =	vpop (xrf0)  }
0x5ea: {  	v4 =	vmov v20;
	v32 =	vsel vm10, v45, v62;
	vm1 =	vgt.s32 v3, v6;
	v30, _, _ =	vpop (xrf0)  }
0x5eb: {  	s23 =	sadd.s32 $0x40, s23;
	vm9 =	vgt.s32 v7, v11;
	v35 =	vsel vm1, v43, v63;
	v36 =	vsel vm1, v46, v44;
	v31, _, _ =	vpop (xrf0)  }
0x5ec: {  	v0 =	vsel vm11, v33, v37;
	v1 =	vsel vm11, v27, v41;
	v2 =	vsel vm10, v42, v38  }
0x5ed: {  	v3 =	vsel vm9, v39, v34;
	v41 =	vmovc v4;
	v4 =	vsel vm9, v28, v40;
	v5 =	vadd.s32 v36, v35  }
0x5ee: {  	v7 =	vadd.s32 v1, v0;
	v12 =	vadd.s32 v2, v32;
	v5 =	vshra.s32 v5, $0x1  }
0x5ef: {  	v13 =	vadd.s32 v4, v3;
	v12 =	vshra.s32 v12, $0x1;
	vm1 =	vlt.s32 v5, $0x3FFF  }
0x5f0: {  	v7 =	vshra.s32 v7, $0x1;
	vm2 =	vlt.s32 v12, $0x3FFF;
	v14 =	vnsel vm1, $0x3FFF, v5  }
0x5f1: {  	v13 =	vshra.s32 v13, $0x1;
	vm1 =	vlt.s32 v7, $0x3FFF;
	v15 =	vnsel vm2, $0x3FFF, v12  }
0x5f2: {  	vm2 =	vlt.s32 v13, $0x3FFF;
	v16 =	vnsel vm1, $0x3FFF, v7  }
0x5f3: {  	v17 =	vnsel vm2, $0x3FFF, v13;
	_ =	sdelay $0x1  }
0x5f4: {  	v14 =	vld.idx.msk [tilespmem:v14+s16+$0x0], $0xffff  }
0x5f5: {  	v15 =	vld.idx.msk [tilespmem:v15+s16+$0x0], $0xffff  }
0x5f6: {  	v16 =	vld.idx.msk [tilespmem:v16+s16+$0x0], $0xffff  }
0x5f7: {  	v17 =	vld.idx.msk [tilespmem:v17+s16+$0x0], $0xffff;
	_ =	sdelay $0x1  }
0x5f8: {  	v19 =	vadd.s32 $0x1, v5;
	v18 =	vadd.s32 $0x1, v12  }
0x5f9: {  	v26 =	vadd.s32 $0x1, v13;
	v27 =	vadd.s32 $0x1, v7;
	vm1 =	vgt.s32 v14, v6  }
0x5fa: {  	vm3 =	vgt.s32 v16, v8;
	vm13 =	vgt.s32 v15, v9;
	v15 =	vsel vm1, v35, v19  }
0x5fb: {  	v5 =	vsel vm1, v5, v36;
	vm2 =	vgt.s32 v17, v11;
	v14 =	vsel vm13, v32, v18  }
0x5fc: {  	v0 =	vsel vm3, v0, v27;
	v1 =	vsel vm3, v7, v1;
	v2 =	vsel vm13, v12, v2  }
0x5fd: {  	v7 =	vadd.s32 v5, v15;
	v3 =	vsel vm2, v3, v26;
	v4 =	vsel vm2, v13, v4  }
0x5fe: {  	v12 =	vadd.s32 v1, v0;
	v13 =	vadd.s32 v2, v14;
	v7 =	vshra.s32 v7, $0x1  }
0x5ff: {  	v16 =	vadd.s32 v4, v3;
	v13 =	vshra.s32 v13, $0x1;
	vm1 =	vlt.s32 v7, $0x3FFF  }
0x600: {  	v12 =	vshra.s32 v12, $0x1;
	vm2 =	vlt.s32 v13, $0x3FFF;
	v17 =	vnsel vm1, $0x3FFF, v7  }
0x601: {  	v16 =	vshra.s32 v16, $0x1;
	vm1 =	vlt.s32 v12, $0x3FFF;
	v18 =	vnsel vm2, $0x3FFF, v13  }
0x602: {  	vm2 =	vlt.s32 v16, $0x3FFF;
	v19 =	vnsel vm1, $0x3FFF, v12  }
0x603: {  	v26 =	vnsel vm2, $0x3FFF, v16;
	_ =	sdelay $0x1  }
0x604: {  	v17 =	vld.idx.msk [tilespmem:v17+s16+$0x0], $0xffff  }
0x605: {  	v18 =	vld.idx.msk [tilespmem:v18+s16+$0x0], $0xffff  }
0x606: {  	v19 =	vld.idx.msk [tilespmem:v19+s16+$0x0], $0xffff  }
0x607: {  	v26 =	vld.idx.msk [tilespmem:v26+s16+$0x0], $0xffff;
	_ =	sdelay $0x1  }
0x608: {  	v28 =	vadd.s32 $0x1, v7;
	v27 =	vadd.s32 $0x1, v13  }
0x609: {  	v63 =	vadd.s32 $0x1, v12;
	v62 =	vadd.s32 $0x1, v16;
	vm1 =	vgt.s32 v17, v6  }
0x60a: {  	vm3 =	vgt.s32 v19, v8;
	vm14 =	vgt.s32 v18, v9;
	v15 =	vsel vm1, v15, v28  }
0x60b: {  	v5 =	vsel vm1, v7, v5;
	vm2 =	vgt.s32 v26, v11;
	v14 =	vsel vm14, v14, v27  }
0x60c: {  	v0 =	vsel vm3, v0, v63;
	v1 =	vsel vm3, v12, v1;
	v2 =	vsel vm14, v13, v2  }
0x60d: {  	v7 =	vadd.s32 v5, v15;
	v3 =	vsel vm2, v3, v62;
	v4 =	vsel vm2, v16, v4  }
0x60e: {  	v12 =	vadd.s32 v1, v0;
	v13 =	vadd.s32 v2, v14;
	v7 =	vshra.s32 v7, $0x1  }
0x60f: {  	v16 =	vadd.s32 v4, v3;
	v13 =	vshra.s32 v13, $0x1;
	vm1 =	vlt.s32 v7, $0x3FFF  }
0x610: {  	v12 =	vshra.s32 v12, $0x1;
	vm2 =	vlt.s32 v13, $0x3FFF;
	v17 =	vnsel vm1, $0x3FFF, v7  }
0x611: {  	v16 =	vshra.s32 v16, $0x1;
	vm1 =	vlt.s32 v12, $0x3FFF;
	v18 =	vnsel vm2, $0x3FFF, v13  }
0x612: {  	vm2 =	vlt.s32 v16, $0x3FFF;
	v19 =	vnsel vm1, $0x3FFF, v12  }
0x613: {  	v26 =	vnsel vm2, $0x3FFF, v16;
	_ =	sdelay $0x1  }
0x614: {  	v17 =	vld.idx.msk [tilespmem:v17+s16+$0x0], $0xffff  }
0x615: {  	v18 =	vld.idx.msk [tilespmem:v18+s16+$0x0], $0xffff  }
0x616: {  	v19 =	vld.idx.msk [tilespmem:v19+s16+$0x0], $0xffff  }
0x617: {  	v26 =	vld.idx.msk [tilespmem:v26+s16+$0x0], $0xffff;
	_ =	sdelay $0x1  }
0x618: {  	v28 =	vadd.s32 $0x1, v7;
	v27 =	vadd.s32 $0x1, v13  }
0x619: {  	v37 =	vadd.s32 $0x1, v12;
	v36 =	vadd.s32 $0x1, v16;
	vm1 =	vgt.s32 v17, v6  }
0x61a: {  	vm3 =	vgt.s32 v19, v8;
	vm15 =	vgt.s32 v18, v9;
	v15 =	vsel vm1, v15, v28  }
0x61b: {  	v5 =	vsel vm1, v7, v5;
	vm2 =	vgt.s32 v26, v11;
	v14 =	vsel vm15, v14, v27  }
0x61c: {  	v0 =	vsel vm3, v0, v37;
	v1 =	vsel vm3, v12, v1;
	v2 =	vsel vm15, v13, v2  }
0x61d: {  	v7 =	vadd.s32 v5, v15;
	v3 =	vsel vm2, v3, v36;
	v4 =	vsel vm2, v16, v4  }
0x61e: {  	v12 =	vadd.s32 v1, v0;
	v13 =	vadd.s32 v2, v14;
	v7 =	vshra.s32 v7, $0x1  }
0x61f: {  	v16 =	vadd.s32 v4, v3;
	v13 =	vshra.s32 v13, $0x1;
	vm1 =	vlt.s32 v7, $0x3FFF  }
0x620: {  	v12 =	vshra.s32 v12, $0x1;
	vm2 =	vlt.s32 v13, $0x3FFF;
	v17 =	vnsel vm1, $0x3FFF, v7  }
0x621: {  	v16 =	vshra.s32 v16, $0x1;
	vm1 =	vlt.s32 v12, $0x3FFF;
	v18 =	vnsel vm2, $0x3FFF, v13  }
0x622: {  	vm2 =	vlt.s32 v16, $0x3FFF;
	v19 =	vnsel vm1, $0x3FFF, v12  }
0x623: {  	v26 =	vnsel vm2, $0x3FFF, v16;
	_ =	sdelay $0x1  }
0x624: {  	v17 =	vld.idx.msk [tilespmem:v17+s16+$0x0], $0xffff  }
0x625: {  	v18 =	vld.idx.msk [tilespmem:v18+s16+$0x0], $0xffff  }
0x626: {  	v19 =	vld.idx.msk [tilespmem:v19+s16+$0x0], $0xffff  }
0x627: {  	v26 =	vld.idx.msk [tilespmem:v26+s16+$0x0], $0xffff;
	_ =	sdelay $0x1  }
0x628: {  	v28 =	vadd.s32 $0x1, v7;
	v27 =	vadd.s32 $0x1, v13  }
0x629: {  	v39 =	vadd.s32 $0x1, v12;
	v38 =	vadd.s32 $0x1, v16;
	vm1 =	vgt.s32 v17, v6  }
0x62a: {  	vm3 =	vgt.s32 v19, v8;
	vm12 =	vgt.s32 v18, v9;
	v15 =	vsel vm1, v15, v28  }
0x62b: {  	v5 =	vsel vm1, v7, v5;
	vm2 =	vgt.s32 v26, v11;
	v14 =	vsel vm12, v14, v27  }
0x62c: {  	v0 =	vsel vm3, v0, v39;
	v1 =	vsel vm3, v12, v1;
	v2 =	vsel vm12, v13, v2  }
0x62d: {  	v7 =	vadd.s32 v5, v15;
	v3 =	vsel vm2, v3, v38;
	v4 =	vsel vm2, v16, v4  }
0x62e: {  	v12 =	vadd.s32 v1, v0;
	v13 =	vadd.s32 v2, v14;
	v7 =	vshra.s32 v7, $0x1  }
0x62f: {  	v16 =	vadd.s32 v4, v3;
	v13 =	vshra.s32 v13, $0x1;
	vm1 =	vlt.s32 v7, $0x3FFF  }
0x630: {  	v12 =	vshra.s32 v12, $0x1;
	vm2 =	vlt.s32 v13, $0x3FFF;
	v17 =	vnsel vm1, $0x3FFF, v7  }
0x631: {  	v16 =	vshra.s32 v16, $0x1;
	vm1 =	vlt.s32 v12, $0x3FFF;
	v18 =	vnsel vm2, $0x3FFF, v13  }
0x632: {  	vm2 =	vlt.s32 v16, $0x3FFF;
	v19 =	vnsel vm1, $0x3FFF, v12  }
0x633: {  	v26 =	vnsel vm2, $0x3FFF, v16;
	_ =	sdelay $0x1  }
0x634: {  	v17 =	vld.idx.msk [tilespmem:v17+s16+$0x0], $0xffff  }
0x635: {  	v18 =	vld.idx.msk [tilespmem:v18+s16+$0x0], $0xffff  }
0x636: {  	v19 =	vld.idx.msk [tilespmem:v19+s16+$0x0], $0xffff  }
0x637: {  	v26 =	vld.idx.msk [tilespmem:v26+s16+$0x0], $0xffff;
	_ =	sdelay $0x1  }
0x638: {  	v28 =	vadd.s32 $0x1, v7;
	v27 =	vadd.s32 $0x1, v13  }
0x639: {  	v42 =	vadd.s32 $0x1, v12;
	v40 =	vadd.s32 $0x1, v16;
	vm1 =	vgt.s32 v17, v6  }
0x63a: {  	vm3 =	vgt.s32 v19, v8;
	vm13 =	vgt.s32 v18, v9;
	v15 =	vsel vm1, v15, v28  }
0x63b: {  	v5 =	vsel vm1, v7, v5;
	vm2 =	vgt.s32 v26, v11;
	v14 =	vsel vm13, v14, v27  }
0x63c: {  	v0 =	vsel vm3, v0, v42;
	v1 =	vsel vm3, v12, v1;
	v2 =	vsel vm13, v13, v2  }
0x63d: {  	v7 =	vadd.s32 v5, v15;
	v3 =	vsel vm2, v3, v40;
	v4 =	vsel vm2, v16, v4  }
0x63e: {  	v12 =	vadd.s32 v1, v0;
	v13 =	vadd.s32 v2, v14;
	v7 =	vshra.s32 v7, $0x1  }
0x63f: {  	v16 =	vadd.s32 v4, v3;
	v13 =	vshra.s32 v13, $0x1;
	vm1 =	vlt.s32 v7, $0x3FFF  }
0x640: {  	v12 =	vshra.s32 v12, $0x1;
	vm2 =	vlt.s32 v13, $0x3FFF;
	v17 =	vnsel vm1, $0x3FFF, v7  }
0x641: {  	v16 =	vshra.s32 v16, $0x1;
	vm1 =	vlt.s32 v12, $0x3FFF;
	v18 =	vnsel vm2, $0x3FFF, v13  }
0x642: {  	vm2 =	vlt.s32 v16, $0x3FFF;
	v19 =	vnsel vm1, $0x3FFF, v12  }
0x643: {  	v26 =	vnsel vm2, $0x3FFF, v16;
	_ =	sdelay $0x1  }
0x644: {  	v17 =	vld.idx.msk [tilespmem:v17+s16+$0x0], $0xffff  }
0x645: {  	v18 =	vld.idx.msk [tilespmem:v18+s16+$0x0], $0xffff  }
0x646: {  	v19 =	vld.idx.msk [tilespmem:v19+s16+$0x0], $0xffff  }
0x647: {  	v26 =	vld.idx.msk [tilespmem:v26+s16+$0x0], $0xffff;
	_ =	sdelay $0x1  }
0x648: {  	v28 =	vadd.s32 $0x1, v7;
	v27 =	vadd.s32 $0x1, v13  }
0x649: {  	v44 =	vadd.s32 $0x1, v12;
	v43 =	vadd.s32 $0x1, v16;
	vm1 =	vgt.s32 v17, v6  }
0x64a: {  	vm3 =	vgt.s32 v19, v8;
	vm14 =	vgt.s32 v18, v9;
	v15 =	vsel vm1, v15, v28  }
0x64b: {  	v5 =	vsel vm1, v7, v5;
	vm2 =	vgt.s32 v26, v11;
	v14 =	vsel vm14, v14, v27  }
0x64c: {  	v0 =	vsel vm3, v0, v44;
	v1 =	vsel vm3, v12, v1;
	v2 =	vsel vm14, v13, v2  }
0x64d: {  	v7 =	vadd.s32 v5, v15;
	v3 =	vsel vm2, v3, v43;
	v4 =	vsel vm2, v16, v4  }
0x64e: {  	v12 =	vadd.s32 v1, v0;
	v7 =	vshra.s32 v7, $0x1;
	v16 =	vadd.s32 v2, v14  }
0x64f: {  	v13 =	vadd.s32 v4, v3;
	vm1 =	vlt.s32 v7, $0x3FFF;
	v16 =	vshra.s32 v16, $0x1  }
0x650: {  	v13 =	vshra.s32 v13, $0x1;
	v17 =	vnsel vm1, $0x3FFF, v7;
	vm2 =	vlt.s32 v16, $0x3FFF  }
0x651: {  	v12 =	vshra.s32 v12, $0x1;
	vm1 =	vlt.s32 v13, $0x3FFF;
	v19 =	vnsel vm2, $0x3FFF, v16  }
0x652: {  	v18 =	vnsel vm1, $0x3FFF, v13;
	vm1 =	vlt.s32 v12, $0x3FFF  }
0x653: {  	v26 =	vnsel vm1, $0x3FFF, v12  }
0x654: {  	v39 =	vld [tilespmem:$0x1FFD0]  }
0x655: {  	v17 =	vld.idx.msk [tilespmem:v17+s16+$0x0], $0xffff  }
0x656: {  	v19 =	vld.idx.msk [tilespmem:v19+s16+$0x0], $0xffff  }
0x657: {  	v18 =	vld.idx.msk [tilespmem:v18+s16+$0x0], $0xffff  }
0x658: {  	v29 =	vxor.u32 $0x80000000, v29;
	s21 =	sadd.s32 $0x40, s21;
	v45 =	vxor.u32 $0x80000000, v30;
	v26 =	vld.idx.msk [tilespmem:v26+s16+$0x0], $0xffff  }
0x659: {  	v28 =	vxor.u32 $0x80000000, v24;
	v24 =	vxor.u32 $0x80000000, v31;
	v27 =	vor.u32 s21, v39  }
0x65a: {  	v31 =	vadd.s32 $0x1, v7;
	v30 =	vadd.s32 $0x1, v16;
	v48 =	vadd.s32 $0x1, v12  }
0x65b: {  	v46 =	vadd.s32 $0x1, v13;
	vm1 =	vgt.s32 v17, v6;
	vm3 =	vgt.s32 v19, v9  }
0x65c: {  	v15 =	vsel vm1, v15, v31;
	v5 =	vsel vm1, v7, v5;
	vm2 =	vgt.s32 v18, v11  }
0x65d: {  	v7 =	vsel vm3, v14, v30;
	v14 =	vadd.s32 v5, v15;
	vm1 =	vgt.s32 v26, v8  }
0x65e: {  	v0 =	vsel vm1, v0, v48;
	v1 =	vsel vm1, v12, v1;
	v12 =	vshra.s32 v14, $0x1  }
0x65f: {  	v2 =	vsel vm3, v16, v2;
	v14 =	vadd.s32 v1, v0;
	vm1 =	vlt.s32 v12, $0x3FFF  }
0x660: {  	v3 =	vsel vm2, v3, v46;
	v14 =	vshra.s32 v14, $0x1;
	v16 =	vnsel vm1, $0x3FFF, v12  }
0x661: {  	v40 =	vld [tilespmem:$0x1FF30];
	v4 =	vsel vm2, v13, v4;
	v13 =	vadd.s32 v2, v7;
	vm1 =	vlt.s32 v14, $0x3FFF  }
0x662: {  	v17 =	vadd.s32 v4, v3;
	v13 =	vshra.s32 v13, $0x1;
	v18 =	vnsel vm1, $0x3FFF, v14  }
0x663: {  	v59 =	vxor.u32 $0x7FFFFFFF, v9;
	s22 =	sadd.s32 $0x20, s21;
	v55 =	vld.idx.msk [tilespmem:v27+s15+$0x0], $0xffff;
	v17 =	vshra.s32 v17, $0x1;
	vm1 =	vlt.s32 v13, $0x3FFF  }
0x664: {  	s23 =	sadd.s32 $0x30, s21;
	v50 =	vmov s22;
	v19 =	vnsel vm1, $0x3FFF, v13;
	vm1 =	vlt.s32 v17, $0x3FFF  }
0x665: {  	v51 =	vmov s23;
	v30 =	vsub.s32 v41, v29;
	v29 =	vnsel vm1, $0x3FFF, v17;
	v16 =	vld.idx.msk [tilespmem:v16+s16+$0x0], $0xffff  }
0x666: {  	v56 =	vor.u32 s22, v39;
	v58 =	vadd.s32 s23, v39;
	vm10 =	vlt.u32 v51, v40  }
0x667: {  	vm9 =	vlt.u32 v50, v40;
	v31 =	vsub.s32 v41, v28;
	v28 =	vmov s21;
	s21 =	sadd.s32 $0x10, s21;
	v18 =	vld.idx.msk [tilespmem:v18+s16+$0x0], $0xffff  }
0x668: {  	v61 =	vxor.u32 $0x7FFFFFFF, v55;
	v52 =	vmov s21;
	v57 =	vadd.s32 s21, v39  }
0x669: {  	vm12 =	vlt.u32 v28, v40;
	v26 =	vsub.s32 v41, v45;
	vm1 =	vlt.s32 v58, $0x3FFF;
	v19 =	vld.idx.msk [tilespmem:v19+s16+$0x0], $0xffff  }
0x66a: {  	v60 =	vadd.s32 $0x1, v12;
	v28 =	vnsel vm1, $0x3FFF, v58;
	v29 =	vld.idx.msk [tilespmem:v29+s16+$0x0], $0xffff;
	vm1 =	vgt.s32 v16, v6  }
0x66b: {  	vm11 =	vlt.u32 v52, v40;
	vm2 =	vlt.s32 v55, $0x0;
	v15 =	vsel vm1, v15, v60  }
0x66c: {  	v5 =	vsel vm1, v12, v5;
	v12 =	vadd.s32 $0x1, v14;
	vm1 =	vgt.s32 v18, v8  }
0x66d: {  	v33 =	vsel vm2, v61, v55;
	v0 =	vsel vm1, v0, v12;
	v12 =	vadd.s32 $0x1, v13  }
0x66e: {  	v1 =	vsel vm1, v14, v1;
	v14 =	vadd.s32 $0x1, v17;
	vm1 =	vgt.s32 v19, v9  }
0x66f: {  	v7 =	vsel vm1, v7, v12;
	v2 =	vsel vm1, v13, v2;
	vm1 =	vgt.s32 v29, v11  }
0x670: {  	v62 =	vld.idx.msk [tilespmem:v28+s15+$0x0], $0xffff;
	v5 =	vadd.s32 v5, v15;
	v3 =	vsel vm1, v3, v14;
	v4 =	vsel vm1, v17, v4  }
0x671: {  	v33 =	vsel vm12, v33, v10;
	v5 =	vshra.s32 v5, $0x1;
	v4 =	vadd.s32 v4, v3  }
0x672: {  	v16 =	vxor.u32 $0x7FFFFFFF, v8;
	v12 =	vld.idx.msk [tilespmem:v56+s15+$0x0], $0xffff;
	vm1 =	vlt.s32 v5, $0x3FFF;
	v4 =	vshra.s32 v4, $0x1  }
0x673: {  	v13 =	vld.idx.msk [tilespmem:v57+s15+$0x0], $0xffff;
	v2 =	vadd.s32 v2, v7;
	v14 =	vnsel vm1, $0x3FFF, v5;
	vm1 =	vlt.s32 v4, $0x3FFF  }
0x674: {  	v1 =	vadd.s32 v1, v0;
	v2 =	vshra.s32 v2, $0x1;
	v17 =	vnsel vm1, $0x3FFF, v4  }
0x675: {  	v1 =	vshra.s32 v1, $0x1;
	v42 =	vxor.u32 $0x7FFFFFFF, v62;
	vm1 =	vlt.s32 v2, $0x3FFF  }
0x676: {  	v5 =	vadd.s32 $0x1, v5;
	v19 =	vnsel vm1, $0x3FFF, v2;
	vm1 =	vlt.s32 v1, $0x3FFF  }
0x677: {  	v18 =	vxor.u32 $0x7FFFFFFF, v12;
	vm2 =	vlt.s32 v12, $0x0;
	v63 =	vnsel vm1, $0x3FFF, v1  }
0x678: {  	v28 =	vxor.u32 $0x7FFFFFFF, v13;
	v4 =	vadd.s32 $0x1, v4;
	v12 =	vsel vm2, v18, v12  }
0x679: {  	v18 =	vxor.u32 $0x7FFFFFFF, v11;
	vm2 =	vlt.s32 v8, $0x0;
	v2 =	vadd.s32 $0x1, v2;
	v17 =	vld.idx.msk [tilespmem:v17+s16+$0x0], $0xffff  }
0x67a: {  	vm1 =	vlt.s32 v13, $0x0;
	v14 =	vld.idx.msk [tilespmem:v14+s16+$0x0], $0xffff;
	v16 =	vsel vm2, v16, v8;
	v12 =	vsel vm9, v12, v10  }
0x67b: {  	vm9 =	vlt.s32 v6, $0x0;
	v13 =	vsel vm1, v28, v13;
	vm1 =	vlt.s32 v11, $0x0;
	v19 =	vld.idx.msk [tilespmem:v19+s16+$0x0], $0xffff  }
0x67c: {  	v1 =	vadd.s32 $0x1, v1;
	v18 =	vsel vm1, v18, v11;
	vm1 =	vlt.s32 v9, $0x0;
	v35 =	vld.idx.msk [tilespmem:v63+s16+$0x0], $0xffff  }
0x67d: {  	v28 =	vxor.u32 $0x7FFFFFFF, v6;
	v29 =	vsel vm1, v59, v9;
	vm1 =	vlt.s32 v62, $0x0  }
0x67e: {  	v13 =	vsel vm11, v13, v10;
	v32 =	vsel vm1, v42, v62;
	vm1 =	vgt.s32 v17, v11  }
0x67f: {  	v32 =	vsel vm10, v32, v10;
	vm2 =	vgt.s32 v14, v6;
	v3 =	vsel vm1, v3, v4  }
0x680: {  	[tilespmem:v21+s17+$0x0] =	vst.idx.add.s32.msk vm8, v31;
	vm1 =	vgt.s32 v19, v9;
	v4 =	vsel vm2, v15, v5;
	vm3 =	vlt.s32 v3, $0x3FFF  }
0x681: {  	[tilespmem:v23+s17+$0x0] =	vst.idx.add.s32.msk vm7, v30;
	vm15 =	vgt.s32 v35, v8;
	vm2 =	vlt.s32 v4, $0x3FFF;
	v43 =	vsel vm1, v7, v2  }
0x682: {  	v20 =	vld [tilespmem:$0x1FFC0];
	v9 =	vsub.s32 v3, v27;
	v14 =	vsub.s32 v4, v58;
	vm10 =	vlt.s32 v4, $0x4000  }
0x683: {  	v17 =	vperm.xlane v3, v53;
	v21 =	vperm.xlane v4, v53;
	vm13 =	vlt.s32 v3, $0x4000  }
0x684: {  	v5 =	vnsel vm3, $0x3FFF, v3;
	v0 =	vsel vm15, v0, v1;
	v44 =	vnsel vm2, $0x3FFF, v4  }
0x685: {  	vm1 =	vlt.s32 v43, $0x3FFF;
	vm3 =	vlt.s32 v0, $0x3FFF;
	v19 =	vperm.xlane v0, v53  }
0x686: {  	v11 =	vnsel vm1, $0x3FFF, v43;
	vm1 =	veq.s32 v3, v17;
	v17 =	vperm.xlane v43, v53  }
0x687: {  	vm2 =	veq.s32 v4, v21;
	v23 =	vsel vm1, $0x80000000, v20;
	vm1 =	veq.s32 v0, v19  }
0x688: {  	v19 =	vperm.xlane v3, v54;
	(xrf0) =	vmax.scan.msk.u32 $0xffff, v23;
	v27 =	vsel vm1, $0x80000000, v20;
	vm1 =	veq.s32 v43, v17  }
0x689: {  	v7 =	vnsel vm3, $0x3FFF, v0;
	v17 =	vperm.xlane v0, v54;
	v21 =	vsel vm1, $0x80000000, v20;
	(xrf0) =	vmax.scan.msk.u32 $0xffff, v27  }
0x68a: {  	v23 =	vsel vm2, $0x80000000, v20;
	v27 =	vperm.xlane v43, v54;
	vm1 =	vne.s32 v3, v19;
	(xrf0) =	vmax.scan.msk.u32 $0xffff, v21  }
0x68b: {  	v5 =	vld.idx.msk [tilespmem:v5+s16+$0x0], $0xffff;
	v19 =	vperm.xlane v4, v54;
	vm2 =	vne.s32 v0, v17;
	vm1 =	vmor vm1, vm0;
	(xrf0) =	vmax.scan.msk.u32 $0xffff, v23  }
0x68c: {  	[tilespmem:v22+s17+$0x0] =	vst.idx.add.s32.msk vm6, v26;
	v9 =	vcvt.s32.f32 v9;
	vm3 =	vne.s32 v43, v27;
	vm2 =	vmor vm2, vm0  }
0x68d: {  	v2 =	vld.idx.msk [tilespmem:v44+s16+$0x0], $0xffff;
	v20 =	vsub.s32 v41, v24;
	vm14 =	vne.s32 v4, v19;
	vm3 =	vmor vm3, vm0  }
0x68e: {  	v15 =	vsub.s32 v43, v56;
	v14 =	vcvt.s32.f32 v14;
	v11 =	vld.idx.msk [tilespmem:v11+s16+$0x0], $0xffff;
	vm7 =	vmor vm14, vm0;
	v17, _, _ =	vpop (xrf0)  }
0x68f: {  	vm11 =	vlt.s32 v43, $0x4000;
	v8 =	vsub.s32 v0, v57;
	v7 =	vld.idx.msk [tilespmem:v7+s16+$0x0], $0xffff;
	v17 =	vxor.u32 $0x80000000, v17;
	v21, _, _ =	vpop (xrf0)  }
0x690: {  	[tilespmem:v49+s17+$0x0] =	vst.idx.add.s32.msk vm5, v20;
	v19 =	vxor.u32 $0x7FFFFFFF, v5;
	v17 =	vsub.s32 v39, v17;
	v20, _, _ =	vpop (xrf0);
	v21 =	vxor.u32 $0x80000000, v21  }
0x691: {  	vm15 =	vlt.s32 v5, $0x0;
	[tilespmem:v3+s17+$0x0] =	vst.idx.add.s32.msk vm1, v17;
	v22, _, _ =	vpop (xrf0);
	v20 =	vxor.u32 $0x80000000, v20;
	v21 =	vsub.s32 v39, v21  }
0x692: {  	v45 =	vsel vm15, v19, v5;
	v5 =	vxor.u32 $0x80000000, v22;
	v17 =	vsub.s32 v39, v20;
	[tilespmem:v0+s17+$0x0] =	vst.idx.add.s32.msk vm2, v21  }
0x693: {  	v15 =	vcvt.s32.f32 v15;
	vm12 =	vlt.s32 v0, $0x4000;
	[tilespmem:v43+s17+$0x0] =	vst.idx.add.s32.msk vm3, v17;
	v48 =	vsub.s32 v39, v5  }
0x694: {  	s26 =	simm.s32 $0x18820;
	v8 =	vcvt.s32.f32 v8;
	vm2 =	vlt.s32 v7, $0x0;
	v5 =	vxor.u32 $0x7FFFFFFF, v7;
	[tilespmem:v4+s17+$0x0] =	vst.idx.add.s32.msk vm7, v48  }
0x695: {  	v9 =	vmul.f32 $6.103515630e-05, v9;
	v3 =	vsel vm13, v45, v10;
	v50 =	vsel vm2, v5, v7;
	v5 =	vld [tilespmem:s26+$0x10]  }
0x696: {  	v14 =	vmul.f32 $6.103515630e-05, v14;
	v8 =	vmul.f32 $6.103515630e-05, v8;
	v49 =	vmin.f32 v33, v3;
	v7 =	vld [tilespmem:s26+$0x0]  }
0x697: {  	v15 =	vmul.f32 $6.103515630e-05, v15;
	v9 =	vmul.f32 v9, v9;
	v1 =	vsub.f32 v49, v18;
	v51 =	vld [tilespmem:s26+$0xFFFFFFE0]  }
0x698: {  	v8 =	vmul.f32 v8, v8;
	v46 =	vxor.u32 $0x7FFFFFFF, v2;
	v4 =	vxor.u32 $0x7FFFFFFF, v11;
	v20 =	vld [tilespmem:$0x1FF60]  }
0x699: {  	vm2 =	vlt.s32 v11, $0x0;
	v1 =	vmul.f32 v1, v9;
	v3 =	vsel vm12, v50, v10;
	v9 =	vld [tilespmem:s26+$0xFFFFFFF0]  }
0x69a: {  	vm1 =	vlt.s32 v2, $0x0;
	v4 =	vsel vm2, v4, v11;
	v27 =	vld [tilespmem:$0x1FF80];
	v3 =	vmin.f32 v13, v3  }
0x69b: {  	s28 =	simm.s32 $0x4020;
	v0 =	vsel vm1, v46, v2;
	v4 =	vsel vm11, v4, v10;
	v13 =	vld [tilespmem:$0x1FF40];
	v3 =	vsub.f32 v3, v16  }
0x69c: {  	v0 =	vsel vm10, v0, v10;
	v11 =	vmul.f32 v15, v15;
	v4 =	vmin.f32 v12, v4;
	v12 =	vld [tilespmem:s28+$0x10]  }
0x69d: {  	v1 =	vadd.f32 v1, v47;
	v4 =	vsub.f32 v4, v29;
	v3 =	vmul.f32 v3, v8;
	v8 =	vld [tilespmem:s28+$0xFFFFFFE0];
	(xrf0) =	vadd.scan.msk.s32 $0xffff, v5  }
0x69e: {  	v0 =	vmin.f32 v32, v0;
	v5 =	vsel vm9, v28, v6;
	v6 =	vmul.f32 v14, v14;
	(xrf0) =	vadd.scan.msk.s32 $0xffff, v7  }
0x69f: {  	v52 =	vmul.f32 v4, v11;
	v4 =	vld [tilespmem:s28+$0xFFFFFFF0];
	v1 =	vadd.f32 v3, v1;
	v0 =	vsub.f32 v0, v5;
	(xrf0) =	vadd.scan.msk.s32 $0xffff, v51  }
0x6a0: {  	(xrf0) =	vadd.scan.msk.s32 $0xffff, v9;
	v55 =	vld.idx.msk [tilespmem:v20+s16+$0x0], $0xffff  }
0x6a1: {  	v1 =	vadd.f32 v52, v1;
	v0 =	vmul.f32 v0, v6  }
0x6a2: {  	v58 =	vxor.u32 $0x7FFFFFFF, v12;
	v5 =	vld.idx.msk [tilespmem:v27+s16+$0x0], $0xffff;
	v56 =	vxor.u32 $0x7FFFFFFF, v8;
	vm1 =	vlt.s32 v8, $0x0  }
0x6a3: {  	v23 =	vld [tilespmem:$0x1FFA0];
	vm2 =	vlt.s32 v12, $0x0;
	v18 =	vadd.f32 v0, v1;
	v17 =	vsel vm1, v56, v8;
	v57, _, _ =	vpop (xrf0)  }
0x6a4: {  	vm1 =	vlt.s32 v4, $0x0;
	v1 =	vsel vm2, v58, v12;
	v6 =	vxor.u32 $0x7FFFFFFF, v4;
	v59, _, _ =	vpop (xrf0)  }
0x6a5: {  	v13 =	vld.idx.msk [tilespmem:v13+s16+$0x0], $0xffff;
	v22 =	vsel vm1, v6, v4;
	v8, _, _ =	vpop (xrf0);
	v9 =	vxor.u32 $0x7FFFFFFF, v55;
	vm2 =	vlt.s32 v55, $0x0  }
0x6a6: {  	v15 =	vbroadcast v59, $0xF;
	v11 =	vadd.s32 v25, v8;
	v8 =	vbroadcast v8, $0xF;
	v12, _, _ =	vpop (xrf0)  }
0x6a7: {  	v6 =	vxor.u32 $0x7FFFFFFF, v5;
	vm1 =	vlt.s32 v5, $0x0;
	v14 =	vbroadcast v12, $0xF  }
0x6a8: {  	v2 =	vsel vm2, v9, v55;
	vm3 =	vlt.s32 v11, $0x3FFF;
	v8 =	vadd.s32 v25, v8  }
0x6a9: {  	s26 =	simm.s32 $0x18860;
	v5 =	vsel vm1, v6, v5;
	v16 =	vnsel vm3, $0x3FFF, v11;
	v4 =	vadd.s32 v8, v14  }
0x6aa: {  	v60 =	vld [tilespmem:s26+$0x10];
	v6 =	vbroadcast v57, $0xF;
	vm2 =	vlt.s32 v13, $0x0;
	v14 =	vadd.s32 v4, v15  }
0x6ab: {  	v9 =	vld.idx.msk [tilespmem:v23+s16+$0x0], $0xffff;
	v15 =	vxor.u32 $0x7FFFFFFF, v13;
	v3 =	vadd.s32 v4, v59;
	v0 =	vadd.s32 v14, v57  }
0x6ac: {  	s29 =	simm.s32 $0x4060;
	vm3 =	vlt.s32 v3, $0x3FFF;
	v13 =	vsel vm2, v15, v13;
	v25 =	vadd.s32 v14, v6;
	v6 =	vld [tilespmem:$0x1FFB0]  }
0x6ad: {  	v30 =	vld [tilespmem:s29+$0xFFFFFFF0];
	v15 =	vadd.s32 v8, v12;
	vm1 =	vlt.s32 v0, $0x3FFF;
	v8 =	vnsel vm3, $0x3FFF, v3  }
0x6ae: {  	s30 =	simm.s32 $0x40;
	s24 =	simm.s32 $0x70;
	s25 =	simm.s32 $0x50;
	v4 =	vld.idx.msk [tilespmem:v16+s15+$0x0], $0xffff;
	v16 =	vnsel vm1, $0x3FFF, v0  }
0x6af: {  	s31 =	simm.s32 $0x60;
	v31 =	vmov s25;
	v26 =	vor.u32 s30, v39;
	v32 =	vmov s24  }
0x6b0: {  	v19 =	vld [tilespmem:s28+$0x0];
	v50 =	vor.u32 s31, v39;
	(xrf0) =	vadd.scan.msk.s32 $0xffff, v60;
	v12 =	vxor.u32 $0x7FFFFFFF, v9;
	vm1 =	vlt.s32 v15, $0x3FFF  }
0x6b1: {  	vm2 =	vlt.s32 v9, $0x0;
	v24 =	vnsel vm1, $0x3FFF, v15;
	v6 =	vsub.s32 v6, v0  }
0x6b2: {  	vm15 =	vlt.u32 v32, v40;
	v9 =	vsel vm2, v12, v9;
	v6 =	vcvt.s32.f32 v6;
	v8 =	vld.idx.msk [tilespmem:v8+s15+$0x0], $0xffff  }
0x6b3: {  	v29 =	vadd.s32 s24, v39;
	vm9 =	vlt.s32 v30, $0x0;
	v21 =	vsel vm4, v9, v10;
	v14 =	vld.idx.msk [tilespmem:v16+s15+$0x0], $0xffff  }
0x6b4: {  	v9 =	vxor.u32 $0x7FFFFFFF, v4;
	vm1 =	vlt.s32 v4, $0x0;
	v16 =	vmul.f32 $6.103515630e-05, v6;
	v6 =	vld [tilespmem:$0x1FF50]  }
0x6b5: {  	v7 =	vxor.u32 $0x7FFFFFFF, v19;
	v20 =	vsub.s32 v20, v11;
	v4 =	vsel vm1, v9, v4;
	v9 =	vld [tilespmem:s29+$0xFFFFFFE0]  }
0x6b6: {  	v20 =	vcvt.s32.f32 v20;
	v49, _, _ =	vpop (xrf0);
	vm2 =	vlt.s32 v11, $0x4000;
	v11 =	vsub.s32 v23, v3;
	v58 =	vld.idx.msk [tilespmem:v24+s15+$0x0], $0xffff  }
0x6b7: {  	v51 =	vbroadcast v49, $0xF;
	v12 =	vadd.s32 s25, v39;
	v23 =	vcvt.s32.f32 v11  }
0x6b8: {  	v4 =	vsel vm2, v4, v10;
	v56 =	vmul.f32 v16, v16;
	v62 =	vxor.u32 $0x7FFFFFFF, v8  }
0x6b9: {  	v42 =	vld.idx.msk [tilespmem:v26+s16+$0x0], $0xffff;
	v61 =	vxor.u32 $0x7FFFFFFF, v14;
	vm2 =	vlt.s32 v14, $0x0;
	vm1 =	vnez.u8 v6  }
0x6ba: {  	v6 =	vld [tilespmem:$0x1FF90];
	v63 =	vxor.u32 $0x7FFFFFFF, v9;
	vm3 =	vlt.s32 v9, $0x0;
	v14 =	vsel vm2, v61, v14  }
0x6bb: {  	vm2 =	vlt.s32 v8, $0x0;
	v60 =	vxor.u32 $0x7FFFFFFF, v58;
	vm13 =	vlt.s32 v58, $0x0  }
0x6bc: {  	v41 =	vld [tilespmem:s26+$0x0];
	v9 =	vsel vm3, v63, v9;
	vm3 =	vlt.s32 v3, $0x4000;
	v43 =	vsel vm2, v62, v8  }
0x6bd: {  	v28 =	vld [tilespmem:s29+$0x10];
	v2 =	vsel vm1, v2, v10;
	vm2 =	vlt.s32 v0, $0x4000;
	v3 =	vsel vm3, v43, v10  }
0x6be: {  	v8 =	vsel vm2, v14, v10;
	v14 =	vld [tilespmem:s26+$0xFFFFFFE0];
	v2 =	vmin.f32 v2, v4;
	v3 =	vmin.f32 v21, v3  }
0x6bf: {  	v21 =	vxor.u32 $0x7FFFFFFF, v42;
	v2 =	vsub.f32 v2, v17;
	vm1 =	vnez.u8 v6  }
0x6c0: {  	v44 =	vld.idx.msk [tilespmem:v12+s16+$0x0], $0xffff;
	v11 =	vsel vm1, v13, v10;
	v13 =	vsub.s32 v27, v15;
	vm1 =	vlt.s32 v29, $0x3FFF  }
0x6c1: {  	v6 =	vld [tilespmem:s29+$0x0];
	v27 =	vmov s31;
	v45 =	vnsel vm1, $0x3FFF, v29;
	v13 =	vcvt.s32.f32 v13  }
0x6c2: {  	v47 =	vld [tilespmem:s26+$0xFFFFFFF0];
	(xrf0) =	vadd.scan.msk.s32 $0xffff, v41;
	v46 =	vmin.f32 v11, v8;
	v8 =	vxor.u32 $0x7FFFFFFF, v28;
	vm1 =	vlt.s32 v28, $0x0  }
0x6c3: {  	(xrf0) =	vadd.scan.msk.s32 $0xffff, v14;
	v14 =	vld [tilespmem:$0x1FF70];
	vm11 =	vlt.u32 v27, v40;
	v8 =	vsel vm1, v8, v28;
	v1 =	vsub.f32 v46, v1  }
0x6c4: {  	v28 =	vxor.u32 $0x7FFFFFFF, v30;
	vm1 =	vlt.s32 v42, $0x0;
	v48 =	vmul.f32 $6.103515630e-05, v13  }
0x6c5: {  	v13 =	vsel vm9, v28, v30;
	v34 =	vsel vm1, v21, v42;
	v30 =	vmul.f32 $6.103515630e-05, v20  }
0x6c6: {  	v21 =	vxor.u32 $0x7FFFFFFF, v44;
	vm1 =	vlt.s32 v44, $0x0;
	v11 =	vxor.u32 $0x7FFFFFFF, v6;
	v28 =	vld.idx.msk [tilespmem:v45+s16+$0x0], $0xffff  }
0x6c7: {  	(xrf0) =	vadd.scan.msk.s32 $0xffff, v47;
	v33 =	vmul.f32 v1, v56;
	v1 =	vsel vm13, v60, v58;
	v30 =	vmul.f32 v30, v30  }
0x6c8: {  	vm2 =	vnez.u8 v14;
	v14 =	vsel vm1, v21, v44;
	vm1 =	vlt.s32 v19, $0x0  }
0x6c9: {  	v20 =	vmul.f32 v48, v48;
	v7 =	vsel vm1, v7, v19;
	v19 =	vmul.f32 $6.103515630e-05, v23  }
0x6ca: {  	v52, _, _ =	vpop (xrf0);
	v5 =	vsel vm2, v5, v10;
	vm2 =	vlt.s32 v15, $0x4000;
	v2 =	vmul.f32 v2, v30  }
0x6cb: {  	v4, _, _ =	vpop (xrf0);
	v21 =	vsub.f32 v3, v7;
	v55 =	vxor.u32 $0x7FFFFFFF, v28;
	vm1 =	vlt.s32 v28, $0x0  }
0x6cc: {  	v3 =	vsel vm1, v55, v28;
	v28 =	vadd.s32 v25, v4;
	v4 =	vbroadcast v4, $0xF  }
0x6cd: {  	v7 =	vld.idx.msk [tilespmem:v50+s16+$0x0], $0xffff;
	v23 =	vmul.f32 v19, v19;
	v19, _, _ =	vpop (xrf0);
	vm1 =	vlt.s32 v28, $0x3FFF;
	v17 =	vsub.s32 v26, v28  }
0x6ce: {  	v26 =	vbroadcast v19, $0xF;
	v4 =	vadd.s32 v25, v4;
	v25 =	vnsel vm1, $0x3FFF, v28  }
0x6cf: {  	v15 =	vbroadcast v52, $0xF;
	v1 =	vsel vm2, v1, v10;
	v35 =	vadd.f32 v2, v18  }
0x6d0: {  	v62 =	vmin.f32 v5, v1;
	v16 =	vadd.s32 v4, v19;
	v4 =	vadd.s32 v4, v26  }
0x6d1: {  	vm1 =	vlt.s32 v16, $0x3FFF;
	v57 =	vadd.s32 v4, v15;
	v26 =	vadd.s32 v4, v52  }
0x6d2: {  	v4 =	vxor.u32 $0x7FFFFFFF, v7;
	v15 =	vnsel vm1, $0x3FFF, v16;
	vm1 =	vlt.s32 v7, $0x0  }
0x6d3: {  	vm10 =	vlt.s32 v26, $0x3FFF;
	v30 =	vadd.s32 v57, v49;
	v4 =	vsel vm1, v4, v7;
	v7 =	vld.idx.msk [tilespmem:v25+s15+$0x0], $0xffff  }
0x6d4: {  	vm1 =	vlt.u32 v31, v40;
	v31 =	vnsel vm10, $0x3FFF, v26;
	vm12 =	vlt.s32 v30, $0x3FFF  }
0x6d5: {  	v19 =	vmov s30;
	v24 =	vsel vm11, v4, v10;
	v4 =	vnsel vm12, $0x3FFF, v30  }
0x6d6: {  	vm14 =	vlt.s32 v28, $0x4000;
	vm3 =	vlt.u32 v19, v40;
	v61 =	vsub.s32 v50, v26  }
0x6d7: {  	v19 =	vadd.s32 v57, v51;
	v59 =	vsub.s32 v29, v30;
	v28 =	vcvt.s32.f32 v61  }
0x6d8: {  	v0 =	vcvt.s32.f32 v59;
	v27 =	vxor.u32 $0x7FFFFFFF, v7;
	vm2 =	vlt.s32 v7, $0x0  }
0x6d9: {  	s22 =	simm.s32 $0x80;
	v25 =	vsel vm3, v34, v10;
	v34 =	vsel vm15, v3, v10;
	v36 =	vld.idx.msk [tilespmem:v31+s15+$0x0], $0xffff;
	v63 =	vsel vm2, v27, v7  }
0x6da: {  	s23 =	simm.s32 $0x188A0;
	s21 =	simm.s32 $0x4;
	s24 =	simm.s32 $0x40A0;
	v18 =	vmul.f32 $6.103515630e-05, v0;
	v37 =	vld.idx.msk [tilespmem:v4+s15+$0x0], $0xffff;
	v27 =	vsub.f32 v62, v22;
	v22 =	vsel vm14, v63, v10  }
.LBB2_67:
0x6db: {  	v2 =	vsub.s32 v12, v16;
	v5 =	vmul.f32 v21, v23;
	vm9 =	vlt.s32 v26, $0x4000  }
0x6dc: {  	v39 =	vld [tilespmem:$0x1FFD0];
	s25 =	sadd.s32 $0x20, s22;
	s28 =	sadd.s32 $0x10, s22;
	v17 =	vcvt.s32.f32 v17;
	v22 =	vmin.f32 v25, v22;
	v3 =	vmul.f32 v27, v20  }
0x6dd: {  	v0 =	vld [tilespmem:s24+$0xFFFFFFE0];
	s26 =	sadd.s32 $0x30, s22;
	v31 =	vmov s25;
	v32 =	vmov s28;
	v2 =	vcvt.s32.f32 v2  }
0x6de: {  	v4 =	vld [tilespmem:s24+$0x10];
	v27 =	vmov s26;
	v22 =	vsub.f32 v22, v9;
	v18 =	vmul.f32 v18, v18  }
0x6df: {  	v38 =	vld [tilespmem:s24+$0x0];
	v17 =	vmul.f32 $6.103515630e-05, v17;
	v3 =	vadd.f32 v3, v35;
	v2 =	vmul.f32 $6.103515630e-05, v2  }
0x6e0: {  	v7 =	vld [tilespmem:s23+$0x10];
	v21 =	vxor.u32 $0x7FFFFFFF, v37;
	v61 =	vxor.u32 $0x7FFFFFFF, v36;
	vm3 =	vlt.s32 v37, $0x0  }
0x6e1: {  	v56 =	vld [tilespmem:$0x1FF30];
	v49 =	vmul.f32 v17, v17;
	v1 =	vor.u32 s22, v39;
	v29 =	vadd.s32 s26, v39  }
0x6e2: {  	v20 =	vld [tilespmem:s24+$0xFFFFFFF0];
	v12 =	vadd.s32 s28, v39;
	v3 =	vadd.f32 v5, v3;
	v5 =	vxor.u32 $0x7FFFFFFF, v0  }
0x6e3: {  	vm4 =	vlt.s32 v0, $0x0;
	v21 =	vsel vm3, v21, v37;
	vm3 =	vlt.s32 v36, $0x0  }
0x6e4: {  	v40 =	vxor.u32 $0x7FFFFFFF, v38;
	v41 =	vxor.u32 $0x7FFFFFFF, v4;
	v44 =	vor.u32 s25, v39  }
0x6e5: {  	v23 =	vld [tilespmem:s23+$0x0];
	vm2 =	vlt.s32 v29, $0x3FFF;
	v26 =	vsel vm3, v61, v36;
	vm3 =	vlt.s32 v30, $0x4000  }
0x6e6: {  	(xrf0) =	vadd.scan.msk.s32 $0xffff, v7;
	vm11 =	vlt.u32 v31, v56;
	v63 =	vnsel vm2, $0x3FFF, v29;
	v7 =	vsel vm3, v21, v10;
	v21 =	vld [tilespmem:s23+$0xFFFFFFE0]  }
0x6e7: {  	vm15 =	vlt.u32 v27, v56;
	v0 =	vsel vm4, v5, v0;
	v5 =	vld [tilespmem:s23+$0xFFFFFFF0];
	vm5 =	vlt.s32 v20, $0x0  }
0x6e8: {  	v52 =	vmul.f32 v22, v49;
	v22 =	vmov s22;
	v3 =	vadd.f32 v33, v3;
	v62 =	vld.idx.msk [tilespmem:v1+s16+$0x0], $0xffff  }
0x6e9: {  	v26 =	vsel vm9, v26, v10;
	vm2 =	vlt.s32 v4, $0x0;
	v7 =	vmin.f32 v34, v7;
	v30 =	vld.idx.msk [tilespmem:v12+s16+$0x0], $0xffff  }
0x6ea: {  	(xrf0) =	vadd.scan.msk.s32 $0xffff, v23;
	vm3 =	vlt.u32 v22, v56;
	v23 =	vmin.f32 v24, v26;
	v7 =	vsub.f32 v7, v8  }
0x6eb: {  	v8 =	vsel vm2, v41, v4;
	v4 =	vxor.u32 $0x7FFFFFFF, v20;
	v35 =	vadd.f32 v52, v3;
	v26 =	vld.idx.msk [tilespmem:v63+s16+$0x0], $0xffff;
	(xrf0) =	vadd.scan.msk.s32 $0xffff, v21  }
0x6ec: {  	v4 =	vsel vm5, v4, v20;
	v24, _, _ =	vpop (xrf0);
	v33 =	vmul.f32 v7, v18;
	(xrf0) =	vadd.scan.msk.s32 $0xffff, v5;
	v5 =	vsel vm1, v14, v10  }
0x6ed: {  	vm1 =	vlt.s32 v6, $0x0;
	v42 =	vxor.u32 $0x7FFFFFFF, v62;
	vm2 =	vlt.s32 v62, $0x0  }
0x6ee: {  	v22 =	vld.idx.msk [tilespmem:v15+s15+$0x0], $0xffff;
	v20 =	vxor.u32 $0x7FFFFFFF, v30;
	v43 =	vsel vm2, v42, v62;
	vm2 =	vlt.s32 v30, $0x0  }
0x6ef: {  	v46 =	vsel vm1, v11, v6;
	v14 =	vsel vm2, v20, v30;
	vm2 =	vlt.s32 v16, $0x4000  }
0x6f0: {  	v30, _, _ =	vpop (xrf0);
	v16 =	vmul.f32 $6.103515630e-05, v28;
	v48 =	vxor.u32 $0x7FFFFFFF, v26;
	vm1 =	vlt.s32 v26, $0x0  }
0x6f1: {  	v25 =	vld.idx.msk [tilespmem:v44+s16+$0x0], $0xffff;
	v21 =	vsub.f32 v23, v46;
	v20 =	vmul.f32 v2, v2;
	v2 =	vsel vm1, v48, v26;
	v26, _, _ =	vpop (xrf0)  }
0x6f2: {  	v23 =	vmul.f32 v16, v16;
	v28 =	vadd.s32 v19, v26;
	v16 =	vbroadcast v26, $0xF  }
0x6f3: {  	v61 =	vxor.u32 $0x7FFFFFFF, v22;
	vm13 =	vlt.s32 v22, $0x0;
	vm1 =	vlt.s32 v28, $0x3FFF  }
0x6f4: {  	v3 =	vsel vm13, v61, v22;
	v26, _, _ =	vpop (xrf0);
	v51 =	vadd.s32 v19, v16;
	v19 =	vnsel vm1, $0x3FFF, v28  }
0x6f5: {  	v45 =	vbroadcast v24, $0xF;
	v3 =	vsel vm2, v3, v10;
	v50 =	vbroadcast v26, $0xF  }
0x6f6: {  	v57 =	vxor.u32 $0x7FFFFFFF, v25;
	v47 =	vbroadcast v30, $0xF;
	v62 =	vmin.f32 v5, v3  }
0x6f7: {  	v9 =	vmovc v0;
	v34 =	vsel vm15, v2, v10;
	v17 =	vsub.s32 v1, v28;
	v0 =	vadd.s32 v51, v50  }
0x6f8: {  	v16 =	vadd.s32 v51, v26;
	v55 =	vadd.s32 v0, v47;
	v26 =	vadd.s32 v0, v30  }
0x6f9: {  	vm14 =	vlt.s32 v28, $0x4000;
	vm10 =	vlt.s32 v26, $0x3FFF;
	v30 =	vadd.s32 v55, v24;
	v58 =	vld.idx.msk [tilespmem:v19+s15+$0x0], $0xffff  }
0x6fa: {  	s21 =	sadd.s32 $0x4, s21;
	vm1 =	vlt.s32 v16, $0x3FFF;
	v31 =	vnsel vm10, $0x3FFF, v26;
	vm12 =	vlt.s32 v30, $0x3FFF  }
0x6fb: {  	p1 =	slt.u32 s21, $0x3FC;
	v15 =	vnsel vm1, $0x3FFF, v16;
	vm1 =	vlt.s32 v25, $0x0;
	v59 =	vnsel vm12, $0x3FFF, v30  }
.Ltmp32:
0x6fc: {  	v27 =	vsub.f32 v62, v13;
	v0 =	vsel vm1, v57, v25;
	vm1 =	vlt.u32 v32, v56;
	(pc) =	sbr.rel @p1 .LBB2_67-.Ltmp32, $4  }
0x6fd: {  	v7 =	vsub.s32 v29, v30;
	v25 =	vsel vm3, v43, v10;
	v24 =	vsel vm11, v0, v10  }
0x6fe: {  	v6 =	vmovc v38;
	v60 =	vcvt.s32.f32 v7;
	v22 =	vxor.u32 $0x7FFFFFFF, v58;
	vm2 =	vlt.s32 v58, $0x0  }
0x6ff: {  	v19 =	vadd.s32 v55, v45;
	v7 =	vsub.s32 v44, v26;
	v36 =	vld.idx.msk [tilespmem:v31+s15+$0x0], $0xffff;
	v63 =	vsel vm2, v22, v58  }
0x700: {  	s24 =	sadd.s32 $0x40, s24;
	s22 =	sadd.s32 $0x40, s22;
	s23 =	sadd.s32 $0x40, s23;
	v11 =	vmovc v40;
	v13 =	vmovc v4;
	v28 =	vcvt.s32.f32 v7;
	v18 =	vmul.f32 $6.103515630e-05, v60;
	v37 =	vld.idx.msk [tilespmem:v59+s15+$0x0], $0xffff;
	v22 =	vsel vm14, v63, v10  }
0x701: {  	_ =	sdelay $0x1  }
0x702: {  	v0 =	vmul.f32 v27, v20;
	v1 =	vmul.f32 v21, v23  }
0x703: {  	v2 =	vsub.s32 v12, v16;
	vm3 =	vlt.s32 v26, $0x4000;
	v5 =	vcvt.s32.f32 v17  }
0x704: {  	v4 =	vld.idx.msk [tilespmem:v15+s15+$0x0], $0xffff;
	v7 =	vsel vm1, v14, v10;
	vm1 =	vlt.s32 v6, $0x0;
	v0 =	vadd.f32 v0, v35  }
0x705: {  	v60 =	vmin.f32 v25, v22;
	v2 =	vcvt.s32.f32 v2;
	v5 =	vmul.f32 $6.103515630e-05, v5  }
0x706: {  	v3 =	vxor.u32 $0x7FFFFFFF, v37;
	vm2 =	vlt.s32 v37, $0x0;
	v0 =	vadd.f32 v1, v0  }
0x707: {  	v1 =	vxor.u32 $0x7FFFFFFF, v36;
	v3 =	vsel vm2, v3, v37;
	vm2 =	vlt.s32 v36, $0x0  }
0x708: {  	v2 =	vmul.f32 $6.103515630e-05, v2;
	v1 =	vsel vm2, v1, v36;
	vm2 =	vlt.s32 v30, $0x4000  }
0x709: {  	v59 =	vxor.u32 $0x7FFFFFFF, v4;
	v3 =	vsel vm2, v3, v10;
	vm2 =	vlt.s32 v4, $0x0  }
0x70a: {  	v1 =	vsel vm3, v1, v10;
	vm3 =	vlt.s32 v16, $0x4000;
	v4 =	vsel vm2, v59, v4  }
0x70b: {  	v9 =	vsub.f32 v60, v9;
	v5 =	vmul.f32 v5, v5;
	v4 =	vsel vm3, v4, v10  }
0x70c: {  	v61 =	vmul.f32 $6.103515630e-05, v28;
	v2 =	vmul.f32 v2, v2;
	v4 =	vmin.f32 v7, v4  }
0x70d: {  	v0 =	vadd.f32 v33, v0;
	v5 =	vmul.f32 v9, v5;
	v4 =	vsub.f32 v4, v13  }
0x70e: {  	v6 =	vsel vm1, v11, v6;
	v62 =	vmul.f32 v61, v61;
	v1 =	vmin.f32 v24, v1  }
0x70f: {  	v0 =	vadd.f32 v5, v0;
	v1 =	vsub.f32 v1, v6;
	v2 =	vmul.f32 v4, v2  }
0x710: {  	v63 =	vmul.f32 v18, v18;
	v3 =	vmin.f32 v34, v3  }
0x711: {  	v3 =	vsub.f32 v3, v8;
	v1 =	vmul.f32 v1, v62;
	v0 =	vadd.f32 v2, v0;
	_ =	sdelay $0x1  }
0x712: {  	v2 =	vmul.f32 v3, v63;
	v0 =	vadd.f32 v1, v0;
	_ =	sdelay $0x1  }
0x713: {  	v0 =	vadd.f32 v2, v0;
	_ =	sdelay $0x1  }
0x714: {  	(xrf2) =	vadd.scan.msk.f32 $0xffff, v0;
	_ =	sdelay $0x9  }
0x715: {  	v0, _, _ =	vpop (xrf2)  }
0x716: {  	v0 =	vbroadcast v0, $0xF;
	_ =	sdelay $0x1  }
0x717: {  	v1 =	vshrl.u32 v0, $0x1  }
0x718: {  	v1 =	vadd.s32 $0x1FBD1DF5, v1  }
0x719: {  	(erf) = vrcp.f32 v1;
	_ =	sdelay $0x8  }
0x71a: {  	v2 =	vpop (erf)  }
0x71b: {  	v2 =	vmul.f32 v2, v0;
	_ =	sdelay $0x1  }
0x71c: {  	v1 =	vadd.f32 v1, v2;
	_ =	sdelay $0x1  }
0x71d: {  	v1 =	vmul.f32 $5.000000000e-01, v1;
	_ =	sdelay $0x1  }
0x71e: {  	(erf) = vrcp.f32 v1;
	_ =	sdelay $0x8  }
0x71f: {  	v2 =	vpop (erf)  }
0x720: {  	v2 =	vmul.f32 v2, v0;
	_ =	sdelay $0x1  }
0x721: {  	v1 =	vadd.f32 v2, v1;
	_ =	sdelay $0x1  }
0x722: {  	v1 =	vmul.f32 $5.000000000e-01, v1;
	_ =	sdelay $0x1  }
0x723: {  	(erf) = vrcp.f32 v1;
	_ =	sdelay $0x8  }
0x724: {  	v2 =	vpop (erf)  }
0x725: {  	v2 =	vmul.f32 v2, v0;
	_ =	sdelay $0x1  }
0x726: {  	v1 =	vadd.f32 v2, v1;
	_ =	sdelay $0x1  }
0x727: {  	v1 =	vmul.f32 $5.000000000e-01, v1;
	_ =	sdelay $0x1  }
0x728: {  	(erf) = vrcp.f32 v1;
	_ =	sdelay $0x8  }
0x729: {  	v2 =	vpop (erf)  }
0x72a: {  	v2 =	vmul.f32 v2, v0;
	_ =	sdelay $0x1  }
0x72b: {  	v1 =	vadd.f32 v2, v1;
	_ =	sdelay $0x1  }
0x72c: {  	v1 =	vmul.f32 $5.000000000e-01, v1  }
0x72d: {  	s20 =	sor.u32 s7, s20;
	vm1 =	vgt.f32 v0, $0.0e+00  }
0x72e: {  	s20 =	sshrl.u32 s20, $0x3;
	v0 =	vnsel vm1, $0x0, v1  }
.Ltmp33:
0x72f: {  	s20 =	sadd.s32 s5, s20;
	[tilespmem:$0x1C880] =	vst v0;
	(pc) =	sbr.rel @p0 .LBB2_2-.Ltmp33, $4  }
0x730: {  	[hbm4b:s20+s1] =	stream.linear.scatter [tilespmem:s18], [sflag:$0x1], $0x80, $0x38;
	[tilespmem:$0x1C900] =	vst v63  }
0x731: {  	_ =	swait.ge [sflag:s12], $0x80  }
0x732: {  	[sflag:s12] =	ssyncset.done $0x0  }
0x733: {  	p1 =	por $0x0, $0x0;
	v1 =	vimm.s32 $0x1;
	v0 =	vimm.s32 $0x0;
	s20 =	simm.s32 $0x80;
	[sflag:s12] =	ssyncadd.s32 $0xFFFFFF80  }
0x734: {  	s19 =	sadd.s32 $0x1, s19  }
0x735: {  	p0 =	sne.s32 s19, s8  }
.Ltmp34:
0x736: {  	_ = 	snop;
	(pc) =	sbr.rel @p0 .LBB2_1-.Ltmp34, $1  }
0x737: {  	_ =	sdelay $0x3  }
0x738: {  	_ =	sfence.sel $0x180000  }
0x739: {  	[bflag:$0x0] =	sbarrier.arrive $0xFFFF  }
0x73a: {  	p0 =	sne.s32 s4, $0x0;
	_ =	strace $0x90000047  }
0x73b: {  	s0 =	sadd.s32 @!p0 $0x100000, s0;
	[bflag:$0x2] =	sbarrier.arrive $0xFFFF  }
0x73c: {  	[sflag:s0] =	ssyncadd.tile.s32 @!p0 $0x1;
	_ =	shalt  }
.Lfunc_end2:
_tile_overlayer_lowered:
.L_overlay_start_2:
0x73d: {  	(tag) =	ssettag $0x2  }
0x73e: {  	s0 =	rddreg [dreg:$0x0];
	s2 =	stileid.u32  }
0x73f: {  	s1 =	rddreg [dreg:$0x1];
	p0 =	sne.s32 s2, $0x0  }
0x740: {  	s3 =	rddreg [dreg:$0x2];
	[bflag:$0x3] =	sbarrier.arrive $0xFFFF;
	s2 =	simm.s32 @!p0 $0x1C01  }
0x741: {  	[timem:s3], [sflag:s2] =	dma.local @!p0 [hbm:s0], s1  }
0x742: {  	s0 =	simm.s32 @!p0 $0x1  }
0x743: {  	_ =	swait.ge @!p0 [sflag:s0], s1  }
0x744: {  	s1 =	ssub.s32 @!p0 $0x0, s1;
	[sflag:s0] =	ssyncset.done @!p0 $0x0  }
0x745: {  	[sflag:s0] =	ssyncadd.s32 @!p0 s1  }
0x746: {  	[bflag:$0x3] =	sbarrier.arrive $0xFFFF  }
0x747: {  	_ =	shalt  }

</sc_bundles>
